<compile_context>
chip_gen: v7x
topology: tpu7x:2x2x1
jax: 0.10.2.dev20260603
libtpu: 0.0.44.dev20260713+nightly
codegen_flags: <defaults>
</compile_context>

<pallas_src>
import functools

import jax
import jax.numpy as jnp
from jax import lax
from jax.experimental import pallas as pl
from jax.experimental.pallas import tpu as pltpu
from jax.experimental.pallas import tpu_sc as plsc

_D = 64
_NW = 32
_BB = 128
_LANES = 16


def _make_emb_kernel(batch: int, hist: int):
    n_bblk = batch // _BB
    n_hblk = hist // 8
    assert n_bblk == _NW and hist % 8 == 0
    mesh = plsc.VectorSubcoreMesh(core_axis_name="c", subcore_axis_name="s")

    @functools.partial(
        pl.kernel,
        mesh=mesh,
        out_type=jax.ShapeDtypeStruct((hist * 8, n_bblk, 8, _BB), jnp.float32),
        scratch_types=[
            pltpu.VMEM((n_hblk, 8, _BB), jnp.int32),
            pltpu.VMEM((_BB, _D), jnp.float32),
            pltpu.VMEM((_BB, _D), jnp.float32),
            pltpu.VMEM((_D, _BB), jnp.float32),
            pltpu.VMEM((_D, _BB), jnp.float32),
            pltpu.SemaphoreType.DMA,
            pltpu.SemaphoreType.DMA,
            pltpu.SemaphoreType.DMA,
            pltpu.SemaphoreType.DMA,
        ],
        compiler_params=pltpu.CompilerParams(
            use_tc_tiling_on_sc=False,
            needs_layout_passes=False,
            disable_bounds_checks=True,
            disable_semaphore_checks=True,
        ),
    )
    def emb(weight_hbm, x3_hbm, out_hbm, idx_v, g0, g1, t0, t1, gs0, gs1, os0, os1):
        bb = lax.axis_index("s") * 2 + lax.axis_index("c")

        for hb in range(n_hblk):
            pltpu.sync_copy(x3_hbm.at[hb * n_bblk + bb], idx_v.at[hb])

        lane = jnp.arange(_LANES, dtype=jnp.int32)
        b_idx = [lane + (b16 * _LANES) for b16 in range(_BB // _LANES)]

        def issue_gather(h, g, gs):
            hb = h // 8
            hi = h - hb * 8
            pltpu.async_copy(weight_hbm.at[idx_v.at[hb, hi]], g, gs)

        def wait_gather(g, gs):
            pltpu.make_async_copy(weight_hbm.at[pl.ds(0, _BB)], g, gs).wait()

        def transpose(g, t):
            def diag(q, carry):
                q0 = q * 4
                d0 = (q0 >> 4) << 4
                s = q0 & (_LANES - 1)
                dvs = [((lane + s + u) & (_LANES - 1)) + d0 for u in range(4)]
                vs = [
                    plsc.load_gather(g, [b_idx[b16], dv])
                    for dv in dvs
                    for b16 in range(_BB // _LANES)
                ]
                i = 0
                for dv in dvs:
                    for b16 in range(_BB // _LANES):
                        plsc.store_scatter(t, [dv, b_idx[b16]], vs[i])
                        i += 1
                return carry

            lax.fori_loop(0, _D // 4, diag, 0)

        def issue_write(h, t, os):
            for db in range(8):
                pltpu.async_copy(
                    t.at[pl.ds(db * 8, 8)], out_hbm.at[h * 8 + db, bb], os
                )

        def drain_write(t, os):
            for db in range(8):
                pltpu.make_async_copy(
                    t.at[pl.ds(db * 8, 8)], out_hbm.at[db, bb], os
                ).wait()

        issue_gather(0, g0, gs0)
        issue_gather(1, g1, gs1)
        issue_write(0, t0, os0)
        issue_write(1, t1, os1)

        def step(h, g, t, gs, os):
            wait_gather(g, gs)
            drain_write(t, os)
            transpose(g, t)
            issue_write(h, t, os)
            issue_gather(jnp.minimum(h + 2, hist - 1), g, gs)

        def body(p, carry):
            step(2 * p, g0, t0, gs0, os0)
            step(2 * p + 1, g1, t1, gs1, os1)
            return carry

        lax.fori_loop(0, hist // 2, body, 0)
        wait_gather(g0, gs0)
        wait_gather(g1, gs1)
        drain_write(t0, os0)
        drain_write(t1, os1)

    return emb


@jax.jit
def kernel(x, weight):
    batch, hist = x.shape
    vocab, d = weight.shape
    x3 = (
        x.T.astype(jnp.int32)
        .reshape(hist // 8, 8, batch // _BB, _BB)
        .transpose(0, 2, 1, 3)
        .reshape((hist // 8) * (batch // _BB), 8, _BB)
    )
    out4 = _make_emb_kernel(batch, hist)(weight, x3)
    out = (
        out4.reshape(hist, 8, batch // _BB, 8, _BB)
        .transpose(0, 1, 3, 2, 4)
        .reshape(hist, d, batch)
        .transpose(2, 0, 1)
    )
    return out

# --- scband reference (transcript-rebuilt; emitter-appended) ---
"""Pipeline reference for scband-embedding-17609365913951 (READ-ONLY COPY).

The authoritative reference and input builder live on the scoring server;
editing this copy changes nothing except your own understanding.
"""

import jax, jax.numpy as jnp
import numpy as np

NUM_VOCAB = 1000000
EMBED_DIM = 64
BATCH = 4096
HIST_LEN = 200


def setup_inputs(seed: int = 0) -> dict:
    key = jax.random.key(seed)
    k_idx, k_w = jax.random.split(key)
    x = jax.random.randint(k_idx, (BATCH, HIST_LEN), 0, NUM_VOCAB)
    weight = jax.random.normal(k_w, (NUM_VOCAB, EMBED_DIM), dtype=jnp.float32)
    # padding_idx=0: the padding row is zero in torch's nn.Embedding
    weight = weight.at[0].set(0.0)
    return {"x": x, "weight": weight}


def reference(x, weight):
    # nn.Embedding lookup (gather rows by index).
    out = jnp.take(weight, x, axis=0)
    # F.dropout with training=False (eval mode) is identity.
    return out

if __name__ == "__main__":
    import jax
    _d = setup_inputs()
    print(jax.jit(kernel)(*tuple(_d.values())))

</pallas_src>

<mosaic_0001>
#map = affine_map<(d0, d1) -> (0, 0)>
#map1 = affine_map<(d0, d1) -> (0, 0, 0)>
#map2 = affine_map<(d0, d1) -> (0, 0, 0, 0)>
module attributes {stable_mosaic.version = 14 : i64} {
  func.func @emb(%arg0: i32, %arg1: i32, %arg2: memref<1000000x64xf32, #tpu.memory_space<hbm>>, %arg3: memref<800x8x128xi32, #tpu.memory_space<hbm>>, %arg4: memref<1600x32x8x128xf32, #tpu.memory_space<hbm>>, %arg5: memref<25x8x128xi32, #tpu.memory_space<vmem>>, %arg6: memref<128x64xf32, #tpu.memory_space<vmem>>, %arg7: memref<128x64xf32, #tpu.memory_space<vmem>>, %arg8: memref<64x128xf32, #tpu.memory_space<vmem>>, %arg9: memref<64x128xf32, #tpu.memory_space<vmem>>, %arg10: memref<!tpu.dma_semaphore, #tpu.memory_space<semaphore_mem>>, %arg11: memref<!tpu.dma_semaphore, #tpu.memory_space<semaphore_mem>>, %arg12: memref<!tpu.dma_semaphore, #tpu.memory_space<semaphore_mem>>, %arg13: memref<!tpu.dma_semaphore, #tpu.memory_space<semaphore_mem>>) attributes {dimension_semantics = [#tpu.dimension_semantics<core_parallel>, #tpu.dimension_semantics<subcore_parallel>], iteration_bounds = array<i64: 2, 16>, scalar_prefetch = 0 : i64, scratch_operands = 9 : i64, tpu.core_type = #tpu.core_type<sc_vector_subcore>, window_params = [{transform_indices = #map}, {transform_indices = #map1}, {transform_indices = #map2}]} {
    %mul3A = arith.constant 2 : i32
    %mul3A_0 = arith.muli %arg1, %mul3A : i32
    %add3A = arith.addi %mul3A_0, %arg0 : i32
    %add3A_1 = arith.constant 0 : i32
    %add3A_2 = arith.addi %add3A_1, %add3A : i32
    %run_scoped3A = arith.constant 0 : i32
    "tpu.region"() ({
      %run_scoped3A_610 = tpu.sem_alloc : memref<!tpu.dma_semaphore, #tpu.memory_space<semaphore_mem>>
      %dma_start3A_611 = arith.constant 0 : i32
      %dma_start3A_612 = arith.constant 0 : i32
      %dma_start3A_613 = tpu.memref_slice %arg5[%run_scoped3A, %dma_start3A_611, %dma_start3A_612] : memref<25x8x128xi32, #tpu.memory_space<vmem>> -> memref<1x8x128xi32, #tpu.memory_space<vmem>>
      %dma_start3A_614 = tpu.memref_squeeze %dma_start3A_613 : memref<1x8x128xi32, #tpu.memory_space<vmem>> -> memref<8x128xi32, #tpu.memory_space<vmem>>
      %dma_start3A_615 = arith.constant 0 : i32
      %dma_start3A_616 = arith.constant 0 : i32
      %dma_start3A_617 = tpu.memref_slice %arg3[%add3A_2, %dma_start3A_615, %dma_start3A_616] : memref<800x8x128xi32, #tpu.memory_space<hbm>> -> memref<1x8x128xi32, #tpu.memory_space<hbm>>
      %dma_start3A_618 = tpu.memref_squeeze %dma_start3A_617 : memref<1x8x128xi32, #tpu.memory_space<hbm>> -> memref<8x128xi32, #tpu.memory_space<hbm>>
      %dma_start3A_619 = arith.constant 0 : i32
      %dma_start3A_620 = arith.constant 0 : i32
      %dma_start3A_621 = tpu.memref_slice %arg5[%run_scoped3A, %dma_start3A_619, %dma_start3A_620] : memref<25x8x128xi32, #tpu.memory_space<vmem>> -> memref<1x8x128xi32, #tpu.memory_space<vmem>>
      %dma_start3A_622 = tpu.memref_squeeze %dma_start3A_621 : memref<1x8x128xi32, #tpu.memory_space<vmem>> -> memref<8x128xi32, #tpu.memory_space<vmem>>
      %dma_start3A_623 = arith.constant 0 : i32
      %dma_start3A_624 = arith.constant 0 : i32
      %dma_start3A_625 = tpu.memref_slice %arg3[%add3A_2, %dma_start3A_623, %dma_start3A_624] : memref<800x8x128xi32, #tpu.memory_space<hbm>> -> memref<1x8x128xi32, #tpu.memory_space<hbm>>
      %dma_start3A_626 = tpu.memref_squeeze %dma_start3A_625 : memref<1x8x128xi32, #tpu.memory_space<hbm>> -> memref<8x128xi32, #tpu.memory_space<hbm>>
      tpu.enqueue_dma source(%dma_start3A_626 : memref<8x128xi32, #tpu.memory_space<hbm>>) target(%dma_start3A_622 : memref<8x128xi32, #tpu.memory_space<vmem>>) target_semaphore(%run_scoped3A_610 : memref<!tpu.dma_semaphore, #tpu.memory_space<semaphore_mem>>)
      %dma_wait3A_627 = arith.constant 0 : i32
      %dma_wait3A_628 = arith.constant 0 : i32
      %dma_wait3A_629 = tpu.memref_slice %arg5[%run_scoped3A, %dma_wait3A_627, %dma_wait3A_628] : memref<25x8x128xi32, #tpu.memory_space<vmem>> -> memref<1x8x128xi32, #tpu.memory_space<vmem>>
      %dma_wait3A_630 = tpu.memref_squeeze %dma_wait3A_629 : memref<1x8x128xi32, #tpu.memory_space<vmem>> -> memref<8x128xi32, #tpu.memory_space<vmem>>
      %dma_wait3A_631 = arith.constant 0 : i32
      %dma_wait3A_632 = arith.constant 0 : i32
      %dma_wait3A_633 = tpu.memref_slice %arg3[%add3A_2, %dma_wait3A_631, %dma_wait3A_632] : memref<800x8x128xi32, #tpu.memory_space<hbm>> -> memref<1x8x128xi32, #tpu.memory_space<hbm>>
      %dma_wait3A_634 = tpu.memref_squeeze %dma_wait3A_633 : memref<1x8x128xi32, #tpu.memory_space<hbm>> -> memref<8x128xi32, #tpu.memory_space<hbm>>
      %dma_wait3A_635 = arith.constant 0 : i32
      %dma_wait3A_636 = arith.constant 0 : i32
      %dma_wait3A_637 = tpu.memref_slice %arg5[%run_scoped3A, %dma_wait3A_635, %dma_wait3A_636] : memref<25x8x128xi32, #tpu.memory_space<vmem>> -> memref<1x8x128xi32, #tpu.memory_space<vmem>>
      %dma_wait3A_638 = tpu.memref_squeeze %dma_wait3A_637 : memref<1x8x128xi32, #tpu.memory_space<vmem>> -> memref<8x128xi32, #tpu.memory_space<vmem>>
      %dma_wait3A_639 = arith.constant 0 : i32
      %dma_wait3A_640 = arith.constant 0 : i32
      %dma_wait3A_641 = tpu.memref_slice %arg3[%add3A_2, %dma_wait3A_639, %dma_wait3A_640] : memref<800x8x128xi32, #tpu.memory_space<hbm>> -> memref<1x8x128xi32, #tpu.memory_space<hbm>>
      %dma_wait3A_642 = tpu.memref_squeeze %dma_wait3A_641 : memref<1x8x128xi32, #tpu.memory_space<hbm>> -> memref<8x128xi32, #tpu.memory_space<hbm>>
      tpu.wait_dma2 semaphore(%run_scoped3A_610 : memref<!tpu.dma_semaphore, #tpu.memory_space<semaphore_mem>>) src(%dma_wait3A_642 : memref<8x128xi32, #tpu.memory_space<hbm>>) dst(%dma_wait3A_638 : memref<8x128xi32, #tpu.memory_space<vmem>>)
      tpu.yield
    }) : () -> ()
    %add3A_3 = arith.constant 32 : i32
    %add3A_4 = arith.addi %add3A_3, %add3A : i32
    %run_scoped3A_5 = arith.constant 1 : i32
    "tpu.region"() ({
      %run_scoped3A_610 = tpu.sem_alloc : memref<!tpu.dma_semaphore, #tpu.memory_space<semaphore_mem>>
      %dma_start3A_611 = arith.constant 0 : i32
      %dma_start3A_612 = arith.constant 0 : i32
      %dma_start3A_613 = tpu.memref_slice %arg5[%run_scoped3A_5, %dma_start3A_611, %dma_start3A_612] : memref<25x8x128xi32, #tpu.memory_space<vmem>> -> memref<1x8x128xi32, #tpu.memory_space<vmem>>
      %dma_start3A_614 = tpu.memref_squeeze %dma_start3A_613 : memref<1x8x128xi32, #tpu.memory_space<vmem>> -> memref<8x128xi32, #tpu.memory_space<vmem>>
      %dma_start3A_615 = arith.constant 0 : i32
      %dma_start3A_616 = arith.constant 0 : i32
      %dma_start3A_617 = tpu.memref_slice %arg3[%add3A_4, %dma_start3A_615, %dma_start3A_616] : memref<800x8x128xi32, #tpu.memory_space<hbm>> -> memref<1x8x128xi32, #tpu.memory_space<hbm>>
      %dma_start3A_618 = tpu.memref_squeeze %dma_start3A_617 : memref<1x8x128xi32, #tpu.memory_space<hbm>> -> memref<8x128xi32, #tpu.memory_space<hbm>>
      %dma_start3A_619 = arith.constant 0 : i32
      %dma_start3A_620 = arith.constant 0 : i32
      %dma_start3A_621 = tpu.memref_slice %arg5[%run_scoped3A_5, %dma_start3A_619, %dma_start3A_620] : memref<25x8x128xi32, #tpu.memory_space<vmem>> -> memref<1x8x128xi32, #tpu.memory_space<vmem>>
      %dma_start3A_622 = tpu.memref_squeeze %dma_start3A_621 : memref<1x8x128xi32, #tpu.memory_space<vmem>> -> memref<8x128xi32, #tpu.memory_space<vmem>>
      %dma_start3A_623 = arith.constant 0 : i32
      %dma_start3A_624 = arith.constant 0 : i32
      %dma_start3A_625 = tpu.memref_slice %arg3[%add3A_4, %dma_start3A_623, %dma_start3A_624] : memref<800x8x128xi32, #tpu.memory_space<hbm>> -> memref<1x8x128xi32, #tpu.memory_space<hbm>>
      %dma_start3A_626 = tpu.memref_squeeze %dma_start3A_625 : memref<1x8x128xi32, #tpu.memory_space<hbm>> -> memref<8x128xi32, #tpu.memory_space<hbm>>
      tpu.enqueue_dma source(%dma_start3A_626 : memref<8x128xi32, #tpu.memory_space<hbm>>) target(%dma_start3A_622 : memref<8x128xi32, #tpu.memory_space<vmem>>) target_semaphore(%run_scoped3A_610 : memref<!tpu.dma_semaphore, #tpu.memory_space<semaphore_mem>>)
      %dma_wait3A_627 = arith.constant 0 : i32
      %dma_wait3A_628 = arith.constant 0 : i32
      %dma_wait3A_629 = tpu.memref_slice %arg5[%run_scoped3A_5, %dma_wait3A_627, %dma_wait3A_628] : memref<25x8x128xi32, #tpu.memory_space<vmem>> -> memref<1x8x128xi32, #tpu.memory_space<vmem>>
      %dma_wait3A_630 = tpu.memref_squeeze %dma_wait3A_629 : memref<1x8x128xi32, #tpu.memory_space<vmem>> -> memref<8x128xi32, #tpu.memory_space<vmem>>
      %dma_wait3A_631 = arith.constant 0 : i32
      %dma_wait3A_632 = arith.constant 0 : i32
      %dma_wait3A_633 = tpu.memref_slice %arg3[%add3A_4, %dma_wait3A_631, %dma_wait3A_632] : memref<800x8x128xi32, #tpu.memory_space<hbm>> -> memref<1x8x128xi32, #tpu.memory_space<hbm>>
      %dma_wait3A_634 = tpu.memref_squeeze %dma_wait3A_633 : memref<1x8x128xi32, #tpu.memory_space<hbm>> -> memref<8x128xi32, #tpu.memory_space<hbm>>
      %dma_wait3A_635 = arith.constant 0 : i32
      %dma_wait3A_636 = arith.constant 0 : i32
      %dma_wait3A_637 = tpu.memref_slice %arg5[%run_scoped3A_5, %dma_wait3A_635, %dma_wait3A_636] : memref<25x8x128xi32, #tpu.memory_space<vmem>> -> memref<1x8x128xi32, #tpu.memory_space<vmem>>
      %dma_wait3A_638 = tpu.memref_squeeze %dma_wait3A_637 : memref<1x8x128xi32, #tpu.memory_space<vmem>> -> memref<8x128xi32, #tpu.memory_space<vmem>>
      %dma_wait3A_639 = arith.constant 0 : i32
      %dma_wait3A_640 = arith.constant 0 : i32
      %dma_wait3A_641 = tpu.memref_slice %arg3[%add3A_4, %dma_wait3A_639, %dma_wait3A_640] : memref<800x8x128xi32, #tpu.memory_space<hbm>> -> memref<1x8x128xi32, #tpu.memory_space<hbm>>
      %dma_wait3A_642 = tpu.memref_squeeze %dma_wait3A_641 : memref<1x8x128xi32, #tpu.memory_space<hbm>> -> memref<8x128xi32, #tpu.memory_space<hbm>>
      tpu.wait_dma2 semaphore(%run_scoped3A_610 : memref<!tpu.dma_semaphore, #tpu.memory_space<semaphore_mem>>) src(%dma_wait3A_642 : memref<8x128xi32, #tpu.memory_space<hbm>>) dst(%dma_wait3A_638 : memref<8x128xi32, #tpu.memory_space<vmem>>)
      tpu.yield
    }) : () -> ()
    %add3A_6 = arith.constant 64 : i32
    %add3A_7 = arith.addi %add3A_6, %add3A : i32
    %run_scoped3A_8 = arith.constant 2 : i32
    "tpu.region"() ({
      %run_scoped3A_610 = tpu.sem_alloc : memref<!tpu.dma_semaphore, #tpu.memory_space<semaphore_mem>>
      %dma_start3A_611 = arith.constant 0 : i32
      %dma_start3A_612 = arith.constant 0 : i32
      %dma_start3A_613 = tpu.memref_slice %arg5[%run_scoped3A_8, %dma_start3A_611, %dma_start3A_612] : memref<25x8x128xi32, #tpu.memory_space<vmem>> -> memref<1x8x128xi32, #tpu.memory_space<vmem>>
      %dma_start3A_614 = tpu.memref_squeeze %dma_start3A_613 : memref<1x8x128xi32, #tpu.memory_space<vmem>> -> memref<8x128xi32, #tpu.memory_space<vmem>>
      %dma_start3A_615 = arith.constant 0 : i32
      %dma_start3A_616 = arith.constant 0 : i32
      %dma_start3A_617 = tpu.memref_slice %arg3[%add3A_7, %dma_start3A_615, %dma_start3A_616] : memref<800x8x128xi32, #tpu.memory_space<hbm>> -> memref<1x8x128xi32, #tpu.memory_space<hbm>>
      %dma_start3A_618 = tpu.memref_squeeze %dma_start3A_617 : memref<1x8x128xi32, #tpu.memory_space<hbm>> -> memref<8x128xi32, #tpu.memory_space<hbm>>
      %dma_start3A_619 = arith.constant 0 : i32
      %dma_start3A_620 = arith.constant 0 : i32
      %dma_start3A_621 = tpu.memref_slice %arg5[%run_scoped3A_8, %dma_start3A_619, %dma_start3A_620] : memref<25x8x128xi32, #tpu.memory_space<vmem>> -> memref<1x8x128xi32, #tpu.memory_space<vmem>>
      %dma_start3A_622 = tpu.memref_squeeze %dma_start3A_621 : memref<1x8x128xi32, #tpu.memory_space<vmem>> -> memref<8x128xi32, #tpu.memory_space<vmem>>
      %dma_start3A_623 = arith.constant 0 : i32
      %dma_start3A_624 = arith.constant 0 : i32
      %dma_start3A_625 = tpu.memref_slice %arg3[%add3A_7, %dma_start3A_623, %dma_start3A_624] : memref<800x8x128xi32, #tpu.memory_space<hbm>> -> memref<1x8x128xi32, #tpu.memory_space<hbm>>
      %dma_start3A_626 = tpu.memref_squeeze %dma_start3A_625 : memref<1x8x128xi32, #tpu.memory_space<hbm>> -> memref<8x128xi32, #tpu.memory_space<hbm>>
      tpu.enqueue_dma source(%dma_start3A_626 : memref<8x128xi32, #tpu.memory_space<hbm>>) target(%dma_start3A_622 : memref<8x128xi32, #tpu.memory_space<vmem>>) target_semaphore(%run_scoped3A_610 : memref<!tpu.dma_semaphore, #tpu.memory_space<semaphore_mem>>)
      %dma_wait3A_627 = arith.constant 0 : i32
      %dma_wait3A_628 = arith.constant 0 : i32
      %dma_wait3A_629 = tpu.memref_slice %arg5[%run_scoped3A_8, %dma_wait3A_627, %dma_wait3A_628] : memref<25x8x128xi32, #tpu.memory_space<vmem>> -> memref<1x8x128xi32, #tpu.memory_space<vmem>>
      %dma_wait3A_630 = tpu.memref_squeeze %dma_wait3A_629 : memref<1x8x128xi32, #tpu.memory_space<vmem>> -> memref<8x128xi32, #tpu.memory_space<vmem>>
      %dma_wait3A_631 = arith.constant 0 : i32
      %dma_wait3A_632 = arith.constant 0 : i32
      %dma_wait3A_633 = tpu.memref_slice %arg3[%add3A_7, %dma_wait3A_631, %dma_wait3A_632] : memref<800x8x128xi32, #tpu.memory_space<hbm>> -> memref<1x8x128xi32, #tpu.memory_space<hbm>>
      %dma_wait3A_634 = tpu.memref_squeeze %dma_wait3A_633 : memref<1x8x128xi32, #tpu.memory_space<hbm>> -> memref<8x128xi32, #tpu.memory_space<hbm>>
      %dma_wait3A_635 = arith.constant 0 : i32
      %dma_wait3A_636 = arith.constant 0 : i32
      %dma_wait3A_637 = tpu.memref_slice %arg5[%run_scoped3A_8, %dma_wait3A_635, %dma_wait3A_636] : memref<25x8x128xi32, #tpu.memory_space<vmem>> -> memref<1x8x128xi32, #tpu.memory_space<vmem>>
      %dma_wait3A_638 = tpu.memref_squeeze %dma_wait3A_637 : memref<1x8x128xi32, #tpu.memory_space<vmem>> -> memref<8x128xi32, #tpu.memory_space<vmem>>
      %dma_wait3A_639 = arith.constant 0 : i32
      %dma_wait3A_640 = arith.constant 0 : i32
      %dma_wait3A_641 = tpu.memref_slice %arg3[%add3A_7, %dma_wait3A_639, %dma_wait3A_640] : memref<800x8x128xi32, #tpu.memory_space<hbm>> -> memref<1x8x128xi32, #tpu.memory_space<hbm>>
      %dma_wait3A_642 = tpu.memref_squeeze %dma_wait3A_641 : memref<1x8x128xi32, #tpu.memory_space<hbm>> -> memref<8x128xi32, #tpu.memory_space<hbm>>
      tpu.wait_dma2 semaphore(%run_scoped3A_610 : memref<!tpu.dma_semaphore, #tpu.memory_space<semaphore_mem>>) src(%dma_wait3A_642 : memref<8x128xi32, #tpu.memory_space<hbm>>) dst(%dma_wait3A_638 : memref<8x128xi32, #tpu.memory_space<vmem>>)
      tpu.yield
    }) : () -> ()
    %add3A_9 = arith.constant 96 : i32
    %add3A_10 = arith.addi %add3A_9, %add3A : i32
    %run_scoped3A_11 = arith.constant 3 : i32
    "tpu.region"() ({
      %run_scoped3A_610 = tpu.sem_alloc : memref<!tpu.dma_semaphore, #tpu.memory_space<semaphore_mem>>
      %dma_start3A_611 = arith.constant 0 : i32
      %dma_start3A_612 = arith.constant 0 : i32
      %dma_start3A_613 = tpu.memref_slice %arg5[%run_scoped3A_11, %dma_start3A_611, %dma_start3A_612] : memref<25x8x128xi32, #tpu.memory_space<vmem>> -> memref<1x8x128xi32, #tpu.memory_space<vmem>>
      %dma_start3A_614 = tpu.memref_squeeze %dma_start3A_613 : memref<1x8x128xi32, #tpu.memory_space<vmem>> -> memref<8x128xi32, #tpu.memory_space<vmem>>
      %dma_start3A_615 = arith.constant 0 : i32
      %dma_start3A_616 = arith.constant 0 : i32
      %dma_start3A_617 = tpu.memref_slice %arg3[%add3A_10, %dma_start3A_615, %dma_start3A_616] : memref<800x8x128xi32, #tpu.memory_space<hbm>> -> memref<1x8x128xi32, #tpu.memory_space<hbm>>
      %dma_start3A_618 = tpu.memref_squeeze %dma_start3A_617 : memref<1x8x128xi32, #tpu.memory_space<hbm>> -> memref<8x128xi32, #tpu.memory_space<hbm>>
      %dma_start3A_619 = arith.constant 0 : i32
      %dma_start3A_620 = arith.constant 0 : i32
      %dma_start3A_621 = tpu.memref_slice %arg5[%run_scoped3A_11, %dma_start3A_619, %dma_start3A_620] : memref<25x8x128xi32, #tpu.memory_space<vmem>> -> memref<1x8x128xi32, #tpu.memory_space<vmem>>
      %dma_start3A_622 = tpu.memref_squeeze %dma_start3A_621 : memref<1x8x128xi32, #tpu.memory_space<vmem>> -> memref<8x128xi32, #tpu.memory_space<vmem>>
      %dma_start3A_623 = arith.constant 0 : i32
      %dma_start3A_624 = arith.constant 0 : i32
      %dma_start3A_625 = tpu.memref_slice %arg3[%add3A_10, %dma_start3A_623, %dma_start3A_624] : memref<800x8x128xi32, #tpu.memory_space<hbm>> -> memref<1x8x128xi32, #tpu.memory_space<hbm>>
      %dma_start3A_626 = tpu.memref_squeeze %dma_start3A_625 : memref<1x8x128xi32, #tpu.memory_space<hbm>> -> memref<8x128xi32, #tpu.memory_space<hbm>>
      tpu.enqueue_dma source(%dma_start3A_626 : memref<8x128xi32, #tpu.memory_space<hbm>>) target(%dma_start3A_622 : memref<8x128xi32, #tpu.memory_space<vmem>>) target_semaphore(%run_scoped3A_610 : memref<!tpu.dma_semaphore, #tpu.memory_space<semaphore_mem>>)
      %dma_wait3A_627 = arith.constant 0 : i32
      %dma_wait3A_628 = arith.constant 0 : i32
      %dma_wait3A_629 = tpu.memref_slice %arg5[%run_scoped3A_11, %dma_wait3A_627, %dma_wait3A_628] : memref<25x8x128xi32, #tpu.memory_space<vmem>> -> memref<1x8x128xi32, #tpu.memory_space<vmem>>
      %dma_wait3A_630 = tpu.memref_squeeze %dma_wait3A_629 : memref<1x8x128xi32, #tpu.memory_space<vmem>> -> memref<8x128xi32, #tpu.memory_space<vmem>>
      %dma_wait3A_631 = arith.constant 0 : i32
      %dma_wait3A_632 = arith.constant 0 : i32
      %dma_wait3A_633 = tpu.memref_slice %arg3[%add3A_10, %dma_wait3A_631, %dma_wait3A_632] : memref<800x8x128xi32, #tpu.memory_space<hbm>> -> memref<1x8x128xi32, #tpu.memory_space<hbm>>
      %dma_wait3A_634 = tpu.memref_squeeze %dma_wait3A_633 : memref<1x8x128xi32, #tpu.memory_space<hbm>> -> memref<8x128xi32, #tpu.memory_space<hbm>>
      %dma_wait3A_635 = arith.constant 0 : i32
      %dma_wait3A_636 = arith.constant 0 : i32
      %dma_wait3A_637 = tpu.memref_slice %arg5[%run_scoped3A_11, %dma_wait3A_635, %dma_wait3A_636] : memref<25x8x128xi32, #tpu.memory_space<vmem>> -> memref<1x8x128xi32, #tpu.memory_space<vmem>>
      %dma_wait3A_638 = tpu.memref_squeeze %dma_wait3A_637 : memref<1x8x128xi32, #tpu.memory_space<vmem>> -> memref<8x128xi32, #tpu.memory_space<vmem>>
      %dma_wait3A_639 = arith.constant 0 : i32
      %dma_wait3A_640 = arith.constant 0 : i32
      %dma_wait3A_641 = tpu.memref_slice %arg3[%add3A_10, %dma_wait3A_639, %dma_wait3A_640] : memref<800x8x128xi32, #tpu.memory_space<hbm>> -> memref<1x8x128xi32, #tpu.memory_space<hbm>>
      %dma_wait3A_642 = tpu.memref_squeeze %dma_wait3A_641 : memref<1x8x128xi32, #tpu.memory_space<hbm>> -> memref<8x128xi32, #tpu.memory_space<hbm>>
      tpu.wait_dma2 semaphore(%run_scoped3A_610 : memref<!tpu.dma_semaphore, #tpu.memory_space<semaphore_mem>>) src(%dma_wait3A_642 : memref<8x128xi32, #tpu.memory_space<hbm>>) dst(%dma_wait3A_638 : memref<8x128xi32, #tpu.memory_space<vmem>>)
      tpu.yield
    }) : () -> ()
    %add3A_12 = arith.constant 128 : i32
    %add3A_13 = arith.addi %add3A_12, %add3A : i32
    %run_scoped3A_14 = arith.constant 4 : i32
    "tpu.region"() ({
      %run_scoped3A_610 = tpu.sem_alloc : memref<!tpu.dma_semaphore, #tpu.memory_space<semaphore_mem>>
      %dma_start3A_611 = arith.constant 0 : i32
      %dma_start3A_612 = arith.constant 0 : i32
      %dma_start3A_613 = tpu.memref_slice %arg5[%run_scoped3A_14, %dma_start3A_611, %dma_start3A_612] : memref<25x8x128xi32, #tpu.memory_space<vmem>> -> memref<1x8x128xi32, #tpu.memory_space<vmem>>
      %dma_start3A_614 = tpu.memref_squeeze %dma_start3A_613 : memref<1x8x128xi32, #tpu.memory_space<vmem>> -> memref<8x128xi32, #tpu.memory_space<vmem>>
      %dma_start3A_615 = arith.constant 0 : i32
      %dma_start3A_616 = arith.constant 0 : i32
      %dma_start3A_617 = tpu.memref_slice %arg3[%add3A_13, %dma_start3A_615, %dma_start3A_616] : memref<800x8x128xi32, #tpu.memory_space<hbm>> -> memref<1x8x128xi32, #tpu.memory_space<hbm>>
      %dma_start3A_618 = tpu.memref_squeeze %dma_start3A_617 : memref<1x8x128xi32, #tpu.memory_space<hbm>> -> memref<8x128xi32, #tpu.memory_space<hbm>>
      %dma_start3A_619 = arith.constant 0 : i32
      %dma_start3A_620 = arith.constant 0 : i32
      %dma_start3A_621 = tpu.memref_slice %arg5[%run_scoped3A_14, %dma_start3A_619, %dma_start3A_620] : memref<25x8x128xi32, #tpu.memory_space<vmem>> -> memref<1x8x128xi32, #tpu.memory_space<vmem>>
      %dma_start3A_622 = tpu.memref_squeeze %dma_start3A_621 : memref<1x8x128xi32, #tpu.memory_space<vmem>> -> memref<8x128xi32, #tpu.memory_space<vmem>>
      %dma_start3A_623 = arith.constant 0 : i32
      %dma_start3A_624 = arith.constant 0 : i32
      %dma_start3A_625 = tpu.memref_slice %arg3[%add3A_13, %dma_start3A_623, %dma_start3A_624] : memref<800x8x128xi32, #tpu.memory_space<hbm>> -> memref<1x8x128xi32, #tpu.memory_space<hbm>>
      %dma_start3A_626 = tpu.memref_squeeze %dma_start3A_625 : memref<1x8x128xi32, #tpu.memory_space<hbm>> -> memref<8x128xi32, #tpu.memory_space<hbm>>
      tpu.enqueue_dma source(%dma_start3A_626 : memref<8x128xi32, #tpu.memory_space<hbm>>) target(%dma_start3A_622 : memref<8x128xi32, #tpu.memory_space<vmem>>) target_semaphore(%run_scoped3A_610 : memref<!tpu.dma_semaphore, #tpu.memory_space<semaphore_mem>>)
      %dma_wait3A_627 = arith.constant 0 : i32
      %dma_wait3A_628 = arith.constant 0 : i32
      %dma_wait3A_629 = tpu.memref_slice %arg5[%run_scoped3A_14, %dma_wait3A_627, %dma_wait3A_628] : memref<25x8x128xi32, #tpu.memory_space<vmem>> -> memref<1x8x128xi32, #tpu.memory_space<vmem>>
      %dma_wait3A_630 = tpu.memref_squeeze %dma_wait3A_629 : memref<1x8x128xi32, #tpu.memory_space<vmem>> -> memref<8x128xi32, #tpu.memory_space<vmem>>
      %dma_wait3A_631 = arith.constant 0 : i32
      %dma_wait3A_632 = arith.constant 0 : i32
      %dma_wait3A_633 = tpu.memref_slice %arg3[%add3A_13, %dma_wait3A_631, %dma_wait3A_632] : memref<800x8x128xi32, #tpu.memory_space<hbm>> -> memref<1x8x128xi32, #tpu.memory_space<hbm>>
      %dma_wait3A_634 = tpu.memref_squeeze %dma_wait3A_633 : memref<1x8x128xi32, #tpu.memory_space<hbm>> -> memref<8x128xi32, #tpu.memory_space<hbm>>
      %dma_wait3A_635 = arith.constant 0 : i32
      %dma_wait3A_636 = arith.constant 0 : i32
      %dma_wait3A_637 = tpu.memref_slice %arg5[%run_scoped3A_14, %dma_wait3A_635, %dma_wait3A_636] : memref<25x8x128xi32, #tpu.memory_space<vmem>> -> memref<1x8x128xi32, #tpu.memory_space<vmem>>
      %dma_wait3A_638 = tpu.memref_squeeze %dma_wait3A_637 : memref<1x8x128xi32, #tpu.memory_space<vmem>> -> memref<8x128xi32, #tpu.memory_space<vmem>>
      %dma_wait3A_639 = arith.constant 0 : i32
      %dma_wait3A_640 = arith.constant 0 : i32
      %dma_wait3A_641 = tpu.memref_slice %arg3[%add3A_13, %dma_wait3A_639, %dma_wait3A_640] : memref<800x8x128xi32, #tpu.memory_space<hbm>> -> memref<1x8x128xi32, #tpu.memory_space<hbm>>
      %dma_wait3A_642 = tpu.memref_squeeze %dma_wait3A_641 : memref<1x8x128xi32, #tpu.memory_space<hbm>> -> memref<8x128xi32, #tpu.memory_space<hbm>>
      tpu.wait_dma2 semaphore(%run_scoped3A_610 : memref<!tpu.dma_semaphore, #tpu.memory_space<semaphore_mem>>) src(%dma_wait3A_642 : memref<8x128xi32, #tpu.memory_space<hbm>>) dst(%dma_wait3A_638 : memref<8x128xi32, #tpu.memory_space<vmem>>)
      tpu.yield
    }) : () -> ()
    %add3A_15 = arith.constant 160 : i32
    %add3A_16 = arith.addi %add3A_15, %add3A : i32
    %run_scoped3A_17 = arith.constant 5 : i32
    "tpu.region"() ({
      %run_scoped3A_610 = tpu.sem_alloc : memref<!tpu.dma_semaphore, #tpu.memory_space<semaphore_mem>>
      %dma_start3A_611 = arith.constant 0 : i32
      %dma_start3A_612 = arith.constant 0 : i32
      %dma_start3A_613 = tpu.memref_slice %arg5[%run_scoped3A_17, %dma_start3A_611, %dma_start3A_612] : memref<25x8x128xi32, #tpu.memory_space<vmem>> -> memref<1x8x128xi32, #tpu.memory_space<vmem>>
      %dma_start3A_614 = tpu.memref_squeeze %dma_start3A_613 : memref<1x8x128xi32, #tpu.memory_space<vmem>> -> memref<8x128xi32, #tpu.memory_space<vmem>>
      %dma_start3A_615 = arith.constant 0 : i32
      %dma_start3A_616 = arith.constant 0 : i32
      %dma_start3A_617 = tpu.memref_slice %arg3[%add3A_16, %dma_start3A_615, %dma_start3A_616] : memref<800x8x128xi32, #tpu.memory_space<hbm>> -> memref<1x8x128xi32, #tpu.memory_space<hbm>>
      %dma_start3A_618 = tpu.memref_squeeze %dma_start3A_617 : memref<1x8x128xi32, #tpu.memory_space<hbm>> -> memref<8x128xi32, #tpu.memory_space<hbm>>
      %dma_start3A_619 = arith.constant 0 : i32
      %dma_start3A_620 = arith.constant 0 : i32
      %dma_start3A_621 = tpu.memref_slice %arg5[%run_scoped3A_17, %dma_start3A_619, %dma_start3A_620] : memref<25x8x128xi32, #tpu.memory_space<vmem>> -> memref<1x8x128xi32, #tpu.memory_space<vmem>>
      %dma_start3A_622 = tpu.memref_squeeze %dma_start3A_621 : memref<1x8x128xi32, #tpu.memory_space<vmem>> -> memref<8x128xi32, #tpu.memory_space<vmem>>
      %dma_start3A_623 = arith.constant 0 : i32
      %dma_start3A_624 = arith.constant 0 : i32
      %dma_start3A_625 = tpu.memref_slice %arg3[%add3A_16, %dma_start3A_623, %dma_start3A_624] : memref<800x8x128xi32, #tpu.memory_space<hbm>> -> memref<1x8x128xi32, #tpu.memory_space<hbm>>
      %dma_start3A_626 = tpu.memref_squeeze %dma_start3A_625 : memref<1x8x128xi32, #tpu.memory_space<hbm>> -> memref<8x128xi32, #tpu.memory_space<hbm>>
      tpu.enqueue_dma source(%dma_start3A_626 : memref<8x128xi32, #tpu.memory_space<hbm>>) target(%dma_start3A_622 : memref<8x128xi32, #tpu.memory_space<vmem>>) target_semaphore(%run_scoped3A_610 : memref<!tpu.dma_semaphore, #tpu.memory_space<semaphore_mem>>)
      %dma_wait3A_627 = arith.constant 0 : i32
      %dma_wait3A_628 = arith.constant 0 : i32
      %dma_wait3A_629 = tpu.memref_slice %arg5[%run_scoped3A_17, %dma_wait3A_627, %dma_wait3A_628] : memref<25x8x128xi32, #tpu.memory_space<vmem>> -> memref<1x8x128xi32, #tpu.memory_space<vmem>>
      %dma_wait3A_630 = tpu.memref_squeeze %dma_wait3A_629 : memref<1x8x128xi32, #tpu.memory_space<vmem>> -> memref<8x128xi32, #tpu.memory_space<vmem>>
      %dma_wait3A_631 = arith.constant 0 : i32
      %dma_wait3A_632 = arith.constant 0 : i32
      %dma_wait3A_633 = tpu.memref_slice %arg3[%add3A_16, %dma_wait3A_631, %dma_wait3A_632] : memref<800x8x128xi32, #tpu.memory_space<hbm>> -> memref<1x8x128xi32, #tpu.memory_space<hbm>>
      %dma_wait3A_634 = tpu.memref_squeeze %dma_wait3A_633 : memref<1x8x128xi32, #tpu.memory_space<hbm>> -> memref<8x128xi32, #tpu.memory_space<hbm>>
      %dma_wait3A_635 = arith.constant 0 : i32
      %dma_wait3A_636 = arith.constant 0 : i32
      %dma_wait3A_637 = tpu.memref_slice %arg5[%run_scoped3A_17, %dma_wait3A_635, %dma_wait3A_636] : memref<25x8x128xi32, #tpu.memory_space<vmem>> -> memref<1x8x128xi32, #tpu.memory_space<vmem>>
      %dma_wait3A_638 = tpu.memref_squeeze %dma_wait3A_637 : memref<1x8x128xi32, #tpu.memory_space<vmem>> -> memref<8x128xi32, #tpu.memory_space<vmem>>
      %dma_wait3A_639 = arith.constant 0 : i32
      %dma_wait3A_640 = arith.constant 0 : i32
      %dma_wait3A_641 = tpu.memref_slice %arg3[%add3A_16, %dma_wait3A_639, %dma_wait3A_640] : memref<800x8x128xi32, #tpu.memory_space<hbm>> -> memref<1x8x128xi32, #tpu.memory_space<hbm>>
      %dma_wait3A_642 = tpu.memref_squeeze %dma_wait3A_641 : memref<1x8x128xi32, #tpu.memory_space<hbm>> -> memref<8x128xi32, #tpu.memory_space<hbm>>
      tpu.wait_dma2 semaphore(%run_scoped3A_610 : memref<!tpu.dma_semaphore, #tpu.memory_space<semaphore_mem>>) src(%dma_wait3A_642 : memref<8x128xi32, #tpu.memory_space<hbm>>) dst(%dma_wait3A_638 : memref<8x128xi32, #tpu.memory_space<vmem>>)
      tpu.yield
    }) : () -> ()
    %add3A_18 = arith.constant 192 : i32
    %add3A_19 = arith.addi %add3A_18, %add3A : i32
    %run_scoped3A_20 = arith.constant 6 : i32
    "tpu.region"() ({
      %run_scoped3A_610 = tpu.sem_alloc : memref<!tpu.dma_semaphore, #tpu.memory_space<semaphore_mem>>
      %dma_start3A_611 = arith.constant 0 : i32
      %dma_start3A_612 = arith.constant 0 : i32
      %dma_start3A_613 = tpu.memref_slice %arg5[%run_scoped3A_20, %dma_start3A_611, %dma_start3A_612] : memref<25x8x128xi32, #tpu.memory_space<vmem>> -> memref<1x8x128xi32, #tpu.memory_space<vmem>>
      %dma_start3A_614 = tpu.memref_squeeze %dma_start3A_613 : memref<1x8x128xi32, #tpu.memory_space<vmem>> -> memref<8x128xi32, #tpu.memory_space<vmem>>
      %dma_start3A_615 = arith.constant 0 : i32
      %dma_start3A_616 = arith.constant 0 : i32
      %dma_start3A_617 = tpu.memref_slice %arg3[%add3A_19, %dma_start3A_615, %dma_start3A_616] : memref<800x8x128xi32, #tpu.memory_space<hbm>> -> memref<1x8x128xi32, #tpu.memory_space<hbm>>
      %dma_start3A_618 = tpu.memref_squeeze %dma_start3A_617 : memref<1x8x128xi32, #tpu.memory_space<hbm>> -> memref<8x128xi32, #tpu.memory_space<hbm>>
      %dma_start3A_619 = arith.constant 0 : i32
      %dma_start3A_620 = arith.constant 0 : i32
      %dma_start3A_621 = tpu.memref_slice %arg5[%run_scoped3A_20, %dma_start3A_619, %dma_start3A_620] : memref<25x8x128xi32, #tpu.memory_space<vmem>> -> memref<1x8x128xi32, #tpu.memory_space<vmem>>
      %dma_start3A_622 = tpu.memref_squeeze %dma_start3A_621 : memref<1x8x128xi32, #tpu.memory_space<vmem>> -> memref<8x128xi32, #tpu.memory_space<vmem>>
      %dma_start3A_623 = arith.constant 0 : i32
      %dma_start3A_624 = arith.constant 0 : i32
      %dma_start3A_625 = tpu.memref_slice %arg3[%add3A_19, %dma_start3A_623, %dma_start3A_624] : memref<800x8x128xi32, #tpu.memory_space<hbm>> -> memref<1x8x128xi32, #tpu.memory_space<hbm>>
      %dma_start3A_626 = tpu.memref_squeeze %dma_start3A_625 : memref<1x8x128xi32, #tpu.memory_space<hbm>> -> memref<8x128xi32, #tpu.memory_space<hbm>>
      tpu.enqueue_dma source(%dma_start3A_626 : memref<8x128xi32, #tpu.memory_space<hbm>>) target(%dma_start3A_622 : memref<8x128xi32, #tpu.memory_space<vmem>>) target_semaphore(%run_scoped3A_610 : memref<!tpu.dma_semaphore, #tpu.memory_space<semaphore_mem>>)
      %dma_wait3A_627 = arith.constant 0 : i32
      %dma_wait3A_628 = arith.constant 0 : i32
      %dma_wait3A_629 = tpu.memref_slice %arg5[%run_scoped3A_20, %dma_wait3A_627, %dma_wait3A_628] : memref<25x8x128xi32, #tpu.memory_space<vmem>> -> memref<1x8x128xi32, #tpu.memory_space<vmem>>
      %dma_wait3A_630 = tpu.memref_squeeze %dma_wait3A_629 : memref<1x8x128xi32, #tpu.memory_space<vmem>> -> memref<8x128xi32, #tpu.memory_space<vmem>>
      %dma_wait3A_631 = arith.constant 0 : i32
      %dma_wait3A_632 = arith.constant 0 : i32
      %dma_wait3A_633 = tpu.memref_slice %arg3[%add3A_19, %dma_wait3A_631, %dma_wait3A_632] : memref<800x8x128xi32, #tpu.memory_space<hbm>> -> memref<1x8x128xi32, #tpu.memory_space<hbm>>
      %dma_wait3A_634 = tpu.memref_squeeze %dma_wait3A_633 : memref<1x8x128xi32, #tpu.memory_space<hbm>> -> memref<8x128xi32, #tpu.memory_space<hbm>>
      %dma_wait3A_635 = arith.constant 0 : i32
      %dma_wait3A_636 = arith.constant 0 : i32
      %dma_wait3A_637 = tpu.memref_slice %arg5[%run_scoped3A_20, %dma_wait3A_635, %dma_wait3A_636] : memref<25x8x128xi32, #tpu.memory_space<vmem>> -> memref<1x8x128xi32, #tpu.memory_space<vmem>>
      %dma_wait3A_638 = tpu.memref_squeeze %dma_wait3A_637 : memref<1x8x128xi32, #tpu.memory_space<vmem>> -> memref<8x128xi32, #tpu.memory_space<vmem>>
      %dma_wait3A_639 = arith.constant 0 : i32
      %dma_wait3A_640 = arith.constant 0 : i32
      %dma_wait3A_641 = tpu.memref_slice %arg3[%add3A_19, %dma_wait3A_639, %dma_wait3A_640] : memref<800x8x128xi32, #tpu.memory_space<hbm>> -> memref<1x8x128xi32, #tpu.memory_space<hbm>>
      %dma_wait3A_642 = tpu.memref_squeeze %dma_wait3A_641 : memref<1x8x128xi32, #tpu.memory_space<hbm>> -> memref<8x128xi32, #tpu.memory_space<hbm>>
      tpu.wait_dma2 semaphore(%run_scoped3A_610 : memref<!tpu.dma_semaphore, #tpu.memory_space<semaphore_mem>>) src(%dma_wait3A_642 : memref<8x128xi32, #tpu.memory_space<hbm>>) dst(%dma_wait3A_638 : memref<8x128xi32, #tpu.memory_space<vmem>>)
      tpu.yield
    }) : () -> ()
    %add3A_21 = arith.constant 224 : i32
    %add3A_22 = arith.addi %add3A_21, %add3A : i32
    %run_scoped3A_23 = arith.constant 7 : i32
    "tpu.region"() ({
      %run_scoped3A_610 = tpu.sem_alloc : memref<!tpu.dma_semaphore, #tpu.memory_space<semaphore_mem>>
      %dma_start3A_611 = arith.constant 0 : i32
      %dma_start3A_612 = arith.constant 0 : i32
      %dma_start3A_613 = tpu.memref_slice %arg5[%run_scoped3A_23, %dma_start3A_611, %dma_start3A_612] : memref<25x8x128xi32, #tpu.memory_space<vmem>> -> memref<1x8x128xi32, #tpu.memory_space<vmem>>
      %dma_start3A_614 = tpu.memref_squeeze %dma_start3A_613 : memref<1x8x128xi32, #tpu.memory_space<vmem>> -> memref<8x128xi32, #tpu.memory_space<vmem>>
      %dma_start3A_615 = arith.constant 0 : i32
      %dma_start3A_616 = arith.constant 0 : i32
      %dma_start3A_617 = tpu.memref_slice %arg3[%add3A_22, %dma_start3A_615, %dma_start3A_616] : memref<800x8x128xi32, #tpu.memory_space<hbm>> -> memref<1x8x128xi32, #tpu.memory_space<hbm>>
      %dma_start3A_618 = tpu.memref_squeeze %dma_start3A_617 : memref<1x8x128xi32, #tpu.memory_space<hbm>> -> memref<8x128xi32, #tpu.memory_space<hbm>>
      %dma_start3A_619 = arith.constant 0 : i32
      %dma_start3A_620 = arith.constant 0 : i32
      %dma_start3A_621 = tpu.memref_slice %arg5[%run_scoped3A_23, %dma_start3A_619, %dma_start3A_620] : memref<25x8x128xi32, #tpu.memory_space<vmem>> -> memref<1x8x128xi32, #tpu.memory_space<vmem>>
      %dma_start3A_622 = tpu.memref_squeeze %dma_start3A_621 : memref<1x8x128xi32, #tpu.memory_space<vmem>> -> memref<8x128xi32, #tpu.memory_space<vmem>>
      %dma_start3A_623 = arith.constant 0 : i32
      %dma_start3A_624 = arith.constant 0 : i32
      %dma_start3A_625 = tpu.memref_slice %arg3[%add3A_22, %dma_start3A_623, %dma_start3A_624] : memref<800x8x128xi32, #tpu.memory_space<hbm>> -> memref<1x8x128xi32, #tpu.memory_space<hbm>>
      %dma_start3A_626 = tpu.memref_squeeze %dma_start3A_625 : memref<1x8x128xi32, #tpu.memory_space<hbm>> -> memref<8x128xi32, #tpu.memory_space<hbm>>
      tpu.enqueue_dma source(%dma_start3A_626 : memref<8x128xi32, #tpu.memory_space<hbm>>) target(%dma_start3A_622 : memref<8x128xi32, #tpu.memory_space<vmem>>) target_semaphore(%run_scoped3A_610 : memref<!tpu.dma_semaphore, #tpu.memory_space<semaphore_mem>>)
      %dma_wait3A_627 = arith.constant 0 : i32
      %dma_wait3A_628 = arith.constant 0 : i32
      %dma_wait3A_629 = tpu.memref_slice %arg5[%run_scoped3A_23, %dma_wait3A_627, %dma_wait3A_628] : memref<25x8x128xi32, #tpu.memory_space<vmem>> -> memref<1x8x128xi32, #tpu.memory_space<vmem>>
      %dma_wait3A_630 = tpu.memref_squeeze %dma_wait3A_629 : memref<1x8x128xi32, #tpu.memory_space<vmem>> -> memref<8x128xi32, #tpu.memory_space<vmem>>
      %dma_wait3A_631 = arith.constant 0 : i32
      %dma_wait3A_632 = arith.constant 0 : i32
      %dma_wait3A_633 = tpu.memref_slice %arg3[%add3A_22, %dma_wait3A_631, %dma_wait3A_632] : memref<800x8x128xi32, #tpu.memory_space<hbm>> -> memref<1x8x128xi32, #tpu.memory_space<hbm>>
      %dma_wait3A_634 = tpu.memref_squeeze %dma_wait3A_633 : memref<1x8x128xi32, #tpu.memory_space<hbm>> -> memref<8x128xi32, #tpu.memory_space<hbm>>
      %dma_wait3A_635 = arith.constant 0 : i32
      %dma_wait3A_636 = arith.constant 0 : i32
      %dma_wait3A_637 = tpu.memref_slice %arg5[%run_scoped3A_23, %dma_wait3A_635, %dma_wait3A_636] : memref<25x8x128xi32, #tpu.memory_space<vmem>> -> memref<1x8x128xi32, #tpu.memory_space<vmem>>
      %dma_wait3A_638 = tpu.memref_squeeze %dma_wait3A_637 : memref<1x8x128xi32, #tpu.memory_space<vmem>> -> memref<8x128xi32, #tpu.memory_space<vmem>>
      %dma_wait3A_639 = arith.constant 0 : i32
      %dma_wait3A_640 = arith.constant 0 : i32
      %dma_wait3A_641 = tpu.memref_slice %arg3[%add3A_22, %dma_wait3A_639, %dma_wait3A_640] : memref<800x8x128xi32, #tpu.memory_space<hbm>> -> memref<1x8x128xi32, #tpu.memory_space<hbm>>
      %dma_wait3A_642 = tpu.memref_squeeze %dma_wait3A_641 : memref<1x8x128xi32, #tpu.memory_space<hbm>> -> memref<8x128xi32, #tpu.memory_space<hbm>>
      tpu.wait_dma2 semaphore(%run_scoped3A_610 : memref<!tpu.dma_semaphore, #tpu.memory_space<semaphore_mem>>) src(%dma_wait3A_642 : memref<8x128xi32, #tpu.memory_space<hbm>>) dst(%dma_wait3A_638 : memref<8x128xi32, #tpu.memory_space<vmem>>)
      tpu.yield
    }) : () -> ()
    %add3A_24 = arith.constant 256 : i32
    %add3A_25 = arith.addi %add3A_24, %add3A : i32
    %run_scoped3A_26 = arith.constant 8 : i32
    "tpu.region"() ({
      %run_scoped3A_610 = tpu.sem_alloc : memref<!tpu.dma_semaphore, #tpu.memory_space<semaphore_mem>>
      %dma_start3A_611 = arith.constant 0 : i32
      %dma_start3A_612 = arith.constant 0 : i32
      %dma_start3A_613 = tpu.memref_slice %arg5[%run_scoped3A_26, %dma_start3A_611, %dma_start3A_612] : memref<25x8x128xi32, #tpu.memory_space<vmem>> -> memref<1x8x128xi32, #tpu.memory_space<vmem>>
      %dma_start3A_614 = tpu.memref_squeeze %dma_start3A_613 : memref<1x8x128xi32, #tpu.memory_space<vmem>> -> memref<8x128xi32, #tpu.memory_space<vmem>>
      %dma_start3A_615 = arith.constant 0 : i32
      %dma_start3A_616 = arith.constant 0 : i32
      %dma_start3A_617 = tpu.memref_slice %arg3[%add3A_25, %dma_start3A_615, %dma_start3A_616] : memref<800x8x128xi32, #tpu.memory_space<hbm>> -> memref<1x8x128xi32, #tpu.memory_space<hbm>>
      %dma_start3A_618 = tpu.memref_squeeze %dma_start3A_617 : memref<1x8x128xi32, #tpu.memory_space<hbm>> -> memref<8x128xi32, #tpu.memory_space<hbm>>
      %dma_start3A_619 = arith.constant 0 : i32
      %dma_start3A_620 = arith.constant 0 : i32
      %dma_start3A_621 = tpu.memref_slice %arg5[%run_scoped3A_26, %dma_start3A_619, %dma_start3A_620] : memref<25x8x128xi32, #tpu.memory_space<vmem>> -> memref<1x8x128xi32, #tpu.memory_space<vmem>>
      %dma_start3A_622 = tpu.memref_squeeze %dma_start3A_621 : memref<1x8x128xi32, #tpu.memory_space<vmem>> -> memref<8x128xi32, #tpu.memory_space<vmem>>
      %dma_start3A_623 = arith.constant 0 : i32
      %dma_start3A_624 = arith.constant 0 : i32
      %dma_start3A_625 = tpu.memref_slice %arg3[%add3A_25, %dma_start3A_623, %dma_start3A_624] : memref<800x8x128xi32, #tpu.memory_space<hbm>> -> memref<1x8x128xi32, #tpu.memory_space<hbm>>
      %dma_start3A_626 = tpu.memref_squeeze %dma_start3A_625 : memref<1x8x128xi32, #tpu.memory_space<hbm>> -> memref<8x128xi32, #tpu.memory_space<hbm>>
      tpu.enqueue_dma source(%dma_start3A_626 : memref<8x128xi32, #tpu.memory_space<hbm>>) target(%dma_start3A_622 : memref<8x128xi32, #tpu.memory_space<vmem>>) target_semaphore(%run_scoped3A_610 : memref<!tpu.dma_semaphore, #tpu.memory_space<semaphore_mem>>)
      %dma_wait3A_627 = arith.constant 0 : i32
      %dma_wait3A_628 = arith.constant 0 : i32
      %dma_wait3A_629 = tpu.memref_slice %arg5[%run_scoped3A_26, %dma_wait3A_627, %dma_wait3A_628] : memref<25x8x128xi32, #tpu.memory_space<vmem>> -> memref<1x8x128xi32, #tpu.memory_space<vmem>>
      %dma_wait3A_630 = tpu.memref_squeeze %dma_wait3A_629 : memref<1x8x128xi32, #tpu.memory_space<vmem>> -> memref<8x128xi32, #tpu.memory_space<vmem>>
      %dma_wait3A_631 = arith.constant 0 : i32
      %dma_wait3A_632 = arith.constant 0 : i32
      %dma_wait3A_633 = tpu.memref_slice %arg3[%add3A_25, %dma_wait3A_631, %dma_wait3A_632] : memref<800x8x128xi32, #tpu.memory_space<hbm>> -> memref<1x8x128xi32, #tpu.memory_space<hbm>>
      %dma_wait3A_634 = tpu.memref_squeeze %dma_wait3A_633 : memref<1x8x128xi32, #tpu.memory_space<hbm>> -> memref<8x128xi32, #tpu.memory_space<hbm>>
      %dma_wait3A_635 = arith.constant 0 : i32
      %dma_wait3A_636 = arith.constant 0 : i32
      %dma_wait3A_637 = tpu.memref_slice %arg5[%run_scoped3A_26, %dma_wait3A_635, %dma_wait3A_636] : memref<25x8x128xi32, #tpu.memory_space<vmem>> -> memref<1x8x128xi32, #tpu.memory_space<vmem>>
      %dma_wait3A_638 = tpu.memref_squeeze %dma_wait3A_637 : memref<1x8x128xi32, #tpu.memory_space<vmem>> -> memref<8x128xi32, #tpu.memory_space<vmem>>
      %dma_wait3A_639 = arith.constant 0 : i32
      %dma_wait3A_640 = arith.constant 0 : i32
      %dma_wait3A_641 = tpu.memref_slice %arg3[%add3A_25, %dma_wait3A_639, %dma_wait3A_640] : memref<800x8x128xi32, #tpu.memory_space<hbm>> -> memref<1x8x128xi32, #tpu.memory_space<hbm>>
      %dma_wait3A_642 = tpu.memref_squeeze %dma_wait3A_641 : memref<1x8x128xi32, #tpu.memory_space<hbm>> -> memref<8x128xi32, #tpu.memory_space<hbm>>
      tpu.wait_dma2 semaphore(%run_scoped3A_610 : memref<!tpu.dma_semaphore, #tpu.memory_space<semaphore_mem>>) src(%dma_wait3A_642 : memref<8x128xi32, #tpu.memory_space<hbm>>) dst(%dma_wait3A_638 : memref<8x128xi32, #tpu.memory_space<vmem>>)
      tpu.yield
    }) : () -> ()
    %add3A_27 = arith.constant 288 : i32
    %add3A_28 = arith.addi %add3A_27, %add3A : i32
    %run_scoped3A_29 = arith.constant 9 : i32
    "tpu.region"() ({
      %run_scoped3A_610 = tpu.sem_alloc : memref<!tpu.dma_semaphore, #tpu.memory_space<semaphore_mem>>
      %dma_start3A_611 = arith.constant 0 : i32
      %dma_start3A_612 = arith.constant 0 : i32
      %dma_start3A_613 = tpu.memref_slice %arg5[%run_scoped3A_29, %dma_start3A_611, %dma_start3A_612] : memref<25x8x128xi32, #tpu.memory_space<vmem>> -> memref<1x8x128xi32, #tpu.memory_space<vmem>>
      %dma_start3A_614 = tpu.memref_squeeze %dma_start3A_613 : memref<1x8x128xi32, #tpu.memory_space<vmem>> -> memref<8x128xi32, #tpu.memory_space<vmem>>
      %dma_start3A_615 = arith.constant 0 : i32
      %dma_start3A_616 = arith.constant 0 : i32
      %dma_start3A_617 = tpu.memref_slice %arg3[%add3A_28, %dma_start3A_615, %dma_start3A_616] : memref<800x8x128xi32, #tpu.memory_space<hbm>> -> memref<1x8x128xi32, #tpu.memory_space<hbm>>
      %dma_start3A_618 = tpu.memref_squeeze %dma_start3A_617 : memref<1x8x128xi32, #tpu.memory_space<hbm>> -> memref<8x128xi32, #tpu.memory_space<hbm>>
      %dma_start3A_619 = arith.constant 0 : i32
      %dma_start3A_620 = arith.constant 0 : i32
      %dma_start3A_621 = tpu.memref_slice %arg5[%run_scoped3A_29, %dma_start3A_619, %dma_start3A_620] : memref<25x8x128xi32, #tpu.memory_space<vmem>> -> memref<1x8x128xi32, #tpu.memory_space<vmem>>
      %dma_start3A_622 = tpu.memref_squeeze %dma_start3A_621 : memref<1x8x128xi32, #tpu.memory_space<vmem>> -> memref<8x128xi32, #tpu.memory_space<vmem>>
      %dma_start3A_623 = arith.constant 0 : i32
      %dma_start3A_624 = arith.constant 0 : i32
      %dma_start3A_625 = tpu.memref_slice %arg3[%add3A_28, %dma_start3A_623, %dma_start3A_624] : memref<800x8x128xi32, #tpu.memory_space<hbm>> -> memref<1x8x128xi32, #tpu.memory_space<hbm>>
      %dma_start3A_626 = tpu.memref_squeeze %dma_start3A_625 : memref<1x8x128xi32, #tpu.memory_space<hbm>> -> memref<8x128xi32, #tpu.memory_space<hbm>>
      tpu.enqueue_dma source(%dma_start3A_626 : memref<8x128xi32, #tpu.memory_space<hbm>>) target(%dma_start3A_622 : memref<8x128xi32, #tpu.memory_space<vmem>>) target_semaphore(%run_scoped3A_610 : memref<!tpu.dma_semaphore, #tpu.memory_space<semaphore_mem>>)
      %dma_wait3A_627 = arith.constant 0 : i32
      %dma_wait3A_628 = arith.constant 0 : i32
      %dma_wait3A_629 = tpu.memref_slice %arg5[%run_scoped3A_29, %dma_wait3A_627, %dma_wait3A_628] : memref<25x8x128xi32, #tpu.memory_space<vmem>> -> memref<1x8x128xi32, #tpu.memory_space<vmem>>
      %dma_wait3A_630 = tpu.memref_squeeze %dma_wait3A_629 : memref<1x8x128xi32, #tpu.memory_space<vmem>> -> memref<8x128xi32, #tpu.memory_space<vmem>>
      %dma_wait3A_631 = arith.constant 0 : i32
      %dma_wait3A_632 = arith.constant 0 : i32
      %dma_wait3A_633 = tpu.memref_slice %arg3[%add3A_28, %dma_wait3A_631, %dma_wait3A_632] : memref<800x8x128xi32, #tpu.memory_space<hbm>> -> memref<1x8x128xi32, #tpu.memory_space<hbm>>
      %dma_wait3A_634 = tpu.memref_squeeze %dma_wait3A_633 : memref<1x8x128xi32, #tpu.memory_space<hbm>> -> memref<8x128xi32, #tpu.memory_space<hbm>>
      %dma_wait3A_635 = arith.constant 0 : i32
      %dma_wait3A_636 = arith.constant 0 : i32
      %dma_wait3A_637 = tpu.memref_slice %arg5[%run_scoped3A_29, %dma_wait3A_635, %dma_wait3A_636] : memref<25x8x128xi32, #tpu.memory_space<vmem>> -> memref<1x8x128xi32, #tpu.memory_space<vmem>>
      %dma_wait3A_638 = tpu.memref_squeeze %dma_wait3A_637 : memref<1x8x128xi32, #tpu.memory_space<vmem>> -> memref<8x128xi32, #tpu.memory_space<vmem>>
      %dma_wait3A_639 = arith.constant 0 : i32
      %dma_wait3A_640 = arith.constant 0 : i32
      %dma_wait3A_641 = tpu.memref_slice %arg3[%add3A_28, %dma_wait3A_639, %dma_wait3A_640] : memref<800x8x128xi32, #tpu.memory_space<hbm>> -> memref<1x8x128xi32, #tpu.memory_space<hbm>>
      %dma_wait3A_642 = tpu.memref_squeeze %dma_wait3A_641 : memref<1x8x128xi32, #tpu.memory_space<hbm>> -> memref<8x128xi32, #tpu.memory_space<hbm>>
      tpu.wait_dma2 semaphore(%run_scoped3A_610 : memref<!tpu.dma_semaphore, #tpu.memory_space<semaphore_mem>>) src(%dma_wait3A_642 : memref<8x128xi32, #tpu.memory_space<hbm>>) dst(%dma_wait3A_638 : memref<8x128xi32, #tpu.memory_space<vmem>>)
      tpu.yield
    }) : () -> ()
    %add3A_30 = arith.constant 320 : i32
    %add3A_31 = arith.addi %add3A_30, %add3A : i32
    %run_scoped3A_32 = arith.constant 10 : i32
    "tpu.region"() ({
      %run_scoped3A_610 = tpu.sem_alloc : memref<!tpu.dma_semaphore, #tpu.memory_space<semaphore_mem>>
      %dma_start3A_611 = arith.constant 0 : i32
      %dma_start3A_612 = arith.constant 0 : i32
      %dma_start3A_613 = tpu.memref_slice %arg5[%run_scoped3A_32, %dma_start3A_611, %dma_start3A_612] : memref<25x8x128xi32, #tpu.memory_space<vmem>> -> memref<1x8x128xi32, #tpu.memory_space<vmem>>
      %dma_start3A_614 = tpu.memref_squeeze %dma_start3A_613 : memref<1x8x128xi32, #tpu.memory_space<vmem>> -> memref<8x128xi32, #tpu.memory_space<vmem>>
      %dma_start3A_615 = arith.constant 0 : i32
      %dma_start3A_616 = arith.constant 0 : i32
      %dma_start3A_617 = tpu.memref_slice %arg3[%add3A_31, %dma_start3A_615, %dma_start3A_616] : memref<800x8x128xi32, #tpu.memory_space<hbm>> -> memref<1x8x128xi32, #tpu.memory_space<hbm>>
      %dma_start3A_618 = tpu.memref_squeeze %dma_start3A_617 : memref<1x8x128xi32, #tpu.memory_space<hbm>> -> memref<8x128xi32, #tpu.memory_space<hbm>>
      %dma_start3A_619 = arith.constant 0 : i32
      %dma_start3A_620 = arith.constant 0 : i32
      %dma_start3A_621 = tpu.memref_slice %arg5[%run_scoped3A_32, %dma_start3A_619, %dma_start3A_620] : memref<25x8x128xi32, #tpu.memory_space<vmem>> -> memref<1x8x128xi32, #tpu.memory_space<vmem>>
      %dma_start3A_622 = tpu.memref_squeeze %dma_start3A_621 : memref<1x8x128xi32, #tpu.memory_space<vmem>> -> memref<8x128xi32, #tpu.memory_space<vmem>>
      %dma_start3A_623 = arith.constant 0 : i32
      %dma_start3A_624 = arith.constant 0 : i32
      %dma_start3A_625 = tpu.memref_slice %arg3[%add3A_31, %dma_start3A_623, %dma_start3A_624] : memref<800x8x128xi32, #tpu.memory_space<hbm>> -> memref<1x8x128xi32, #tpu.memory_space<hbm>>
      %dma_start3A_626 = tpu.memref_squeeze %dma_start3A_625 : memref<1x8x128xi32, #tpu.memory_space<hbm>> -> memref<8x128xi32, #tpu.memory_space<hbm>>
      tpu.enqueue_dma source(%dma_start3A_626 : memref<8x128xi32, #tpu.memory_space<hbm>>) target(%dma_start3A_622 : memref<8x128xi32, #tpu.memory_space<vmem>>) target_semaphore(%run_scoped3A_610 : memref<!tpu.dma_semaphore, #tpu.memory_space<semaphore_mem>>)
      %dma_wait3A_627 = arith.constant 0 : i32
      %dma_wait3A_628 = arith.constant 0 : i32
      %dma_wait3A_629 = tpu.memref_slice %arg5[%run_scoped3A_32, %dma_wait3A_627, %dma_wait3A_628] : memref<25x8x128xi32, #tpu.memory_space<vmem>> -> memref<1x8x128xi32, #tpu.memory_space<vmem>>
      %dma_wait3A_630 = tpu.memref_squeeze %dma_wait3A_629 : memref<1x8x128xi32, #tpu.memory_space<vmem>> -> memref<8x128xi32, #tpu.memory_space<vmem>>
      %dma_wait3A_631 = arith.constant 0 : i32
      %dma_wait3A_632 = arith.constant 0 : i32
      %dma_wait3A_633 = tpu.memref_slice %arg3[%add3A_31, %dma_wait3A_631, %dma_wait3A_632] : memref<800x8x128xi32, #tpu.memory_space<hbm>> -> memref<1x8x128xi32, #tpu.memory_space<hbm>>
      %dma_wait3A_634 = tpu.memref_squeeze %dma_wait3A_633 : memref<1x8x128xi32, #tpu.memory_space<hbm>> -> memref<8x128xi32, #tpu.memory_space<hbm>>
      %dma_wait3A_635 = arith.constant 0 : i32
      %dma_wait3A_636 = arith.constant 0 : i32
      %dma_wait3A_637 = tpu.memref_slice %arg5[%run_scoped3A_32, %dma_wait3A_635, %dma_wait3A_636] : memref<25x8x128xi32, #tpu.memory_space<vmem>> -> memref<1x8x128xi32, #tpu.memory_space<vmem>>
      %dma_wait3A_638 = tpu.memref_squeeze %dma_wait3A_637 : memref<1x8x128xi32, #tpu.memory_space<vmem>> -> memref<8x128xi32, #tpu.memory_space<vmem>>
      %dma_wait3A_639 = arith.constant 0 : i32
      %dma_wait3A_640 = arith.constant 0 : i32
      %dma_wait3A_641 = tpu.memref_slice %arg3[%add3A_31, %dma_wait3A_639, %dma_wait3A_640] : memref<800x8x128xi32, #tpu.memory_space<hbm>> -> memref<1x8x128xi32, #tpu.memory_space<hbm>>
      %dma_wait3A_642 = tpu.memref_squeeze %dma_wait3A_641 : memref<1x8x128xi32, #tpu.memory_space<hbm>> -> memref<8x128xi32, #tpu.memory_space<hbm>>
      tpu.wait_dma2 semaphore(%run_scoped3A_610 : memref<!tpu.dma_semaphore, #tpu.memory_space<semaphore_mem>>) src(%dma_wait3A_642 : memref<8x128xi32, #tpu.memory_space<hbm>>) dst(%dma_wait3A_638 : memref<8x128xi32, #tpu.memory_space<vmem>>)
      tpu.yield
    }) : () -> ()
    %add3A_33 = arith.constant 352 : i32
    %add3A_34 = arith.addi %add3A_33, %add3A : i32
    %run_scoped3A_35 = arith.constant 11 : i32
    "tpu.region"() ({
      %run_scoped3A_610 = tpu.sem_alloc : memref<!tpu.dma_semaphore, #tpu.memory_space<semaphore_mem>>
      %dma_start3A_611 = arith.constant 0 : i32
      %dma_start3A_612 = arith.constant 0 : i32
      %dma_start3A_613 = tpu.memref_slice %arg5[%run_scoped3A_35, %dma_start3A_611, %dma_start3A_612] : memref<25x8x128xi32, #tpu.memory_space<vmem>> -> memref<1x8x128xi32, #tpu.memory_space<vmem>>
      %dma_start3A_614 = tpu.memref_squeeze %dma_start3A_613 : memref<1x8x128xi32, #tpu.memory_space<vmem>> -> memref<8x128xi32, #tpu.memory_space<vmem>>
      %dma_start3A_615 = arith.constant 0 : i32
      %dma_start3A_616 = arith.constant 0 : i32
      %dma_start3A_617 = tpu.memref_slice %arg3[%add3A_34, %dma_start3A_615, %dma_start3A_616] : memref<800x8x128xi32, #tpu.memory_space<hbm>> -> memref<1x8x128xi32, #tpu.memory_space<hbm>>
      %dma_start3A_618 = tpu.memref_squeeze %dma_start3A_617 : memref<1x8x128xi32, #tpu.memory_space<hbm>> -> memref<8x128xi32, #tpu.memory_space<hbm>>
      %dma_start3A_619 = arith.constant 0 : i32
      %dma_start3A_620 = arith.constant 0 : i32
      %dma_start3A_621 = tpu.memref_slice %arg5[%run_scoped3A_35, %dma_start3A_619, %dma_start3A_620] : memref<25x8x128xi32, #tpu.memory_space<vmem>> -> memref<1x8x128xi32, #tpu.memory_space<vmem>>
      %dma_start3A_622 = tpu.memref_squeeze %dma_start3A_621 : memref<1x8x128xi32, #tpu.memory_space<vmem>> -> memref<8x128xi32, #tpu.memory_space<vmem>>
      %dma_start3A_623 = arith.constant 0 : i32
      %dma_start3A_624 = arith.constant 0 : i32
      %dma_start3A_625 = tpu.memref_slice %arg3[%add3A_34, %dma_start3A_623, %dma_start3A_624] : memref<800x8x128xi32, #tpu.memory_space<hbm>> -> memref<1x8x128xi32, #tpu.memory_space<hbm>>
      %dma_start3A_626 = tpu.memref_squeeze %dma_start3A_625 : memref<1x8x128xi32, #tpu.memory_space<hbm>> -> memref<8x128xi32, #tpu.memory_space<hbm>>
      tpu.enqueue_dma source(%dma_start3A_626 : memref<8x128xi32, #tpu.memory_space<hbm>>) target(%dma_start3A_622 : memref<8x128xi32, #tpu.memory_space<vmem>>) target_semaphore(%run_scoped3A_610 : memref<!tpu.dma_semaphore, #tpu.memory_space<semaphore_mem>>)
      %dma_wait3A_627 = arith.constant 0 : i32
      %dma_wait3A_628 = arith.constant 0 : i32
      %dma_wait3A_629 = tpu.memref_slice %arg5[%run_scoped3A_35, %dma_wait3A_627, %dma_wait3A_628] : memref<25x8x128xi32, #tpu.memory_space<vmem>> -> memref<1x8x128xi32, #tpu.memory_space<vmem>>
      %dma_wait3A_630 = tpu.memref_squeeze %dma_wait3A_629 : memref<1x8x128xi32, #tpu.memory_space<vmem>> -> memref<8x128xi32, #tpu.memory_space<vmem>>
      %dma_wait3A_631 = arith.constant 0 : i32
      %dma_wait3A_632 = arith.constant 0 : i32
      %dma_wait3A_633 = tpu.memref_slice %arg3[%add3A_34, %dma_wait3A_631, %dma_wait3A_632] : memref<800x8x128xi32, #tpu.memory_space<hbm>> -> memref<1x8x128xi32, #tpu.memory_space<hbm>>
      %dma_wait3A_634 = tpu.memref_squeeze %dma_wait3A_633 : memref<1x8x128xi32, #tpu.memory_space<hbm>> -> memref<8x128xi32, #tpu.memory_space<hbm>>
      %dma_wait3A_635 = arith.constant 0 : i32
      %dma_wait3A_636 = arith.constant 0 : i32
      %dma_wait3A_637 = tpu.memref_slice %arg5[%run_scoped3A_35, %dma_wait3A_635, %dma_wait3A_636] : memref<25x8x128xi32, #tpu.memory_space<vmem>> -> memref<1x8x128xi32, #tpu.memory_space<vmem>>
      %dma_wait3A_638 = tpu.memref_squeeze %dma_wait3A_637 : memref<1x8x128xi32, #tpu.memory_space<vmem>> -> memref<8x128xi32, #tpu.memory_space<vmem>>
      %dma_wait3A_639 = arith.constant 0 : i32
      %dma_wait3A_640 = arith.constant 0 : i32
      %dma_wait3A_641 = tpu.memref_slice %arg3[%add3A_34, %dma_wait3A_639, %dma_wait3A_640] : memref<800x8x128xi32, #tpu.memory_space<hbm>> -> memref<1x8x128xi32, #tpu.memory_space<hbm>>
      %dma_wait3A_642 = tpu.memref_squeeze %dma_wait3A_641 : memref<1x8x128xi32, #tpu.memory_space<hbm>> -> memref<8x128xi32, #tpu.memory_space<hbm>>
      tpu.wait_dma2 semaphore(%run_scoped3A_610 : memref<!tpu.dma_semaphore, #tpu.memory_space<semaphore_mem>>) src(%dma_wait3A_642 : memref<8x128xi32, #tpu.memory_space<hbm>>) dst(%dma_wait3A_638 : memref<8x128xi32, #tpu.memory_space<vmem>>)
      tpu.yield
    }) : () -> ()
    %add3A_36 = arith.constant 384 : i32
    %add3A_37 = arith.addi %add3A_36, %add3A : i32
    %run_scoped3A_38 = arith.constant 12 : i32
    "tpu.region"() ({
      %run_scoped3A_610 = tpu.sem_alloc : memref<!tpu.dma_semaphore, #tpu.memory_space<semaphore_mem>>
      %dma_start3A_611 = arith.constant 0 : i32
      %dma_start3A_612 = arith.constant 0 : i32
      %dma_start3A_613 = tpu.memref_slice %arg5[%run_scoped3A_38, %dma_start3A_611, %dma_start3A_612] : memref<25x8x128xi32, #tpu.memory_space<vmem>> -> memref<1x8x128xi32, #tpu.memory_space<vmem>>
      %dma_start3A_614 = tpu.memref_squeeze %dma_start3A_613 : memref<1x8x128xi32, #tpu.memory_space<vmem>> -> memref<8x128xi32, #tpu.memory_space<vmem>>
      %dma_start3A_615 = arith.constant 0 : i32
      %dma_start3A_616 = arith.constant 0 : i32
      %dma_start3A_617 = tpu.memref_slice %arg3[%add3A_37, %dma_start3A_615, %dma_start3A_616] : memref<800x8x128xi32, #tpu.memory_space<hbm>> -> memref<1x8x128xi32, #tpu.memory_space<hbm>>
      %dma_start3A_618 = tpu.memref_squeeze %dma_start3A_617 : memref<1x8x128xi32, #tpu.memory_space<hbm>> -> memref<8x128xi32, #tpu.memory_space<hbm>>
      %dma_start3A_619 = arith.constant 0 : i32
      %dma_start3A_620 = arith.constant 0 : i32
      %dma_start3A_621 = tpu.memref_slice %arg5[%run_scoped3A_38, %dma_start3A_619, %dma_start3A_620] : memref<25x8x128xi32, #tpu.memory_space<vmem>> -> memref<1x8x128xi32, #tpu.memory_space<vmem>>
      %dma_start3A_622 = tpu.memref_squeeze %dma_start3A_621 : memref<1x8x128xi32, #tpu.memory_space<vmem>> -> memref<8x128xi32, #tpu.memory_space<vmem>>
      %dma_start3A_623 = arith.constant 0 : i32
      %dma_start3A_624 = arith.constant 0 : i32
      %dma_start3A_625 = tpu.memref_slice %arg3[%add3A_37, %dma_start3A_623, %dma_start3A_624] : memref<800x8x128xi32, #tpu.memory_space<hbm>> -> memref<1x8x128xi32, #tpu.memory_space<hbm>>
      %dma_start3A_626 = tpu.memref_squeeze %dma_start3A_625 : memref<1x8x128xi32, #tpu.memory_space<hbm>> -> memref<8x128xi32, #tpu.memory_space<hbm>>
      tpu.enqueue_dma source(%dma_start3A_626 : memref<8x128xi32, #tpu.memory_space<hbm>>) target(%dma_start3A_622 : memref<8x128xi32, #tpu.memory_space<vmem>>) target_semaphore(%run_scoped3A_610 : memref<!tpu.dma_semaphore, #tpu.memory_space<semaphore_mem>>)
      %dma_wait3A_627 = arith.constant 0 : i32
      %dma_wait3A_628 = arith.constant 0 : i32
      %dma_wait3A_629 = tpu.memref_slice %arg5[%run_scoped3A_38, %dma_wait3A_627, %dma_wait3A_628] : memref<25x8x128xi32, #tpu.memory_space<vmem>> -> memref<1x8x128xi32, #tpu.memory_space<vmem>>
      %dma_wait3A_630 = tpu.memref_squeeze %dma_wait3A_629 : memref<1x8x128xi32, #tpu.memory_space<vmem>> -> memref<8x128xi32, #tpu.memory_space<vmem>>
      %dma_wait3A_631 = arith.constant 0 : i32
      %dma_wait3A_632 = arith.constant 0 : i32
      %dma_wait3A_633 = tpu.memref_slice %arg3[%add3A_37, %dma_wait3A_631, %dma_wait3A_632] : memref<800x8x128xi32, #tpu.memory_space<hbm>> -> memref<1x8x128xi32, #tpu.memory_space<hbm>>
      %dma_wait3A_634 = tpu.memref_squeeze %dma_wait3A_633 : memref<1x8x128xi32, #tpu.memory_space<hbm>> -> memref<8x128xi32, #tpu.memory_space<hbm>>
      %dma_wait3A_635 = arith.constant 0 : i32
      %dma_wait3A_636 = arith.constant 0 : i32
      %dma_wait3A_637 = tpu.memref_slice %arg5[%run_scoped3A_38, %dma_wait3A_635, %dma_wait3A_636] : memref<25x8x128xi32, #tpu.memory_space<vmem>> -> memref<1x8x128xi32, #tpu.memory_space<vmem>>
      %dma_wait3A_638 = tpu.memref_squeeze %dma_wait3A_637 : memref<1x8x128xi32, #tpu.memory_space<vmem>> -> memref<8x128xi32, #tpu.memory_space<vmem>>
      %dma_wait3A_639 = arith.constant 0 : i32
      %dma_wait3A_640 = arith.constant 0 : i32
      %dma_wait3A_641 = tpu.memref_slice %arg3[%add3A_37, %dma_wait3A_639, %dma_wait3A_640] : memref<800x8x128xi32, #tpu.memory_space<hbm>> -> memref<1x8x128xi32, #tpu.memory_space<hbm>>
      %dma_wait3A_642 = tpu.memref_squeeze %dma_wait3A_641 : memref<1x8x128xi32, #tpu.memory_space<hbm>> -> memref<8x128xi32, #tpu.memory_space<hbm>>
      tpu.wait_dma2 semaphore(%run_scoped3A_610 : memref<!tpu.dma_semaphore, #tpu.memory_space<semaphore_mem>>) src(%dma_wait3A_642 : memref<8x128xi32, #tpu.memory_space<hbm>>) dst(%dma_wait3A_638 : memref<8x128xi32, #tpu.memory_space<vmem>>)
      tpu.yield
    }) : () -> ()
    %add3A_39 = arith.constant 416 : i32
    %add3A_40 = arith.addi %add3A_39, %add3A : i32
    %run_scoped3A_41 = arith.constant 13 : i32
    "tpu.region"() ({
      %run_scoped3A_610 = tpu.sem_alloc : memref<!tpu.dma_semaphore, #tpu.memory_space<semaphore_mem>>
      %dma_start3A_611 = arith.constant 0 : i32
      %dma_start3A_612 = arith.constant 0 : i32
      %dma_start3A_613 = tpu.memref_slice %arg5[%run_scoped3A_41, %dma_start3A_611, %dma_start3A_612] : memref<25x8x128xi32, #tpu.memory_space<vmem>> -> memref<1x8x128xi32, #tpu.memory_space<vmem>>
      %dma_start3A_614 = tpu.memref_squeeze %dma_start3A_613 : memref<1x8x128xi32, #tpu.memory_space<vmem>> -> memref<8x128xi32, #tpu.memory_space<vmem>>
      %dma_start3A_615 = arith.constant 0 : i32
      %dma_start3A_616 = arith.constant 0 : i32
      %dma_start3A_617 = tpu.memref_slice %arg3[%add3A_40, %dma_start3A_615, %dma_start3A_616] : memref<800x8x128xi32, #tpu.memory_space<hbm>> -> memref<1x8x128xi32, #tpu.memory_space<hbm>>
      %dma_start3A_618 = tpu.memref_squeeze %dma_start3A_617 : memref<1x8x128xi32, #tpu.memory_space<hbm>> -> memref<8x128xi32, #tpu.memory_space<hbm>>
      %dma_start3A_619 = arith.constant 0 : i32
      %dma_start3A_620 = arith.constant 0 : i32
      %dma_start3A_621 = tpu.memref_slice %arg5[%run_scoped3A_41, %dma_start3A_619, %dma_start3A_620] : memref<25x8x128xi32, #tpu.memory_space<vmem>> -> memref<1x8x128xi32, #tpu.memory_space<vmem>>
      %dma_start3A_622 = tpu.memref_squeeze %dma_start3A_621 : memref<1x8x128xi32, #tpu.memory_space<vmem>> -> memref<8x128xi32, #tpu.memory_space<vmem>>
      %dma_start3A_623 = arith.constant 0 : i32
      %dma_start3A_624 = arith.constant 0 : i32
      %dma_start3A_625 = tpu.memref_slice %arg3[%add3A_40, %dma_start3A_623, %dma_start3A_624] : memref<800x8x128xi32, #tpu.memory_space<hbm>> -> memref<1x8x128xi32, #tpu.memory_space<hbm>>
      %dma_start3A_626 = tpu.memref_squeeze %dma_start3A_625 : memref<1x8x128xi32, #tpu.memory_space<hbm>> -> memref<8x128xi32, #tpu.memory_space<hbm>>
      tpu.enqueue_dma source(%dma_start3A_626 : memref<8x128xi32, #tpu.memory_space<hbm>>) target(%dma_start3A_622 : memref<8x128xi32, #tpu.memory_space<vmem>>) target_semaphore(%run_scoped3A_610 : memref<!tpu.dma_semaphore, #tpu.memory_space<semaphore_mem>>)
      %dma_wait3A_627 = arith.constant 0 : i32
      %dma_wait3A_628 = arith.constant 0 : i32
      %dma_wait3A_629 = tpu.memref_slice %arg5[%run_scoped3A_41, %dma_wait3A_627, %dma_wait3A_628] : memref<25x8x128xi32, #tpu.memory_space<vmem>> -> memref<1x8x128xi32, #tpu.memory_space<vmem>>
      %dma_wait3A_630 = tpu.memref_squeeze %dma_wait3A_629 : memref<1x8x128xi32, #tpu.memory_space<vmem>> -> memref<8x128xi32, #tpu.memory_space<vmem>>
      %dma_wait3A_631 = arith.constant 0 : i32
      %dma_wait3A_632 = arith.constant 0 : i32
      %dma_wait3A_633 = tpu.memref_slice %arg3[%add3A_40, %dma_wait3A_631, %dma_wait3A_632] : memref<800x8x128xi32, #tpu.memory_space<hbm>> -> memref<1x8x128xi32, #tpu.memory_space<hbm>>
      %dma_wait3A_634 = tpu.memref_squeeze %dma_wait3A_633 : memref<1x8x128xi32, #tpu.memory_space<hbm>> -> memref<8x128xi32, #tpu.memory_space<hbm>>
      %dma_wait3A_635 = arith.constant 0 : i32
      %dma_wait3A_636 = arith.constant 0 : i32
      %dma_wait3A_637 = tpu.memref_slice %arg5[%run_scoped3A_41, %dma_wait3A_635, %dma_wait3A_636] : memref<25x8x128xi32, #tpu.memory_space<vmem>> -> memref<1x8x128xi32, #tpu.memory_space<vmem>>
      %dma_wait3A_638 = tpu.memref_squeeze %dma_wait3A_637 : memref<1x8x128xi32, #tpu.memory_space<vmem>> -> memref<8x128xi32, #tpu.memory_space<vmem>>
      %dma_wait3A_639 = arith.constant 0 : i32
      %dma_wait3A_640 = arith.constant 0 : i32
      %dma_wait3A_641 = tpu.memref_slice %arg3[%add3A_40, %dma_wait3A_639, %dma_wait3A_640] : memref<800x8x128xi32, #tpu.memory_space<hbm>> -> memref<1x8x128xi32, #tpu.memory_space<hbm>>
      %dma_wait3A_642 = tpu.memref_squeeze %dma_wait3A_641 : memref<1x8x128xi32, #tpu.memory_space<hbm>> -> memref<8x128xi32, #tpu.memory_space<hbm>>
      tpu.wait_dma2 semaphore(%run_scoped3A_610 : memref<!tpu.dma_semaphore, #tpu.memory_space<semaphore_mem>>) src(%dma_wait3A_642 : memref<8x128xi32, #tpu.memory_space<hbm>>) dst(%dma_wait3A_638 : memref<8x128xi32, #tpu.memory_space<vmem>>)
      tpu.yield
    }) : () -> ()
    %add3A_42 = arith.constant 448 : i32
    %add3A_43 = arith.addi %add3A_42, %add3A : i32
    %run_scoped3A_44 = arith.constant 14 : i32
    "tpu.region"() ({
      %run_scoped3A_610 = tpu.sem_alloc : memref<!tpu.dma_semaphore, #tpu.memory_space<semaphore_mem>>
      %dma_start3A_611 = arith.constant 0 : i32
      %dma_start3A_612 = arith.constant 0 : i32
      %dma_start3A_613 = tpu.memref_slice %arg5[%run_scoped3A_44, %dma_start3A_611, %dma_start3A_612] : memref<25x8x128xi32, #tpu.memory_space<vmem>> -> memref<1x8x128xi32, #tpu.memory_space<vmem>>
      %dma_start3A_614 = tpu.memref_squeeze %dma_start3A_613 : memref<1x8x128xi32, #tpu.memory_space<vmem>> -> memref<8x128xi32, #tpu.memory_space<vmem>>
      %dma_start3A_615 = arith.constant 0 : i32
      %dma_start3A_616 = arith.constant 0 : i32
      %dma_start3A_617 = tpu.memref_slice %arg3[%add3A_43, %dma_start3A_615, %dma_start3A_616] : memref<800x8x128xi32, #tpu.memory_space<hbm>> -> memref<1x8x128xi32, #tpu.memory_space<hbm>>
      %dma_start3A_618 = tpu.memref_squeeze %dma_start3A_617 : memref<1x8x128xi32, #tpu.memory_space<hbm>> -> memref<8x128xi32, #tpu.memory_space<hbm>>
      %dma_start3A_619 = arith.constant 0 : i32
      %dma_start3A_620 = arith.constant 0 : i32
      %dma_start3A_621 = tpu.memref_slice %arg5[%run_scoped3A_44, %dma_start3A_619, %dma_start3A_620] : memref<25x8x128xi32, #tpu.memory_space<vmem>> -> memref<1x8x128xi32, #tpu.memory_space<vmem>>
      %dma_start3A_622 = tpu.memref_squeeze %dma_start3A_621 : memref<1x8x128xi32, #tpu.memory_space<vmem>> -> memref<8x128xi32, #tpu.memory_space<vmem>>
      %dma_start3A_623 = arith.constant 0 : i32
      %dma_start3A_624 = arith.constant 0 : i32
      %dma_start3A_625 = tpu.memref_slice %arg3[%add3A_43, %dma_start3A_623, %dma_start3A_624] : memref<800x8x128xi32, #tpu.memory_space<hbm>> -> memref<1x8x128xi32, #tpu.memory_space<hbm>>
      %dma_start3A_626 = tpu.memref_squeeze %dma_start3A_625 : memref<1x8x128xi32, #tpu.memory_space<hbm>> -> memref<8x128xi32, #tpu.memory_space<hbm>>
      tpu.enqueue_dma source(%dma_start3A_626 : memref<8x128xi32, #tpu.memory_space<hbm>>) target(%dma_start3A_622 : memref<8x128xi32, #tpu.memory_space<vmem>>) target_semaphore(%run_scoped3A_610 : memref<!tpu.dma_semaphore, #tpu.memory_space<semaphore_mem>>)
      %dma_wait3A_627 = arith.constant 0 : i32
      %dma_wait3A_628 = arith.constant 0 : i32
      %dma_wait3A_629 = tpu.memref_slice %arg5[%run_scoped3A_44, %dma_wait3A_627, %dma_wait3A_628] : memref<25x8x128xi32, #tpu.memory_space<vmem>> -> memref<1x8x128xi32, #tpu.memory_space<vmem>>
      %dma_wait3A_630 = tpu.memref_squeeze %dma_wait3A_629 : memref<1x8x128xi32, #tpu.memory_space<vmem>> -> memref<8x128xi32, #tpu.memory_space<vmem>>
      %dma_wait3A_631 = arith.constant 0 : i32
      %dma_wait3A_632 = arith.constant 0 : i32
      %dma_wait3A_633 = tpu.memref_slice %arg3[%add3A_43, %dma_wait3A_631, %dma_wait3A_632] : memref<800x8x128xi32, #tpu.memory_space<hbm>> -> memref<1x8x128xi32, #tpu.memory_space<hbm>>
      %dma_wait3A_634 = tpu.memref_squeeze %dma_wait3A_633 : memref<1x8x128xi32, #tpu.memory_space<hbm>> -> memref<8x128xi32, #tpu.memory_space<hbm>>
      %dma_wait3A_635 = arith.constant 0 : i32
      %dma_wait3A_636 = arith.constant 0 : i32
      %dma_wait3A_637 = tpu.memref_slice %arg5[%run_scoped3A_44, %dma_wait3A_635, %dma_wait3A_636] : memref<25x8x128xi32, #tpu.memory_space<vmem>> -> memref<1x8x128xi32, #tpu.memory_space<vmem>>
      %dma_wait3A_638 = tpu.memref_squeeze %dma_wait3A_637 : memref<1x8x128xi32, #tpu.memory_space<vmem>> -> memref<8x128xi32, #tpu.memory_space<vmem>>
      %dma_wait3A_639 = arith.constant 0 : i32
      %dma_wait3A_640 = arith.constant 0 : i32
      %dma_wait3A_641 = tpu.memref_slice %arg3[%add3A_43, %dma_wait3A_639, %dma_wait3A_640] : memref<800x8x128xi32, #tpu.memory_space<hbm>> -> memref<1x8x128xi32, #tpu.memory_space<hbm>>
      %dma_wait3A_642 = tpu.memref_squeeze %dma_wait3A_641 : memref<1x8x128xi32, #tpu.memory_space<hbm>> -> memref<8x128xi32, #tpu.memory_space<hbm>>
      tpu.wait_dma2 semaphore(%run_scoped3A_610 : memref<!tpu.dma_semaphore, #tpu.memory_space<semaphore_mem>>) src(%dma_wait3A_642 : memref<8x128xi32, #tpu.memory_space<hbm>>) dst(%dma_wait3A_638 : memref<8x128xi32, #tpu.memory_space<vmem>>)
      tpu.yield
    }) : () -> ()
    %add3A_45 = arith.constant 480 : i32
    %add3A_46 = arith.addi %add3A_45, %add3A : i32
    %run_scoped3A_47 = arith.constant 15 : i32
    "tpu.region"() ({
      %run_scoped3A_610 = tpu.sem_alloc : memref<!tpu.dma_semaphore, #tpu.memory_space<semaphore_mem>>
      %dma_start3A_611 = arith.constant 0 : i32
      %dma_start3A_612 = arith.constant 0 : i32
      %dma_start3A_613 = tpu.memref_slice %arg5[%run_scoped3A_47, %dma_start3A_611, %dma_start3A_612] : memref<25x8x128xi32, #tpu.memory_space<vmem>> -> memref<1x8x128xi32, #tpu.memory_space<vmem>>
      %dma_start3A_614 = tpu.memref_squeeze %dma_start3A_613 : memref<1x8x128xi32, #tpu.memory_space<vmem>> -> memref<8x128xi32, #tpu.memory_space<vmem>>
      %dma_start3A_615 = arith.constant 0 : i32
      %dma_start3A_616 = arith.constant 0 : i32
      %dma_start3A_617 = tpu.memref_slice %arg3[%add3A_46, %dma_start3A_615, %dma_start3A_616] : memref<800x8x128xi32, #tpu.memory_space<hbm>> -> memref<1x8x128xi32, #tpu.memory_space<hbm>>
      %dma_start3A_618 = tpu.memref_squeeze %dma_start3A_617 : memref<1x8x128xi32, #tpu.memory_space<hbm>> -> memref<8x128xi32, #tpu.memory_space<hbm>>
      %dma_start3A_619 = arith.constant 0 : i32
      %dma_start3A_620 = arith.constant 0 : i32
      %dma_start3A_621 = tpu.memref_slice %arg5[%run_scoped3A_47, %dma_start3A_619, %dma_start3A_620] : memref<25x8x128xi32, #tpu.memory_space<vmem>> -> memref<1x8x128xi32, #tpu.memory_space<vmem>>
      %dma_start3A_622 = tpu.memref_squeeze %dma_start3A_621 : memref<1x8x128xi32, #tpu.memory_space<vmem>> -> memref<8x128xi32, #tpu.memory_space<vmem>>
      %dma_start3A_623 = arith.constant 0 : i32
      %dma_start3A_624 = arith.constant 0 : i32
      %dma_start3A_625 = tpu.memref_slice %arg3[%add3A_46, %dma_start3A_623, %dma_start3A_624] : memref<800x8x128xi32, #tpu.memory_space<hbm>> -> memref<1x8x128xi32, #tpu.memory_space<hbm>>
      %dma_start3A_626 = tpu.memref_squeeze %dma_start3A_625 : memref<1x8x128xi32, #tpu.memory_space<hbm>> -> memref<8x128xi32, #tpu.memory_space<hbm>>
      tpu.enqueue_dma source(%dma_start3A_626 : memref<8x128xi32, #tpu.memory_space<hbm>>) target(%dma_start3A_622 : memref<8x128xi32, #tpu.memory_space<vmem>>) target_semaphore(%run_scoped3A_610 : memref<!tpu.dma_semaphore, #tpu.memory_space<semaphore_mem>>)
      %dma_wait3A_627 = arith.constant 0 : i32
      %dma_wait3A_628 = arith.constant 0 : i32
      %dma_wait3A_629 = tpu.memref_slice %arg5[%run_scoped3A_47, %dma_wait3A_627, %dma_wait3A_628] : memref<25x8x128xi32, #tpu.memory_space<vmem>> -> memref<1x8x128xi32, #tpu.memory_space<vmem>>
      %dma_wait3A_630 = tpu.memref_squeeze %dma_wait3A_629 : memref<1x8x128xi32, #tpu.memory_space<vmem>> -> memref<8x128xi32, #tpu.memory_space<vmem>>
      %dma_wait3A_631 = arith.constant 0 : i32
      %dma_wait3A_632 = arith.constant 0 : i32
      %dma_wait3A_633 = tpu.memref_slice %arg3[%add3A_46, %dma_wait3A_631, %dma_wait3A_632] : memref<800x8x128xi32, #tpu.memory_space<hbm>> -> memref<1x8x128xi32, #tpu.memory_space<hbm>>
      %dma_wait3A_634 = tpu.memref_squeeze %dma_wait3A_633 : memref<1x8x128xi32, #tpu.memory_space<hbm>> -> memref<8x128xi32, #tpu.memory_space<hbm>>
      %dma_wait3A_635 = arith.constant 0 : i32
      %dma_wait3A_636 = arith.constant 0 : i32
      %dma_wait3A_637 = tpu.memref_slice %arg5[%run_scoped3A_47, %dma_wait3A_635, %dma_wait3A_636] : memref<25x8x128xi32, #tpu.memory_space<vmem>> -> memref<1x8x128xi32, #tpu.memory_space<vmem>>
      %dma_wait3A_638 = tpu.memref_squeeze %dma_wait3A_637 : memref<1x8x128xi32, #tpu.memory_space<vmem>> -> memref<8x128xi32, #tpu.memory_space<vmem>>
      %dma_wait3A_639 = arith.constant 0 : i32
      %dma_wait3A_640 = arith.constant 0 : i32
      %dma_wait3A_641 = tpu.memref_slice %arg3[%add3A_46, %dma_wait3A_639, %dma_wait3A_640] : memref<800x8x128xi32, #tpu.memory_space<hbm>> -> memref<1x8x128xi32, #tpu.memory_space<hbm>>
      %dma_wait3A_642 = tpu.memref_squeeze %dma_wait3A_641 : memref<1x8x128xi32, #tpu.memory_space<hbm>> -> memref<8x128xi32, #tpu.memory_space<hbm>>
      tpu.wait_dma2 semaphore(%run_scoped3A_610 : memref<!tpu.dma_semaphore, #tpu.memory_space<semaphore_mem>>) src(%dma_wait3A_642 : memref<8x128xi32, #tpu.memory_space<hbm>>) dst(%dma_wait3A_638 : memref<8x128xi32, #tpu.memory_space<vmem>>)
      tpu.yield
    }) : () -> ()
    %add3A_48 = arith.constant 512 : i32
    %add3A_49 = arith.addi %add3A_48, %add3A : i32
    %run_scoped3A_50 = arith.constant 16 : i32
    "tpu.region"() ({
      %run_scoped3A_610 = tpu.sem_alloc : memref<!tpu.dma_semaphore, #tpu.memory_space<semaphore_mem>>
      %dma_start3A_611 = arith.constant 0 : i32
      %dma_start3A_612 = arith.constant 0 : i32
      %dma_start3A_613 = tpu.memref_slice %arg5[%run_scoped3A_50, %dma_start3A_611, %dma_start3A_612] : memref<25x8x128xi32, #tpu.memory_space<vmem>> -> memref<1x8x128xi32, #tpu.memory_space<vmem>>
      %dma_start3A_614 = tpu.memref_squeeze %dma_start3A_613 : memref<1x8x128xi32, #tpu.memory_space<vmem>> -> memref<8x128xi32, #tpu.memory_space<vmem>>
      %dma_start3A_615 = arith.constant 0 : i32
      %dma_start3A_616 = arith.constant 0 : i32
      %dma_start3A_617 = tpu.memref_slice %arg3[%add3A_49, %dma_start3A_615, %dma_start3A_616] : memref<800x8x128xi32, #tpu.memory_space<hbm>> -> memref<1x8x128xi32, #tpu.memory_space<hbm>>
      %dma_start3A_618 = tpu.memref_squeeze %dma_start3A_617 : memref<1x8x128xi32, #tpu.memory_space<hbm>> -> memref<8x128xi32, #tpu.memory_space<hbm>>
      %dma_start3A_619 = arith.constant 0 : i32
      %dma_start3A_620 = arith.constant 0 : i32
      %dma_start3A_621 = tpu.memref_slice %arg5[%run_scoped3A_50, %dma_start3A_619, %dma_start3A_620] : memref<25x8x128xi32, #tpu.memory_space<vmem>> -> memref<1x8x128xi32, #tpu.memory_space<vmem>>
      %dma_start3A_622 = tpu.memref_squeeze %dma_start3A_621 : memref<1x8x128xi32, #tpu.memory_space<vmem>> -> memref<8x128xi32, #tpu.memory_space<vmem>>
      %dma_start3A_623 = arith.constant 0 : i32
      %dma_start3A_624 = arith.constant 0 : i32
      %dma_start3A_625 = tpu.memref_slice %arg3[%add3A_49, %dma_start3A_623, %dma_start3A_624] : memref<800x8x128xi32, #tpu.memory_space<hbm>> -> memref<1x8x128xi32, #tpu.memory_space<hbm>>
      %dma_start3A_626 = tpu.memref_squeeze %dma_start3A_625 : memref<1x8x128xi32, #tpu.memory_space<hbm>> -> memref<8x128xi32, #tpu.memory_space<hbm>>
      tpu.enqueue_dma source(%dma_start3A_626 : memref<8x128xi32, #tpu.memory_space<hbm>>) target(%dma_start3A_622 : memref<8x128xi32, #tpu.memory_space<vmem>>) target_semaphore(%run_scoped3A_610 : memref<!tpu.dma_semaphore, #tpu.memory_space<semaphore_mem>>)
      %dma_wait3A_627 = arith.constant 0 : i32
      %dma_wait3A_628 = arith.constant 0 : i32
      %dma_wait3A_629 = tpu.memref_slice %arg5[%run_scoped3A_50, %dma_wait3A_627, %dma_wait3A_628] : memref<25x8x128xi32, #tpu.memory_space<vmem>> -> memref<1x8x128xi32, #tpu.memory_space<vmem>>
      %dma_wait3A_630 = tpu.memref_squeeze %dma_wait3A_629 : memref<1x8x128xi32, #tpu.memory_space<vmem>> -> memref<8x128xi32, #tpu.memory_space<vmem>>
      %dma_wait3A_631 = arith.constant 0 : i32
      %dma_wait3A_632 = arith.constant 0 : i32
      %dma_wait3A_633 = tpu.memref_slice %arg3[%add3A_49, %dma_wait3A_631, %dma_wait3A_632] : memref<800x8x128xi32, #tpu.memory_space<hbm>> -> memref<1x8x128xi32, #tpu.memory_space<hbm>>
      %dma_wait3A_634 = tpu.memref_squeeze %dma_wait3A_633 : memref<1x8x128xi32, #tpu.memory_space<hbm>> -> memref<8x128xi32, #tpu.memory_space<hbm>>
      %dma_wait3A_635 = arith.constant 0 : i32
      %dma_wait3A_636 = arith.constant 0 : i32
      %dma_wait3A_637 = tpu.memref_slice %arg5[%run_scoped3A_50, %dma_wait3A_635, %dma_wait3A_636] : memref<25x8x128xi32, #tpu.memory_space<vmem>> -> memref<1x8x128xi32, #tpu.memory_space<vmem>>
      %dma_wait3A_638 = tpu.memref_squeeze %dma_wait3A_637 : memref<1x8x128xi32, #tpu.memory_space<vmem>> -> memref<8x128xi32, #tpu.memory_space<vmem>>
      %dma_wait3A_639 = arith.constant 0 : i32
      %dma_wait3A_640 = arith.constant 0 : i32
      %dma_wait3A_641 = tpu.memref_slice %arg3[%add3A_49, %dma_wait3A_639, %dma_wait3A_640] : memref<800x8x128xi32, #tpu.memory_space<hbm>> -> memref<1x8x128xi32, #tpu.memory_space<hbm>>
      %dma_wait3A_642 = tpu.memref_squeeze %dma_wait3A_641 : memref<1x8x128xi32, #tpu.memory_space<hbm>> -> memref<8x128xi32, #tpu.memory_space<hbm>>
      tpu.wait_dma2 semaphore(%run_scoped3A_610 : memref<!tpu.dma_semaphore, #tpu.memory_space<semaphore_mem>>) src(%dma_wait3A_642 : memref<8x128xi32, #tpu.memory_space<hbm>>) dst(%dma_wait3A_638 : memref<8x128xi32, #tpu.memory_space<vmem>>)
      tpu.yield
    }) : () -> ()
    %add3A_51 = arith.constant 544 : i32
    %add3A_52 = arith.addi %add3A_51, %add3A : i32
    %run_scoped3A_53 = arith.constant 17 : i32
    "tpu.region"() ({
      %run_scoped3A_610 = tpu.sem_alloc : memref<!tpu.dma_semaphore, #tpu.memory_space<semaphore_mem>>
      %dma_start3A_611 = arith.constant 0 : i32
      %dma_start3A_612 = arith.constant 0 : i32
      %dma_start3A_613 = tpu.memref_slice %arg5[%run_scoped3A_53, %dma_start3A_611, %dma_start3A_612] : memref<25x8x128xi32, #tpu.memory_space<vmem>> -> memref<1x8x128xi32, #tpu.memory_space<vmem>>
      %dma_start3A_614 = tpu.memref_squeeze %dma_start3A_613 : memref<1x8x128xi32, #tpu.memory_space<vmem>> -> memref<8x128xi32, #tpu.memory_space<vmem>>
      %dma_start3A_615 = arith.constant 0 : i32
      %dma_start3A_616 = arith.constant 0 : i32
      %dma_start3A_617 = tpu.memref_slice %arg3[%add3A_52, %dma_start3A_615, %dma_start3A_616] : memref<800x8x128xi32, #tpu.memory_space<hbm>> -> memref<1x8x128xi32, #tpu.memory_space<hbm>>
      %dma_start3A_618 = tpu.memref_squeeze %dma_start3A_617 : memref<1x8x128xi32, #tpu.memory_space<hbm>> -> memref<8x128xi32, #tpu.memory_space<hbm>>
      %dma_start3A_619 = arith.constant 0 : i32
      %dma_start3A_620 = arith.constant 0 : i32
      %dma_start3A_621 = tpu.memref_slice %arg5[%run_scoped3A_53, %dma_start3A_619, %dma_start3A_620] : memref<25x8x128xi32, #tpu.memory_space<vmem>> -> memref<1x8x128xi32, #tpu.memory_space<vmem>>
      %dma_start3A_622 = tpu.memref_squeeze %dma_start3A_621 : memref<1x8x128xi32, #tpu.memory_space<vmem>> -> memref<8x128xi32, #tpu.memory_space<vmem>>
      %dma_start3A_623 = arith.constant 0 : i32
      %dma_start3A_624 = arith.constant 0 : i32
      %dma_start3A_625 = tpu.memref_slice %arg3[%add3A_52, %dma_start3A_623, %dma_start3A_624] : memref<800x8x128xi32, #tpu.memory_space<hbm>> -> memref<1x8x128xi32, #tpu.memory_space<hbm>>
      %dma_start3A_626 = tpu.memref_squeeze %dma_start3A_625 : memref<1x8x128xi32, #tpu.memory_space<hbm>> -> memref<8x128xi32, #tpu.memory_space<hbm>>
      tpu.enqueue_dma source(%dma_start3A_626 : memref<8x128xi32, #tpu.memory_space<hbm>>) target(%dma_start3A_622 : memref<8x128xi32, #tpu.memory_space<vmem>>) target_semaphore(%run_scoped3A_610 : memref<!tpu.dma_semaphore, #tpu.memory_space<semaphore_mem>>)
      %dma_wait3A_627 = arith.constant 0 : i32
      %dma_wait3A_628 = arith.constant 0 : i32
      %dma_wait3A_629 = tpu.memref_slice %arg5[%run_scoped3A_53, %dma_wait3A_627, %dma_wait3A_628] : memref<25x8x128xi32, #tpu.memory_space<vmem>> -> memref<1x8x128xi32, #tpu.memory_space<vmem>>
      %dma_wait3A_630 = tpu.memref_squeeze %dma_wait3A_629 : memref<1x8x128xi32, #tpu.memory_space<vmem>> -> memref<8x128xi32, #tpu.memory_space<vmem>>
      %dma_wait3A_631 = arith.constant 0 : i32
      %dma_wait3A_632 = arith.constant 0 : i32
      %dma_wait3A_633 = tpu.memref_slice %arg3[%add3A_52, %dma_wait3A_631, %dma_wait3A_632] : memref<800x8x128xi32, #tpu.memory_space<hbm>> -> memref<1x8x128xi32, #tpu.memory_space<hbm>>
      %dma_wait3A_634 = tpu.memref_squeeze %dma_wait3A_633 : memref<1x8x128xi32, #tpu.memory_space<hbm>> -> memref<8x128xi32, #tpu.memory_space<hbm>>
      %dma_wait3A_635 = arith.constant 0 : i32
      %dma_wait3A_636 = arith.constant 0 : i32
      %dma_wait3A_637 = tpu.memref_slice %arg5[%run_scoped3A_53, %dma_wait3A_635, %dma_wait3A_636] : memref<25x8x128xi32, #tpu.memory_space<vmem>> -> memref<1x8x128xi32, #tpu.memory_space<vmem>>
      %dma_wait3A_638 = tpu.memref_squeeze %dma_wait3A_637 : memref<1x8x128xi32, #tpu.memory_space<vmem>> -> memref<8x128xi32, #tpu.memory_space<vmem>>
      %dma_wait3A_639 = arith.constant 0 : i32
      %dma_wait3A_640 = arith.constant 0 : i32
      %dma_wait3A_641 = tpu.memref_slice %arg3[%add3A_52, %dma_wait3A_639, %dma_wait3A_640] : memref<800x8x128xi32, #tpu.memory_space<hbm>> -> memref<1x8x128xi32, #tpu.memory_space<hbm>>
      %dma_wait3A_642 = tpu.memref_squeeze %dma_wait3A_641 : memref<1x8x128xi32, #tpu.memory_space<hbm>> -> memref<8x128xi32, #tpu.memory_space<hbm>>
      tpu.wait_dma2 semaphore(%run_scoped3A_610 : memref<!tpu.dma_semaphore, #tpu.memory_space<semaphore_mem>>) src(%dma_wait3A_642 : memref<8x128xi32, #tpu.memory_space<hbm>>) dst(%dma_wait3A_638 : memref<8x128xi32, #tpu.memory_space<vmem>>)
      tpu.yield
    }) : () -> ()
    %add3A_54 = arith.constant 576 : i32
    %add3A_55 = arith.addi %add3A_54, %add3A : i32
    %run_scoped3A_56 = arith.constant 18 : i32
    "tpu.region"() ({
      %run_scoped3A_610 = tpu.sem_alloc : memref<!tpu.dma_semaphore, #tpu.memory_space<semaphore_mem>>
      %dma_start3A_611 = arith.constant 0 : i32
      %dma_start3A_612 = arith.constant 0 : i32
      %dma_start3A_613 = tpu.memref_slice %arg5[%run_scoped3A_56, %dma_start3A_611, %dma_start3A_612] : memref<25x8x128xi32, #tpu.memory_space<vmem>> -> memref<1x8x128xi32, #tpu.memory_space<vmem>>
      %dma_start3A_614 = tpu.memref_squeeze %dma_start3A_613 : memref<1x8x128xi32, #tpu.memory_space<vmem>> -> memref<8x128xi32, #tpu.memory_space<vmem>>
      %dma_start3A_615 = arith.constant 0 : i32
      %dma_start3A_616 = arith.constant 0 : i32
      %dma_start3A_617 = tpu.memref_slice %arg3[%add3A_55, %dma_start3A_615, %dma_start3A_616] : memref<800x8x128xi32, #tpu.memory_space<hbm>> -> memref<1x8x128xi32, #tpu.memory_space<hbm>>
      %dma_start3A_618 = tpu.memref_squeeze %dma_start3A_617 : memref<1x8x128xi32, #tpu.memory_space<hbm>> -> memref<8x128xi32, #tpu.memory_space<hbm>>
      %dma_start3A_619 = arith.constant 0 : i32
      %dma_start3A_620 = arith.constant 0 : i32
      %dma_start3A_621 = tpu.memref_slice %arg5[%run_scoped3A_56, %dma_start3A_619, %dma_start3A_620] : memref<25x8x128xi32, #tpu.memory_space<vmem>> -> memref<1x8x128xi32, #tpu.memory_space<vmem>>
      %dma_start3A_622 = tpu.memref_squeeze %dma_start3A_621 : memref<1x8x128xi32, #tpu.memory_space<vmem>> -> memref<8x128xi32, #tpu.memory_space<vmem>>
      %dma_start3A_623 = arith.constant 0 : i32
      %dma_start3A_624 = arith.constant 0 : i32
      %dma_start3A_625 = tpu.memref_slice %arg3[%add3A_55, %dma_start3A_623, %dma_start3A_624] : memref<800x8x128xi32, #tpu.memory_space<hbm>> -> memref<1x8x128xi32, #tpu.memory_space<hbm>>
      %dma_start3A_626 = tpu.memref_squeeze %dma_start3A_625 : memref<1x8x128xi32, #tpu.memory_space<hbm>> -> memref<8x128xi32, #tpu.memory_space<hbm>>
      tpu.enqueue_dma source(%dma_start3A_626 : memref<8x128xi32, #tpu.memory_space<hbm>>) target(%dma_start3A_622 : memref<8x128xi32, #tpu.memory_space<vmem>>) target_semaphore(%run_scoped3A_610 : memref<!tpu.dma_semaphore, #tpu.memory_space<semaphore_mem>>)
      %dma_wait3A_627 = arith.constant 0 : i32
      %dma_wait3A_628 = arith.constant 0 : i32
      %dma_wait3A_629 = tpu.memref_slice %arg5[%run_scoped3A_56, %dma_wait3A_627, %dma_wait3A_628] : memref<25x8x128xi32, #tpu.memory_space<vmem>> -> memref<1x8x128xi32, #tpu.memory_space<vmem>>
      %dma_wait3A_630 = tpu.memref_squeeze %dma_wait3A_629 : memref<1x8x128xi32, #tpu.memory_space<vmem>> -> memref<8x128xi32, #tpu.memory_space<vmem>>
      %dma_wait3A_631 = arith.constant 0 : i32
      %dma_wait3A_632 = arith.constant 0 : i32
      %dma_wait3A_633 = tpu.memref_slice %arg3[%add3A_55, %dma_wait3A_631, %dma_wait3A_632] : memref<800x8x128xi32, #tpu.memory_space<hbm>> -> memref<1x8x128xi32, #tpu.memory_space<hbm>>
      %dma_wait3A_634 = tpu.memref_squeeze %dma_wait3A_633 : memref<1x8x128xi32, #tpu.memory_space<hbm>> -> memref<8x128xi32, #tpu.memory_space<hbm>>
      %dma_wait3A_635 = arith.constant 0 : i32
      %dma_wait3A_636 = arith.constant 0 : i32
      %dma_wait3A_637 = tpu.memref_slice %arg5[%run_scoped3A_56, %dma_wait3A_635, %dma_wait3A_636] : memref<25x8x128xi32, #tpu.memory_space<vmem>> -> memref<1x8x128xi32, #tpu.memory_space<vmem>>
      %dma_wait3A_638 = tpu.memref_squeeze %dma_wait3A_637 : memref<1x8x128xi32, #tpu.memory_space<vmem>> -> memref<8x128xi32, #tpu.memory_space<vmem>>
      %dma_wait3A_639 = arith.constant 0 : i32
      %dma_wait3A_640 = arith.constant 0 : i32
      %dma_wait3A_641 = tpu.memref_slice %arg3[%add3A_55, %dma_wait3A_639, %dma_wait3A_640] : memref<800x8x128xi32, #tpu.memory_space<hbm>> -> memref<1x8x128xi32, #tpu.memory_space<hbm>>
      %dma_wait3A_642 = tpu.memref_squeeze %dma_wait3A_641 : memref<1x8x128xi32, #tpu.memory_space<hbm>> -> memref<8x128xi32, #tpu.memory_space<hbm>>
      tpu.wait_dma2 semaphore(%run_scoped3A_610 : memref<!tpu.dma_semaphore, #tpu.memory_space<semaphore_mem>>) src(%dma_wait3A_642 : memref<8x128xi32, #tpu.memory_space<hbm>>) dst(%dma_wait3A_638 : memref<8x128xi32, #tpu.memory_space<vmem>>)
      tpu.yield
    }) : () -> ()
    %add3A_57 = arith.constant 608 : i32
    %add3A_58 = arith.addi %add3A_57, %add3A : i32
    %run_scoped3A_59 = arith.constant 19 : i32
    "tpu.region"() ({
      %run_scoped3A_610 = tpu.sem_alloc : memref<!tpu.dma_semaphore, #tpu.memory_space<semaphore_mem>>
      %dma_start3A_611 = arith.constant 0 : i32
      %dma_start3A_612 = arith.constant 0 : i32
      %dma_start3A_613 = tpu.memref_slice %arg5[%run_scoped3A_59, %dma_start3A_611, %dma_start3A_612] : memref<25x8x128xi32, #tpu.memory_space<vmem>> -> memref<1x8x128xi32, #tpu.memory_space<vmem>>
      %dma_start3A_614 = tpu.memref_squeeze %dma_start3A_613 : memref<1x8x128xi32, #tpu.memory_space<vmem>> -> memref<8x128xi32, #tpu.memory_space<vmem>>
      %dma_start3A_615 = arith.constant 0 : i32
      %dma_start3A_616 = arith.constant 0 : i32
      %dma_start3A_617 = tpu.memref_slice %arg3[%add3A_58, %dma_start3A_615, %dma_start3A_616] : memref<800x8x128xi32, #tpu.memory_space<hbm>> -> memref<1x8x128xi32, #tpu.memory_space<hbm>>
      %dma_start3A_618 = tpu.memref_squeeze %dma_start3A_617 : memref<1x8x128xi32, #tpu.memory_space<hbm>> -> memref<8x128xi32, #tpu.memory_space<hbm>>
      %dma_start3A_619 = arith.constant 0 : i32
      %dma_start3A_620 = arith.constant 0 : i32
      %dma_start3A_621 = tpu.memref_slice %arg5[%run_scoped3A_59, %dma_start3A_619, %dma_start3A_620] : memref<25x8x128xi32, #tpu.memory_space<vmem>> -> memref<1x8x128xi32, #tpu.memory_space<vmem>>
      %dma_start3A_622 = tpu.memref_squeeze %dma_start3A_621 : memref<1x8x128xi32, #tpu.memory_space<vmem>> -> memref<8x128xi32, #tpu.memory_space<vmem>>
      %dma_start3A_623 = arith.constant 0 : i32
      %dma_start3A_624 = arith.constant 0 : i32
      %dma_start3A_625 = tpu.memref_slice %arg3[%add3A_58, %dma_start3A_623, %dma_start3A_624] : memref<800x8x128xi32, #tpu.memory_space<hbm>> -> memref<1x8x128xi32, #tpu.memory_space<hbm>>
      %dma_start3A_626 = tpu.memref_squeeze %dma_start3A_625 : memref<1x8x128xi32, #tpu.memory_space<hbm>> -> memref<8x128xi32, #tpu.memory_space<hbm>>
      tpu.enqueue_dma source(%dma_start3A_626 : memref<8x128xi32, #tpu.memory_space<hbm>>) target(%dma_start3A_622 : memref<8x128xi32, #tpu.memory_space<vmem>>) target_semaphore(%run_scoped3A_610 : memref<!tpu.dma_semaphore, #tpu.memory_space<semaphore_mem>>)
      %dma_wait3A_627 = arith.constant 0 : i32
      %dma_wait3A_628 = arith.constant 0 : i32
      %dma_wait3A_629 = tpu.memref_slice %arg5[%run_scoped3A_59, %dma_wait3A_627, %dma_wait3A_628] : memref<25x8x128xi32, #tpu.memory_space<vmem>> -> memref<1x8x128xi32, #tpu.memory_space<vmem>>
      %dma_wait3A_630 = tpu.memref_squeeze %dma_wait3A_629 : memref<1x8x128xi32, #tpu.memory_space<vmem>> -> memref<8x128xi32, #tpu.memory_space<vmem>>
      %dma_wait3A_631 = arith.constant 0 : i32
      %dma_wait3A_632 = arith.constant 0 : i32
      %dma_wait3A_633 = tpu.memref_slice %arg3[%add3A_58, %dma_wait3A_631, %dma_wait3A_632] : memref<800x8x128xi32, #tpu.memory_space<hbm>> -> memref<1x8x128xi32, #tpu.memory_space<hbm>>
      %dma_wait3A_634 = tpu.memref_squeeze %dma_wait3A_633 : memref<1x8x128xi32, #tpu.memory_space<hbm>> -> memref<8x128xi32, #tpu.memory_space<hbm>>
      %dma_wait3A_635 = arith.constant 0 : i32
      %dma_wait3A_636 = arith.constant 0 : i32
      %dma_wait3A_637 = tpu.memref_slice %arg5[%run_scoped3A_59, %dma_wait3A_635, %dma_wait3A_636] : memref<25x8x128xi32, #tpu.memory_space<vmem>> -> memref<1x8x128xi32, #tpu.memory_space<vmem>>
      %dma_wait3A_638 = tpu.memref_squeeze %dma_wait3A_637 : memref<1x8x128xi32, #tpu.memory_space<vmem>> -> memref<8x128xi32, #tpu.memory_space<vmem>>
      %dma_wait3A_639 = arith.constant 0 : i32
      %dma_wait3A_640 = arith.constant 0 : i32
      %dma_wait3A_641 = tpu.memref_slice %arg3[%add3A_58, %dma_wait3A_639, %dma_wait3A_640] : memref<800x8x128xi32, #tpu.memory_space<hbm>> -> memref<1x8x128xi32, #tpu.memory_space<hbm>>
      %dma_wait3A_642 = tpu.memref_squeeze %dma_wait3A_641 : memref<1x8x128xi32, #tpu.memory_space<hbm>> -> memref<8x128xi32, #tpu.memory_space<hbm>>
      tpu.wait_dma2 semaphore(%run_scoped3A_610 : memref<!tpu.dma_semaphore, #tpu.memory_space<semaphore_mem>>) src(%dma_wait3A_642 : memref<8x128xi32, #tpu.memory_space<hbm>>) dst(%dma_wait3A_638 : memref<8x128xi32, #tpu.memory_space<vmem>>)
      tpu.yield
    }) : () -> ()
    %add3A_60 = arith.constant 640 : i32
    %add3A_61 = arith.addi %add3A_60, %add3A : i32
    %run_scoped3A_62 = arith.constant 20 : i32
    "tpu.region"() ({
      %run_scoped3A_610 = tpu.sem_alloc : memref<!tpu.dma_semaphore, #tpu.memory_space<semaphore_mem>>
      %dma_start3A_611 = arith.constant 0 : i32
      %dma_start3A_612 = arith.constant 0 : i32
      %dma_start3A_613 = tpu.memref_slice %arg5[%run_scoped3A_62, %dma_start3A_611, %dma_start3A_612] : memref<25x8x128xi32, #tpu.memory_space<vmem>> -> memref<1x8x128xi32, #tpu.memory_space<vmem>>
      %dma_start3A_614 = tpu.memref_squeeze %dma_start3A_613 : memref<1x8x128xi32, #tpu.memory_space<vmem>> -> memref<8x128xi32, #tpu.memory_space<vmem>>
      %dma_start3A_615 = arith.constant 0 : i32
      %dma_start3A_616 = arith.constant 0 : i32
      %dma_start3A_617 = tpu.memref_slice %arg3[%add3A_61, %dma_start3A_615, %dma_start3A_616] : memref<800x8x128xi32, #tpu.memory_space<hbm>> -> memref<1x8x128xi32, #tpu.memory_space<hbm>>
      %dma_start3A_618 = tpu.memref_squeeze %dma_start3A_617 : memref<1x8x128xi32, #tpu.memory_space<hbm>> -> memref<8x128xi32, #tpu.memory_space<hbm>>
      %dma_start3A_619 = arith.constant 0 : i32
      %dma_start3A_620 = arith.constant 0 : i32
      %dma_start3A_621 = tpu.memref_slice %arg5[%run_scoped3A_62, %dma_start3A_619, %dma_start3A_620] : memref<25x8x128xi32, #tpu.memory_space<vmem>> -> memref<1x8x128xi32, #tpu.memory_space<vmem>>
      %dma_start3A_622 = tpu.memref_squeeze %dma_start3A_621 : memref<1x8x128xi32, #tpu.memory_space<vmem>> -> memref<8x128xi32, #tpu.memory_space<vmem>>
      %dma_start3A_623 = arith.constant 0 : i32
      %dma_start3A_624 = arith.constant 0 : i32
      %dma_start3A_625 = tpu.memref_slice %arg3[%add3A_61, %dma_start3A_623, %dma_start3A_624] : memref<800x8x128xi32, #tpu.memory_space<hbm>> -> memref<1x8x128xi32, #tpu.memory_space<hbm>>
      %dma_start3A_626 = tpu.memref_squeeze %dma_start3A_625 : memref<1x8x128xi32, #tpu.memory_space<hbm>> -> memref<8x128xi32, #tpu.memory_space<hbm>>
      tpu.enqueue_dma source(%dma_start3A_626 : memref<8x128xi32, #tpu.memory_space<hbm>>) target(%dma_start3A_622 : memref<8x128xi32, #tpu.memory_space<vmem>>) target_semaphore(%run_scoped3A_610 : memref<!tpu.dma_semaphore, #tpu.memory_space<semaphore_mem>>)
      %dma_wait3A_627 = arith.constant 0 : i32
      %dma_wait3A_628 = arith.constant 0 : i32
      %dma_wait3A_629 = tpu.memref_slice %arg5[%run_scoped3A_62, %dma_wait3A_627, %dma_wait3A_628] : memref<25x8x128xi32, #tpu.memory_space<vmem>> -> memref<1x8x128xi32, #tpu.memory_space<vmem>>
      %dma_wait3A_630 = tpu.memref_squeeze %dma_wait3A_629 : memref<1x8x128xi32, #tpu.memory_space<vmem>> -> memref<8x128xi32, #tpu.memory_space<vmem>>
      %dma_wait3A_631 = arith.constant 0 : i32
      %dma_wait3A_632 = arith.constant 0 : i32
      %dma_wait3A_633 = tpu.memref_slice %arg3[%add3A_61, %dma_wait3A_631, %dma_wait3A_632] : memref<800x8x128xi32, #tpu.memory_space<hbm>> -> memref<1x8x128xi32, #tpu.memory_space<hbm>>
      %dma_wait3A_634 = tpu.memref_squeeze %dma_wait3A_633 : memref<1x8x128xi32, #tpu.memory_space<hbm>> -> memref<8x128xi32, #tpu.memory_space<hbm>>
      %dma_wait3A_635 = arith.constant 0 : i32
      %dma_wait3A_636 = arith.constant 0 : i32
      %dma_wait3A_637 = tpu.memref_slice %arg5[%run_scoped3A_62, %dma_wait3A_635, %dma_wait3A_636] : memref<25x8x128xi32, #tpu.memory_space<vmem>> -> memref<1x8x128xi32, #tpu.memory_space<vmem>>
      %dma_wait3A_638 = tpu.memref_squeeze %dma_wait3A_637 : memref<1x8x128xi32, #tpu.memory_space<vmem>> -> memref<8x128xi32, #tpu.memory_space<vmem>>
      %dma_wait3A_639 = arith.constant 0 : i32
      %dma_wait3A_640 = arith.constant 0 : i32
      %dma_wait3A_641 = tpu.memref_slice %arg3[%add3A_61, %dma_wait3A_639, %dma_wait3A_640] : memref<800x8x128xi32, #tpu.memory_space<hbm>> -> memref<1x8x128xi32, #tpu.memory_space<hbm>>
      %dma_wait3A_642 = tpu.memref_squeeze %dma_wait3A_641 : memref<1x8x128xi32, #tpu.memory_space<hbm>> -> memref<8x128xi32, #tpu.memory_space<hbm>>
      tpu.wait_dma2 semaphore(%run_scoped3A_610 : memref<!tpu.dma_semaphore, #tpu.memory_space<semaphore_mem>>) src(%dma_wait3A_642 : memref<8x128xi32, #tpu.memory_space<hbm>>) dst(%dma_wait3A_638 : memref<8x128xi32, #tpu.memory_space<vmem>>)
      tpu.yield
    }) : () -> ()
    %add3A_63 = arith.constant 672 : i32
    %add3A_64 = arith.addi %add3A_63, %add3A : i32
    %run_scoped3A_65 = arith.constant 21 : i32
    "tpu.region"() ({
      %run_scoped3A_610 = tpu.sem_alloc : memref<!tpu.dma_semaphore, #tpu.memory_space<semaphore_mem>>
      %dma_start3A_611 = arith.constant 0 : i32
      %dma_start3A_612 = arith.constant 0 : i32
      %dma_start3A_613 = tpu.memref_slice %arg5[%run_scoped3A_65, %dma_start3A_611, %dma_start3A_612] : memref<25x8x128xi32, #tpu.memory_space<vmem>> -> memref<1x8x128xi32, #tpu.memory_space<vmem>>
      %dma_start3A_614 = tpu.memref_squeeze %dma_start3A_613 : memref<1x8x128xi32, #tpu.memory_space<vmem>> -> memref<8x128xi32, #tpu.memory_space<vmem>>
      %dma_start3A_615 = arith.constant 0 : i32
      %dma_start3A_616 = arith.constant 0 : i32
      %dma_start3A_617 = tpu.memref_slice %arg3[%add3A_64, %dma_start3A_615, %dma_start3A_616] : memref<800x8x128xi32, #tpu.memory_space<hbm>> -> memref<1x8x128xi32, #tpu.memory_space<hbm>>
      %dma_start3A_618 = tpu.memref_squeeze %dma_start3A_617 : memref<1x8x128xi32, #tpu.memory_space<hbm>> -> memref<8x128xi32, #tpu.memory_space<hbm>>
      %dma_start3A_619 = arith.constant 0 : i32
      %dma_start3A_620 = arith.constant 0 : i32
      %dma_start3A_621 = tpu.memref_slice %arg5[%run_scoped3A_65, %dma_start3A_619, %dma_start3A_620] : memref<25x8x128xi32, #tpu.memory_space<vmem>> -> memref<1x8x128xi32, #tpu.memory_space<vmem>>
      %dma_start3A_622 = tpu.memref_squeeze %dma_start3A_621 : memref<1x8x128xi32, #tpu.memory_space<vmem>> -> memref<8x128xi32, #tpu.memory_space<vmem>>
      %dma_start3A_623 = arith.constant 0 : i32
      %dma_start3A_624 = arith.constant 0 : i32
      %dma_start3A_625 = tpu.memref_slice %arg3[%add3A_64, %dma_start3A_623, %dma_start3A_624] : memref<800x8x128xi32, #tpu.memory_space<hbm>> -> memref<1x8x128xi32, #tpu.memory_space<hbm>>
      %dma_start3A_626 = tpu.memref_squeeze %dma_start3A_625 : memref<1x8x128xi32, #tpu.memory_space<hbm>> -> memref<8x128xi32, #tpu.memory_space<hbm>>
      tpu.enqueue_dma source(%dma_start3A_626 : memref<8x128xi32, #tpu.memory_space<hbm>>) target(%dma_start3A_622 : memref<8x128xi32, #tpu.memory_space<vmem>>) target_semaphore(%run_scoped3A_610 : memref<!tpu.dma_semaphore, #tpu.memory_space<semaphore_mem>>)
      %dma_wait3A_627 = arith.constant 0 : i32
      %dma_wait3A_628 = arith.constant 0 : i32
      %dma_wait3A_629 = tpu.memref_slice %arg5[%run_scoped3A_65, %dma_wait3A_627, %dma_wait3A_628] : memref<25x8x128xi32, #tpu.memory_space<vmem>> -> memref<1x8x128xi32, #tpu.memory_space<vmem>>
      %dma_wait3A_630 = tpu.memref_squeeze %dma_wait3A_629 : memref<1x8x128xi32, #tpu.memory_space<vmem>> -> memref<8x128xi32, #tpu.memory_space<vmem>>
      %dma_wait3A_631 = arith.constant 0 : i32
      %dma_wait3A_632 = arith.constant 0 : i32
      %dma_wait3A_633 = tpu.memref_slice %arg3[%add3A_64, %dma_wait3A_631, %dma_wait3A_632] : memref<800x8x128xi32, #tpu.memory_space<hbm>> -> memref<1x8x128xi32, #tpu.memory_space<hbm>>
      %dma_wait3A_634 = tpu.memref_squeeze %dma_wait3A_633 : memref<1x8x128xi32, #tpu.memory_space<hbm>> -> memref<8x128xi32, #tpu.memory_space<hbm>>
      %dma_wait3A_635 = arith.constant 0 : i32
      %dma_wait3A_636 = arith.constant 0 : i32
      %dma_wait3A_637 = tpu.memref_slice %arg5[%run_scoped3A_65, %dma_wait3A_635, %dma_wait3A_636] : memref<25x8x128xi32, #tpu.memory_space<vmem>> -> memref<1x8x128xi32, #tpu.memory_space<vmem>>
      %dma_wait3A_638 = tpu.memref_squeeze %dma_wait3A_637 : memref<1x8x128xi32, #tpu.memory_space<vmem>> -> memref<8x128xi32, #tpu.memory_space<vmem>>
      %dma_wait3A_639 = arith.constant 0 : i32
      %dma_wait3A_640 = arith.constant 0 : i32
      %dma_wait3A_641 = tpu.memref_slice %arg3[%add3A_64, %dma_wait3A_639, %dma_wait3A_640] : memref<800x8x128xi32, #tpu.memory_space<hbm>> -> memref<1x8x128xi32, #tpu.memory_space<hbm>>
      %dma_wait3A_642 = tpu.memref_squeeze %dma_wait3A_641 : memref<1x8x128xi32, #tpu.memory_space<hbm>> -> memref<8x128xi32, #tpu.memory_space<hbm>>
      tpu.wait_dma2 semaphore(%run_scoped3A_610 : memref<!tpu.dma_semaphore, #tpu.memory_space<semaphore_mem>>) src(%dma_wait3A_642 : memref<8x128xi32, #tpu.memory_space<hbm>>) dst(%dma_wait3A_638 : memref<8x128xi32, #tpu.memory_space<vmem>>)
      tpu.yield
    }) : () -> ()
    %add3A_66 = arith.constant 704 : i32
    %add3A_67 = arith.addi %add3A_66, %add3A : i32
    %run_scoped3A_68 = arith.constant 22 : i32
    "tpu.region"() ({
      %run_scoped3A_610 = tpu.sem_alloc : memref<!tpu.dma_semaphore, #tpu.memory_space<semaphore_mem>>
      %dma_start3A_611 = arith.constant 0 : i32
      %dma_start3A_612 = arith.constant 0 : i32
      %dma_start3A_613 = tpu.memref_slice %arg5[%run_scoped3A_68, %dma_start3A_611, %dma_start3A_612] : memref<25x8x128xi32, #tpu.memory_space<vmem>> -> memref<1x8x128xi32, #tpu.memory_space<vmem>>
      %dma_start3A_614 = tpu.memref_squeeze %dma_start3A_613 : memref<1x8x128xi32, #tpu.memory_space<vmem>> -> memref<8x128xi32, #tpu.memory_space<vmem>>
      %dma_start3A_615 = arith.constant 0 : i32
      %dma_start3A_616 = arith.constant 0 : i32
      %dma_start3A_617 = tpu.memref_slice %arg3[%add3A_67, %dma_start3A_615, %dma_start3A_616] : memref<800x8x128xi32, #tpu.memory_space<hbm>> -> memref<1x8x128xi32, #tpu.memory_space<hbm>>
      %dma_start3A_618 = tpu.memref_squeeze %dma_start3A_617 : memref<1x8x128xi32, #tpu.memory_space<hbm>> -> memref<8x128xi32, #tpu.memory_space<hbm>>
      %dma_start3A_619 = arith.constant 0 : i32
      %dma_start3A_620 = arith.constant 0 : i32
      %dma_start3A_621 = tpu.memref_slice %arg5[%run_scoped3A_68, %dma_start3A_619, %dma_start3A_620] : memref<25x8x128xi32, #tpu.memory_space<vmem>> -> memref<1x8x128xi32, #tpu.memory_space<vmem>>
      %dma_start3A_622 = tpu.memref_squeeze %dma_start3A_621 : memref<1x8x128xi32, #tpu.memory_space<vmem>> -> memref<8x128xi32, #tpu.memory_space<vmem>>
      %dma_start3A_623 = arith.constant 0 : i32
      %dma_start3A_624 = arith.constant 0 : i32
      %dma_start3A_625 = tpu.memref_slice %arg3[%add3A_67, %dma_start3A_623, %dma_start3A_624] : memref<800x8x128xi32, #tpu.memory_space<hbm>> -> memref<1x8x128xi32, #tpu.memory_space<hbm>>
      %dma_start3A_626 = tpu.memref_squeeze %dma_start3A_625 : memref<1x8x128xi32, #tpu.memory_space<hbm>> -> memref<8x128xi32, #tpu.memory_space<hbm>>
      tpu.enqueue_dma source(%dma_start3A_626 : memref<8x128xi32, #tpu.memory_space<hbm>>) target(%dma_start3A_622 : memref<8x128xi32, #tpu.memory_space<vmem>>) target_semaphore(%run_scoped3A_610 : memref<!tpu.dma_semaphore, #tpu.memory_space<semaphore_mem>>)
      %dma_wait3A_627 = arith.constant 0 : i32
      %dma_wait3A_628 = arith.constant 0 : i32
      %dma_wait3A_629 = tpu.memref_slice %arg5[%run_scoped3A_68, %dma_wait3A_627, %dma_wait3A_628] : memref<25x8x128xi32, #tpu.memory_space<vmem>> -> memref<1x8x128xi32, #tpu.memory_space<vmem>>
      %dma_wait3A_630 = tpu.memref_squeeze %dma_wait3A_629 : memref<1x8x128xi32, #tpu.memory_space<vmem>> -> memref<8x128xi32, #tpu.memory_space<vmem>>
      %dma_wait3A_631 = arith.constant 0 : i32
      %dma_wait3A_632 = arith.constant 0 : i32
      %dma_wait3A_633 = tpu.memref_slice %arg3[%add3A_67, %dma_wait3A_631, %dma_wait3A_632] : memref<800x8x128xi32, #tpu.memory_space<hbm>> -> memref<1x8x128xi32, #tpu.memory_space<hbm>>
      %dma_wait3A_634 = tpu.memref_squeeze %dma_wait3A_633 : memref<1x8x128xi32, #tpu.memory_space<hbm>> -> memref<8x128xi32, #tpu.memory_space<hbm>>
      %dma_wait3A_635 = arith.constant 0 : i32
      %dma_wait3A_636 = arith.constant 0 : i32
      %dma_wait3A_637 = tpu.memref_slice %arg5[%run_scoped3A_68, %dma_wait3A_635, %dma_wait3A_636] : memref<25x8x128xi32, #tpu.memory_space<vmem>> -> memref<1x8x128xi32, #tpu.memory_space<vmem>>
      %dma_wait3A_638 = tpu.memref_squeeze %dma_wait3A_637 : memref<1x8x128xi32, #tpu.memory_space<vmem>> -> memref<8x128xi32, #tpu.memory_space<vmem>>
      %dma_wait3A_639 = arith.constant 0 : i32
      %dma_wait3A_640 = arith.constant 0 : i32
      %dma_wait3A_641 = tpu.memref_slice %arg3[%add3A_67, %dma_wait3A_639, %dma_wait3A_640] : memref<800x8x128xi32, #tpu.memory_space<hbm>> -> memref<1x8x128xi32, #tpu.memory_space<hbm>>
      %dma_wait3A_642 = tpu.memref_squeeze %dma_wait3A_641 : memref<1x8x128xi32, #tpu.memory_space<hbm>> -> memref<8x128xi32, #tpu.memory_space<hbm>>
      tpu.wait_dma2 semaphore(%run_scoped3A_610 : memref<!tpu.dma_semaphore, #tpu.memory_space<semaphore_mem>>) src(%dma_wait3A_642 : memref<8x128xi32, #tpu.memory_space<hbm>>) dst(%dma_wait3A_638 : memref<8x128xi32, #tpu.memory_space<vmem>>)
      tpu.yield
    }) : () -> ()
    %add3A_69 = arith.constant 736 : i32
    %add3A_70 = arith.addi %add3A_69, %add3A : i32
    %run_scoped3A_71 = arith.constant 23 : i32
    "tpu.region"() ({
      %run_scoped3A_610 = tpu.sem_alloc : memref<!tpu.dma_semaphore, #tpu.memory_space<semaphore_mem>>
      %dma_start3A_611 = arith.constant 0 : i32
      %dma_start3A_612 = arith.constant 0 : i32
      %dma_start3A_613 = tpu.memref_slice %arg5[%run_scoped3A_71, %dma_start3A_611, %dma_start3A_612] : memref<25x8x128xi32, #tpu.memory_space<vmem>> -> memref<1x8x128xi32, #tpu.memory_space<vmem>>
      %dma_start3A_614 = tpu.memref_squeeze %dma_start3A_613 : memref<1x8x128xi32, #tpu.memory_space<vmem>> -> memref<8x128xi32, #tpu.memory_space<vmem>>
      %dma_start3A_615 = arith.constant 0 : i32
      %dma_start3A_616 = arith.constant 0 : i32
      %dma_start3A_617 = tpu.memref_slice %arg3[%add3A_70, %dma_start3A_615, %dma_start3A_616] : memref<800x8x128xi32, #tpu.memory_space<hbm>> -> memref<1x8x128xi32, #tpu.memory_space<hbm>>
      %dma_start3A_618 = tpu.memref_squeeze %dma_start3A_617 : memref<1x8x128xi32, #tpu.memory_space<hbm>> -> memref<8x128xi32, #tpu.memory_space<hbm>>
      %dma_start3A_619 = arith.constant 0 : i32
      %dma_start3A_620 = arith.constant 0 : i32
      %dma_start3A_621 = tpu.memref_slice %arg5[%run_scoped3A_71, %dma_start3A_619, %dma_start3A_620] : memref<25x8x128xi32, #tpu.memory_space<vmem>> -> memref<1x8x128xi32, #tpu.memory_space<vmem>>
      %dma_start3A_622 = tpu.memref_squeeze %dma_start3A_621 : memref<1x8x128xi32, #tpu.memory_space<vmem>> -> memref<8x128xi32, #tpu.memory_space<vmem>>
      %dma_start3A_623 = arith.constant 0 : i32
      %dma_start3A_624 = arith.constant 0 : i32
      %dma_start3A_625 = tpu.memref_slice %arg3[%add3A_70, %dma_start3A_623, %dma_start3A_624] : memref<800x8x128xi32, #tpu.memory_space<hbm>> -> memref<1x8x128xi32, #tpu.memory_space<hbm>>
      %dma_start3A_626 = tpu.memref_squeeze %dma_start3A_625 : memref<1x8x128xi32, #tpu.memory_space<hbm>> -> memref<8x128xi32, #tpu.memory_space<hbm>>
      tpu.enqueue_dma source(%dma_start3A_626 : memref<8x128xi32, #tpu.memory_space<hbm>>) target(%dma_start3A_622 : memref<8x128xi32, #tpu.memory_space<vmem>>) target_semaphore(%run_scoped3A_610 : memref<!tpu.dma_semaphore, #tpu.memory_space<semaphore_mem>>)
      %dma_wait3A_627 = arith.constant 0 : i32
      %dma_wait3A_628 = arith.constant 0 : i32
      %dma_wait3A_629 = tpu.memref_slice %arg5[%run_scoped3A_71, %dma_wait3A_627, %dma_wait3A_628] : memref<25x8x128xi32, #tpu.memory_space<vmem>> -> memref<1x8x128xi32, #tpu.memory_space<vmem>>
      %dma_wait3A_630 = tpu.memref_squeeze %dma_wait3A_629 : memref<1x8x128xi32, #tpu.memory_space<vmem>> -> memref<8x128xi32, #tpu.memory_space<vmem>>
      %dma_wait3A_631 = arith.constant 0 : i32
      %dma_wait3A_632 = arith.constant 0 : i32
      %dma_wait3A_633 = tpu.memref_slice %arg3[%add3A_70, %dma_wait3A_631, %dma_wait3A_632] : memref<800x8x128xi32, #tpu.memory_space<hbm>> -> memref<1x8x128xi32, #tpu.memory_space<hbm>>
      %dma_wait3A_634 = tpu.memref_squeeze %dma_wait3A_633 : memref<1x8x128xi32, #tpu.memory_space<hbm>> -> memref<8x128xi32, #tpu.memory_space<hbm>>
      %dma_wait3A_635 = arith.constant 0 : i32
      %dma_wait3A_636 = arith.constant 0 : i32
      %dma_wait3A_637 = tpu.memref_slice %arg5[%run_scoped3A_71, %dma_wait3A_635, %dma_wait3A_636] : memref<25x8x128xi32, #tpu.memory_space<vmem>> -> memref<1x8x128xi32, #tpu.memory_space<vmem>>
      %dma_wait3A_638 = tpu.memref_squeeze %dma_wait3A_637 : memref<1x8x128xi32, #tpu.memory_space<vmem>> -> memref<8x128xi32, #tpu.memory_space<vmem>>
      %dma_wait3A_639 = arith.constant 0 : i32
      %dma_wait3A_640 = arith.constant 0 : i32
      %dma_wait3A_641 = tpu.memref_slice %arg3[%add3A_70, %dma_wait3A_639, %dma_wait3A_640] : memref<800x8x128xi32, #tpu.memory_space<hbm>> -> memref<1x8x128xi32, #tpu.memory_space<hbm>>
      %dma_wait3A_642 = tpu.memref_squeeze %dma_wait3A_641 : memref<1x8x128xi32, #tpu.memory_space<hbm>> -> memref<8x128xi32, #tpu.memory_space<hbm>>
      tpu.wait_dma2 semaphore(%run_scoped3A_610 : memref<!tpu.dma_semaphore, #tpu.memory_space<semaphore_mem>>) src(%dma_wait3A_642 : memref<8x128xi32, #tpu.memory_space<hbm>>) dst(%dma_wait3A_638 : memref<8x128xi32, #tpu.memory_space<vmem>>)
      tpu.yield
    }) : () -> ()
    %add3A_72 = arith.constant 768 : i32
    %add3A_73 = arith.addi %add3A_72, %add3A : i32
    %run_scoped3A_74 = arith.constant 24 : i32
    "tpu.region"() ({
      %run_scoped3A_610 = tpu.sem_alloc : memref<!tpu.dma_semaphore, #tpu.memory_space<semaphore_mem>>
      %dma_start3A_611 = arith.constant 0 : i32
      %dma_start3A_612 = arith.constant 0 : i32
      %dma_start3A_613 = tpu.memref_slice %arg5[%run_scoped3A_74, %dma_start3A_611, %dma_start3A_612] : memref<25x8x128xi32, #tpu.memory_space<vmem>> -> memref<1x8x128xi32, #tpu.memory_space<vmem>>
      %dma_start3A_614 = tpu.memref_squeeze %dma_start3A_613 : memref<1x8x128xi32, #tpu.memory_space<vmem>> -> memref<8x128xi32, #tpu.memory_space<vmem>>
      %dma_start3A_615 = arith.constant 0 : i32
      %dma_start3A_616 = arith.constant 0 : i32
      %dma_start3A_617 = tpu.memref_slice %arg3[%add3A_73, %dma_start3A_615, %dma_start3A_616] : memref<800x8x128xi32, #tpu.memory_space<hbm>> -> memref<1x8x128xi32, #tpu.memory_space<hbm>>
      %dma_start3A_618 = tpu.memref_squeeze %dma_start3A_617 : memref<1x8x128xi32, #tpu.memory_space<hbm>> -> memref<8x128xi32, #tpu.memory_space<hbm>>
      %dma_start3A_619 = arith.constant 0 : i32
      %dma_start3A_620 = arith.constant 0 : i32
      %dma_start3A_621 = tpu.memref_slice %arg5[%run_scoped3A_74, %dma_start3A_619, %dma_start3A_620] : memref<25x8x128xi32, #tpu.memory_space<vmem>> -> memref<1x8x128xi32, #tpu.memory_space<vmem>>
      %dma_start3A_622 = tpu.memref_squeeze %dma_start3A_621 : memref<1x8x128xi32, #tpu.memory_space<vmem>> -> memref<8x128xi32, #tpu.memory_space<vmem>>
      %dma_start3A_623 = arith.constant 0 : i32
      %dma_start3A_624 = arith.constant 0 : i32
      %dma_start3A_625 = tpu.memref_slice %arg3[%add3A_73, %dma_start3A_623, %dma_start3A_624] : memref<800x8x128xi32, #tpu.memory_space<hbm>> -> memref<1x8x128xi32, #tpu.memory_space<hbm>>
      %dma_start3A_626 = tpu.memref_squeeze %dma_start3A_625 : memref<1x8x128xi32, #tpu.memory_space<hbm>> -> memref<8x128xi32, #tpu.memory_space<hbm>>
      tpu.enqueue_dma source(%dma_start3A_626 : memref<8x128xi32, #tpu.memory_space<hbm>>) target(%dma_start3A_622 : memref<8x128xi32, #tpu.memory_space<vmem>>) target_semaphore(%run_scoped3A_610 : memref<!tpu.dma_semaphore, #tpu.memory_space<semaphore_mem>>)
      %dma_wait3A_627 = arith.constant 0 : i32
      %dma_wait3A_628 = arith.constant 0 : i32
      %dma_wait3A_629 = tpu.memref_slice %arg5[%run_scoped3A_74, %dma_wait3A_627, %dma_wait3A_628] : memref<25x8x128xi32, #tpu.memory_space<vmem>> -> memref<1x8x128xi32, #tpu.memory_space<vmem>>
      %dma_wait3A_630 = tpu.memref_squeeze %dma_wait3A_629 : memref<1x8x128xi32, #tpu.memory_space<vmem>> -> memref<8x128xi32, #tpu.memory_space<vmem>>
      %dma_wait3A_631 = arith.constant 0 : i32
      %dma_wait3A_632 = arith.constant 0 : i32
      %dma_wait3A_633 = tpu.memref_slice %arg3[%add3A_73, %dma_wait3A_631, %dma_wait3A_632] : memref<800x8x128xi32, #tpu.memory_space<hbm>> -> memref<1x8x128xi32, #tpu.memory_space<hbm>>
      %dma_wait3A_634 = tpu.memref_squeeze %dma_wait3A_633 : memref<1x8x128xi32, #tpu.memory_space<hbm>> -> memref<8x128xi32, #tpu.memory_space<hbm>>
      %dma_wait3A_635 = arith.constant 0 : i32
      %dma_wait3A_636 = arith.constant 0 : i32
      %dma_wait3A_637 = tpu.memref_slice %arg5[%run_scoped3A_74, %dma_wait3A_635, %dma_wait3A_636] : memref<25x8x128xi32, #tpu.memory_space<vmem>> -> memref<1x8x128xi32, #tpu.memory_space<vmem>>
      %dma_wait3A_638 = tpu.memref_squeeze %dma_wait3A_637 : memref<1x8x128xi32, #tpu.memory_space<vmem>> -> memref<8x128xi32, #tpu.memory_space<vmem>>
      %dma_wait3A_639 = arith.constant 0 : i32
      %dma_wait3A_640 = arith.constant 0 : i32
      %dma_wait3A_641 = tpu.memref_slice %arg3[%add3A_73, %dma_wait3A_639, %dma_wait3A_640] : memref<800x8x128xi32, #tpu.memory_space<hbm>> -> memref<1x8x128xi32, #tpu.memory_space<hbm>>
      %dma_wait3A_642 = tpu.memref_squeeze %dma_wait3A_641 : memref<1x8x128xi32, #tpu.memory_space<hbm>> -> memref<8x128xi32, #tpu.memory_space<hbm>>
      tpu.wait_dma2 semaphore(%run_scoped3A_610 : memref<!tpu.dma_semaphore, #tpu.memory_space<semaphore_mem>>) src(%dma_wait3A_642 : memref<8x128xi32, #tpu.memory_space<hbm>>) dst(%dma_wait3A_638 : memref<8x128xi32, #tpu.memory_space<vmem>>)
      tpu.yield
    }) : () -> ()
    %iota3A = tpu.iota {dimensions = array<i32: 0>} : vector<16xi32>
    %add3A_75 = arith.constant 0 : i32
    %add3A_76 = vector.broadcast %add3A_75 : i32 to vector<16xi32>
    %add3A_77 = arith.addi %iota3A, %add3A_76 : vector<16xi32>
    %add3A_78 = arith.constant 16 : i32
    %add3A_79 = vector.broadcast %add3A_78 : i32 to vector<16xi32>
    %add3A_80 = arith.addi %iota3A, %add3A_79 : vector<16xi32>
    %add3A_81 = arith.constant 32 : i32
    %add3A_82 = vector.broadcast %add3A_81 : i32 to vector<16xi32>
    %add3A_83 = arith.addi %iota3A, %add3A_82 : vector<16xi32>
    %add3A_84 = arith.constant 48 : i32
    %add3A_85 = vector.broadcast %add3A_84 : i32 to vector<16xi32>
    %add3A_86 = arith.addi %iota3A, %add3A_85 : vector<16xi32>
    %add3A_87 = arith.constant 64 : i32
    %add3A_88 = vector.broadcast %add3A_87 : i32 to vector<16xi32>
    %add3A_89 = arith.addi %iota3A, %add3A_88 : vector<16xi32>
    %add3A_90 = arith.constant 80 : i32
    %add3A_91 = vector.broadcast %add3A_90 : i32 to vector<16xi32>
    %add3A_92 = arith.addi %iota3A, %add3A_91 : vector<16xi32>
    %add3A_93 = arith.constant 96 : i32
    %add3A_94 = vector.broadcast %add3A_93 : i32 to vector<16xi32>
    %add3A_95 = arith.addi %iota3A, %add3A_94 : vector<16xi32>
    %add3A_96 = arith.constant 112 : i32
    %add3A_97 = vector.broadcast %add3A_96 : i32 to vector<16xi32>
    %add3A_98 = arith.addi %iota3A, %add3A_97 : vector<16xi32>
    %dma_start3A = arith.constant 0 : i32
    %dma_start3A_99 = arith.constant 0 : i32
    %dma_start3A_100 = arith.constant 0 : i32
    %dma_start3A_101 = tpu.memref_slice %arg5[%dma_start3A, %dma_start3A_99, %dma_start3A_100] : memref<25x8x128xi32, #tpu.memory_space<vmem>> -> memref<1x1x128xi32, #tpu.memory_space<vmem>>
    %dma_start3A_102 = tpu.memref_squeeze %dma_start3A_101 : memref<1x1x128xi32, #tpu.memory_space<vmem>> -> memref<128xi32, #tpu.memory_space<vmem>>
    %dma_start3A_103 = arith.constant 0 : i32
    %dma_start3A_104 = arith.constant 0 : i32
    %dma_start3A_105 = tpu.memref_slice %arg2[%dma_start3A_103, %dma_start3A_104] : memref<1000000x64xf32, #tpu.memory_space<hbm>> -> memref<1000000x64xf32, #tpu.memory_space<hbm>>
    tpu.enqueue_indirect_dma source(%dma_start3A_105 : memref<1000000x64xf32, #tpu.memory_space<hbm>>) target(%arg6 : memref<128x64xf32, #tpu.memory_space<vmem>>) offsets(%dma_start3A_102 : memref<128xi32, #tpu.memory_space<vmem>>) semaphore(%arg10 : memref<!tpu.dma_semaphore, #tpu.memory_space<semaphore_mem>>)
    %dma_start3A_106 = arith.constant 0 : i32
    %dma_start3A_107 = arith.constant 1 : i32
    %dma_start3A_108 = arith.constant 0 : i32
    %dma_start3A_109 = tpu.memref_slice %arg5[%dma_start3A_106, %dma_start3A_107, %dma_start3A_108] : memref<25x8x128xi32, #tpu.memory_space<vmem>> -> memref<1x1x128xi32, #tpu.memory_space<vmem>>
    %dma_start3A_110 = tpu.memref_squeeze %dma_start3A_109 : memref<1x1x128xi32, #tpu.memory_space<vmem>> -> memref<128xi32, #tpu.memory_space<vmem>>
    %dma_start3A_111 = arith.constant 0 : i32
    %dma_start3A_112 = arith.constant 0 : i32
    %dma_start3A_113 = tpu.memref_slice %arg2[%dma_start3A_111, %dma_start3A_112] : memref<1000000x64xf32, #tpu.memory_space<hbm>> -> memref<1000000x64xf32, #tpu.memory_space<hbm>>
    tpu.enqueue_indirect_dma source(%dma_start3A_113 : memref<1000000x64xf32, #tpu.memory_space<hbm>>) target(%arg7 : memref<128x64xf32, #tpu.memory_space<vmem>>) offsets(%dma_start3A_110 : memref<128xi32, #tpu.memory_space<vmem>>) semaphore(%arg11 : memref<!tpu.dma_semaphore, #tpu.memory_space<semaphore_mem>>)
    %dma_start3A_114 = arith.constant 0 : i32
    %dma_start3A_115 = arith.constant 0 : i32
    %dma_start3A_116 = arith.constant 0 : i32
    %dma_start3A_117 = tpu.memref_slice %arg8[%dma_start3A_115, %dma_start3A_116] : memref<64x128xf32, #tpu.memory_space<vmem>> -> memref<8x128xf32, #tpu.memory_space<vmem>>
    %dma_start3A_118 = arith.constant 0 : i32
    %dma_start3A_119 = arith.constant 0 : i32
    %dma_start3A_120 = tpu.memref_slice %arg4[%dma_start3A_114, %add3A, %dma_start3A_118, %dma_start3A_119] : memref<1600x32x8x128xf32, #tpu.memory_space<hbm>> -> memref<1x1x8x128xf32, #tpu.memory_space<hbm>>
    %dma_start3A_121 = tpu.memref_squeeze %dma_start3A_120 : memref<1x1x8x128xf32, #tpu.memory_space<hbm>> -> memref<8x128xf32, #tpu.memory_space<hbm>>
    %dma_start3A_122 = arith.constant 0 : i32
    %dma_start3A_123 = arith.constant 0 : i32
    %dma_start3A_124 = tpu.memref_slice %arg4[%dma_start3A_114, %add3A, %dma_start3A_122, %dma_start3A_123] : memref<1600x32x8x128xf32, #tpu.memory_space<hbm>> -> memref<1x1x8x128xf32, #tpu.memory_space<hbm>>
    %dma_start3A_125 = tpu.memref_squeeze %dma_start3A_124 : memref<1x1x8x128xf32, #tpu.memory_space<hbm>> -> memref<8x128xf32, #tpu.memory_space<hbm>>
    %dma_start3A_126 = arith.constant 0 : i32
    %dma_start3A_127 = arith.constant 0 : i32
    %dma_start3A_128 = tpu.memref_slice %arg8[%dma_start3A_126, %dma_start3A_127] : memref<64x128xf32, #tpu.memory_space<vmem>> -> memref<8x128xf32, #tpu.memory_space<vmem>>
    tpu.enqueue_dma source(%dma_start3A_128 : memref<8x128xf32, #tpu.memory_space<vmem>>) target(%dma_start3A_125 : memref<8x128xf32, #tpu.memory_space<hbm>>) target_semaphore(%arg12 : memref<!tpu.dma_semaphore, #tpu.memory_space<semaphore_mem>>)
    %dma_start3A_129 = arith.constant 1 : i32
    %dma_start3A_130 = arith.constant 8 : i32
    %dma_start3A_131 = arith.constant 0 : i32
    %dma_start3A_132 = tpu.memref_slice %arg8[%dma_start3A_130, %dma_start3A_131] : memref<64x128xf32, #tpu.memory_space<vmem>> -> memref<8x128xf32, #tpu.memory_space<vmem>>
    %dma_start3A_133 = arith.constant 0 : i32
    %dma_start3A_134 = arith.constant 0 : i32
    %dma_start3A_135 = tpu.memref_slice %arg4[%dma_start3A_129, %add3A, %dma_start3A_133, %dma_start3A_134] : memref<1600x32x8x128xf32, #tpu.memory_space<hbm>> -> memref<1x1x8x128xf32, #tpu.memory_space<hbm>>
    %dma_start3A_136 = tpu.memref_squeeze %dma_start3A_135 : memref<1x1x8x128xf32, #tpu.memory_space<hbm>> -> memref<8x128xf32, #tpu.memory_space<hbm>>
    %dma_start3A_137 = arith.constant 0 : i32
    %dma_start3A_138 = arith.constant 0 : i32
    %dma_start3A_139 = tpu.memref_slice %arg4[%dma_start3A_129, %add3A, %dma_start3A_137, %dma_start3A_138] : memref<1600x32x8x128xf32, #tpu.memory_space<hbm>> -> memref<1x1x8x128xf32, #tpu.memory_space<hbm>>
    %dma_start3A_140 = tpu.memref_squeeze %dma_start3A_139 : memref<1x1x8x128xf32, #tpu.memory_space<hbm>> -> memref<8x128xf32, #tpu.memory_space<hbm>>
    %dma_start3A_141 = arith.constant 8 : i32
    %dma_start3A_142 = arith.constant 0 : i32
    %dma_start3A_143 = tpu.memref_slice %arg8[%dma_start3A_141, %dma_start3A_142] : memref<64x128xf32, #tpu.memory_space<vmem>> -> memref<8x128xf32, #tpu.memory_space<vmem>>
    tpu.enqueue_dma source(%dma_start3A_143 : memref<8x128xf32, #tpu.memory_space<vmem>>) target(%dma_start3A_140 : memref<8x128xf32, #tpu.memory_space<hbm>>) target_semaphore(%arg12 : memref<!tpu.dma_semaphore, #tpu.memory_space<semaphore_mem>>)
    %dma_start3A_144 = arith.constant 2 : i32
    %dma_start3A_145 = arith.constant 16 : i32
    %dma_start3A_146 = arith.constant 0 : i32
    %dma_start3A_147 = tpu.memref_slice %arg8[%dma_start3A_145, %dma_start3A_146] : memref<64x128xf32, #tpu.memory_space<vmem>> -> memref<8x128xf32, #tpu.memory_space<vmem>>
    %dma_start3A_148 = arith.constant 0 : i32
    %dma_start3A_149 = arith.constant 0 : i32
    %dma_start3A_150 = tpu.memref_slice %arg4[%dma_start3A_144, %add3A, %dma_start3A_148, %dma_start3A_149] : memref<1600x32x8x128xf32, #tpu.memory_space<hbm>> -> memref<1x1x8x128xf32, #tpu.memory_space<hbm>>
    %dma_start3A_151 = tpu.memref_squeeze %dma_start3A_150 : memref<1x1x8x128xf32, #tpu.memory_space<hbm>> -> memref<8x128xf32, #tpu.memory_space<hbm>>
    %dma_start3A_152 = arith.constant 0 : i32
    %dma_start3A_153 = arith.constant 0 : i32
    %dma_start3A_154 = tpu.memref_slice %arg4[%dma_start3A_144, %add3A, %dma_start3A_152, %dma_start3A_153] : memref<1600x32x8x128xf32, #tpu.memory_space<hbm>> -> memref<1x1x8x128xf32, #tpu.memory_space<hbm>>
    %dma_start3A_155 = tpu.memref_squeeze %dma_start3A_154 : memref<1x1x8x128xf32, #tpu.memory_space<hbm>> -> memref<8x128xf32, #tpu.memory_space<hbm>>
    %dma_start3A_156 = arith.constant 16 : i32
    %dma_start3A_157 = arith.constant 0 : i32
    %dma_start3A_158 = tpu.memref_slice %arg8[%dma_start3A_156, %dma_start3A_157] : memref<64x128xf32, #tpu.memory_space<vmem>> -> memref<8x128xf32, #tpu.memory_space<vmem>>
    tpu.enqueue_dma source(%dma_start3A_158 : memref<8x128xf32, #tpu.memory_space<vmem>>) target(%dma_start3A_155 : memref<8x128xf32, #tpu.memory_space<hbm>>) target_semaphore(%arg12 : memref<!tpu.dma_semaphore, #tpu.memory_space<semaphore_mem>>)
    %dma_start3A_159 = arith.constant 3 : i32
    %dma_start3A_160 = arith.constant 24 : i32
    %dma_start3A_161 = arith.constant 0 : i32
    %dma_start3A_162 = tpu.memref_slice %arg8[%dma_start3A_160, %dma_start3A_161] : memref<64x128xf32, #tpu.memory_space<vmem>> -> memref<8x128xf32, #tpu.memory_space<vmem>>
    %dma_start3A_163 = arith.constant 0 : i32
    %dma_start3A_164 = arith.constant 0 : i32
    %dma_start3A_165 = tpu.memref_slice %arg4[%dma_start3A_159, %add3A, %dma_start3A_163, %dma_start3A_164] : memref<1600x32x8x128xf32, #tpu.memory_space<hbm>> -> memref<1x1x8x128xf32, #tpu.memory_space<hbm>>
    %dma_start3A_166 = tpu.memref_squeeze %dma_start3A_165 : memref<1x1x8x128xf32, #tpu.memory_space<hbm>> -> memref<8x128xf32, #tpu.memory_space<hbm>>
    %dma_start3A_167 = arith.constant 0 : i32
    %dma_start3A_168 = arith.constant 0 : i32
    %dma_start3A_169 = tpu.memref_slice %arg4[%dma_start3A_159, %add3A, %dma_start3A_167, %dma_start3A_168] : memref<1600x32x8x128xf32, #tpu.memory_space<hbm>> -> memref<1x1x8x128xf32, #tpu.memory_space<hbm>>
    %dma_start3A_170 = tpu.memref_squeeze %dma_start3A_169 : memref<1x1x8x128xf32, #tpu.memory_space<hbm>> -> memref<8x128xf32, #tpu.memory_space<hbm>>
    %dma_start3A_171 = arith.constant 24 : i32
    %dma_start3A_172 = arith.constant 0 : i32
    %dma_start3A_173 = tpu.memref_slice %arg8[%dma_start3A_171, %dma_start3A_172] : memref<64x128xf32, #tpu.memory_space<vmem>> -> memref<8x128xf32, #tpu.memory_space<vmem>>
    tpu.enqueue_dma source(%dma_start3A_173 : memref<8x128xf32, #tpu.memory_space<vmem>>) target(%dma_start3A_170 : memref<8x128xf32, #tpu.memory_space<hbm>>) target_semaphore(%arg12 : memref<!tpu.dma_semaphore, #tpu.memory_space<semaphore_mem>>)
    %dma_start3A_174 = arith.constant 4 : i32
    %dma_start3A_175 = arith.constant 32 : i32
    %dma_start3A_176 = arith.constant 0 : i32
    %dma_start3A_177 = tpu.memref_slice %arg8[%dma_start3A_175, %dma_start3A_176] : memref<64x128xf32, #tpu.memory_space<vmem>> -> memref<8x128xf32, #tpu.memory_space<vmem>>
    %dma_start3A_178 = arith.constant 0 : i32
    %dma_start3A_179 = arith.constant 0 : i32
    %dma_start3A_180 = tpu.memref_slice %arg4[%dma_start3A_174, %add3A, %dma_start3A_178, %dma_start3A_179] : memref<1600x32x8x128xf32, #tpu.memory_space<hbm>> -> memref<1x1x8x128xf32, #tpu.memory_space<hbm>>
    %dma_start3A_181 = tpu.memref_squeeze %dma_start3A_180 : memref<1x1x8x128xf32, #tpu.memory_space<hbm>> -> memref<8x128xf32, #tpu.memory_space<hbm>>
    %dma_start3A_182 = arith.constant 0 : i32
    %dma_start3A_183 = arith.constant 0 : i32
    %dma_start3A_184 = tpu.memref_slice %arg4[%dma_start3A_174, %add3A, %dma_start3A_182, %dma_start3A_183] : memref<1600x32x8x128xf32, #tpu.memory_space<hbm>> -> memref<1x1x8x128xf32, #tpu.memory_space<hbm>>
    %dma_start3A_185 = tpu.memref_squeeze %dma_start3A_184 : memref<1x1x8x128xf32, #tpu.memory_space<hbm>> -> memref<8x128xf32, #tpu.memory_space<hbm>>
    %dma_start3A_186 = arith.constant 32 : i32
    %dma_start3A_187 = arith.constant 0 : i32
    %dma_start3A_188 = tpu.memref_slice %arg8[%dma_start3A_186, %dma_start3A_187] : memref<64x128xf32, #tpu.memory_space<vmem>> -> memref<8x128xf32, #tpu.memory_space<vmem>>
    tpu.enqueue_dma source(%dma_start3A_188 : memref<8x128xf32, #tpu.memory_space<vmem>>) target(%dma_start3A_185 : memref<8x128xf32, #tpu.memory_space<hbm>>) target_semaphore(%arg12 : memref<!tpu.dma_semaphore, #tpu.memory_space<semaphore_mem>>)
    %dma_start3A_189 = arith.constant 5 : i32
    %dma_start3A_190 = arith.constant 40 : i32
    %dma_start3A_191 = arith.constant 0 : i32
    %dma_start3A_192 = tpu.memref_slice %arg8[%dma_start3A_190, %dma_start3A_191] : memref<64x128xf32, #tpu.memory_space<vmem>> -> memref<8x128xf32, #tpu.memory_space<vmem>>
    %dma_start3A_193 = arith.constant 0 : i32
    %dma_start3A_194 = arith.constant 0 : i32
    %dma_start3A_195 = tpu.memref_slice %arg4[%dma_start3A_189, %add3A, %dma_start3A_193, %dma_start3A_194] : memref<1600x32x8x128xf32, #tpu.memory_space<hbm>> -> memref<1x1x8x128xf32, #tpu.memory_space<hbm>>
    %dma_start3A_196 = tpu.memref_squeeze %dma_start3A_195 : memref<1x1x8x128xf32, #tpu.memory_space<hbm>> -> memref<8x128xf32, #tpu.memory_space<hbm>>
    %dma_start3A_197 = arith.constant 0 : i32
    %dma_start3A_198 = arith.constant 0 : i32
    %dma_start3A_199 = tpu.memref_slice %arg4[%dma_start3A_189, %add3A, %dma_start3A_197, %dma_start3A_198] : memref<1600x32x8x128xf32, #tpu.memory_space<hbm>> -> memref<1x1x8x128xf32, #tpu.memory_space<hbm>>
    %dma_start3A_200 = tpu.memref_squeeze %dma_start3A_199 : memref<1x1x8x128xf32, #tpu.memory_space<hbm>> -> memref<8x128xf32, #tpu.memory_space<hbm>>
    %dma_start3A_201 = arith.constant 40 : i32
    %dma_start3A_202 = arith.constant 0 : i32
    %dma_start3A_203 = tpu.memref_slice %arg8[%dma_start3A_201, %dma_start3A_202] : memref<64x128xf32, #tpu.memory_space<vmem>> -> memref<8x128xf32, #tpu.memory_space<vmem>>
    tpu.enqueue_dma source(%dma_start3A_203 : memref<8x128xf32, #tpu.memory_space<vmem>>) target(%dma_start3A_200 : memref<8x128xf32, #tpu.memory_space<hbm>>) target_semaphore(%arg12 : memref<!tpu.dma_semaphore, #tpu.memory_space<semaphore_mem>>)
    %dma_start3A_204 = arith.constant 6 : i32
    %dma_start3A_205 = arith.constant 48 : i32
    %dma_start3A_206 = arith.constant 0 : i32
    %dma_start3A_207 = tpu.memref_slice %arg8[%dma_start3A_205, %dma_start3A_206] : memref<64x128xf32, #tpu.memory_space<vmem>> -> memref<8x128xf32, #tpu.memory_space<vmem>>
    %dma_start3A_208 = arith.constant 0 : i32
    %dma_start3A_209 = arith.constant 0 : i32
    %dma_start3A_210 = tpu.memref_slice %arg4[%dma_start3A_204, %add3A, %dma_start3A_208, %dma_start3A_209] : memref<1600x32x8x128xf32, #tpu.memory_space<hbm>> -> memref<1x1x8x128xf32, #tpu.memory_space<hbm>>
    %dma_start3A_211 = tpu.memref_squeeze %dma_start3A_210 : memref<1x1x8x128xf32, #tpu.memory_space<hbm>> -> memref<8x128xf32, #tpu.memory_space<hbm>>
    %dma_start3A_212 = arith.constant 0 : i32
    %dma_start3A_213 = arith.constant 0 : i32
    %dma_start3A_214 = tpu.memref_slice %arg4[%dma_start3A_204, %add3A, %dma_start3A_212, %dma_start3A_213] : memref<1600x32x8x128xf32, #tpu.memory_space<hbm>> -> memref<1x1x8x128xf32, #tpu.memory_space<hbm>>
    %dma_start3A_215 = tpu.memref_squeeze %dma_start3A_214 : memref<1x1x8x128xf32, #tpu.memory_space<hbm>> -> memref<8x128xf32, #tpu.memory_space<hbm>>
    %dma_start3A_216 = arith.constant 48 : i32
    %dma_start3A_217 = arith.constant 0 : i32
    %dma_start3A_218 = tpu.memref_slice %arg8[%dma_start3A_216, %dma_start3A_217] : memref<64x128xf32, #tpu.memory_space<vmem>> -> memref<8x128xf32, #tpu.memory_space<vmem>>
    tpu.enqueue_dma source(%dma_start3A_218 : memref<8x128xf32, #tpu.memory_space<vmem>>) target(%dma_start3A_215 : memref<8x128xf32, #tpu.memory_space<hbm>>) target_semaphore(%arg12 : memref<!tpu.dma_semaphore, #tpu.memory_space<semaphore_mem>>)
    %dma_start3A_219 = arith.constant 7 : i32
    %dma_start3A_220 = arith.constant 56 : i32
    %dma_start3A_221 = arith.constant 0 : i32
    %dma_start3A_222 = tpu.memref_slice %arg8[%dma_start3A_220, %dma_start3A_221] : memref<64x128xf32, #tpu.memory_space<vmem>> -> memref<8x128xf32, #tpu.memory_space<vmem>>
    %dma_start3A_223 = arith.constant 0 : i32
    %dma_start3A_224 = arith.constant 0 : i32
    %dma_start3A_225 = tpu.memref_slice %arg4[%dma_start3A_219, %add3A, %dma_start3A_223, %dma_start3A_224] : memref<1600x32x8x128xf32, #tpu.memory_space<hbm>> -> memref<1x1x8x128xf32, #tpu.memory_space<hbm>>
    %dma_start3A_226 = tpu.memref_squeeze %dma_start3A_225 : memref<1x1x8x128xf32, #tpu.memory_space<hbm>> -> memref<8x128xf32, #tpu.memory_space<hbm>>
    %dma_start3A_227 = arith.constant 0 : i32
    %dma_start3A_228 = arith.constant 0 : i32
    %dma_start3A_229 = tpu.memref_slice %arg4[%dma_start3A_219, %add3A, %dma_start3A_227, %dma_start3A_228] : memref<1600x32x8x128xf32, #tpu.memory_space<hbm>> -> memref<1x1x8x128xf32, #tpu.memory_space<hbm>>
    %dma_start3A_230 = tpu.memref_squeeze %dma_start3A_229 : memref<1x1x8x128xf32, #tpu.memory_space<hbm>> -> memref<8x128xf32, #tpu.memory_space<hbm>>
    %dma_start3A_231 = arith.constant 56 : i32
    %dma_start3A_232 = arith.constant 0 : i32
    %dma_start3A_233 = tpu.memref_slice %arg8[%dma_start3A_231, %dma_start3A_232] : memref<64x128xf32, #tpu.memory_space<vmem>> -> memref<8x128xf32, #tpu.memory_space<vmem>>
    tpu.enqueue_dma source(%dma_start3A_233 : memref<8x128xf32, #tpu.memory_space<vmem>>) target(%dma_start3A_230 : memref<8x128xf32, #tpu.memory_space<hbm>>) target_semaphore(%arg12 : memref<!tpu.dma_semaphore, #tpu.memory_space<semaphore_mem>>)
    %dma_start3A_234 = arith.constant 8 : i32
    %dma_start3A_235 = arith.constant 0 : i32
    %dma_start3A_236 = arith.constant 0 : i32
    %dma_start3A_237 = tpu.memref_slice %arg9[%dma_start3A_235, %dma_start3A_236] : memref<64x128xf32, #tpu.memory_space<vmem>> -> memref<8x128xf32, #tpu.memory_space<vmem>>
    %dma_start3A_238 = arith.constant 0 : i32
    %dma_start3A_239 = arith.constant 0 : i32
    %dma_start3A_240 = tpu.memref_slice %arg4[%dma_start3A_234, %add3A, %dma_start3A_238, %dma_start3A_239] : memref<1600x32x8x128xf32, #tpu.memory_space<hbm>> -> memref<1x1x8x128xf32, #tpu.memory_space<hbm>>
    %dma_start3A_241 = tpu.memref_squeeze %dma_start3A_240 : memref<1x1x8x128xf32, #tpu.memory_space<hbm>> -> memref<8x128xf32, #tpu.memory_space<hbm>>
    %dma_start3A_242 = arith.constant 0 : i32
    %dma_start3A_243 = arith.constant 0 : i32
    %dma_start3A_244 = tpu.memref_slice %arg4[%dma_start3A_234, %add3A, %dma_start3A_242, %dma_start3A_243] : memref<1600x32x8x128xf32, #tpu.memory_space<hbm>> -> memref<1x1x8x128xf32, #tpu.memory_space<hbm>>
    %dma_start3A_245 = tpu.memref_squeeze %dma_start3A_244 : memref<1x1x8x128xf32, #tpu.memory_space<hbm>> -> memref<8x128xf32, #tpu.memory_space<hbm>>
    %dma_start3A_246 = arith.constant 0 : i32
    %dma_start3A_247 = arith.constant 0 : i32
    %dma_start3A_248 = tpu.memref_slice %arg9[%dma_start3A_246, %dma_start3A_247] : memref<64x128xf32, #tpu.memory_space<vmem>> -> memref<8x128xf32, #tpu.memory_space<vmem>>
    tpu.enqueue_dma source(%dma_start3A_248 : memref<8x128xf32, #tpu.memory_space<vmem>>) target(%dma_start3A_245 : memref<8x128xf32, #tpu.memory_space<hbm>>) target_semaphore(%arg13 : memref<!tpu.dma_semaphore, #tpu.memory_space<semaphore_mem>>)
    %dma_start3A_249 = arith.constant 9 : i32
    %dma_start3A_250 = arith.constant 8 : i32
    %dma_start3A_251 = arith.constant 0 : i32
    %dma_start3A_252 = tpu.memref_slice %arg9[%dma_start3A_250, %dma_start3A_251] : memref<64x128xf32, #tpu.memory_space<vmem>> -> memref<8x128xf32, #tpu.memory_space<vmem>>
    %dma_start3A_253 = arith.constant 0 : i32
    %dma_start3A_254 = arith.constant 0 : i32
    %dma_start3A_255 = tpu.memref_slice %arg4[%dma_start3A_249, %add3A, %dma_start3A_253, %dma_start3A_254] : memref<1600x32x8x128xf32, #tpu.memory_space<hbm>> -> memref<1x1x8x128xf32, #tpu.memory_space<hbm>>
    %dma_start3A_256 = tpu.memref_squeeze %dma_start3A_255 : memref<1x1x8x128xf32, #tpu.memory_space<hbm>> -> memref<8x128xf32, #tpu.memory_space<hbm>>
    %dma_start3A_257 = arith.constant 0 : i32
    %dma_start3A_258 = arith.constant 0 : i32
    %dma_start3A_259 = tpu.memref_slice %arg4[%dma_start3A_249, %add3A, %dma_start3A_257, %dma_start3A_258] : memref<1600x32x8x128xf32, #tpu.memory_space<hbm>> -> memref<1x1x8x128xf32, #tpu.memory_space<hbm>>
    %dma_start3A_260 = tpu.memref_squeeze %dma_start3A_259 : memref<1x1x8x128xf32, #tpu.memory_space<hbm>> -> memref<8x128xf32, #tpu.memory_space<hbm>>
    %dma_start3A_261 = arith.constant 8 : i32
    %dma_start3A_262 = arith.constant 0 : i32
    %dma_start3A_263 = tpu.memref_slice %arg9[%dma_start3A_261, %dma_start3A_262] : memref<64x128xf32, #tpu.memory_space<vmem>> -> memref<8x128xf32, #tpu.memory_space<vmem>>
    tpu.enqueue_dma source(%dma_start3A_263 : memref<8x128xf32, #tpu.memory_space<vmem>>) target(%dma_start3A_260 : memref<8x128xf32, #tpu.memory_space<hbm>>) target_semaphore(%arg13 : memref<!tpu.dma_semaphore, #tpu.memory_space<semaphore_mem>>)
    %dma_start3A_264 = arith.constant 10 : i32
    %dma_start3A_265 = arith.constant 16 : i32
    %dma_start3A_266 = arith.constant 0 : i32
    %dma_start3A_267 = tpu.memref_slice %arg9[%dma_start3A_265, %dma_start3A_266] : memref<64x128xf32, #tpu.memory_space<vmem>> -> memref<8x128xf32, #tpu.memory_space<vmem>>
    %dma_start3A_268 = arith.constant 0 : i32
    %dma_start3A_269 = arith.constant 0 : i32
    %dma_start3A_270 = tpu.memref_slice %arg4[%dma_start3A_264, %add3A, %dma_start3A_268, %dma_start3A_269] : memref<1600x32x8x128xf32, #tpu.memory_space<hbm>> -> memref<1x1x8x128xf32, #tpu.memory_space<hbm>>
    %dma_start3A_271 = tpu.memref_squeeze %dma_start3A_270 : memref<1x1x8x128xf32, #tpu.memory_space<hbm>> -> memref<8x128xf32, #tpu.memory_space<hbm>>
    %dma_start3A_272 = arith.constant 0 : i32
    %dma_start3A_273 = arith.constant 0 : i32
    %dma_start3A_274 = tpu.memref_slice %arg4[%dma_start3A_264, %add3A, %dma_start3A_272, %dma_start3A_273] : memref<1600x32x8x128xf32, #tpu.memory_space<hbm>> -> memref<1x1x8x128xf32, #tpu.memory_space<hbm>>
    %dma_start3A_275 = tpu.memref_squeeze %dma_start3A_274 : memref<1x1x8x128xf32, #tpu.memory_space<hbm>> -> memref<8x128xf32, #tpu.memory_space<hbm>>
    %dma_start3A_276 = arith.constant 16 : i32
    %dma_start3A_277 = arith.constant 0 : i32
    %dma_start3A_278 = tpu.memref_slice %arg9[%dma_start3A_276, %dma_start3A_277] : memref<64x128xf32, #tpu.memory_space<vmem>> -> memref<8x128xf32, #tpu.memory_space<vmem>>
    tpu.enqueue_dma source(%dma_start3A_278 : memref<8x128xf32, #tpu.memory_space<vmem>>) target(%dma_start3A_275 : memref<8x128xf32, #tpu.memory_space<hbm>>) target_semaphore(%arg13 : memref<!tpu.dma_semaphore, #tpu.memory_space<semaphore_mem>>)
    %dma_start3A_279 = arith.constant 11 : i32
    %dma_start3A_280 = arith.constant 24 : i32
    %dma_start3A_281 = arith.constant 0 : i32
    %dma_start3A_282 = tpu.memref_slice %arg9[%dma_start3A_280, %dma_start3A_281] : memref<64x128xf32, #tpu.memory_space<vmem>> -> memref<8x128xf32, #tpu.memory_space<vmem>>
    %dma_start3A_283 = arith.constant 0 : i32
    %dma_start3A_284 = arith.constant 0 : i32
    %dma_start3A_285 = tpu.memref_slice %arg4[%dma_start3A_279, %add3A, %dma_start3A_283, %dma_start3A_284] : memref<1600x32x8x128xf32, #tpu.memory_space<hbm>> -> memref<1x1x8x128xf32, #tpu.memory_space<hbm>>
    %dma_start3A_286 = tpu.memref_squeeze %dma_start3A_285 : memref<1x1x8x128xf32, #tpu.memory_space<hbm>> -> memref<8x128xf32, #tpu.memory_space<hbm>>
    %dma_start3A_287 = arith.constant 0 : i32
    %dma_start3A_288 = arith.constant 0 : i32
    %dma_start3A_289 = tpu.memref_slice %arg4[%dma_start3A_279, %add3A, %dma_start3A_287, %dma_start3A_288] : memref<1600x32x8x128xf32, #tpu.memory_space<hbm>> -> memref<1x1x8x128xf32, #tpu.memory_space<hbm>>
    %dma_start3A_290 = tpu.memref_squeeze %dma_start3A_289 : memref<1x1x8x128xf32, #tpu.memory_space<hbm>> -> memref<8x128xf32, #tpu.memory_space<hbm>>
    %dma_start3A_291 = arith.constant 24 : i32
    %dma_start3A_292 = arith.constant 0 : i32
    %dma_start3A_293 = tpu.memref_slice %arg9[%dma_start3A_291, %dma_start3A_292] : memref<64x128xf32, #tpu.memory_space<vmem>> -> memref<8x128xf32, #tpu.memory_space<vmem>>
    tpu.enqueue_dma source(%dma_start3A_293 : memref<8x128xf32, #tpu.memory_space<vmem>>) target(%dma_start3A_290 : memref<8x128xf32, #tpu.memory_space<hbm>>) target_semaphore(%arg13 : memref<!tpu.dma_semaphore, #tpu.memory_space<semaphore_mem>>)
    %dma_start3A_294 = arith.constant 12 : i32
    %dma_start3A_295 = arith.constant 32 : i32
    %dma_start3A_296 = arith.constant 0 : i32
    %dma_start3A_297 = tpu.memref_slice %arg9[%dma_start3A_295, %dma_start3A_296] : memref<64x128xf32, #tpu.memory_space<vmem>> -> memref<8x128xf32, #tpu.memory_space<vmem>>
    %dma_start3A_298 = arith.constant 0 : i32
    %dma_start3A_299 = arith.constant 0 : i32
    %dma_start3A_300 = tpu.memref_slice %arg4[%dma_start3A_294, %add3A, %dma_start3A_298, %dma_start3A_299] : memref<1600x32x8x128xf32, #tpu.memory_space<hbm>> -> memref<1x1x8x128xf32, #tpu.memory_space<hbm>>
    %dma_start3A_301 = tpu.memref_squeeze %dma_start3A_300 : memref<1x1x8x128xf32, #tpu.memory_space<hbm>> -> memref<8x128xf32, #tpu.memory_space<hbm>>
    %dma_start3A_302 = arith.constant 0 : i32
    %dma_start3A_303 = arith.constant 0 : i32
    %dma_start3A_304 = tpu.memref_slice %arg4[%dma_start3A_294, %add3A, %dma_start3A_302, %dma_start3A_303] : memref<1600x32x8x128xf32, #tpu.memory_space<hbm>> -> memref<1x1x8x128xf32, #tpu.memory_space<hbm>>
    %dma_start3A_305 = tpu.memref_squeeze %dma_start3A_304 : memref<1x1x8x128xf32, #tpu.memory_space<hbm>> -> memref<8x128xf32, #tpu.memory_space<hbm>>
    %dma_start3A_306 = arith.constant 32 : i32
    %dma_start3A_307 = arith.constant 0 : i32
    %dma_start3A_308 = tpu.memref_slice %arg9[%dma_start3A_306, %dma_start3A_307] : memref<64x128xf32, #tpu.memory_space<vmem>> -> memref<8x128xf32, #tpu.memory_space<vmem>>
    tpu.enqueue_dma source(%dma_start3A_308 : memref<8x128xf32, #tpu.memory_space<vmem>>) target(%dma_start3A_305 : memref<8x128xf32, #tpu.memory_space<hbm>>) target_semaphore(%arg13 : memref<!tpu.dma_semaphore, #tpu.memory_space<semaphore_mem>>)
    %dma_start3A_309 = arith.constant 13 : i32
    %dma_start3A_310 = arith.constant 40 : i32
    %dma_start3A_311 = arith.constant 0 : i32
    %dma_start3A_312 = tpu.memref_slice %arg9[%dma_start3A_310, %dma_start3A_311] : memref<64x128xf32, #tpu.memory_space<vmem>> -> memref<8x128xf32, #tpu.memory_space<vmem>>
    %dma_start3A_313 = arith.constant 0 : i32
    %dma_start3A_314 = arith.constant 0 : i32
    %dma_start3A_315 = tpu.memref_slice %arg4[%dma_start3A_309, %add3A, %dma_start3A_313, %dma_start3A_314] : memref<1600x32x8x128xf32, #tpu.memory_space<hbm>> -> memref<1x1x8x128xf32, #tpu.memory_space<hbm>>
    %dma_start3A_316 = tpu.memref_squeeze %dma_start3A_315 : memref<1x1x8x128xf32, #tpu.memory_space<hbm>> -> memref<8x128xf32, #tpu.memory_space<hbm>>
    %dma_start3A_317 = arith.constant 0 : i32
    %dma_start3A_318 = arith.constant 0 : i32
    %dma_start3A_319 = tpu.memref_slice %arg4[%dma_start3A_309, %add3A, %dma_start3A_317, %dma_start3A_318] : memref<1600x32x8x128xf32, #tpu.memory_space<hbm>> -> memref<1x1x8x128xf32, #tpu.memory_space<hbm>>
    %dma_start3A_320 = tpu.memref_squeeze %dma_start3A_319 : memref<1x1x8x128xf32, #tpu.memory_space<hbm>> -> memref<8x128xf32, #tpu.memory_space<hbm>>
    %dma_start3A_321 = arith.constant 40 : i32
    %dma_start3A_322 = arith.constant 0 : i32
    %dma_start3A_323 = tpu.memref_slice %arg9[%dma_start3A_321, %dma_start3A_322] : memref<64x128xf32, #tpu.memory_space<vmem>> -> memref<8x128xf32, #tpu.memory_space<vmem>>
    tpu.enqueue_dma source(%dma_start3A_323 : memref<8x128xf32, #tpu.memory_space<vmem>>) target(%dma_start3A_320 : memref<8x128xf32, #tpu.memory_space<hbm>>) target_semaphore(%arg13 : memref<!tpu.dma_semaphore, #tpu.memory_space<semaphore_mem>>)
    %dma_start3A_324 = arith.constant 14 : i32
    %dma_start3A_325 = arith.constant 48 : i32
    %dma_start3A_326 = arith.constant 0 : i32
    %dma_start3A_327 = tpu.memref_slice %arg9[%dma_start3A_325, %dma_start3A_326] : memref<64x128xf32, #tpu.memory_space<vmem>> -> memref<8x128xf32, #tpu.memory_space<vmem>>
    %dma_start3A_328 = arith.constant 0 : i32
    %dma_start3A_329 = arith.constant 0 : i32
    %dma_start3A_330 = tpu.memref_slice %arg4[%dma_start3A_324, %add3A, %dma_start3A_328, %dma_start3A_329] : memref<1600x32x8x128xf32, #tpu.memory_space<hbm>> -> memref<1x1x8x128xf32, #tpu.memory_space<hbm>>
    %dma_start3A_331 = tpu.memref_squeeze %dma_start3A_330 : memref<1x1x8x128xf32, #tpu.memory_space<hbm>> -> memref<8x128xf32, #tpu.memory_space<hbm>>
    %dma_start3A_332 = arith.constant 0 : i32
    %dma_start3A_333 = arith.constant 0 : i32
    %dma_start3A_334 = tpu.memref_slice %arg4[%dma_start3A_324, %add3A, %dma_start3A_332, %dma_start3A_333] : memref<1600x32x8x128xf32, #tpu.memory_space<hbm>> -> memref<1x1x8x128xf32, #tpu.memory_space<hbm>>
    %dma_start3A_335 = tpu.memref_squeeze %dma_start3A_334 : memref<1x1x8x128xf32, #tpu.memory_space<hbm>> -> memref<8x128xf32, #tpu.memory_space<hbm>>
    %dma_start3A_336 = arith.constant 48 : i32
    %dma_start3A_337 = arith.constant 0 : i32
    %dma_start3A_338 = tpu.memref_slice %arg9[%dma_start3A_336, %dma_start3A_337] : memref<64x128xf32, #tpu.memory_space<vmem>> -> memref<8x128xf32, #tpu.memory_space<vmem>>
    tpu.enqueue_dma source(%dma_start3A_338 : memref<8x128xf32, #tpu.memory_space<vmem>>) target(%dma_start3A_335 : memref<8x128xf32, #tpu.memory_space<hbm>>) target_semaphore(%arg13 : memref<!tpu.dma_semaphore, #tpu.memory_space<semaphore_mem>>)
    %dma_start3A_339 = arith.constant 15 : i32
    %dma_start3A_340 = arith.constant 56 : i32
    %dma_start3A_341 = arith.constant 0 : i32
    %dma_start3A_342 = tpu.memref_slice %arg9[%dma_start3A_340, %dma_start3A_341] : memref<64x128xf32, #tpu.memory_space<vmem>> -> memref<8x128xf32, #tpu.memory_space<vmem>>
    %dma_start3A_343 = arith.constant 0 : i32
    %dma_start3A_344 = arith.constant 0 : i32
    %dma_start3A_345 = tpu.memref_slice %arg4[%dma_start3A_339, %add3A, %dma_start3A_343, %dma_start3A_344] : memref<1600x32x8x128xf32, #tpu.memory_space<hbm>> -> memref<1x1x8x128xf32, #tpu.memory_space<hbm>>
    %dma_start3A_346 = tpu.memref_squeeze %dma_start3A_345 : memref<1x1x8x128xf32, #tpu.memory_space<hbm>> -> memref<8x128xf32, #tpu.memory_space<hbm>>
    %dma_start3A_347 = arith.constant 0 : i32
    %dma_start3A_348 = arith.constant 0 : i32
    %dma_start3A_349 = tpu.memref_slice %arg4[%dma_start3A_339, %add3A, %dma_start3A_347, %dma_start3A_348] : memref<1600x32x8x128xf32, #tpu.memory_space<hbm>> -> memref<1x1x8x128xf32, #tpu.memory_space<hbm>>
    %dma_start3A_350 = tpu.memref_squeeze %dma_start3A_349 : memref<1x1x8x128xf32, #tpu.memory_space<hbm>> -> memref<8x128xf32, #tpu.memory_space<hbm>>
    %dma_start3A_351 = arith.constant 56 : i32
    %dma_start3A_352 = arith.constant 0 : i32
    %dma_start3A_353 = tpu.memref_slice %arg9[%dma_start3A_351, %dma_start3A_352] : memref<64x128xf32, #tpu.memory_space<vmem>> -> memref<8x128xf32, #tpu.memory_space<vmem>>
    tpu.enqueue_dma source(%dma_start3A_353 : memref<8x128xf32, #tpu.memory_space<vmem>>) target(%dma_start3A_350 : memref<8x128xf32, #tpu.memory_space<hbm>>) target_semaphore(%arg13 : memref<!tpu.dma_semaphore, #tpu.memory_space<semaphore_mem>>)
    %scan3A = arith.constant 0 : i32
    %scan3A_354 = arith.constant 0 : i32
    %scan3A_355 = arith.constant 100 : i32
    %scan3A_356 = arith.addi %scan3A_354, %scan3A_355 : i32
    %scan3A_357 = arith.constant 1 : i32
    scf.for %scan3A_610 = %scan3A_354 to %scan3A_356 step %scan3A_357  : i32 {
      %mul3A_611 = arith.constant 2 : i32
      %mul3A_612 = arith.muli %mul3A_611, %scan3A_610 : i32
      %dma_wait3A_613 = arith.constant 0 : i32
      %dma_wait3A_614 = arith.constant 0 : i32
      %dma_wait3A_615 = tpu.memref_slice %arg2[%dma_wait3A_613, %dma_wait3A_614] : memref<1000000x64xf32, #tpu.memory_space<hbm>> -> memref<128x64xf32, #tpu.memory_space<hbm>>
      %dma_wait3A_616 = arith.constant 0 : i32
      %dma_wait3A_617 = arith.constant 0 : i32
      %dma_wait3A_618 = tpu.memref_slice %arg2[%dma_wait3A_616, %dma_wait3A_617] : memref<1000000x64xf32, #tpu.memory_space<hbm>> -> memref<128x64xf32, #tpu.memory_space<hbm>>
      tpu.wait_dma2 semaphore(%arg10 : memref<!tpu.dma_semaphore, #tpu.memory_space<semaphore_mem>>) src(%dma_wait3A_618 : memref<128x64xf32, #tpu.memory_space<hbm>>) dst(%arg6 : memref<128x64xf32, #tpu.memory_space<vmem>>)
      %dma_wait3A_619 = arith.constant 0 : i32
      %dma_wait3A_620 = arith.constant 0 : i32
      %dma_wait3A_621 = arith.constant 0 : i32
      %dma_wait3A_622 = tpu.memref_slice %arg8[%dma_wait3A_620, %dma_wait3A_621] : memref<64x128xf32, #tpu.memory_space<vmem>> -> memref<8x128xf32, #tpu.memory_space<vmem>>
      %dma_wait3A_623 = arith.constant 0 : i32
      %dma_wait3A_624 = arith.constant 0 : i32
      %dma_wait3A_625 = tpu.memref_slice %arg4[%dma_wait3A_619, %add3A, %dma_wait3A_623, %dma_wait3A_624] : memref<1600x32x8x128xf32, #tpu.memory_space<hbm>> -> memref<1x1x8x128xf32, #tpu.memory_space<hbm>>
      %dma_wait3A_626 = tpu.memref_squeeze %dma_wait3A_625 : memref<1x1x8x128xf32, #tpu.memory_space<hbm>> -> memref<8x128xf32, #tpu.memory_space<hbm>>
      %dma_wait3A_627 = arith.constant 0 : i32
      %dma_wait3A_628 = arith.constant 0 : i32
      %dma_wait3A_629 = tpu.memref_slice %arg4[%dma_wait3A_619, %add3A, %dma_wait3A_627, %dma_wait3A_628] : memref<1600x32x8x128xf32, #tpu.memory_space<hbm>> -> memref<1x1x8x128xf32, #tpu.memory_space<hbm>>
      %dma_wait3A_630 = tpu.memref_squeeze %dma_wait3A_629 : memref<1x1x8x128xf32, #tpu.memory_space<hbm>> -> memref<8x128xf32, #tpu.memory_space<hbm>>
      %dma_wait3A_631 = arith.constant 0 : i32
      %dma_wait3A_632 = arith.constant 0 : i32
      %dma_wait3A_633 = tpu.memref_slice %arg8[%dma_wait3A_631, %dma_wait3A_632] : memref<64x128xf32, #tpu.memory_space<vmem>> -> memref<8x128xf32, #tpu.memory_space<vmem>>
      tpu.wait_dma2 semaphore(%arg12 : memref<!tpu.dma_semaphore, #tpu.memory_space<semaphore_mem>>) src(%dma_wait3A_633 : memref<8x128xf32, #tpu.memory_space<vmem>>) dst(%dma_wait3A_630 : memref<8x128xf32, #tpu.memory_space<hbm>>)
      %dma_wait3A_634 = arith.constant 1 : i32
      %dma_wait3A_635 = arith.constant 8 : i32
      %dma_wait3A_636 = arith.constant 0 : i32
      %dma_wait3A_637 = tpu.memref_slice %arg8[%dma_wait3A_635, %dma_wait3A_636] : memref<64x128xf32, #tpu.memory_space<vmem>> -> memref<8x128xf32, #tpu.memory_space<vmem>>
      %dma_wait3A_638 = arith.constant 0 : i32
      %dma_wait3A_639 = arith.constant 0 : i32
      %dma_wait3A_640 = tpu.memref_slice %arg4[%dma_wait3A_634, %add3A, %dma_wait3A_638, %dma_wait3A_639] : memref<1600x32x8x128xf32, #tpu.memory_space<hbm>> -> memref<1x1x8x128xf32, #tpu.memory_space<hbm>>
      %dma_wait3A_641 = tpu.memref_squeeze %dma_wait3A_640 : memref<1x1x8x128xf32, #tpu.memory_space<hbm>> -> memref<8x128xf32, #tpu.memory_space<hbm>>
      %dma_wait3A_642 = arith.constant 0 : i32
      %dma_wait3A_643 = arith.constant 0 : i32
      %dma_wait3A_644 = tpu.memref_slice %arg4[%dma_wait3A_634, %add3A, %dma_wait3A_642, %dma_wait3A_643] : memref<1600x32x8x128xf32, #tpu.memory_space<hbm>> -> memref<1x1x8x128xf32, #tpu.memory_space<hbm>>
      %dma_wait3A_645 = tpu.memref_squeeze %dma_wait3A_644 : memref<1x1x8x128xf32, #tpu.memory_space<hbm>> -> memref<8x128xf32, #tpu.memory_space<hbm>>
      %dma_wait3A_646 = arith.constant 8 : i32
      %dma_wait3A_647 = arith.constant 0 : i32
      %dma_wait3A_648 = tpu.memref_slice %arg8[%dma_wait3A_646, %dma_wait3A_647] : memref<64x128xf32, #tpu.memory_space<vmem>> -> memref<8x128xf32, #tpu.memory_space<vmem>>
      tpu.wait_dma2 semaphore(%arg12 : memref<!tpu.dma_semaphore, #tpu.memory_space<semaphore_mem>>) src(%dma_wait3A_648 : memref<8x128xf32, #tpu.memory_space<vmem>>) dst(%dma_wait3A_645 : memref<8x128xf32, #tpu.memory_space<hbm>>)
      %dma_wait3A_649 = arith.constant 2 : i32
      %dma_wait3A_650 = arith.constant 16 : i32
      %dma_wait3A_651 = arith.constant 0 : i32
      %dma_wait3A_652 = tpu.memref_slice %arg8[%dma_wait3A_650, %dma_wait3A_651] : memref<64x128xf32, #tpu.memory_space<vmem>> -> memref<8x128xf32, #tpu.memory_space<vmem>>
      %dma_wait3A_653 = arith.constant 0 : i32
      %dma_wait3A_654 = arith.constant 0 : i32
      %dma_wait3A_655 = tpu.memref_slice %arg4[%dma_wait3A_649, %add3A, %dma_wait3A_653, %dma_wait3A_654] : memref<1600x32x8x128xf32, #tpu.memory_space<hbm>> -> memref<1x1x8x128xf32, #tpu.memory_space<hbm>>
      %dma_wait3A_656 = tpu.memref_squeeze %dma_wait3A_655 : memref<1x1x8x128xf32, #tpu.memory_space<hbm>> -> memref<8x128xf32, #tpu.memory_space<hbm>>
      %dma_wait3A_657 = arith.constant 0 : i32
      %dma_wait3A_658 = arith.constant 0 : i32
      %dma_wait3A_659 = tpu.memref_slice %arg4[%dma_wait3A_649, %add3A, %dma_wait3A_657, %dma_wait3A_658] : memref<1600x32x8x128xf32, #tpu.memory_space<hbm>> -> memref<1x1x8x128xf32, #tpu.memory_space<hbm>>
      %dma_wait3A_660 = tpu.memref_squeeze %dma_wait3A_659 : memref<1x1x8x128xf32, #tpu.memory_space<hbm>> -> memref<8x128xf32, #tpu.memory_space<hbm>>
      %dma_wait3A_661 = arith.constant 16 : i32
      %dma_wait3A_662 = arith.constant 0 : i32
      %dma_wait3A_663 = tpu.memref_slice %arg8[%dma_wait3A_661, %dma_wait3A_662] : memref<64x128xf32, #tpu.memory_space<vmem>> -> memref<8x128xf32, #tpu.memory_space<vmem>>
      tpu.wait_dma2 semaphore(%arg12 : memref<!tpu.dma_semaphore, #tpu.memory_space<semaphore_mem>>) src(%dma_wait3A_663 : memref<8x128xf32, #tpu.memory_space<vmem>>) dst(%dma_wait3A_660 : memref<8x128xf32, #tpu.memory_space<hbm>>)
      %dma_wait3A_664 = arith.constant 3 : i32
      %dma_wait3A_665 = arith.constant 24 : i32
      %dma_wait3A_666 = arith.constant 0 : i32
      %dma_wait3A_667 = tpu.memref_slice %arg8[%dma_wait3A_665, %dma_wait3A_666] : memref<64x128xf32, #tpu.memory_space<vmem>> -> memref<8x128xf32, #tpu.memory_space<vmem>>
      %dma_wait3A_668 = arith.constant 0 : i32
      %dma_wait3A_669 = arith.constant 0 : i32
      %dma_wait3A_670 = tpu.memref_slice %arg4[%dma_wait3A_664, %add3A, %dma_wait3A_668, %dma_wait3A_669] : memref<1600x32x8x128xf32, #tpu.memory_space<hbm>> -> memref<1x1x8x128xf32, #tpu.memory_space<hbm>>
      %dma_wait3A_671 = tpu.memref_squeeze %dma_wait3A_670 : memref<1x1x8x128xf32, #tpu.memory_space<hbm>> -> memref<8x128xf32, #tpu.memory_space<hbm>>
      %dma_wait3A_672 = arith.constant 0 : i32
      %dma_wait3A_673 = arith.constant 0 : i32
      %dma_wait3A_674 = tpu.memref_slice %arg4[%dma_wait3A_664, %add3A, %dma_wait3A_672, %dma_wait3A_673] : memref<1600x32x8x128xf32, #tpu.memory_space<hbm>> -> memref<1x1x8x128xf32, #tpu.memory_space<hbm>>
      %dma_wait3A_675 = tpu.memref_squeeze %dma_wait3A_674 : memref<1x1x8x128xf32, #tpu.memory_space<hbm>> -> memref<8x128xf32, #tpu.memory_space<hbm>>
      %dma_wait3A_676 = arith.constant 24 : i32
      %dma_wait3A_677 = arith.constant 0 : i32
      %dma_wait3A_678 = tpu.memref_slice %arg8[%dma_wait3A_676, %dma_wait3A_677] : memref<64x128xf32, #tpu.memory_space<vmem>> -> memref<8x128xf32, #tpu.memory_space<vmem>>
      tpu.wait_dma2 semaphore(%arg12 : memref<!tpu.dma_semaphore, #tpu.memory_space<semaphore_mem>>) src(%dma_wait3A_678 : memref<8x128xf32, #tpu.memory_space<vmem>>) dst(%dma_wait3A_675 : memref<8x128xf32, #tpu.memory_space<hbm>>)
      %dma_wait3A_679 = arith.constant 4 : i32
      %dma_wait3A_680 = arith.constant 32 : i32
      %dma_wait3A_681 = arith.constant 0 : i32
      %dma_wait3A_682 = tpu.memref_slice %arg8[%dma_wait3A_680, %dma_wait3A_681] : memref<64x128xf32, #tpu.memory_space<vmem>> -> memref<8x128xf32, #tpu.memory_space<vmem>>
      %dma_wait3A_683 = arith.constant 0 : i32
      %dma_wait3A_684 = arith.constant 0 : i32
      %dma_wait3A_685 = tpu.memref_slice %arg4[%dma_wait3A_679, %add3A, %dma_wait3A_683, %dma_wait3A_684] : memref<1600x32x8x128xf32, #tpu.memory_space<hbm>> -> memref<1x1x8x128xf32, #tpu.memory_space<hbm>>
      %dma_wait3A_686 = tpu.memref_squeeze %dma_wait3A_685 : memref<1x1x8x128xf32, #tpu.memory_space<hbm>> -> memref<8x128xf32, #tpu.memory_space<hbm>>
      %dma_wait3A_687 = arith.constant 0 : i32
      %dma_wait3A_688 = arith.constant 0 : i32
      %dma_wait3A_689 = tpu.memref_slice %arg4[%dma_wait3A_679, %add3A, %dma_wait3A_687, %dma_wait3A_688] : memref<1600x32x8x128xf32, #tpu.memory_space<hbm>> -> memref<1x1x8x128xf32, #tpu.memory_space<hbm>>
      %dma_wait3A_690 = tpu.memref_squeeze %dma_wait3A_689 : memref<1x1x8x128xf32, #tpu.memory_space<hbm>> -> memref<8x128xf32, #tpu.memory_space<hbm>>
      %dma_wait3A_691 = arith.constant 32 : i32
      %dma_wait3A_692 = arith.constant 0 : i32
      %dma_wait3A_693 = tpu.memref_slice %arg8[%dma_wait3A_691, %dma_wait3A_692] : memref<64x128xf32, #tpu.memory_space<vmem>> -> memref<8x128xf32, #tpu.memory_space<vmem>>
      tpu.wait_dma2 semaphore(%arg12 : memref<!tpu.dma_semaphore, #tpu.memory_space<semaphore_mem>>) src(%dma_wait3A_693 : memref<8x128xf32, #tpu.memory_space<vmem>>) dst(%dma_wait3A_690 : memref<8x128xf32, #tpu.memory_space<hbm>>)
      %dma_wait3A_694 = arith.constant 5 : i32
      %dma_wait3A_695 = arith.constant 40 : i32
      %dma_wait3A_696 = arith.constant 0 : i32
      %dma_wait3A_697 = tpu.memref_slice %arg8[%dma_wait3A_695, %dma_wait3A_696] : memref<64x128xf32, #tpu.memory_space<vmem>> -> memref<8x128xf32, #tpu.memory_space<vmem>>
      %dma_wait3A_698 = arith.constant 0 : i32
      %dma_wait3A_699 = arith.constant 0 : i32
      %dma_wait3A_700 = tpu.memref_slice %arg4[%dma_wait3A_694, %add3A, %dma_wait3A_698, %dma_wait3A_699] : memref<1600x32x8x128xf32, #tpu.memory_space<hbm>> -> memref<1x1x8x128xf32, #tpu.memory_space<hbm>>
      %dma_wait3A_701 = tpu.memref_squeeze %dma_wait3A_700 : memref<1x1x8x128xf32, #tpu.memory_space<hbm>> -> memref<8x128xf32, #tpu.memory_space<hbm>>
      %dma_wait3A_702 = arith.constant 0 : i32
      %dma_wait3A_703 = arith.constant 0 : i32
      %dma_wait3A_704 = tpu.memref_slice %arg4[%dma_wait3A_694, %add3A, %dma_wait3A_702, %dma_wait3A_703] : memref<1600x32x8x128xf32, #tpu.memory_space<hbm>> -> memref<1x1x8x128xf32, #tpu.memory_space<hbm>>
      %dma_wait3A_705 = tpu.memref_squeeze %dma_wait3A_704 : memref<1x1x8x128xf32, #tpu.memory_space<hbm>> -> memref<8x128xf32, #tpu.memory_space<hbm>>
      %dma_wait3A_706 = arith.constant 40 : i32
      %dma_wait3A_707 = arith.constant 0 : i32
      %dma_wait3A_708 = tpu.memref_slice %arg8[%dma_wait3A_706, %dma_wait3A_707] : memref<64x128xf32, #tpu.memory_space<vmem>> -> memref<8x128xf32, #tpu.memory_space<vmem>>
      tpu.wait_dma2 semaphore(%arg12 : memref<!tpu.dma_semaphore, #tpu.memory_space<semaphore_mem>>) src(%dma_wait3A_708 : memref<8x128xf32, #tpu.memory_space<vmem>>) dst(%dma_wait3A_705 : memref<8x128xf32, #tpu.memory_space<hbm>>)
      %dma_wait3A_709 = arith.constant 6 : i32
      %dma_wait3A_710 = arith.constant 48 : i32
      %dma_wait3A_711 = arith.constant 0 : i32
      %dma_wait3A_712 = tpu.memref_slice %arg8[%dma_wait3A_710, %dma_wait3A_711] : memref<64x128xf32, #tpu.memory_space<vmem>> -> memref<8x128xf32, #tpu.memory_space<vmem>>
      %dma_wait3A_713 = arith.constant 0 : i32
      %dma_wait3A_714 = arith.constant 0 : i32
      %dma_wait3A_715 = tpu.memref_slice %arg4[%dma_wait3A_709, %add3A, %dma_wait3A_713, %dma_wait3A_714] : memref<1600x32x8x128xf32, #tpu.memory_space<hbm>> -> memref<1x1x8x128xf32, #tpu.memory_space<hbm>>
      %dma_wait3A_716 = tpu.memref_squeeze %dma_wait3A_715 : memref<1x1x8x128xf32, #tpu.memory_space<hbm>> -> memref<8x128xf32, #tpu.memory_space<hbm>>
      %dma_wait3A_717 = arith.constant 0 : i32
      %dma_wait3A_718 = arith.constant 0 : i32
      %dma_wait3A_719 = tpu.memref_slice %arg4[%dma_wait3A_709, %add3A, %dma_wait3A_717, %dma_wait3A_718] : memref<1600x32x8x128xf32, #tpu.memory_space<hbm>> -> memref<1x1x8x128xf32, #tpu.memory_space<hbm>>
      %dma_wait3A_720 = tpu.memref_squeeze %dma_wait3A_719 : memref<1x1x8x128xf32, #tpu.memory_space<hbm>> -> memref<8x128xf32, #tpu.memory_space<hbm>>
      %dma_wait3A_721 = arith.constant 48 : i32
      %dma_wait3A_722 = arith.constant 0 : i32
      %dma_wait3A_723 = tpu.memref_slice %arg8[%dma_wait3A_721, %dma_wait3A_722] : memref<64x128xf32, #tpu.memory_space<vmem>> -> memref<8x128xf32, #tpu.memory_space<vmem>>
      tpu.wait_dma2 semaphore(%arg12 : memref<!tpu.dma_semaphore, #tpu.memory_space<semaphore_mem>>) src(%dma_wait3A_723 : memref<8x128xf32, #tpu.memory_space<vmem>>) dst(%dma_wait3A_720 : memref<8x128xf32, #tpu.memory_space<hbm>>)
      %dma_wait3A_724 = arith.constant 7 : i32
      %dma_wait3A_725 = arith.constant 56 : i32
      %dma_wait3A_726 = arith.constant 0 : i32
      %dma_wait3A_727 = tpu.memref_slice %arg8[%dma_wait3A_725, %dma_wait3A_726] : memref<64x128xf32, #tpu.memory_space<vmem>> -> memref<8x128xf32, #tpu.memory_space<vmem>>
      %dma_wait3A_728 = arith.constant 0 : i32
      %dma_wait3A_729 = arith.constant 0 : i32
      %dma_wait3A_730 = tpu.memref_slice %arg4[%dma_wait3A_724, %add3A, %dma_wait3A_728, %dma_wait3A_729] : memref<1600x32x8x128xf32, #tpu.memory_space<hbm>> -> memref<1x1x8x128xf32, #tpu.memory_space<hbm>>
      %dma_wait3A_731 = tpu.memref_squeeze %dma_wait3A_730 : memref<1x1x8x128xf32, #tpu.memory_space<hbm>> -> memref<8x128xf32, #tpu.memory_space<hbm>>
      %dma_wait3A_732 = arith.constant 0 : i32
      %dma_wait3A_733 = arith.constant 0 : i32
      %dma_wait3A_734 = tpu.memref_slice %arg4[%dma_wait3A_724, %add3A, %dma_wait3A_732, %dma_wait3A_733] : memref<1600x32x8x128xf32, #tpu.memory_space<hbm>> -> memref<1x1x8x128xf32, #tpu.memory_space<hbm>>
      %dma_wait3A_735 = tpu.memref_squeeze %dma_wait3A_734 : memref<1x1x8x128xf32, #tpu.memory_space<hbm>> -> memref<8x128xf32, #tpu.memory_space<hbm>>
      %dma_wait3A_736 = arith.constant 56 : i32
      %dma_wait3A_737 = arith.constant 0 : i32
      %dma_wait3A_738 = tpu.memref_slice %arg8[%dma_wait3A_736, %dma_wait3A_737] : memref<64x128xf32, #tpu.memory_space<vmem>> -> memref<8x128xf32, #tpu.memory_space<vmem>>
      tpu.wait_dma2 semaphore(%arg12 : memref<!tpu.dma_semaphore, #tpu.memory_space<semaphore_mem>>) src(%dma_wait3A_738 : memref<8x128xf32, #tpu.memory_space<vmem>>) dst(%dma_wait3A_735 : memref<8x128xf32, #tpu.memory_space<hbm>>)
      %scan3A_739 = arith.constant 0 : i32
      %scan3A_740 = arith.constant 0 : i32
      %scan3A_741 = arith.constant 16 : i32
      %scan3A_742 = arith.addi %scan3A_740, %scan3A_741 : i32
      %scan3A_743 = arith.constant 1 : i32
      scf.for %scan3A_1234 = %scan3A_740 to %scan3A_742 step %scan3A_743  : i32 {
        %mul3A_1235 = arith.constant 4 : i32
        %mul3A_1236 = arith.muli %scan3A_1234, %mul3A_1235 : i32
        %shift_right_arithmetic3A = arith.constant 4 : i32
        %shift_right_arithmetic3A_1237 = arith.shrsi %mul3A_1236, %shift_right_arithmetic3A : i32
        %shift_left3A = arith.constant 4 : i32
        %shift_left3A_1238 = arith.shli %shift_right_arithmetic3A_1237, %shift_left3A : i32
        %and3A_1239 = arith.constant 15 : i32
        %and3A_1240 = arith.andi %mul3A_1236, %and3A_1239 : i32
        %add3A_1241 = vector.broadcast %and3A_1240 : i32 to vector<16xi32>
        %add3A_1242 = arith.addi %iota3A, %add3A_1241 : vector<16xi32>
        %add3A_1243 = arith.constant 0 : i32
        %add3A_1244 = vector.broadcast %add3A_1243 : i32 to vector<16xi32>
        %add3A_1245 = arith.addi %add3A_1242, %add3A_1244 : vector<16xi32>
        %and3A_1246 = arith.constant 15 : i32
        %and3A_1247 = vector.broadcast %and3A_1246 : i32 to vector<16xi32>
        %and3A_1248 = arith.andi %add3A_1245, %and3A_1247 : vector<16xi32>
        %add3A_1249 = vector.broadcast %shift_left3A_1238 : i32 to vector<16xi32>
        %add3A_1250 = arith.addi %and3A_1248, %add3A_1249 : vector<16xi32>
        %add3A_1251 = vector.broadcast %and3A_1240 : i32 to vector<16xi32>
        %add3A_1252 = arith.addi %iota3A, %add3A_1251 : vector<16xi32>
        %add3A_1253 = arith.constant 1 : i32
        %add3A_1254 = vector.broadcast %add3A_1253 : i32 to vector<16xi32>
        %add3A_1255 = arith.addi %add3A_1252, %add3A_1254 : vector<16xi32>
        %and3A_1256 = arith.constant 15 : i32
        %and3A_1257 = vector.broadcast %and3A_1256 : i32 to vector<16xi32>
        %and3A_1258 = arith.andi %add3A_1255, %and3A_1257 : vector<16xi32>
        %add3A_1259 = vector.broadcast %shift_left3A_1238 : i32 to vector<16xi32>
        %add3A_1260 = arith.addi %and3A_1258, %add3A_1259 : vector<16xi32>
        %add3A_1261 = vector.broadcast %and3A_1240 : i32 to vector<16xi32>
        %add3A_1262 = arith.addi %iota3A, %add3A_1261 : vector<16xi32>
        %add3A_1263 = arith.constant 2 : i32
        %add3A_1264 = vector.broadcast %add3A_1263 : i32 to vector<16xi32>
        %add3A_1265 = arith.addi %add3A_1262, %add3A_1264 : vector<16xi32>
        %and3A_1266 = arith.constant 15 : i32
        %and3A_1267 = vector.broadcast %and3A_1266 : i32 to vector<16xi32>
        %and3A_1268 = arith.andi %add3A_1265, %and3A_1267 : vector<16xi32>
        %add3A_1269 = vector.broadcast %shift_left3A_1238 : i32 to vector<16xi32>
        %add3A_1270 = arith.addi %and3A_1268, %add3A_1269 : vector<16xi32>
        %add3A_1271 = vector.broadcast %and3A_1240 : i32 to vector<16xi32>
        %add3A_1272 = arith.addi %iota3A, %add3A_1271 : vector<16xi32>
        %add3A_1273 = arith.constant 3 : i32
        %add3A_1274 = vector.broadcast %add3A_1273 : i32 to vector<16xi32>
        %add3A_1275 = arith.addi %add3A_1272, %add3A_1274 : vector<16xi32>
        %and3A_1276 = arith.constant 15 : i32
        %and3A_1277 = vector.broadcast %and3A_1276 : i32 to vector<16xi32>
        %and3A_1278 = arith.andi %add3A_1275, %and3A_1277 : vector<16xi32>
        %add3A_1279 = vector.broadcast %shift_left3A_1238 : i32 to vector<16xi32>
        %add3A_1280 = arith.addi %and3A_1278, %add3A_1279 : vector<16xi32>
        %gather3A = tpu.vector_load_idx %arg6[%add3A_77, %add3A_1250] : memref<128x64xf32, #tpu.memory_space<vmem>>[vector<16xi32>, vector<16xi32>], vector<16xf32>,
        %gather3A_1281 = tpu.vector_load_idx %arg6[%add3A_80, %add3A_1250] : memref<128x64xf32, #tpu.memory_space<vmem>>[vector<16xi32>, vector<16xi32>], vector<16xf32>,
        %gather3A_1282 = tpu.vector_load_idx %arg6[%add3A_83, %add3A_1250] : memref<128x64xf32, #tpu.memory_space<vmem>>[vector<16xi32>, vector<16xi32>], vector<16xf32>,
        %gather3A_1283 = tpu.vector_load_idx %arg6[%add3A_86, %add3A_1250] : memref<128x64xf32, #tpu.memory_space<vmem>>[vector<16xi32>, vector<16xi32>], vector<16xf32>,
        %gather3A_1284 = tpu.vector_load_idx %arg6[%add3A_89, %add3A_1250] : memref<128x64xf32, #tpu.memory_space<vmem>>[vector<16xi32>, vector<16xi32>], vector<16xf32>,
        %gather3A_1285 = tpu.vector_load_idx %arg6[%add3A_92, %add3A_1250] : memref<128x64xf32, #tpu.memory_space<vmem>>[vector<16xi32>, vector<16xi32>], vector<16xf32>,
        %gather3A_1286 = tpu.vector_load_idx %arg6[%add3A_95, %add3A_1250] : memref<128x64xf32, #tpu.memory_space<vmem>>[vector<16xi32>, vector<16xi32>], vector<16xf32>,
        %gather3A_1287 = tpu.vector_load_idx %arg6[%add3A_98, %add3A_1250] : memref<128x64xf32, #tpu.memory_space<vmem>>[vector<16xi32>, vector<16xi32>], vector<16xf32>,
        %gather3A_1288 = tpu.vector_load_idx %arg6[%add3A_77, %add3A_1260] : memref<128x64xf32, #tpu.memory_space<vmem>>[vector<16xi32>, vector<16xi32>], vector<16xf32>,
        %gather3A_1289 = tpu.vector_load_idx %arg6[%add3A_80, %add3A_1260] : memref<128x64xf32, #tpu.memory_space<vmem>>[vector<16xi32>, vector<16xi32>], vector<16xf32>,
        %gather3A_1290 = tpu.vector_load_idx %arg6[%add3A_83, %add3A_1260] : memref<128x64xf32, #tpu.memory_space<vmem>>[vector<16xi32>, vector<16xi32>], vector<16xf32>,
        %gather3A_1291 = tpu.vector_load_idx %arg6[%add3A_86, %add3A_1260] : memref<128x64xf32, #tpu.memory_space<vmem>>[vector<16xi32>, vector<16xi32>], vector<16xf32>,
        %gather3A_1292 = tpu.vector_load_idx %arg6[%add3A_89, %add3A_1260] : memref<128x64xf32, #tpu.memory_space<vmem>>[vector<16xi32>, vector<16xi32>], vector<16xf32>,
        %gather3A_1293 = tpu.vector_load_idx %arg6[%add3A_92, %add3A_1260] : memref<128x64xf32, #tpu.memory_space<vmem>>[vector<16xi32>, vector<16xi32>], vector<16xf32>,
        %gather3A_1294 = tpu.vector_load_idx %arg6[%add3A_95, %add3A_1260] : memref<128x64xf32, #tpu.memory_space<vmem>>[vector<16xi32>, vector<16xi32>], vector<16xf32>,
        %gather3A_1295 = tpu.vector_load_idx %arg6[%add3A_98, %add3A_1260] : memref<128x64xf32, #tpu.memory_space<vmem>>[vector<16xi32>, vector<16xi32>], vector<16xf32>,
        %gather3A_1296 = tpu.vector_load_idx %arg6[%add3A_77, %add3A_1270] : memref<128x64xf32, #tpu.memory_space<vmem>>[vector<16xi32>, vector<16xi32>], vector<16xf32>,
        %gather3A_1297 = tpu.vector_load_idx %arg6[%add3A_80, %add3A_1270] : memref<128x64xf32, #tpu.memory_space<vmem>>[vector<16xi32>, vector<16xi32>], vector<16xf32>,
        %gather3A_1298 = tpu.vector_load_idx %arg6[%add3A_83, %add3A_1270] : memref<128x64xf32, #tpu.memory_space<vmem>>[vector<16xi32>, vector<16xi32>], vector<16xf32>,
        %gather3A_1299 = tpu.vector_load_idx %arg6[%add3A_86, %add3A_1270] : memref<128x64xf32, #tpu.memory_space<vmem>>[vector<16xi32>, vector<16xi32>], vector<16xf32>,
        %gather3A_1300 = tpu.vector_load_idx %arg6[%add3A_89, %add3A_1270] : memref<128x64xf32, #tpu.memory_space<vmem>>[vector<16xi32>, vector<16xi32>], vector<16xf32>,
        %gather3A_1301 = tpu.vector_load_idx %arg6[%add3A_92, %add3A_1270] : memref<128x64xf32, #tpu.memory_space<vmem>>[vector<16xi32>, vector<16xi32>], vector<16xf32>,
        %gather3A_1302 = tpu.vector_load_idx %arg6[%add3A_95, %add3A_1270] : memref<128x64xf32, #tpu.memory_space<vmem>>[vector<16xi32>, vector<16xi32>], vector<16xf32>,
        %gather3A_1303 = tpu.vector_load_idx %arg6[%add3A_98, %add3A_1270] : memref<128x64xf32, #tpu.memory_space<vmem>>[vector<16xi32>, vector<16xi32>], vector<16xf32>,
        %gather3A_1304 = tpu.vector_load_idx %arg6[%add3A_77, %add3A_1280] : memref<128x64xf32, #tpu.memory_space<vmem>>[vector<16xi32>, vector<16xi32>], vector<16xf32>,
        %gather3A_1305 = tpu.vector_load_idx %arg6[%add3A_80, %add3A_1280] : memref<128x64xf32, #tpu.memory_space<vmem>>[vector<16xi32>, vector<16xi32>], vector<16xf32>,
        %gather3A_1306 = tpu.vector_load_idx %arg6[%add3A_83, %add3A_1280] : memref<128x64xf32, #tpu.memory_space<vmem>>[vector<16xi32>, vector<16xi32>], vector<16xf32>,
        %gather3A_1307 = tpu.vector_load_idx %arg6[%add3A_86, %add3A_1280] : memref<128x64xf32, #tpu.memory_space<vmem>>[vector<16xi32>, vector<16xi32>], vector<16xf32>,
        %gather3A_1308 = tpu.vector_load_idx %arg6[%add3A_89, %add3A_1280] : memref<128x64xf32, #tpu.memory_space<vmem>>[vector<16xi32>, vector<16xi32>], vector<16xf32>,
        %gather3A_1309 = tpu.vector_load_idx %arg6[%add3A_92, %add3A_1280] : memref<128x64xf32, #tpu.memory_space<vmem>>[vector<16xi32>, vector<16xi32>], vector<16xf32>,
        %gather3A_1310 = tpu.vector_load_idx %arg6[%add3A_95, %add3A_1280] : memref<128x64xf32, #tpu.memory_space<vmem>>[vector<16xi32>, vector<16xi32>], vector<16xf32>,
        %gather3A_1311 = tpu.vector_load_idx %arg6[%add3A_98, %add3A_1280] : memref<128x64xf32, #tpu.memory_space<vmem>>[vector<16xi32>, vector<16xi32>], vector<16xf32>,
        tpu.vector_store_idx %arg8[%add3A_1250, %add3A_77], %gather3A : memref<64x128xf32, #tpu.memory_space<vmem>>[vector<16xi32>, vector<16xi32>], vector<16xf32>,
        tpu.vector_store_idx %arg8[%add3A_1250, %add3A_80], %gather3A_1281 : memref<64x128xf32, #tpu.memory_space<vmem>>[vector<16xi32>, vector<16xi32>], vector<16xf32>,
        tpu.vector_store_idx %arg8[%add3A_1250, %add3A_83], %gather3A_1282 : memref<64x128xf32, #tpu.memory_space<vmem>>[vector<16xi32>, vector<16xi32>], vector<16xf32>,
        tpu.vector_store_idx %arg8[%add3A_1250, %add3A_86], %gather3A_1283 : memref<64x128xf32, #tpu.memory_space<vmem>>[vector<16xi32>, vector<16xi32>], vector<16xf32>,
        tpu.vector_store_idx %arg8[%add3A_1250, %add3A_89], %gather3A_1284 : memref<64x128xf32, #tpu.memory_space<vmem>>[vector<16xi32>, vector<16xi32>], vector<16xf32>,
        tpu.vector_store_idx %arg8[%add3A_1250, %add3A_92], %gather3A_1285 : memref<64x128xf32, #tpu.memory_space<vmem>>[vector<16xi32>, vector<16xi32>], vector<16xf32>,
        tpu.vector_store_idx %arg8[%add3A_1250, %add3A_95], %gather3A_1286 : memref<64x128xf32, #tpu.memory_space<vmem>>[vector<16xi32>, vector<16xi32>], vector<16xf32>,
        tpu.vector_store_idx %arg8[%add3A_1250, %add3A_98], %gather3A_1287 : memref<64x128xf32, #tpu.memory_space<vmem>>[vector<16xi32>, vector<16xi32>], vector<16xf32>,
        tpu.vector_store_idx %arg8[%add3A_1260, %add3A_77], %gather3A_1288 : memref<64x128xf32, #tpu.memory_space<vmem>>[vector<16xi32>, vector<16xi32>], vector<16xf32>,
        tpu.vector_store_idx %arg8[%add3A_1260, %add3A_80], %gather3A_1289 : memref<64x128xf32, #tpu.memory_space<vmem>>[vector<16xi32>, vector<16xi32>], vector<16xf32>,
        tpu.vector_store_idx %arg8[%add3A_1260, %add3A_83], %gather3A_1290 : memref<64x128xf32, #tpu.memory_space<vmem>>[vector<16xi32>, vector<16xi32>], vector<16xf32>,
        tpu.vector_store_idx %arg8[%add3A_1260, %add3A_86], %gather3A_1291 : memref<64x128xf32, #tpu.memory_space<vmem>>[vector<16xi32>, vector<16xi32>], vector<16xf32>,
        tpu.vector_store_idx %arg8[%add3A_1260, %add3A_89], %gather3A_1292 : memref<64x128xf32, #tpu.memory_space<vmem>>[vector<16xi32>, vector<16xi32>], vector<16xf32>,
        tpu.vector_store_idx %arg8[%add3A_1260, %add3A_92], %gather3A_1293 : memref<64x128xf32, #tpu.memory_space<vmem>>[vector<16xi32>, vector<16xi32>], vector<16xf32>,
        tpu.vector_store_idx %arg8[%add3A_1260, %add3A_95], %gather3A_1294 : memref<64x128xf32, #tpu.memory_space<vmem>>[vector<16xi32>, vector<16xi32>], vector<16xf32>,
        tpu.vector_store_idx %arg8[%add3A_1260, %add3A_98], %gather3A_1295 : memref<64x128xf32, #tpu.memory_space<vmem>>[vector<16xi32>, vector<16xi32>], vector<16xf32>,
        tpu.vector_store_idx %arg8[%add3A_1270, %add3A_77], %gather3A_1296 : memref<64x128xf32, #tpu.memory_space<vmem>>[vector<16xi32>, vector<16xi32>], vector<16xf32>,
        tpu.vector_store_idx %arg8[%add3A_1270, %add3A_80], %gather3A_1297 : memref<64x128xf32, #tpu.memory_space<vmem>>[vector<16xi32>, vector<16xi32>], vector<16xf32>,
        tpu.vector_store_idx %arg8[%add3A_1270, %add3A_83], %gather3A_1298 : memref<64x128xf32, #tpu.memory_space<vmem>>[vector<16xi32>, vector<16xi32>], vector<16xf32>,
        tpu.vector_store_idx %arg8[%add3A_1270, %add3A_86], %gather3A_1299 : memref<64x128xf32, #tpu.memory_space<vmem>>[vector<16xi32>, vector<16xi32>], vector<16xf32>,
        tpu.vector_store_idx %arg8[%add3A_1270, %add3A_89], %gather3A_1300 : memref<64x128xf32, #tpu.memory_space<vmem>>[vector<16xi32>, vector<16xi32>], vector<16xf32>,
        tpu.vector_store_idx %arg8[%add3A_1270, %add3A_92], %gather3A_1301 : memref<64x128xf32, #tpu.memory_space<vmem>>[vector<16xi32>, vector<16xi32>], vector<16xf32>,
        tpu.vector_store_idx %arg8[%add3A_1270, %add3A_95], %gather3A_1302 : memref<64x128xf32, #tpu.memory_space<vmem>>[vector<16xi32>, vector<16xi32>], vector<16xf32>,
        tpu.vector_store_idx %arg8[%add3A_1270, %add3A_98], %gather3A_1303 : memref<64x128xf32, #tpu.memory_space<vmem>>[vector<16xi32>, vector<16xi32>], vector<16xf32>,
        tpu.vector_store_idx %arg8[%add3A_1280, %add3A_77], %gather3A_1304 : memref<64x128xf32, #tpu.memory_space<vmem>>[vector<16xi32>, vector<16xi32>], vector<16xf32>,
        tpu.vector_store_idx %arg8[%add3A_1280, %add3A_80], %gather3A_1305 : memref<64x128xf32, #tpu.memory_space<vmem>>[vector<16xi32>, vector<16xi32>], vector<16xf32>,
        tpu.vector_store_idx %arg8[%add3A_1280, %add3A_83], %gather3A_1306 : memref<64x128xf32, #tpu.memory_space<vmem>>[vector<16xi32>, vector<16xi32>], vector<16xf32>,
        tpu.vector_store_idx %arg8[%add3A_1280, %add3A_86], %gather3A_1307 : memref<64x128xf32, #tpu.memory_space<vmem>>[vector<16xi32>, vector<16xi32>], vector<16xf32>,
        tpu.vector_store_idx %arg8[%add3A_1280, %add3A_89], %gather3A_1308 : memref<64x128xf32, #tpu.memory_space<vmem>>[vector<16xi32>, vector<16xi32>], vector<16xf32>,
        tpu.vector_store_idx %arg8[%add3A_1280, %add3A_92], %gather3A_1309 : memref<64x128xf32, #tpu.memory_space<vmem>>[vector<16xi32>, vector<16xi32>], vector<16xf32>,
        tpu.vector_store_idx %arg8[%add3A_1280, %add3A_95], %gather3A_1310 : memref<64x128xf32, #tpu.memory_space<vmem>>[vector<16xi32>, vector<16xi32>], vector<16xf32>,
        tpu.vector_store_idx %arg8[%add3A_1280, %add3A_98], %gather3A_1311 : memref<64x128xf32, #tpu.memory_space<vmem>>[vector<16xi32>, vector<16xi32>], vector<16xf32>,
      }
      %scan3A_744 = arith.constant 16 : i32
      %mul3A_745 = arith.constant 8 : i32
      %mul3A_746 = arith.muli %mul3A_612, %mul3A_745 : i32
      %add3A_747 = arith.constant 0 : i32
      %add3A_748 = arith.addi %mul3A_746, %add3A_747 : i32
      %dma_start3A_749 = arith.constant 0 : i32
      %dma_start3A_750 = arith.constant 0 : i32
      %dma_start3A_751 = tpu.memref_slice %arg8[%dma_start3A_749, %dma_start3A_750] : memref<64x128xf32, #tpu.memory_space<vmem>> -> memref<8x128xf32, #tpu.memory_space<vmem>>
      %dma_start3A_752 = arith.constant 0 : i32
      %dma_start3A_753 = arith.constant 0 : i32
      %dma_start3A_754 = tpu.memref_slice %arg4[%add3A_748, %add3A, %dma_start3A_752, %dma_start3A_753] : memref<1600x32x8x128xf32, #tpu.memory_space<hbm>> -> memref<1x1x8x128xf32, #tpu.memory_space<hbm>>
      %dma_start3A_755 = tpu.memref_squeeze %dma_start3A_754 : memref<1x1x8x128xf32, #tpu.memory_space<hbm>> -> memref<8x128xf32, #tpu.memory_space<hbm>>
      %dma_start3A_756 = arith.constant 0 : i32
      %dma_start3A_757 = arith.constant 0 : i32
      %dma_start3A_758 = tpu.memref_slice %arg4[%add3A_748, %add3A, %dma_start3A_756, %dma_start3A_757] : memref<1600x32x8x128xf32, #tpu.memory_space<hbm>> -> memref<1x1x8x128xf32, #tpu.memory_space<hbm>>
      %dma_start3A_759 = tpu.memref_squeeze %dma_start3A_758 : memref<1x1x8x128xf32, #tpu.memory_space<hbm>> -> memref<8x128xf32, #tpu.memory_space<hbm>>
      %dma_start3A_760 = arith.constant 0 : i32
      %dma_start3A_761 = arith.constant 0 : i32
      %dma_start3A_762 = tpu.memref_slice %arg8[%dma_start3A_760, %dma_start3A_761] : memref<64x128xf32, #tpu.memory_space<vmem>> -> memref<8x128xf32, #tpu.memory_space<vmem>>
      tpu.enqueue_dma source(%dma_start3A_762 : memref<8x128xf32, #tpu.memory_space<vmem>>) target(%dma_start3A_759 : memref<8x128xf32, #tpu.memory_space<hbm>>) target_semaphore(%arg12 : memref<!tpu.dma_semaphore, #tpu.memory_space<semaphore_mem>>)
      %mul3A_763 = arith.constant 8 : i32
      %mul3A_764 = arith.muli %mul3A_612, %mul3A_763 : i32
      %add3A_765 = arith.constant 1 : i32
      %add3A_766 = arith.addi %mul3A_764, %add3A_765 : i32
      %dma_start3A_767 = arith.constant 8 : i32
      %dma_start3A_768 = arith.constant 0 : i32
      %dma_start3A_769 = tpu.memref_slice %arg8[%dma_start3A_767, %dma_start3A_768] : memref<64x128xf32, #tpu.memory_space<vmem>> -> memref<8x128xf32, #tpu.memory_space<vmem>>
      %dma_start3A_770 = arith.constant 0 : i32
      %dma_start3A_771 = arith.constant 0 : i32
      %dma_start3A_772 = tpu.memref_slice %arg4[%add3A_766, %add3A, %dma_start3A_770, %dma_start3A_771] : memref<1600x32x8x128xf32, #tpu.memory_space<hbm>> -> memref<1x1x8x128xf32, #tpu.memory_space<hbm>>
      %dma_start3A_773 = tpu.memref_squeeze %dma_start3A_772 : memref<1x1x8x128xf32, #tpu.memory_space<hbm>> -> memref<8x128xf32, #tpu.memory_space<hbm>>
      %dma_start3A_774 = arith.constant 0 : i32
      %dma_start3A_775 = arith.constant 0 : i32
      %dma_start3A_776 = tpu.memref_slice %arg4[%add3A_766, %add3A, %dma_start3A_774, %dma_start3A_775] : memref<1600x32x8x128xf32, #tpu.memory_space<hbm>> -> memref<1x1x8x128xf32, #tpu.memory_space<hbm>>
      %dma_start3A_777 = tpu.memref_squeeze %dma_start3A_776 : memref<1x1x8x128xf32, #tpu.memory_space<hbm>> -> memref<8x128xf32, #tpu.memory_space<hbm>>
      %dma_start3A_778 = arith.constant 8 : i32
      %dma_start3A_779 = arith.constant 0 : i32
      %dma_start3A_780 = tpu.memref_slice %arg8[%dma_start3A_778, %dma_start3A_779] : memref<64x128xf32, #tpu.memory_space<vmem>> -> memref<8x128xf32, #tpu.memory_space<vmem>>
      tpu.enqueue_dma source(%dma_start3A_780 : memref<8x128xf32, #tpu.memory_space<vmem>>) target(%dma_start3A_777 : memref<8x128xf32, #tpu.memory_space<hbm>>) target_semaphore(%arg12 : memref<!tpu.dma_semaphore, #tpu.memory_space<semaphore_mem>>)
      %mul3A_781 = arith.constant 8 : i32
      %mul3A_782 = arith.muli %mul3A_612, %mul3A_781 : i32
      %add3A_783 = arith.constant 2 : i32
      %add3A_784 = arith.addi %mul3A_782, %add3A_783 : i32
      %dma_start3A_785 = arith.constant 16 : i32
      %dma_start3A_786 = arith.constant 0 : i32
      %dma_start3A_787 = tpu.memref_slice %arg8[%dma_start3A_785, %dma_start3A_786] : memref<64x128xf32, #tpu.memory_space<vmem>> -> memref<8x128xf32, #tpu.memory_space<vmem>>
      %dma_start3A_788 = arith.constant 0 : i32
      %dma_start3A_789 = arith.constant 0 : i32
      %dma_start3A_790 = tpu.memref_slice %arg4[%add3A_784, %add3A, %dma_start3A_788, %dma_start3A_789] : memref<1600x32x8x128xf32, #tpu.memory_space<hbm>> -> memref<1x1x8x128xf32, #tpu.memory_space<hbm>>
      %dma_start3A_791 = tpu.memref_squeeze %dma_start3A_790 : memref<1x1x8x128xf32, #tpu.memory_space<hbm>> -> memref<8x128xf32, #tpu.memory_space<hbm>>
      %dma_start3A_792 = arith.constant 0 : i32
      %dma_start3A_793 = arith.constant 0 : i32
      %dma_start3A_794 = tpu.memref_slice %arg4[%add3A_784, %add3A, %dma_start3A_792, %dma_start3A_793] : memref<1600x32x8x128xf32, #tpu.memory_space<hbm>> -> memref<1x1x8x128xf32, #tpu.memory_space<hbm>>
      %dma_start3A_795 = tpu.memref_squeeze %dma_start3A_794 : memref<1x1x8x128xf32, #tpu.memory_space<hbm>> -> memref<8x128xf32, #tpu.memory_space<hbm>>
      %dma_start3A_796 = arith.constant 16 : i32
      %dma_start3A_797 = arith.constant 0 : i32
      %dma_start3A_798 = tpu.memref_slice %arg8[%dma_start3A_796, %dma_start3A_797] : memref<64x128xf32, #tpu.memory_space<vmem>> -> memref<8x128xf32, #tpu.memory_space<vmem>>
      tpu.enqueue_dma source(%dma_start3A_798 : memref<8x128xf32, #tpu.memory_space<vmem>>) target(%dma_start3A_795 : memref<8x128xf32, #tpu.memory_space<hbm>>) target_semaphore(%arg12 : memref<!tpu.dma_semaphore, #tpu.memory_space<semaphore_mem>>)
      %mul3A_799 = arith.constant 8 : i32
      %mul3A_800 = arith.muli %mul3A_612, %mul3A_799 : i32
      %add3A_801 = arith.constant 3 : i32
      %add3A_802 = arith.addi %mul3A_800, %add3A_801 : i32
      %dma_start3A_803 = arith.constant 24 : i32
      %dma_start3A_804 = arith.constant 0 : i32
      %dma_start3A_805 = tpu.memref_slice %arg8[%dma_start3A_803, %dma_start3A_804] : memref<64x128xf32, #tpu.memory_space<vmem>> -> memref<8x128xf32, #tpu.memory_space<vmem>>
      %dma_start3A_806 = arith.constant 0 : i32
      %dma_start3A_807 = arith.constant 0 : i32
      %dma_start3A_808 = tpu.memref_slice %arg4[%add3A_802, %add3A, %dma_start3A_806, %dma_start3A_807] : memref<1600x32x8x128xf32, #tpu.memory_space<hbm>> -> memref<1x1x8x128xf32, #tpu.memory_space<hbm>>
      %dma_start3A_809 = tpu.memref_squeeze %dma_start3A_808 : memref<1x1x8x128xf32, #tpu.memory_space<hbm>> -> memref<8x128xf32, #tpu.memory_space<hbm>>
      %dma_start3A_810 = arith.constant 0 : i32
      %dma_start3A_811 = arith.constant 0 : i32
      %dma_start3A_812 = tpu.memref_slice %arg4[%add3A_802, %add3A, %dma_start3A_810, %dma_start3A_811] : memref<1600x32x8x128xf32, #tpu.memory_space<hbm>> -> memref<1x1x8x128xf32, #tpu.memory_space<hbm>>
      %dma_start3A_813 = tpu.memref_squeeze %dma_start3A_812 : memref<1x1x8x128xf32, #tpu.memory_space<hbm>> -> memref<8x128xf32, #tpu.memory_space<hbm>>
      %dma_start3A_814 = arith.constant 24 : i32
      %dma_start3A_815 = arith.constant 0 : i32
      %dma_start3A_816 = tpu.memref_slice %arg8[%dma_start3A_814, %dma_start3A_815] : memref<64x128xf32, #tpu.memory_space<vmem>> -> memref<8x128xf32, #tpu.memory_space<vmem>>
      tpu.enqueue_dma source(%dma_start3A_816 : memref<8x128xf32, #tpu.memory_space<vmem>>) target(%dma_start3A_813 : memref<8x128xf32, #tpu.memory_space<hbm>>) target_semaphore(%arg12 : memref<!tpu.dma_semaphore, #tpu.memory_space<semaphore_mem>>)
      %mul3A_817 = arith.constant 8 : i32
      %mul3A_818 = arith.muli %mul3A_612, %mul3A_817 : i32
      %add3A_819 = arith.constant 4 : i32
      %add3A_820 = arith.addi %mul3A_818, %add3A_819 : i32
      %dma_start3A_821 = arith.constant 32 : i32
      %dma_start3A_822 = arith.constant 0 : i32
      %dma_start3A_823 = tpu.memref_slice %arg8[%dma_start3A_821, %dma_start3A_822] : memref<64x128xf32, #tpu.memory_space<vmem>> -> memref<8x128xf32, #tpu.memory_space<vmem>>
      %dma_start3A_824 = arith.constant 0 : i32
      %dma_start3A_825 = arith.constant 0 : i32
      %dma_start3A_826 = tpu.memref_slice %arg4[%add3A_820, %add3A, %dma_start3A_824, %dma_start3A_825] : memref<1600x32x8x128xf32, #tpu.memory_space<hbm>> -> memref<1x1x8x128xf32, #tpu.memory_space<hbm>>
      %dma_start3A_827 = tpu.memref_squeeze %dma_start3A_826 : memref<1x1x8x128xf32, #tpu.memory_space<hbm>> -> memref<8x128xf32, #tpu.memory_space<hbm>>
      %dma_start3A_828 = arith.constant 0 : i32
      %dma_start3A_829 = arith.constant 0 : i32
      %dma_start3A_830 = tpu.memref_slice %arg4[%add3A_820, %add3A, %dma_start3A_828, %dma_start3A_829] : memref<1600x32x8x128xf32, #tpu.memory_space<hbm>> -> memref<1x1x8x128xf32, #tpu.memory_space<hbm>>
      %dma_start3A_831 = tpu.memref_squeeze %dma_start3A_830 : memref<1x1x8x128xf32, #tpu.memory_space<hbm>> -> memref<8x128xf32, #tpu.memory_space<hbm>>
      %dma_start3A_832 = arith.constant 32 : i32
      %dma_start3A_833 = arith.constant 0 : i32
      %dma_start3A_834 = tpu.memref_slice %arg8[%dma_start3A_832, %dma_start3A_833] : memref<64x128xf32, #tpu.memory_space<vmem>> -> memref<8x128xf32, #tpu.memory_space<vmem>>
      tpu.enqueue_dma source(%dma_start3A_834 : memref<8x128xf32, #tpu.memory_space<vmem>>) target(%dma_start3A_831 : memref<8x128xf32, #tpu.memory_space<hbm>>) target_semaphore(%arg12 : memref<!tpu.dma_semaphore, #tpu.memory_space<semaphore_mem>>)
      %mul3A_835 = arith.constant 8 : i32
      %mul3A_836 = arith.muli %mul3A_612, %mul3A_835 : i32
      %add3A_837 = arith.constant 5 : i32
      %add3A_838 = arith.addi %mul3A_836, %add3A_837 : i32
      %dma_start3A_839 = arith.constant 40 : i32
      %dma_start3A_840 = arith.constant 0 : i32
      %dma_start3A_841 = tpu.memref_slice %arg8[%dma_start3A_839, %dma_start3A_840] : memref<64x128xf32, #tpu.memory_space<vmem>> -> memref<8x128xf32, #tpu.memory_space<vmem>>
      %dma_start3A_842 = arith.constant 0 : i32
      %dma_start3A_843 = arith.constant 0 : i32
      %dma_start3A_844 = tpu.memref_slice %arg4[%add3A_838, %add3A, %dma_start3A_842, %dma_start3A_843] : memref<1600x32x8x128xf32, #tpu.memory_space<hbm>> -> memref<1x1x8x128xf32, #tpu.memory_space<hbm>>
      %dma_start3A_845 = tpu.memref_squeeze %dma_start3A_844 : memref<1x1x8x128xf32, #tpu.memory_space<hbm>> -> memref<8x128xf32, #tpu.memory_space<hbm>>
      %dma_start3A_846 = arith.constant 0 : i32
      %dma_start3A_847 = arith.constant 0 : i32
      %dma_start3A_848 = tpu.memref_slice %arg4[%add3A_838, %add3A, %dma_start3A_846, %dma_start3A_847] : memref<1600x32x8x128xf32, #tpu.memory_space<hbm>> -> memref<1x1x8x128xf32, #tpu.memory_space<hbm>>
      %dma_start3A_849 = tpu.memref_squeeze %dma_start3A_848 : memref<1x1x8x128xf32, #tpu.memory_space<hbm>> -> memref<8x128xf32, #tpu.memory_space<hbm>>
      %dma_start3A_850 = arith.constant 40 : i32
      %dma_start3A_851 = arith.constant 0 : i32
      %dma_start3A_852 = tpu.memref_slice %arg8[%dma_start3A_850, %dma_start3A_851] : memref<64x128xf32, #tpu.memory_space<vmem>> -> memref<8x128xf32, #tpu.memory_space<vmem>>
      tpu.enqueue_dma source(%dma_start3A_852 : memref<8x128xf32, #tpu.memory_space<vmem>>) target(%dma_start3A_849 : memref<8x128xf32, #tpu.memory_space<hbm>>) target_semaphore(%arg12 : memref<!tpu.dma_semaphore, #tpu.memory_space<semaphore_mem>>)
      %mul3A_853 = arith.constant 8 : i32
      %mul3A_854 = arith.muli %mul3A_612, %mul3A_853 : i32
      %add3A_855 = arith.constant 6 : i32
      %add3A_856 = arith.addi %mul3A_854, %add3A_855 : i32
      %dma_start3A_857 = arith.constant 48 : i32
      %dma_start3A_858 = arith.constant 0 : i32
      %dma_start3A_859 = tpu.memref_slice %arg8[%dma_start3A_857, %dma_start3A_858] : memref<64x128xf32, #tpu.memory_space<vmem>> -> memref<8x128xf32, #tpu.memory_space<vmem>>
      %dma_start3A_860 = arith.constant 0 : i32
      %dma_start3A_861 = arith.constant 0 : i32
      %dma_start3A_862 = tpu.memref_slice %arg4[%add3A_856, %add3A, %dma_start3A_860, %dma_start3A_861] : memref<1600x32x8x128xf32, #tpu.memory_space<hbm>> -> memref<1x1x8x128xf32, #tpu.memory_space<hbm>>
      %dma_start3A_863 = tpu.memref_squeeze %dma_start3A_862 : memref<1x1x8x128xf32, #tpu.memory_space<hbm>> -> memref<8x128xf32, #tpu.memory_space<hbm>>
      %dma_start3A_864 = arith.constant 0 : i32
      %dma_start3A_865 = arith.constant 0 : i32
      %dma_start3A_866 = tpu.memref_slice %arg4[%add3A_856, %add3A, %dma_start3A_864, %dma_start3A_865] : memref<1600x32x8x128xf32, #tpu.memory_space<hbm>> -> memref<1x1x8x128xf32, #tpu.memory_space<hbm>>
      %dma_start3A_867 = tpu.memref_squeeze %dma_start3A_866 : memref<1x1x8x128xf32, #tpu.memory_space<hbm>> -> memref<8x128xf32, #tpu.memory_space<hbm>>
      %dma_start3A_868 = arith.constant 48 : i32
      %dma_start3A_869 = arith.constant 0 : i32
      %dma_start3A_870 = tpu.memref_slice %arg8[%dma_start3A_868, %dma_start3A_869] : memref<64x128xf32, #tpu.memory_space<vmem>> -> memref<8x128xf32, #tpu.memory_space<vmem>>
      tpu.enqueue_dma source(%dma_start3A_870 : memref<8x128xf32, #tpu.memory_space<vmem>>) target(%dma_start3A_867 : memref<8x128xf32, #tpu.memory_space<hbm>>) target_semaphore(%arg12 : memref<!tpu.dma_semaphore, #tpu.memory_space<semaphore_mem>>)
      %mul3A_871 = arith.constant 8 : i32
      %mul3A_872 = arith.muli %mul3A_612, %mul3A_871 : i32
      %add3A_873 = arith.constant 7 : i32
      %add3A_874 = arith.addi %mul3A_872, %add3A_873 : i32
      %dma_start3A_875 = arith.constant 56 : i32
      %dma_start3A_876 = arith.constant 0 : i32
      %dma_start3A_877 = tpu.memref_slice %arg8[%dma_start3A_875, %dma_start3A_876] : memref<64x128xf32, #tpu.memory_space<vmem>> -> memref<8x128xf32, #tpu.memory_space<vmem>>
      %dma_start3A_878 = arith.constant 0 : i32
      %dma_start3A_879 = arith.constant 0 : i32
      %dma_start3A_880 = tpu.memref_slice %arg4[%add3A_874, %add3A, %dma_start3A_878, %dma_start3A_879] : memref<1600x32x8x128xf32, #tpu.memory_space<hbm>> -> memref<1x1x8x128xf32, #tpu.memory_space<hbm>>
      %dma_start3A_881 = tpu.memref_squeeze %dma_start3A_880 : memref<1x1x8x128xf32, #tpu.memory_space<hbm>> -> memref<8x128xf32, #tpu.memory_space<hbm>>
      %dma_start3A_882 = arith.constant 0 : i32
      %dma_start3A_883 = arith.constant 0 : i32
      %dma_start3A_884 = tpu.memref_slice %arg4[%add3A_874, %add3A, %dma_start3A_882, %dma_start3A_883] : memref<1600x32x8x128xf32, #tpu.memory_space<hbm>> -> memref<1x1x8x128xf32, #tpu.memory_space<hbm>>
      %dma_start3A_885 = tpu.memref_squeeze %dma_start3A_884 : memref<1x1x8x128xf32, #tpu.memory_space<hbm>> -> memref<8x128xf32, #tpu.memory_space<hbm>>
      %dma_start3A_886 = arith.constant 56 : i32
      %dma_start3A_887 = arith.constant 0 : i32
      %dma_start3A_888 = tpu.memref_slice %arg8[%dma_start3A_886, %dma_start3A_887] : memref<64x128xf32, #tpu.memory_space<vmem>> -> memref<8x128xf32, #tpu.memory_space<vmem>>
      tpu.enqueue_dma source(%dma_start3A_888 : memref<8x128xf32, #tpu.memory_space<vmem>>) target(%dma_start3A_885 : memref<8x128xf32, #tpu.memory_space<hbm>>) target_semaphore(%arg12 : memref<!tpu.dma_semaphore, #tpu.memory_space<semaphore_mem>>)
      %add3A_889 = arith.constant 2 : i32
      %add3A_890 = arith.addi %mul3A_612, %add3A_889 : i32
      %min3A = arith.constant 199 : i32
      %min3A_891 = arith.minsi %add3A_890, %min3A : i32
      %jit3A = arith.constant 8 : i32
      %div3A = arith.divsi %min3A_891, %jit3A : i32
      %sign3A = arith.constant 0 : i32
      %sign3A_892 = arith.cmpi sgt, %min3A_891, %sign3A : i32
      %sign3A_893 = arith.extui %sign3A_892 : i1 to i32
      %sign3A_894 = arith.constant 0 : i32
      %sign3A_895 = arith.cmpi slt, %min3A_891, %sign3A_894 : i32
      %sign3A_896 = arith.extui %sign3A_895 : i1 to i32
      %sign3A_897 = arith.subi %sign3A_893, %sign3A_896 : i32
      %sign3A_898 = arith.constant 0 : i32
      %sign3A_899 = arith.cmpi sgt, %jit3A, %sign3A_898 : i32
      %sign3A_900 = arith.extui %sign3A_899 : i1 to i32
      %sign3A_901 = arith.constant 0 : i32
      %sign3A_902 = arith.cmpi slt, %jit3A, %sign3A_901 : i32
      %sign3A_903 = arith.extui %sign3A_902 : i1 to i32
      %sign3A_904 = arith.subi %sign3A_900, %sign3A_903 : i32
      %ne3A = arith.cmpi ne, %sign3A_897, %sign3A_904 : i32
      %rem3A = arith.remsi %min3A_891, %jit3A : i32
      %ne3A_905 = arith.constant 0 : i32
      %ne3A_906 = arith.cmpi ne, %rem3A, %ne3A_905 : i32
      %and3A = arith.andi %ne3A, %ne3A_906 : i1
      %sub3A = arith.constant 1 : i32
      %sub3A_907 = arith.subi %div3A, %sub3A : i32
      %select_n3A = arith.select %and3A, %sub3A_907, %div3A : i32
      %mul3A_908 = arith.constant 8 : i32
      %mul3A_909 = arith.muli %select_n3A, %mul3A_908 : i32
      %sub3A_910 = arith.subi %min3A_891, %mul3A_909 : i32
      %dma_start3A_911 = arith.constant 0 : i32
      %dma_start3A_912 = tpu.memref_slice %arg5[%select_n3A, %sub3A_910, %dma_start3A_911] : memref<25x8x128xi32, #tpu.memory_space<vmem>> -> memref<1x1x128xi32, #tpu.memory_space<vmem>>
      %dma_start3A_913 = tpu.memref_squeeze %dma_start3A_912 : memref<1x1x128xi32, #tpu.memory_space<vmem>> -> memref<128xi32, #tpu.memory_space<vmem>>
      %dma_start3A_914 = arith.constant 0 : i32
      %dma_start3A_915 = arith.constant 0 : i32
      %dma_start3A_916 = tpu.memref_slice %arg2[%dma_start3A_914, %dma_start3A_915] : memref<1000000x64xf32, #tpu.memory_space<hbm>> -> memref<1000000x64xf32, #tpu.memory_space<hbm>>
      tpu.enqueue_indirect_dma source(%dma_start3A_916 : memref<1000000x64xf32, #tpu.memory_space<hbm>>) target(%arg6 : memref<128x64xf32, #tpu.memory_space<vmem>>) offsets(%dma_start3A_913 : memref<128xi32, #tpu.memory_space<vmem>>) semaphore(%arg10 : memref<!tpu.dma_semaphore, #tpu.memory_space<semaphore_mem>>)
      %mul3A_917 = arith.constant 2 : i32
      %mul3A_918 = arith.muli %mul3A_917, %scan3A_610 : i32
      %add3A_919 = arith.constant 1 : i32
      %add3A_920 = arith.addi %mul3A_918, %add3A_919 : i32
      %dma_wait3A_921 = arith.constant 0 : i32
      %dma_wait3A_922 = arith.constant 0 : i32
      %dma_wait3A_923 = tpu.memref_slice %arg2[%dma_wait3A_921, %dma_wait3A_922] : memref<1000000x64xf32, #tpu.memory_space<hbm>> -> memref<128x64xf32, #tpu.memory_space<hbm>>
      %dma_wait3A_924 = arith.constant 0 : i32
      %dma_wait3A_925 = arith.constant 0 : i32
      %dma_wait3A_926 = tpu.memref_slice %arg2[%dma_wait3A_924, %dma_wait3A_925] : memref<1000000x64xf32, #tpu.memory_space<hbm>> -> memref<128x64xf32, #tpu.memory_space<hbm>>
      tpu.wait_dma2 semaphore(%arg11 : memref<!tpu.dma_semaphore, #tpu.memory_space<semaphore_mem>>) src(%dma_wait3A_926 : memref<128x64xf32, #tpu.memory_space<hbm>>) dst(%arg7 : memref<128x64xf32, #tpu.memory_space<vmem>>)
      %dma_wait3A_927 = arith.constant 0 : i32
      %dma_wait3A_928 = arith.constant 0 : i32
      %dma_wait3A_929 = arith.constant 0 : i32
      %dma_wait3A_930 = tpu.memref_slice %arg9[%dma_wait3A_928, %dma_wait3A_929] : memref<64x128xf32, #tpu.memory_space<vmem>> -> memref<8x128xf32, #tpu.memory_space<vmem>>
      %dma_wait3A_931 = arith.constant 0 : i32
      %dma_wait3A_932 = arith.constant 0 : i32
      %dma_wait3A_933 = tpu.memref_slice %arg4[%dma_wait3A_927, %add3A, %dma_wait3A_931, %dma_wait3A_932] : memref<1600x32x8x128xf32, #tpu.memory_space<hbm>> -> memref<1x1x8x128xf32, #tpu.memory_space<hbm>>
      %dma_wait3A_934 = tpu.memref_squeeze %dma_wait3A_933 : memref<1x1x8x128xf32, #tpu.memory_space<hbm>> -> memref<8x128xf32, #tpu.memory_space<hbm>>
      %dma_wait3A_935 = arith.constant 0 : i32
      %dma_wait3A_936 = arith.constant 0 : i32
      %dma_wait3A_937 = tpu.memref_slice %arg4[%dma_wait3A_927, %add3A, %dma_wait3A_935, %dma_wait3A_936] : memref<1600x32x8x128xf32, #tpu.memory_space<hbm>> -> memref<1x1x8x128xf32, #tpu.memory_space<hbm>>
      %dma_wait3A_938 = tpu.memref_squeeze %dma_wait3A_937 : memref<1x1x8x128xf32, #tpu.memory_space<hbm>> -> memref<8x128xf32, #tpu.memory_space<hbm>>
      %dma_wait3A_939 = arith.constant 0 : i32
      %dma_wait3A_940 = arith.constant 0 : i32
      %dma_wait3A_941 = tpu.memref_slice %arg9[%dma_wait3A_939, %dma_wait3A_940] : memref<64x128xf32, #tpu.memory_space<vmem>> -> memref<8x128xf32, #tpu.memory_space<vmem>>
      tpu.wait_dma2 semaphore(%arg13 : memref<!tpu.dma_semaphore, #tpu.memory_space<semaphore_mem>>) src(%dma_wait3A_941 : memref<8x128xf32, #tpu.memory_space<vmem>>) dst(%dma_wait3A_938 : memref<8x128xf32, #tpu.memory_space<hbm>>)
      %dma_wait3A_942 = arith.constant 1 : i32
      %dma_wait3A_943 = arith.constant 8 : i32
      %dma_wait3A_944 = arith.constant 0 : i32
      %dma_wait3A_945 = tpu.memref_slice %arg9[%dma_wait3A_943, %dma_wait3A_944] : memref<64x128xf32, #tpu.memory_space<vmem>> -> memref<8x128xf32, #tpu.memory_space<vmem>>
      %dma_wait3A_946 = arith.constant 0 : i32
      %dma_wait3A_947 = arith.constant 0 : i32
      %dma_wait3A_948 = tpu.memref_slice %arg4[%dma_wait3A_942, %add3A, %dma_wait3A_946, %dma_wait3A_947] : memref<1600x32x8x128xf32, #tpu.memory_space<hbm>> -> memref<1x1x8x128xf32, #tpu.memory_space<hbm>>
      %dma_wait3A_949 = tpu.memref_squeeze %dma_wait3A_948 : memref<1x1x8x128xf32, #tpu.memory_space<hbm>> -> memref<8x128xf32, #tpu.memory_space<hbm>>
      %dma_wait3A_950 = arith.constant 0 : i32
      %dma_wait3A_951 = arith.constant 0 : i32
      %dma_wait3A_952 = tpu.memref_slice %arg4[%dma_wait3A_942, %add3A, %dma_wait3A_950, %dma_wait3A_951] : memref<1600x32x8x128xf32, #tpu.memory_space<hbm>> -> memref<1x1x8x128xf32, #tpu.memory_space<hbm>>
      %dma_wait3A_953 = tpu.memref_squeeze %dma_wait3A_952 : memref<1x1x8x128xf32, #tpu.memory_space<hbm>> -> memref<8x128xf32, #tpu.memory_space<hbm>>
      %dma_wait3A_954 = arith.constant 8 : i32
      %dma_wait3A_955 = arith.constant 0 : i32
      %dma_wait3A_956 = tpu.memref_slice %arg9[%dma_wait3A_954, %dma_wait3A_955] : memref<64x128xf32, #tpu.memory_space<vmem>> -> memref<8x128xf32, #tpu.memory_space<vmem>>
      tpu.wait_dma2 semaphore(%arg13 : memref<!tpu.dma_semaphore, #tpu.memory_space<semaphore_mem>>) src(%dma_wait3A_956 : memref<8x128xf32, #tpu.memory_space<vmem>>) dst(%dma_wait3A_953 : memref<8x128xf32, #tpu.memory_space<hbm>>)
      %dma_wait3A_957 = arith.constant 2 : i32
      %dma_wait3A_958 = arith.constant 16 : i32
      %dma_wait3A_959 = arith.constant 0 : i32
      %dma_wait3A_960 = tpu.memref_slice %arg9[%dma_wait3A_958, %dma_wait3A_959] : memref<64x128xf32, #tpu.memory_space<vmem>> -> memref<8x128xf32, #tpu.memory_space<vmem>>
      %dma_wait3A_961 = arith.constant 0 : i32
      %dma_wait3A_962 = arith.constant 0 : i32
      %dma_wait3A_963 = tpu.memref_slice %arg4[%dma_wait3A_957, %add3A, %dma_wait3A_961, %dma_wait3A_962] : memref<1600x32x8x128xf32, #tpu.memory_space<hbm>> -> memref<1x1x8x128xf32, #tpu.memory_space<hbm>>
      %dma_wait3A_964 = tpu.memref_squeeze %dma_wait3A_963 : memref<1x1x8x128xf32, #tpu.memory_space<hbm>> -> memref<8x128xf32, #tpu.memory_space<hbm>>
      %dma_wait3A_965 = arith.constant 0 : i32
      %dma_wait3A_966 = arith.constant 0 : i32
      %dma_wait3A_967 = tpu.memref_slice %arg4[%dma_wait3A_957, %add3A, %dma_wait3A_965, %dma_wait3A_966] : memref<1600x32x8x128xf32, #tpu.memory_space<hbm>> -> memref<1x1x8x128xf32, #tpu.memory_space<hbm>>
      %dma_wait3A_968 = tpu.memref_squeeze %dma_wait3A_967 : memref<1x1x8x128xf32, #tpu.memory_space<hbm>> -> memref<8x128xf32, #tpu.memory_space<hbm>>
      %dma_wait3A_969 = arith.constant 16 : i32
      %dma_wait3A_970 = arith.constant 0 : i32
      %dma_wait3A_971 = tpu.memref_slice %arg9[%dma_wait3A_969, %dma_wait3A_970] : memref<64x128xf32, #tpu.memory_space<vmem>> -> memref<8x128xf32, #tpu.memory_space<vmem>>
      tpu.wait_dma2 semaphore(%arg13 : memref<!tpu.dma_semaphore, #tpu.memory_space<semaphore_mem>>) src(%dma_wait3A_971 : memref<8x128xf32, #tpu.memory_space<vmem>>) dst(%dma_wait3A_968 : memref<8x128xf32, #tpu.memory_space<hbm>>)
      %dma_wait3A_972 = arith.constant 3 : i32
      %dma_wait3A_973 = arith.constant 24 : i32
      %dma_wait3A_974 = arith.constant 0 : i32
      %dma_wait3A_975 = tpu.memref_slice %arg9[%dma_wait3A_973, %dma_wait3A_974] : memref<64x128xf32, #tpu.memory_space<vmem>> -> memref<8x128xf32, #tpu.memory_space<vmem>>
      %dma_wait3A_976 = arith.constant 0 : i32
      %dma_wait3A_977 = arith.constant 0 : i32
      %dma_wait3A_978 = tpu.memref_slice %arg4[%dma_wait3A_972, %add3A, %dma_wait3A_976, %dma_wait3A_977] : memref<1600x32x8x128xf32, #tpu.memory_space<hbm>> -> memref<1x1x8x128xf32, #tpu.memory_space<hbm>>
      %dma_wait3A_979 = tpu.memref_squeeze %dma_wait3A_978 : memref<1x1x8x128xf32, #tpu.memory_space<hbm>> -> memref<8x128xf32, #tpu.memory_space<hbm>>
      %dma_wait3A_980 = arith.constant 0 : i32
      %dma_wait3A_981 = arith.constant 0 : i32
      %dma_wait3A_982 = tpu.memref_slice %arg4[%dma_wait3A_972, %add3A, %dma_wait3A_980, %dma_wait3A_981] : memref<1600x32x8x128xf32, #tpu.memory_space<hbm>> -> memref<1x1x8x128xf32, #tpu.memory_space<hbm>>
      %dma_wait3A_983 = tpu.memref_squeeze %dma_wait3A_982 : memref<1x1x8x128xf32, #tpu.memory_space<hbm>> -> memref<8x128xf32, #tpu.memory_space<hbm>>
      %dma_wait3A_984 = arith.constant 24 : i32
      %dma_wait3A_985 = arith.constant 0 : i32
      %dma_wait3A_986 = tpu.memref_slice %arg9[%dma_wait3A_984, %dma_wait3A_985] : memref<64x128xf32, #tpu.memory_space<vmem>> -> memref<8x128xf32, #tpu.memory_space<vmem>>
      tpu.wait_dma2 semaphore(%arg13 : memref<!tpu.dma_semaphore, #tpu.memory_space<semaphore_mem>>) src(%dma_wait3A_986 : memref<8x128xf32, #tpu.memory_space<vmem>>) dst(%dma_wait3A_983 : memref<8x128xf32, #tpu.memory_space<hbm>>)
      %dma_wait3A_987 = arith.constant 4 : i32
      %dma_wait3A_988 = arith.constant 32 : i32
      %dma_wait3A_989 = arith.constant 0 : i32
      %dma_wait3A_990 = tpu.memref_slice %arg9[%dma_wait3A_988, %dma_wait3A_989] : memref<64x128xf32, #tpu.memory_space<vmem>> -> memref<8x128xf32, #tpu.memory_space<vmem>>
      %dma_wait3A_991 = arith.constant 0 : i32
      %dma_wait3A_992 = arith.constant 0 : i32
      %dma_wait3A_993 = tpu.memref_slice %arg4[%dma_wait3A_987, %add3A, %dma_wait3A_991, %dma_wait3A_992] : memref<1600x32x8x128xf32, #tpu.memory_space<hbm>> -> memref<1x1x8x128xf32, #tpu.memory_space<hbm>>
      %dma_wait3A_994 = tpu.memref_squeeze %dma_wait3A_993 : memref<1x1x8x128xf32, #tpu.memory_space<hbm>> -> memref<8x128xf32, #tpu.memory_space<hbm>>
      %dma_wait3A_995 = arith.constant 0 : i32
      %dma_wait3A_996 = arith.constant 0 : i32
      %dma_wait3A_997 = tpu.memref_slice %arg4[%dma_wait3A_987, %add3A, %dma_wait3A_995, %dma_wait3A_996] : memref<1600x32x8x128xf32, #tpu.memory_space<hbm>> -> memref<1x1x8x128xf32, #tpu.memory_space<hbm>>
      %dma_wait3A_998 = tpu.memref_squeeze %dma_wait3A_997 : memref<1x1x8x128xf32, #tpu.memory_space<hbm>> -> memref<8x128xf32, #tpu.memory_space<hbm>>
      %dma_wait3A_999 = arith.constant 32 : i32
      %dma_wait3A_1000 = arith.constant 0 : i32
      %dma_wait3A_1001 = tpu.memref_slice %arg9[%dma_wait3A_999, %dma_wait3A_1000] : memref<64x128xf32, #tpu.memory_space<vmem>> -> memref<8x128xf32, #tpu.memory_space<vmem>>
      tpu.wait_dma2 semaphore(%arg13 : memref<!tpu.dma_semaphore, #tpu.memory_space<semaphore_mem>>) src(%dma_wait3A_1001 : memref<8x128xf32, #tpu.memory_space<vmem>>) dst(%dma_wait3A_998 : memref<8x128xf32, #tpu.memory_space<hbm>>)
      %dma_wait3A_1002 = arith.constant 5 : i32
      %dma_wait3A_1003 = arith.constant 40 : i32
      %dma_wait3A_1004 = arith.constant 0 : i32
      %dma_wait3A_1005 = tpu.memref_slice %arg9[%dma_wait3A_1003, %dma_wait3A_1004] : memref<64x128xf32, #tpu.memory_space<vmem>> -> memref<8x128xf32, #tpu.memory_space<vmem>>
      %dma_wait3A_1006 = arith.constant 0 : i32
      %dma_wait3A_1007 = arith.constant 0 : i32
      %dma_wait3A_1008 = tpu.memref_slice %arg4[%dma_wait3A_1002, %add3A, %dma_wait3A_1006, %dma_wait3A_1007] : memref<1600x32x8x128xf32, #tpu.memory_space<hbm>> -> memref<1x1x8x128xf32, #tpu.memory_space<hbm>>
      %dma_wait3A_1009 = tpu.memref_squeeze %dma_wait3A_1008 : memref<1x1x8x128xf32, #tpu.memory_space<hbm>> -> memref<8x128xf32, #tpu.memory_space<hbm>>
      %dma_wait3A_1010 = arith.constant 0 : i32
      %dma_wait3A_1011 = arith.constant 0 : i32
      %dma_wait3A_1012 = tpu.memref_slice %arg4[%dma_wait3A_1002, %add3A, %dma_wait3A_1010, %dma_wait3A_1011] : memref<1600x32x8x128xf32, #tpu.memory_space<hbm>> -> memref<1x1x8x128xf32, #tpu.memory_space<hbm>>
      %dma_wait3A_1013 = tpu.memref_squeeze %dma_wait3A_1012 : memref<1x1x8x128xf32, #tpu.memory_space<hbm>> -> memref<8x128xf32, #tpu.memory_space<hbm>>
      %dma_wait3A_1014 = arith.constant 40 : i32
      %dma_wait3A_1015 = arith.constant 0 : i32
      %dma_wait3A_1016 = tpu.memref_slice %arg9[%dma_wait3A_1014, %dma_wait3A_1015] : memref<64x128xf32, #tpu.memory_space<vmem>> -> memref<8x128xf32, #tpu.memory_space<vmem>>
      tpu.wait_dma2 semaphore(%arg13 : memref<!tpu.dma_semaphore, #tpu.memory_space<semaphore_mem>>) src(%dma_wait3A_1016 : memref<8x128xf32, #tpu.memory_space<vmem>>) dst(%dma_wait3A_1013 : memref<8x128xf32, #tpu.memory_space<hbm>>)
      %dma_wait3A_1017 = arith.constant 6 : i32
      %dma_wait3A_1018 = arith.constant 48 : i32
      %dma_wait3A_1019 = arith.constant 0 : i32
      %dma_wait3A_1020 = tpu.memref_slice %arg9[%dma_wait3A_1018, %dma_wait3A_1019] : memref<64x128xf32, #tpu.memory_space<vmem>> -> memref<8x128xf32, #tpu.memory_space<vmem>>
      %dma_wait3A_1021 = arith.constant 0 : i32
      %dma_wait3A_1022 = arith.constant 0 : i32
      %dma_wait3A_1023 = tpu.memref_slice %arg4[%dma_wait3A_1017, %add3A, %dma_wait3A_1021, %dma_wait3A_1022] : memref<1600x32x8x128xf32, #tpu.memory_space<hbm>> -> memref<1x1x8x128xf32, #tpu.memory_space<hbm>>
      %dma_wait3A_1024 = tpu.memref_squeeze %dma_wait3A_1023 : memref<1x1x8x128xf32, #tpu.memory_space<hbm>> -> memref<8x128xf32, #tpu.memory_space<hbm>>
      %dma_wait3A_1025 = arith.constant 0 : i32
      %dma_wait3A_1026 = arith.constant 0 : i32
      %dma_wait3A_1027 = tpu.memref_slice %arg4[%dma_wait3A_1017, %add3A, %dma_wait3A_1025, %dma_wait3A_1026] : memref<1600x32x8x128xf32, #tpu.memory_space<hbm>> -> memref<1x1x8x128xf32, #tpu.memory_space<hbm>>
      %dma_wait3A_1028 = tpu.memref_squeeze %dma_wait3A_1027 : memref<1x1x8x128xf32, #tpu.memory_space<hbm>> -> memref<8x128xf32, #tpu.memory_space<hbm>>
      %dma_wait3A_1029 = arith.constant 48 : i32
      %dma_wait3A_1030 = arith.constant 0 : i32
      %dma_wait3A_1031 = tpu.memref_slice %arg9[%dma_wait3A_1029, %dma_wait3A_1030] : memref<64x128xf32, #tpu.memory_space<vmem>> -> memref<8x128xf32, #tpu.memory_space<vmem>>
      tpu.wait_dma2 semaphore(%arg13 : memref<!tpu.dma_semaphore, #tpu.memory_space<semaphore_mem>>) src(%dma_wait3A_1031 : memref<8x128xf32, #tpu.memory_space<vmem>>) dst(%dma_wait3A_1028 : memref<8x128xf32, #tpu.memory_space<hbm>>)
      %dma_wait3A_1032 = arith.constant 7 : i32
      %dma_wait3A_1033 = arith.constant 56 : i32
      %dma_wait3A_1034 = arith.constant 0 : i32
      %dma_wait3A_1035 = tpu.memref_slice %arg9[%dma_wait3A_1033, %dma_wait3A_1034] : memref<64x128xf32, #tpu.memory_space<vmem>> -> memref<8x128xf32, #tpu.memory_space<vmem>>
      %dma_wait3A_1036 = arith.constant 0 : i32
      %dma_wait3A_1037 = arith.constant 0 : i32
      %dma_wait3A_1038 = tpu.memref_slice %arg4[%dma_wait3A_1032, %add3A, %dma_wait3A_1036, %dma_wait3A_1037] : memref<1600x32x8x128xf32, #tpu.memory_space<hbm>> -> memref<1x1x8x128xf32, #tpu.memory_space<hbm>>
      %dma_wait3A_1039 = tpu.memref_squeeze %dma_wait3A_1038 : memref<1x1x8x128xf32, #tpu.memory_space<hbm>> -> memref<8x128xf32, #tpu.memory_space<hbm>>
      %dma_wait3A_1040 = arith.constant 0 : i32
      %dma_wait3A_1041 = arith.constant 0 : i32
      %dma_wait3A_1042 = tpu.memref_slice %arg4[%dma_wait3A_1032, %add3A, %dma_wait3A_1040, %dma_wait3A_1041] : memref<1600x32x8x128xf32, #tpu.memory_space<hbm>> -> memref<1x1x8x128xf32, #tpu.memory_space<hbm>>
      %dma_wait3A_1043 = tpu.memref_squeeze %dma_wait3A_1042 : memref<1x1x8x128xf32, #tpu.memory_space<hbm>> -> memref<8x128xf32, #tpu.memory_space<hbm>>
      %dma_wait3A_1044 = arith.constant 56 : i32
      %dma_wait3A_1045 = arith.constant 0 : i32
      %dma_wait3A_1046 = tpu.memref_slice %arg9[%dma_wait3A_1044, %dma_wait3A_1045] : memref<64x128xf32, #tpu.memory_space<vmem>> -> memref<8x128xf32, #tpu.memory_space<vmem>>
      tpu.wait_dma2 semaphore(%arg13 : memref<!tpu.dma_semaphore, #tpu.memory_space<semaphore_mem>>) src(%dma_wait3A_1046 : memref<8x128xf32, #tpu.memory_space<vmem>>) dst(%dma_wait3A_1043 : memref<8x128xf32, #tpu.memory_space<hbm>>)
      %scan3A_1047 = arith.constant 0 : i32
      %scan3A_1048 = arith.constant 0 : i32
      %scan3A_1049 = arith.constant 16 : i32
      %scan3A_1050 = arith.addi %scan3A_1048, %scan3A_1049 : i32
      %scan3A_1051 = arith.constant 1 : i32
      scf.for %scan3A_1234 = %scan3A_1048 to %scan3A_1050 step %scan3A_1051  : i32 {
        %mul3A_1235 = arith.constant 4 : i32
        %mul3A_1236 = arith.muli %scan3A_1234, %mul3A_1235 : i32
        %shift_right_arithmetic3A = arith.constant 4 : i32
        %shift_right_arithmetic3A_1237 = arith.shrsi %mul3A_1236, %shift_right_arithmetic3A : i32
        %shift_left3A = arith.constant 4 : i32
        %shift_left3A_1238 = arith.shli %shift_right_arithmetic3A_1237, %shift_left3A : i32
        %and3A_1239 = arith.constant 15 : i32
        %and3A_1240 = arith.andi %mul3A_1236, %and3A_1239 : i32
        %add3A_1241 = vector.broadcast %and3A_1240 : i32 to vector<16xi32>
        %add3A_1242 = arith.addi %iota3A, %add3A_1241 : vector<16xi32>
        %add3A_1243 = arith.constant 0 : i32
        %add3A_1244 = vector.broadcast %add3A_1243 : i32 to vector<16xi32>
        %add3A_1245 = arith.addi %add3A_1242, %add3A_1244 : vector<16xi32>
        %and3A_1246 = arith.constant 15 : i32
        %and3A_1247 = vector.broadcast %and3A_1246 : i32 to vector<16xi32>
        %and3A_1248 = arith.andi %add3A_1245, %and3A_1247 : vector<16xi32>
        %add3A_1249 = vector.broadcast %shift_left3A_1238 : i32 to vector<16xi32>
        %add3A_1250 = arith.addi %and3A_1248, %add3A_1249 : vector<16xi32>
        %add3A_1251 = vector.broadcast %and3A_1240 : i32 to vector<16xi32>
        %add3A_1252 = arith.addi %iota3A, %add3A_1251 : vector<16xi32>
        %add3A_1253 = arith.constant 1 : i32
        %add3A_1254 = vector.broadcast %add3A_1253 : i32 to vector<16xi32>
        %add3A_1255 = arith.addi %add3A_1252, %add3A_1254 : vector<16xi32>
        %and3A_1256 = arith.constant 15 : i32
        %and3A_1257 = vector.broadcast %and3A_1256 : i32 to vector<16xi32>
        %and3A_1258 = arith.andi %add3A_1255, %and3A_1257 : vector<16xi32>
        %add3A_1259 = vector.broadcast %shift_left3A_1238 : i32 to vector<16xi32>
        %add3A_1260 = arith.addi %and3A_1258, %add3A_1259 : vector<16xi32>
        %add3A_1261 = vector.broadcast %and3A_1240 : i32 to vector<16xi32>
        %add3A_1262 = arith.addi %iota3A, %add3A_1261 : vector<16xi32>
        %add3A_1263 = arith.constant 2 : i32
        %add3A_1264 = vector.broadcast %add3A_1263 : i32 to vector<16xi32>
        %add3A_1265 = arith.addi %add3A_1262, %add3A_1264 : vector<16xi32>
        %and3A_1266 = arith.constant 15 : i32
        %and3A_1267 = vector.broadcast %and3A_1266 : i32 to vector<16xi32>
        %and3A_1268 = arith.andi %add3A_1265, %and3A_1267 : vector<16xi32>
        %add3A_1269 = vector.broadcast %shift_left3A_1238 : i32 to vector<16xi32>
        %add3A_1270 = arith.addi %and3A_1268, %add3A_1269 : vector<16xi32>
        %add3A_1271 = vector.broadcast %and3A_1240 : i32 to vector<16xi32>
        %add3A_1272 = arith.addi %iota3A, %add3A_1271 : vector<16xi32>
        %add3A_1273 = arith.constant 3 : i32
        %add3A_1274 = vector.broadcast %add3A_1273 : i32 to vector<16xi32>
        %add3A_1275 = arith.addi %add3A_1272, %add3A_1274 : vector<16xi32>
        %and3A_1276 = arith.constant 15 : i32
        %and3A_1277 = vector.broadcast %and3A_1276 : i32 to vector<16xi32>
        %and3A_1278 = arith.andi %add3A_1275, %and3A_1277 : vector<16xi32>
        %add3A_1279 = vector.broadcast %shift_left3A_1238 : i32 to vector<16xi32>
        %add3A_1280 = arith.addi %and3A_1278, %add3A_1279 : vector<16xi32>
        %gather3A = tpu.vector_load_idx %arg7[%add3A_77, %add3A_1250] : memref<128x64xf32, #tpu.memory_space<vmem>>[vector<16xi32>, vector<16xi32>], vector<16xf32>,
        %gather3A_1281 = tpu.vector_load_idx %arg7[%add3A_80, %add3A_1250] : memref<128x64xf32, #tpu.memory_space<vmem>>[vector<16xi32>, vector<16xi32>], vector<16xf32>,
        %gather3A_1282 = tpu.vector_load_idx %arg7[%add3A_83, %add3A_1250] : memref<128x64xf32, #tpu.memory_space<vmem>>[vector<16xi32>, vector<16xi32>], vector<16xf32>,
        %gather3A_1283 = tpu.vector_load_idx %arg7[%add3A_86, %add3A_1250] : memref<128x64xf32, #tpu.memory_space<vmem>>[vector<16xi32>, vector<16xi32>], vector<16xf32>,
        %gather3A_1284 = tpu.vector_load_idx %arg7[%add3A_89, %add3A_1250] : memref<128x64xf32, #tpu.memory_space<vmem>>[vector<16xi32>, vector<16xi32>], vector<16xf32>,
        %gather3A_1285 = tpu.vector_load_idx %arg7[%add3A_92, %add3A_1250] : memref<128x64xf32, #tpu.memory_space<vmem>>[vector<16xi32>, vector<16xi32>], vector<16xf32>,
        %gather3A_1286 = tpu.vector_load_idx %arg7[%add3A_95, %add3A_1250] : memref<128x64xf32, #tpu.memory_space<vmem>>[vector<16xi32>, vector<16xi32>], vector<16xf32>,
        %gather3A_1287 = tpu.vector_load_idx %arg7[%add3A_98, %add3A_1250] : memref<128x64xf32, #tpu.memory_space<vmem>>[vector<16xi32>, vector<16xi32>], vector<16xf32>,
        %gather3A_1288 = tpu.vector_load_idx %arg7[%add3A_77, %add3A_1260] : memref<128x64xf32, #tpu.memory_space<vmem>>[vector<16xi32>, vector<16xi32>], vector<16xf32>,
        %gather3A_1289 = tpu.vector_load_idx %arg7[%add3A_80, %add3A_1260] : memref<128x64xf32, #tpu.memory_space<vmem>>[vector<16xi32>, vector<16xi32>], vector<16xf32>,
        %gather3A_1290 = tpu.vector_load_idx %arg7[%add3A_83, %add3A_1260] : memref<128x64xf32, #tpu.memory_space<vmem>>[vector<16xi32>, vector<16xi32>], vector<16xf32>,
        %gather3A_1291 = tpu.vector_load_idx %arg7[%add3A_86, %add3A_1260] : memref<128x64xf32, #tpu.memory_space<vmem>>[vector<16xi32>, vector<16xi32>], vector<16xf32>,
        %gather3A_1292 = tpu.vector_load_idx %arg7[%add3A_89, %add3A_1260] : memref<128x64xf32, #tpu.memory_space<vmem>>[vector<16xi32>, vector<16xi32>], vector<16xf32>,
        %gather3A_1293 = tpu.vector_load_idx %arg7[%add3A_92, %add3A_1260] : memref<128x64xf32, #tpu.memory_space<vmem>>[vector<16xi32>, vector<16xi32>], vector<16xf32>,
        %gather3A_1294 = tpu.vector_load_idx %arg7[%add3A_95, %add3A_1260] : memref<128x64xf32, #tpu.memory_space<vmem>>[vector<16xi32>, vector<16xi32>], vector<16xf32>,
        %gather3A_1295 = tpu.vector_load_idx %arg7[%add3A_98, %add3A_1260] : memref<128x64xf32, #tpu.memory_space<vmem>>[vector<16xi32>, vector<16xi32>], vector<16xf32>,
        %gather3A_1296 = tpu.vector_load_idx %arg7[%add3A_77, %add3A_1270] : memref<128x64xf32, #tpu.memory_space<vmem>>[vector<16xi32>, vector<16xi32>], vector<16xf32>,
        %gather3A_1297 = tpu.vector_load_idx %arg7[%add3A_80, %add3A_1270] : memref<128x64xf32, #tpu.memory_space<vmem>>[vector<16xi32>, vector<16xi32>], vector<16xf32>,
        %gather3A_1298 = tpu.vector_load_idx %arg7[%add3A_83, %add3A_1270] : memref<128x64xf32, #tpu.memory_space<vmem>>[vector<16xi32>, vector<16xi32>], vector<16xf32>,
        %gather3A_1299 = tpu.vector_load_idx %arg7[%add3A_86, %add3A_1270] : memref<128x64xf32, #tpu.memory_space<vmem>>[vector<16xi32>, vector<16xi32>], vector<16xf32>,
        %gather3A_1300 = tpu.vector_load_idx %arg7[%add3A_89, %add3A_1270] : memref<128x64xf32, #tpu.memory_space<vmem>>[vector<16xi32>, vector<16xi32>], vector<16xf32>,
        %gather3A_1301 = tpu.vector_load_idx %arg7[%add3A_92, %add3A_1270] : memref<128x64xf32, #tpu.memory_space<vmem>>[vector<16xi32>, vector<16xi32>], vector<16xf32>,
        %gather3A_1302 = tpu.vector_load_idx %arg7[%add3A_95, %add3A_1270] : memref<128x64xf32, #tpu.memory_space<vmem>>[vector<16xi32>, vector<16xi32>], vector<16xf32>,
        %gather3A_1303 = tpu.vector_load_idx %arg7[%add3A_98, %add3A_1270] : memref<128x64xf32, #tpu.memory_space<vmem>>[vector<16xi32>, vector<16xi32>], vector<16xf32>,
        %gather3A_1304 = tpu.vector_load_idx %arg7[%add3A_77, %add3A_1280] : memref<128x64xf32, #tpu.memory_space<vmem>>[vector<16xi32>, vector<16xi32>], vector<16xf32>,
        %gather3A_1305 = tpu.vector_load_idx %arg7[%add3A_80, %add3A_1280] : memref<128x64xf32, #tpu.memory_space<vmem>>[vector<16xi32>, vector<16xi32>], vector<16xf32>,
        %gather3A_1306 = tpu.vector_load_idx %arg7[%add3A_83, %add3A_1280] : memref<128x64xf32, #tpu.memory_space<vmem>>[vector<16xi32>, vector<16xi32>], vector<16xf32>,
        %gather3A_1307 = tpu.vector_load_idx %arg7[%add3A_86, %add3A_1280] : memref<128x64xf32, #tpu.memory_space<vmem>>[vector<16xi32>, vector<16xi32>], vector<16xf32>,
        %gather3A_1308 = tpu.vector_load_idx %arg7[%add3A_89, %add3A_1280] : memref<128x64xf32, #tpu.memory_space<vmem>>[vector<16xi32>, vector<16xi32>], vector<16xf32>,
        %gather3A_1309 = tpu.vector_load_idx %arg7[%add3A_92, %add3A_1280] : memref<128x64xf32, #tpu.memory_space<vmem>>[vector<16xi32>, vector<16xi32>], vector<16xf32>,
        %gather3A_1310 = tpu.vector_load_idx %arg7[%add3A_95, %add3A_1280] : memref<128x64xf32, #tpu.memory_space<vmem>>[vector<16xi32>, vector<16xi32>], vector<16xf32>,
        %gather3A_1311 = tpu.vector_load_idx %arg7[%add3A_98, %add3A_1280] : memref<128x64xf32, #tpu.memory_space<vmem>>[vector<16xi32>, vector<16xi32>], vector<16xf32>,
        tpu.vector_store_idx %arg9[%add3A_1250, %add3A_77], %gather3A : memref<64x128xf32, #tpu.memory_space<vmem>>[vector<16xi32>, vector<16xi32>], vector<16xf32>,
        tpu.vector_store_idx %arg9[%add3A_1250, %add3A_80], %gather3A_1281 : memref<64x128xf32, #tpu.memory_space<vmem>>[vector<16xi32>, vector<16xi32>], vector<16xf32>,
        tpu.vector_store_idx %arg9[%add3A_1250, %add3A_83], %gather3A_1282 : memref<64x128xf32, #tpu.memory_space<vmem>>[vector<16xi32>, vector<16xi32>], vector<16xf32>,
        tpu.vector_store_idx %arg9[%add3A_1250, %add3A_86], %gather3A_1283 : memref<64x128xf32, #tpu.memory_space<vmem>>[vector<16xi32>, vector<16xi32>], vector<16xf32>,
        tpu.vector_store_idx %arg9[%add3A_1250, %add3A_89], %gather3A_1284 : memref<64x128xf32, #tpu.memory_space<vmem>>[vector<16xi32>, vector<16xi32>], vector<16xf32>,
        tpu.vector_store_idx %arg9[%add3A_1250, %add3A_92], %gather3A_1285 : memref<64x128xf32, #tpu.memory_space<vmem>>[vector<16xi32>, vector<16xi32>], vector<16xf32>,
        tpu.vector_store_idx %arg9[%add3A_1250, %add3A_95], %gather3A_1286 : memref<64x128xf32, #tpu.memory_space<vmem>>[vector<16xi32>, vector<16xi32>], vector<16xf32>,
        tpu.vector_store_idx %arg9[%add3A_1250, %add3A_98], %gather3A_1287 : memref<64x128xf32, #tpu.memory_space<vmem>>[vector<16xi32>, vector<16xi32>], vector<16xf32>,
        tpu.vector_store_idx %arg9[%add3A_1260, %add3A_77], %gather3A_1288 : memref<64x128xf32, #tpu.memory_space<vmem>>[vector<16xi32>, vector<16xi32>], vector<16xf32>,
        tpu.vector_store_idx %arg9[%add3A_1260, %add3A_80], %gather3A_1289 : memref<64x128xf32, #tpu.memory_space<vmem>>[vector<16xi32>, vector<16xi32>], vector<16xf32>,
        tpu.vector_store_idx %arg9[%add3A_1260, %add3A_83], %gather3A_1290 : memref<64x128xf32, #tpu.memory_space<vmem>>[vector<16xi32>, vector<16xi32>], vector<16xf32>,
        tpu.vector_store_idx %arg9[%add3A_1260, %add3A_86], %gather3A_1291 : memref<64x128xf32, #tpu.memory_space<vmem>>[vector<16xi32>, vector<16xi32>], vector<16xf32>,
        tpu.vector_store_idx %arg9[%add3A_1260, %add3A_89], %gather3A_1292 : memref<64x128xf32, #tpu.memory_space<vmem>>[vector<16xi32>, vector<16xi32>], vector<16xf32>,
        tpu.vector_store_idx %arg9[%add3A_1260, %add3A_92], %gather3A_1293 : memref<64x128xf32, #tpu.memory_space<vmem>>[vector<16xi32>, vector<16xi32>], vector<16xf32>,
        tpu.vector_store_idx %arg9[%add3A_1260, %add3A_95], %gather3A_1294 : memref<64x128xf32, #tpu.memory_space<vmem>>[vector<16xi32>, vector<16xi32>], vector<16xf32>,
        tpu.vector_store_idx %arg9[%add3A_1260, %add3A_98], %gather3A_1295 : memref<64x128xf32, #tpu.memory_space<vmem>>[vector<16xi32>, vector<16xi32>], vector<16xf32>,
        tpu.vector_store_idx %arg9[%add3A_1270, %add3A_77], %gather3A_1296 : memref<64x128xf32, #tpu.memory_space<vmem>>[vector<16xi32>, vector<16xi32>], vector<16xf32>,
        tpu.vector_store_idx %arg9[%add3A_1270, %add3A_80], %gather3A_1297 : memref<64x128xf32, #tpu.memory_space<vmem>>[vector<16xi32>, vector<16xi32>], vector<16xf32>,
        tpu.vector_store_idx %arg9[%add3A_1270, %add3A_83], %gather3A_1298 : memref<64x128xf32, #tpu.memory_space<vmem>>[vector<16xi32>, vector<16xi32>], vector<16xf32>,
        tpu.vector_store_idx %arg9[%add3A_1270, %add3A_86], %gather3A_1299 : memref<64x128xf32, #tpu.memory_space<vmem>>[vector<16xi32>, vector<16xi32>], vector<16xf32>,
        tpu.vector_store_idx %arg9[%add3A_1270, %add3A_89], %gather3A_1300 : memref<64x128xf32, #tpu.memory_space<vmem>>[vector<16xi32>, vector<16xi32>], vector<16xf32>,
        tpu.vector_store_idx %arg9[%add3A_1270, %add3A_92], %gather3A_1301 : memref<64x128xf32, #tpu.memory_space<vmem>>[vector<16xi32>, vector<16xi32>], vector<16xf32>,
        tpu.vector_store_idx %arg9[%add3A_1270, %add3A_95], %gather3A_1302 : memref<64x128xf32, #tpu.memory_space<vmem>>[vector<16xi32>, vector<16xi32>], vector<16xf32>,
        tpu.vector_store_idx %arg9[%add3A_1270, %add3A_98], %gather3A_1303 : memref<64x128xf32, #tpu.memory_space<vmem>>[vector<16xi32>, vector<16xi32>], vector<16xf32>,
        tpu.vector_store_idx %arg9[%add3A_1280, %add3A_77], %gather3A_1304 : memref<64x128xf32, #tpu.memory_space<vmem>>[vector<16xi32>, vector<16xi32>], vector<16xf32>,
        tpu.vector_store_idx %arg9[%add3A_1280, %add3A_80], %gather3A_1305 : memref<64x128xf32, #tpu.memory_space<vmem>>[vector<16xi32>, vector<16xi32>], vector<16xf32>,
        tpu.vector_store_idx %arg9[%add3A_1280, %add3A_83], %gather3A_1306 : memref<64x128xf32, #tpu.memory_space<vmem>>[vector<16xi32>, vector<16xi32>], vector<16xf32>,
        tpu.vector_store_idx %arg9[%add3A_1280, %add3A_86], %gather3A_1307 : memref<64x128xf32, #tpu.memory_space<vmem>>[vector<16xi32>, vector<16xi32>], vector<16xf32>,
        tpu.vector_store_idx %arg9[%add3A_1280, %add3A_89], %gather3A_1308 : memref<64x128xf32, #tpu.memory_space<vmem>>[vector<16xi32>, vector<16xi32>], vector<16xf32>,
        tpu.vector_store_idx %arg9[%add3A_1280, %add3A_92], %gather3A_1309 : memref<64x128xf32, #tpu.memory_space<vmem>>[vector<16xi32>, vector<16xi32>], vector<16xf32>,
        tpu.vector_store_idx %arg9[%add3A_1280, %add3A_95], %gather3A_1310 : memref<64x128xf32, #tpu.memory_space<vmem>>[vector<16xi32>, vector<16xi32>], vector<16xf32>,
        tpu.vector_store_idx %arg9[%add3A_1280, %add3A_98], %gather3A_1311 : memref<64x128xf32, #tpu.memory_space<vmem>>[vector<16xi32>, vector<16xi32>], vector<16xf32>,
      }
      %scan3A_1052 = arith.constant 16 : i32
      %mul3A_1053 = arith.constant 8 : i32
      %mul3A_1054 = arith.muli %add3A_920, %mul3A_1053 : i32
      %add3A_1055 = arith.constant 0 : i32
      %add3A_1056 = arith.addi %mul3A_1054, %add3A_1055 : i32
      %dma_start3A_1057 = arith.constant 0 : i32
      %dma_start3A_1058 = arith.constant 0 : i32
      %dma_start3A_1059 = tpu.memref_slice %arg9[%dma_start3A_1057, %dma_start3A_1058] : memref<64x128xf32, #tpu.memory_space<vmem>> -> memref<8x128xf32, #tpu.memory_space<vmem>>
      %dma_start3A_1060 = arith.constant 0 : i32
      %dma_start3A_1061 = arith.constant 0 : i32
      %dma_start3A_1062 = tpu.memref_slice %arg4[%add3A_1056, %add3A, %dma_start3A_1060, %dma_start3A_1061] : memref<1600x32x8x128xf32, #tpu.memory_space<hbm>> -> memref<1x1x8x128xf32, #tpu.memory_space<hbm>>
      %dma_start3A_1063 = tpu.memref_squeeze %dma_start3A_1062 : memref<1x1x8x128xf32, #tpu.memory_space<hbm>> -> memref<8x128xf32, #tpu.memory_space<hbm>>
      %dma_start3A_1064 = arith.constant 0 : i32
      %dma_start3A_1065 = arith.constant 0 : i32
      %dma_start3A_1066 = tpu.memref_slice %arg4[%add3A_1056, %add3A, %dma_start3A_1064, %dma_start3A_1065] : memref<1600x32x8x128xf32, #tpu.memory_space<hbm>> -> memref<1x1x8x128xf32, #tpu.memory_space<hbm>>
      %dma_start3A_1067 = tpu.memref_squeeze %dma_start3A_1066 : memref<1x1x8x128xf32, #tpu.memory_space<hbm>> -> memref<8x128xf32, #tpu.memory_space<hbm>>
      %dma_start3A_1068 = arith.constant 0 : i32
      %dma_start3A_1069 = arith.constant 0 : i32
      %dma_start3A_1070 = tpu.memref_slice %arg9[%dma_start3A_1068, %dma_start3A_1069] : memref<64x128xf32, #tpu.memory_space<vmem>> -> memref<8x128xf32, #tpu.memory_space<vmem>>
      tpu.enqueue_dma source(%dma_start3A_1070 : memref<8x128xf32, #tpu.memory_space<vmem>>) target(%dma_start3A_1067 : memref<8x128xf32, #tpu.memory_space<hbm>>) target_semaphore(%arg13 : memref<!tpu.dma_semaphore, #tpu.memory_space<semaphore_mem>>)
      %mul3A_1071 = arith.constant 8 : i32
      %mul3A_1072 = arith.muli %add3A_920, %mul3A_1071 : i32
      %add3A_1073 = arith.constant 1 : i32
      %add3A_1074 = arith.addi %mul3A_1072, %add3A_1073 : i32
      %dma_start3A_1075 = arith.constant 8 : i32
      %dma_start3A_1076 = arith.constant 0 : i32
      %dma_start3A_1077 = tpu.memref_slice %arg9[%dma_start3A_1075, %dma_start3A_1076] : memref<64x128xf32, #tpu.memory_space<vmem>> -> memref<8x128xf32, #tpu.memory_space<vmem>>
      %dma_start3A_1078 = arith.constant 0 : i32
      %dma_start3A_1079 = arith.constant 0 : i32
      %dma_start3A_1080 = tpu.memref_slice %arg4[%add3A_1074, %add3A, %dma_start3A_1078, %dma_start3A_1079] : memref<1600x32x8x128xf32, #tpu.memory_space<hbm>> -> memref<1x1x8x128xf32, #tpu.memory_space<hbm>>
      %dma_start3A_1081 = tpu.memref_squeeze %dma_start3A_1080 : memref<1x1x8x128xf32, #tpu.memory_space<hbm>> -> memref<8x128xf32, #tpu.memory_space<hbm>>
      %dma_start3A_1082 = arith.constant 0 : i32
      %dma_start3A_1083 = arith.constant 0 : i32
      %dma_start3A_1084 = tpu.memref_slice %arg4[%add3A_1074, %add3A, %dma_start3A_1082, %dma_start3A_1083] : memref<1600x32x8x128xf32, #tpu.memory_space<hbm>> -> memref<1x1x8x128xf32, #tpu.memory_space<hbm>>
      %dma_start3A_1085 = tpu.memref_squeeze %dma_start3A_1084 : memref<1x1x8x128xf32, #tpu.memory_space<hbm>> -> memref<8x128xf32, #tpu.memory_space<hbm>>
      %dma_start3A_1086 = arith.constant 8 : i32
      %dma_start3A_1087 = arith.constant 0 : i32
      %dma_start3A_1088 = tpu.memref_slice %arg9[%dma_start3A_1086, %dma_start3A_1087] : memref<64x128xf32, #tpu.memory_space<vmem>> -> memref<8x128xf32, #tpu.memory_space<vmem>>
      tpu.enqueue_dma source(%dma_start3A_1088 : memref<8x128xf32, #tpu.memory_space<vmem>>) target(%dma_start3A_1085 : memref<8x128xf32, #tpu.memory_space<hbm>>) target_semaphore(%arg13 : memref<!tpu.dma_semaphore, #tpu.memory_space<semaphore_mem>>)
      %mul3A_1089 = arith.constant 8 : i32
      %mul3A_1090 = arith.muli %add3A_920, %mul3A_1089 : i32
      %add3A_1091 = arith.constant 2 : i32
      %add3A_1092 = arith.addi %mul3A_1090, %add3A_1091 : i32
      %dma_start3A_1093 = arith.constant 16 : i32
      %dma_start3A_1094 = arith.constant 0 : i32
      %dma_start3A_1095 = tpu.memref_slice %arg9[%dma_start3A_1093, %dma_start3A_1094] : memref<64x128xf32, #tpu.memory_space<vmem>> -> memref<8x128xf32, #tpu.memory_space<vmem>>
      %dma_start3A_1096 = arith.constant 0 : i32
      %dma_start3A_1097 = arith.constant 0 : i32
      %dma_start3A_1098 = tpu.memref_slice %arg4[%add3A_1092, %add3A, %dma_start3A_1096, %dma_start3A_1097] : memref<1600x32x8x128xf32, #tpu.memory_space<hbm>> -> memref<1x1x8x128xf32, #tpu.memory_space<hbm>>
      %dma_start3A_1099 = tpu.memref_squeeze %dma_start3A_1098 : memref<1x1x8x128xf32, #tpu.memory_space<hbm>> -> memref<8x128xf32, #tpu.memory_space<hbm>>
      %dma_start3A_1100 = arith.constant 0 : i32
      %dma_start3A_1101 = arith.constant 0 : i32
      %dma_start3A_1102 = tpu.memref_slice %arg4[%add3A_1092, %add3A, %dma_start3A_1100, %dma_start3A_1101] : memref<1600x32x8x128xf32, #tpu.memory_space<hbm>> -> memref<1x1x8x128xf32, #tpu.memory_space<hbm>>
      %dma_start3A_1103 = tpu.memref_squeeze %dma_start3A_1102 : memref<1x1x8x128xf32, #tpu.memory_space<hbm>> -> memref<8x128xf32, #tpu.memory_space<hbm>>
      %dma_start3A_1104 = arith.constant 16 : i32
      %dma_start3A_1105 = arith.constant 0 : i32
      %dma_start3A_1106 = tpu.memref_slice %arg9[%dma_start3A_1104, %dma_start3A_1105] : memref<64x128xf32, #tpu.memory_space<vmem>> -> memref<8x128xf32, #tpu.memory_space<vmem>>
      tpu.enqueue_dma source(%dma_start3A_1106 : memref<8x128xf32, #tpu.memory_space<vmem>>) target(%dma_start3A_1103 : memref<8x128xf32, #tpu.memory_space<hbm>>) target_semaphore(%arg13 : memref<!tpu.dma_semaphore, #tpu.memory_space<semaphore_mem>>)
      %mul3A_1107 = arith.constant 8 : i32
      %mul3A_1108 = arith.muli %add3A_920, %mul3A_1107 : i32
      %add3A_1109 = arith.constant 3 : i32
      %add3A_1110 = arith.addi %mul3A_1108, %add3A_1109 : i32
      %dma_start3A_1111 = arith.constant 24 : i32
      %dma_start3A_1112 = arith.constant 0 : i32
      %dma_start3A_1113 = tpu.memref_slice %arg9[%dma_start3A_1111, %dma_start3A_1112] : memref<64x128xf32, #tpu.memory_space<vmem>> -> memref<8x128xf32, #tpu.memory_space<vmem>>
      %dma_start3A_1114 = arith.constant 0 : i32
      %dma_start3A_1115 = arith.constant 0 : i32
      %dma_start3A_1116 = tpu.memref_slice %arg4[%add3A_1110, %add3A, %dma_start3A_1114, %dma_start3A_1115] : memref<1600x32x8x128xf32, #tpu.memory_space<hbm>> -> memref<1x1x8x128xf32, #tpu.memory_space<hbm>>
      %dma_start3A_1117 = tpu.memref_squeeze %dma_start3A_1116 : memref<1x1x8x128xf32, #tpu.memory_space<hbm>> -> memref<8x128xf32, #tpu.memory_space<hbm>>
      %dma_start3A_1118 = arith.constant 0 : i32
      %dma_start3A_1119 = arith.constant 0 : i32
      %dma_start3A_1120 = tpu.memref_slice %arg4[%add3A_1110, %add3A, %dma_start3A_1118, %dma_start3A_1119] : memref<1600x32x8x128xf32, #tpu.memory_space<hbm>> -> memref<1x1x8x128xf32, #tpu.memory_space<hbm>>
      %dma_start3A_1121 = tpu.memref_squeeze %dma_start3A_1120 : memref<1x1x8x128xf32, #tpu.memory_space<hbm>> -> memref<8x128xf32, #tpu.memory_space<hbm>>
      %dma_start3A_1122 = arith.constant 24 : i32
      %dma_start3A_1123 = arith.constant 0 : i32
      %dma_start3A_1124 = tpu.memref_slice %arg9[%dma_start3A_1122, %dma_start3A_1123] : memref<64x128xf32, #tpu.memory_space<vmem>> -> memref<8x128xf32, #tpu.memory_space<vmem>>
      tpu.enqueue_dma source(%dma_start3A_1124 : memref<8x128xf32, #tpu.memory_space<vmem>>) target(%dma_start3A_1121 : memref<8x128xf32, #tpu.memory_space<hbm>>) target_semaphore(%arg13 : memref<!tpu.dma_semaphore, #tpu.memory_space<semaphore_mem>>)
      %mul3A_1125 = arith.constant 8 : i32
      %mul3A_1126 = arith.muli %add3A_920, %mul3A_1125 : i32
      %add3A_1127 = arith.constant 4 : i32
      %add3A_1128 = arith.addi %mul3A_1126, %add3A_1127 : i32
      %dma_start3A_1129 = arith.constant 32 : i32
      %dma_start3A_1130 = arith.constant 0 : i32
      %dma_start3A_1131 = tpu.memref_slice %arg9[%dma_start3A_1129, %dma_start3A_1130] : memref<64x128xf32, #tpu.memory_space<vmem>> -> memref<8x128xf32, #tpu.memory_space<vmem>>
      %dma_start3A_1132 = arith.constant 0 : i32
      %dma_start3A_1133 = arith.constant 0 : i32
      %dma_start3A_1134 = tpu.memref_slice %arg4[%add3A_1128, %add3A, %dma_start3A_1132, %dma_start3A_1133] : memref<1600x32x8x128xf32, #tpu.memory_space<hbm>> -> memref<1x1x8x128xf32, #tpu.memory_space<hbm>>
      %dma_start3A_1135 = tpu.memref_squeeze %dma_start3A_1134 : memref<1x1x8x128xf32, #tpu.memory_space<hbm>> -> memref<8x128xf32, #tpu.memory_space<hbm>>
      %dma_start3A_1136 = arith.constant 0 : i32
      %dma_start3A_1137 = arith.constant 0 : i32
      %dma_start3A_1138 = tpu.memref_slice %arg4[%add3A_1128, %add3A, %dma_start3A_1136, %dma_start3A_1137] : memref<1600x32x8x128xf32, #tpu.memory_space<hbm>> -> memref<1x1x8x128xf32, #tpu.memory_space<hbm>>
      %dma_start3A_1139 = tpu.memref_squeeze %dma_start3A_1138 : memref<1x1x8x128xf32, #tpu.memory_space<hbm>> -> memref<8x128xf32, #tpu.memory_space<hbm>>
      %dma_start3A_1140 = arith.constant 32 : i32
      %dma_start3A_1141 = arith.constant 0 : i32
      %dma_start3A_1142 = tpu.memref_slice %arg9[%dma_start3A_1140, %dma_start3A_1141] : memref<64x128xf32, #tpu.memory_space<vmem>> -> memref<8x128xf32, #tpu.memory_space<vmem>>
      tpu.enqueue_dma source(%dma_start3A_1142 : memref<8x128xf32, #tpu.memory_space<vmem>>) target(%dma_start3A_1139 : memref<8x128xf32, #tpu.memory_space<hbm>>) target_semaphore(%arg13 : memref<!tpu.dma_semaphore, #tpu.memory_space<semaphore_mem>>)
      %mul3A_1143 = arith.constant 8 : i32
      %mul3A_1144 = arith.muli %add3A_920, %mul3A_1143 : i32
      %add3A_1145 = arith.constant 5 : i32
      %add3A_1146 = arith.addi %mul3A_1144, %add3A_1145 : i32
      %dma_start3A_1147 = arith.constant 40 : i32
      %dma_start3A_1148 = arith.constant 0 : i32
      %dma_start3A_1149 = tpu.memref_slice %arg9[%dma_start3A_1147, %dma_start3A_1148] : memref<64x128xf32, #tpu.memory_space<vmem>> -> memref<8x128xf32, #tpu.memory_space<vmem>>
      %dma_start3A_1150 = arith.constant 0 : i32
      %dma_start3A_1151 = arith.constant 0 : i32
      %dma_start3A_1152 = tpu.memref_slice %arg4[%add3A_1146, %add3A, %dma_start3A_1150, %dma_start3A_1151] : memref<1600x32x8x128xf32, #tpu.memory_space<hbm>> -> memref<1x1x8x128xf32, #tpu.memory_space<hbm>>
      %dma_start3A_1153 = tpu.memref_squeeze %dma_start3A_1152 : memref<1x1x8x128xf32, #tpu.memory_space<hbm>> -> memref<8x128xf32, #tpu.memory_space<hbm>>
      %dma_start3A_1154 = arith.constant 0 : i32
      %dma_start3A_1155 = arith.constant 0 : i32
      %dma_start3A_1156 = tpu.memref_slice %arg4[%add3A_1146, %add3A, %dma_start3A_1154, %dma_start3A_1155] : memref<1600x32x8x128xf32, #tpu.memory_space<hbm>> -> memref<1x1x8x128xf32, #tpu.memory_space<hbm>>
      %dma_start3A_1157 = tpu.memref_squeeze %dma_start3A_1156 : memref<1x1x8x128xf32, #tpu.memory_space<hbm>> -> memref<8x128xf32, #tpu.memory_space<hbm>>
      %dma_start3A_1158 = arith.constant 40 : i32
      %dma_start3A_1159 = arith.constant 0 : i32
      %dma_start3A_1160 = tpu.memref_slice %arg9[%dma_start3A_1158, %dma_start3A_1159] : memref<64x128xf32, #tpu.memory_space<vmem>> -> memref<8x128xf32, #tpu.memory_space<vmem>>
      tpu.enqueue_dma source(%dma_start3A_1160 : memref<8x128xf32, #tpu.memory_space<vmem>>) target(%dma_start3A_1157 : memref<8x128xf32, #tpu.memory_space<hbm>>) target_semaphore(%arg13 : memref<!tpu.dma_semaphore, #tpu.memory_space<semaphore_mem>>)
      %mul3A_1161 = arith.constant 8 : i32
      %mul3A_1162 = arith.muli %add3A_920, %mul3A_1161 : i32
      %add3A_1163 = arith.constant 6 : i32
      %add3A_1164 = arith.addi %mul3A_1162, %add3A_1163 : i32
      %dma_start3A_1165 = arith.constant 48 : i32
      %dma_start3A_1166 = arith.constant 0 : i32
      %dma_start3A_1167 = tpu.memref_slice %arg9[%dma_start3A_1165, %dma_start3A_1166] : memref<64x128xf32, #tpu.memory_space<vmem>> -> memref<8x128xf32, #tpu.memory_space<vmem>>
      %dma_start3A_1168 = arith.constant 0 : i32
      %dma_start3A_1169 = arith.constant 0 : i32
      %dma_start3A_1170 = tpu.memref_slice %arg4[%add3A_1164, %add3A, %dma_start3A_1168, %dma_start3A_1169] : memref<1600x32x8x128xf32, #tpu.memory_space<hbm>> -> memref<1x1x8x128xf32, #tpu.memory_space<hbm>>
      %dma_start3A_1171 = tpu.memref_squeeze %dma_start3A_1170 : memref<1x1x8x128xf32, #tpu.memory_space<hbm>> -> memref<8x128xf32, #tpu.memory_space<hbm>>
      %dma_start3A_1172 = arith.constant 0 : i32
      %dma_start3A_1173 = arith.constant 0 : i32
      %dma_start3A_1174 = tpu.memref_slice %arg4[%add3A_1164, %add3A, %dma_start3A_1172, %dma_start3A_1173] : memref<1600x32x8x128xf32, #tpu.memory_space<hbm>> -> memref<1x1x8x128xf32, #tpu.memory_space<hbm>>
      %dma_start3A_1175 = tpu.memref_squeeze %dma_start3A_1174 : memref<1x1x8x128xf32, #tpu.memory_space<hbm>> -> memref<8x128xf32, #tpu.memory_space<hbm>>
      %dma_start3A_1176 = arith.constant 48 : i32
      %dma_start3A_1177 = arith.constant 0 : i32
      %dma_start3A_1178 = tpu.memref_slice %arg9[%dma_start3A_1176, %dma_start3A_1177] : memref<64x128xf32, #tpu.memory_space<vmem>> -> memref<8x128xf32, #tpu.memory_space<vmem>>
      tpu.enqueue_dma source(%dma_start3A_1178 : memref<8x128xf32, #tpu.memory_space<vmem>>) target(%dma_start3A_1175 : memref<8x128xf32, #tpu.memory_space<hbm>>) target_semaphore(%arg13 : memref<!tpu.dma_semaphore, #tpu.memory_space<semaphore_mem>>)
      %mul3A_1179 = arith.constant 8 : i32
      %mul3A_1180 = arith.muli %add3A_920, %mul3A_1179 : i32
      %add3A_1181 = arith.constant 7 : i32
      %add3A_1182 = arith.addi %mul3A_1180, %add3A_1181 : i32
      %dma_start3A_1183 = arith.constant 56 : i32
      %dma_start3A_1184 = arith.constant 0 : i32
      %dma_start3A_1185 = tpu.memref_slice %arg9[%dma_start3A_1183, %dma_start3A_1184] : memref<64x128xf32, #tpu.memory_space<vmem>> -> memref<8x128xf32, #tpu.memory_space<vmem>>
      %dma_start3A_1186 = arith.constant 0 : i32
      %dma_start3A_1187 = arith.constant 0 : i32
      %dma_start3A_1188 = tpu.memref_slice %arg4[%add3A_1182, %add3A, %dma_start3A_1186, %dma_start3A_1187] : memref<1600x32x8x128xf32, #tpu.memory_space<hbm>> -> memref<1x1x8x128xf32, #tpu.memory_space<hbm>>
      %dma_start3A_1189 = tpu.memref_squeeze %dma_start3A_1188 : memref<1x1x8x128xf32, #tpu.memory_space<hbm>> -> memref<8x128xf32, #tpu.memory_space<hbm>>
      %dma_start3A_1190 = arith.constant 0 : i32
      %dma_start3A_1191 = arith.constant 0 : i32
      %dma_start3A_1192 = tpu.memref_slice %arg4[%add3A_1182, %add3A, %dma_start3A_1190, %dma_start3A_1191] : memref<1600x32x8x128xf32, #tpu.memory_space<hbm>> -> memref<1x1x8x128xf32, #tpu.memory_space<hbm>>
      %dma_start3A_1193 = tpu.memref_squeeze %dma_start3A_1192 : memref<1x1x8x128xf32, #tpu.memory_space<hbm>> -> memref<8x128xf32, #tpu.memory_space<hbm>>
      %dma_start3A_1194 = arith.constant 56 : i32
      %dma_start3A_1195 = arith.constant 0 : i32
      %dma_start3A_1196 = tpu.memref_slice %arg9[%dma_start3A_1194, %dma_start3A_1195] : memref<64x128xf32, #tpu.memory_space<vmem>> -> memref<8x128xf32, #tpu.memory_space<vmem>>
      tpu.enqueue_dma source(%dma_start3A_1196 : memref<8x128xf32, #tpu.memory_space<vmem>>) target(%dma_start3A_1193 : memref<8x128xf32, #tpu.memory_space<hbm>>) target_semaphore(%arg13 : memref<!tpu.dma_semaphore, #tpu.memory_space<semaphore_mem>>)
      %add3A_1197 = arith.constant 2 : i32
      %add3A_1198 = arith.addi %add3A_920, %add3A_1197 : i32
      %min3A_1199 = arith.constant 199 : i32
      %min3A_1200 = arith.minsi %add3A_1198, %min3A_1199 : i32
      %jit3A_1201 = arith.constant 8 : i32
      %div3A_1202 = arith.divsi %min3A_1200, %jit3A_1201 : i32
      %sign3A_1203 = arith.constant 0 : i32
      %sign3A_1204 = arith.cmpi sgt, %min3A_1200, %sign3A_1203 : i32
      %sign3A_1205 = arith.extui %sign3A_1204 : i1 to i32
      %sign3A_1206 = arith.constant 0 : i32
      %sign3A_1207 = arith.cmpi slt, %min3A_1200, %sign3A_1206 : i32
      %sign3A_1208 = arith.extui %sign3A_1207 : i1 to i32
      %sign3A_1209 = arith.subi %sign3A_1205, %sign3A_1208 : i32
      %sign3A_1210 = arith.constant 0 : i32
      %sign3A_1211 = arith.cmpi sgt, %jit3A_1201, %sign3A_1210 : i32
      %sign3A_1212 = arith.extui %sign3A_1211 : i1 to i32
      %sign3A_1213 = arith.constant 0 : i32
      %sign3A_1214 = arith.cmpi slt, %jit3A_1201, %sign3A_1213 : i32
      %sign3A_1215 = arith.extui %sign3A_1214 : i1 to i32
      %sign3A_1216 = arith.subi %sign3A_1212, %sign3A_1215 : i32
      %ne3A_1217 = arith.cmpi ne, %sign3A_1209, %sign3A_1216 : i32
      %rem3A_1218 = arith.remsi %min3A_1200, %jit3A_1201 : i32
      %ne3A_1219 = arith.constant 0 : i32
      %ne3A_1220 = arith.cmpi ne, %rem3A_1218, %ne3A_1219 : i32
      %and3A_1221 = arith.andi %ne3A_1217, %ne3A_1220 : i1
      %sub3A_1222 = arith.constant 1 : i32
      %sub3A_1223 = arith.subi %div3A_1202, %sub3A_1222 : i32
      %select_n3A_1224 = arith.select %and3A_1221, %sub3A_1223, %div3A_1202 : i32
      %mul3A_1225 = arith.constant 8 : i32
      %mul3A_1226 = arith.muli %select_n3A_1224, %mul3A_1225 : i32
      %sub3A_1227 = arith.subi %min3A_1200, %mul3A_1226 : i32
      %dma_start3A_1228 = arith.constant 0 : i32
      %dma_start3A_1229 = tpu.memref_slice %arg5[%select_n3A_1224, %sub3A_1227, %dma_start3A_1228] : memref<25x8x128xi32, #tpu.memory_space<vmem>> -> memref<1x1x128xi32, #tpu.memory_space<vmem>>
      %dma_start3A_1230 = tpu.memref_squeeze %dma_start3A_1229 : memref<1x1x128xi32, #tpu.memory_space<vmem>> -> memref<128xi32, #tpu.memory_space<vmem>>
      %dma_start3A_1231 = arith.constant 0 : i32
      %dma_start3A_1232 = arith.constant 0 : i32
      %dma_start3A_1233 = tpu.memref_slice %arg2[%dma_start3A_1231, %dma_start3A_1232] : memref<1000000x64xf32, #tpu.memory_space<hbm>> -> memref<1000000x64xf32, #tpu.memory_space<hbm>>
      tpu.enqueue_indirect_dma source(%dma_start3A_1233 : memref<1000000x64xf32, #tpu.memory_space<hbm>>) target(%arg7 : memref<128x64xf32, #tpu.memory_space<vmem>>) offsets(%dma_start3A_1230 : memref<128xi32, #tpu.memory_space<vmem>>) semaphore(%arg11 : memref<!tpu.dma_semaphore, #tpu.memory_space<semaphore_mem>>)
    }
    %scan3A_358 = arith.constant 100 : i32
    %dma_wait3A = arith.constant 0 : i32
    %dma_wait3A_359 = arith.constant 0 : i32
    %dma_wait3A_360 = tpu.memref_slice %arg2[%dma_wait3A, %dma_wait3A_359] : memref<1000000x64xf32, #tpu.memory_space<hbm>> -> memref<128x64xf32, #tpu.memory_space<hbm>>
    %dma_wait3A_361 = arith.constant 0 : i32
    %dma_wait3A_362 = arith.constant 0 : i32
    %dma_wait3A_363 = tpu.memref_slice %arg2[%dma_wait3A_361, %dma_wait3A_362] : memref<1000000x64xf32, #tpu.memory_space<hbm>> -> memref<128x64xf32, #tpu.memory_space<hbm>>
    tpu.wait_dma2 semaphore(%arg10 : memref<!tpu.dma_semaphore, #tpu.memory_space<semaphore_mem>>) src(%dma_wait3A_363 : memref<128x64xf32, #tpu.memory_space<hbm>>) dst(%arg6 : memref<128x64xf32, #tpu.memory_space<vmem>>)
    %dma_wait3A_364 = arith.constant 0 : i32
    %dma_wait3A_365 = arith.constant 0 : i32
    %dma_wait3A_366 = tpu.memref_slice %arg2[%dma_wait3A_364, %dma_wait3A_365] : memref<1000000x64xf32, #tpu.memory_space<hbm>> -> memref<128x64xf32, #tpu.memory_space<hbm>>
    %dma_wait3A_367 = arith.constant 0 : i32
    %dma_wait3A_368 = arith.constant 0 : i32
    %dma_wait3A_369 = tpu.memref_slice %arg2[%dma_wait3A_367, %dma_wait3A_368] : memref<1000000x64xf32, #tpu.memory_space<hbm>> -> memref<128x64xf32, #tpu.memory_space<hbm>>
    tpu.wait_dma2 semaphore(%arg11 : memref<!tpu.dma_semaphore, #tpu.memory_space<semaphore_mem>>) src(%dma_wait3A_369 : memref<128x64xf32, #tpu.memory_space<hbm>>) dst(%arg7 : memref<128x64xf32, #tpu.memory_space<vmem>>)
    %dma_wait3A_370 = arith.constant 0 : i32
    %dma_wait3A_371 = arith.constant 0 : i32
    %dma_wait3A_372 = arith.constant 0 : i32
    %dma_wait3A_373 = tpu.memref_slice %arg8[%dma_wait3A_371, %dma_wait3A_372] : memref<64x128xf32, #tpu.memory_space<vmem>> -> memref<8x128xf32, #tpu.memory_space<vmem>>
    %dma_wait3A_374 = arith.constant 0 : i32
    %dma_wait3A_375 = arith.constant 0 : i32
    %dma_wait3A_376 = tpu.memref_slice %arg4[%dma_wait3A_370, %add3A, %dma_wait3A_374, %dma_wait3A_375] : memref<1600x32x8x128xf32, #tpu.memory_space<hbm>> -> memref<1x1x8x128xf32, #tpu.memory_space<hbm>>
    %dma_wait3A_377 = tpu.memref_squeeze %dma_wait3A_376 : memref<1x1x8x128xf32, #tpu.memory_space<hbm>> -> memref<8x128xf32, #tpu.memory_space<hbm>>
    %dma_wait3A_378 = arith.constant 0 : i32
    %dma_wait3A_379 = arith.constant 0 : i32
    %dma_wait3A_380 = tpu.memref_slice %arg4[%dma_wait3A_370, %add3A, %dma_wait3A_378, %dma_wait3A_379] : memref<1600x32x8x128xf32, #tpu.memory_space<hbm>> -> memref<1x1x8x128xf32, #tpu.memory_space<hbm>>
    %dma_wait3A_381 = tpu.memref_squeeze %dma_wait3A_380 : memref<1x1x8x128xf32, #tpu.memory_space<hbm>> -> memref<8x128xf32, #tpu.memory_space<hbm>>
    %dma_wait3A_382 = arith.constant 0 : i32
    %dma_wait3A_383 = arith.constant 0 : i32
    %dma_wait3A_384 = tpu.memref_slice %arg8[%dma_wait3A_382, %dma_wait3A_383] : memref<64x128xf32, #tpu.memory_space<vmem>> -> memref<8x128xf32, #tpu.memory_space<vmem>>
    tpu.wait_dma2 semaphore(%arg12 : memref<!tpu.dma_semaphore, #tpu.memory_space<semaphore_mem>>) src(%dma_wait3A_384 : memref<8x128xf32, #tpu.memory_space<vmem>>) dst(%dma_wait3A_381 : memref<8x128xf32, #tpu.memory_space<hbm>>)
    %dma_wait3A_385 = arith.constant 1 : i32
    %dma_wait3A_386 = arith.constant 8 : i32
    %dma_wait3A_387 = arith.constant 0 : i32
    %dma_wait3A_388 = tpu.memref_slice %arg8[%dma_wait3A_386, %dma_wait3A_387] : memref<64x128xf32, #tpu.memory_space<vmem>> -> memref<8x128xf32, #tpu.memory_space<vmem>>
    %dma_wait3A_389 = arith.constant 0 : i32
    %dma_wait3A_390 = arith.constant 0 : i32
    %dma_wait3A_391 = tpu.memref_slice %arg4[%dma_wait3A_385, %add3A, %dma_wait3A_389, %dma_wait3A_390] : memref<1600x32x8x128xf32, #tpu.memory_space<hbm>> -> memref<1x1x8x128xf32, #tpu.memory_space<hbm>>
    %dma_wait3A_392 = tpu.memref_squeeze %dma_wait3A_391 : memref<1x1x8x128xf32, #tpu.memory_space<hbm>> -> memref<8x128xf32, #tpu.memory_space<hbm>>
    %dma_wait3A_393 = arith.constant 0 : i32
    %dma_wait3A_394 = arith.constant 0 : i32
    %dma_wait3A_395 = tpu.memref_slice %arg4[%dma_wait3A_385, %add3A, %dma_wait3A_393, %dma_wait3A_394] : memref<1600x32x8x128xf32, #tpu.memory_space<hbm>> -> memref<1x1x8x128xf32, #tpu.memory_space<hbm>>
    %dma_wait3A_396 = tpu.memref_squeeze %dma_wait3A_395 : memref<1x1x8x128xf32, #tpu.memory_space<hbm>> -> memref<8x128xf32, #tpu.memory_space<hbm>>
    %dma_wait3A_397 = arith.constant 8 : i32
    %dma_wait3A_398 = arith.constant 0 : i32
    %dma_wait3A_399 = tpu.memref_slice %arg8[%dma_wait3A_397, %dma_wait3A_398] : memref<64x128xf32, #tpu.memory_space<vmem>> -> memref<8x128xf32, #tpu.memory_space<vmem>>
    tpu.wait_dma2 semaphore(%arg12 : memref<!tpu.dma_semaphore, #tpu.memory_space<semaphore_mem>>) src(%dma_wait3A_399 : memref<8x128xf32, #tpu.memory_space<vmem>>) dst(%dma_wait3A_396 : memref<8x128xf32, #tpu.memory_space<hbm>>)
    %dma_wait3A_400 = arith.constant 2 : i32
    %dma_wait3A_401 = arith.constant 16 : i32
    %dma_wait3A_402 = arith.constant 0 : i32
    %dma_wait3A_403 = tpu.memref_slice %arg8[%dma_wait3A_401, %dma_wait3A_402] : memref<64x128xf32, #tpu.memory_space<vmem>> -> memref<8x128xf32, #tpu.memory_space<vmem>>
    %dma_wait3A_404 = arith.constant 0 : i32
    %dma_wait3A_405 = arith.constant 0 : i32
    %dma_wait3A_406 = tpu.memref_slice %arg4[%dma_wait3A_400, %add3A, %dma_wait3A_404, %dma_wait3A_405] : memref<1600x32x8x128xf32, #tpu.memory_space<hbm>> -> memref<1x1x8x128xf32, #tpu.memory_space<hbm>>
    %dma_wait3A_407 = tpu.memref_squeeze %dma_wait3A_406 : memref<1x1x8x128xf32, #tpu.memory_space<hbm>> -> memref<8x128xf32, #tpu.memory_space<hbm>>
    %dma_wait3A_408 = arith.constant 0 : i32
    %dma_wait3A_409 = arith.constant 0 : i32
    %dma_wait3A_410 = tpu.memref_slice %arg4[%dma_wait3A_400, %add3A, %dma_wait3A_408, %dma_wait3A_409] : memref<1600x32x8x128xf32, #tpu.memory_space<hbm>> -> memref<1x1x8x128xf32, #tpu.memory_space<hbm>>
    %dma_wait3A_411 = tpu.memref_squeeze %dma_wait3A_410 : memref<1x1x8x128xf32, #tpu.memory_space<hbm>> -> memref<8x128xf32, #tpu.memory_space<hbm>>
    %dma_wait3A_412 = arith.constant 16 : i32
    %dma_wait3A_413 = arith.constant 0 : i32
    %dma_wait3A_414 = tpu.memref_slice %arg8[%dma_wait3A_412, %dma_wait3A_413] : memref<64x128xf32, #tpu.memory_space<vmem>> -> memref<8x128xf32, #tpu.memory_space<vmem>>
    tpu.wait_dma2 semaphore(%arg12 : memref<!tpu.dma_semaphore, #tpu.memory_space<semaphore_mem>>) src(%dma_wait3A_414 : memref<8x128xf32, #tpu.memory_space<vmem>>) dst(%dma_wait3A_411 : memref<8x128xf32, #tpu.memory_space<hbm>>)
    %dma_wait3A_415 = arith.constant 3 : i32
    %dma_wait3A_416 = arith.constant 24 : i32
    %dma_wait3A_417 = arith.constant 0 : i32
    %dma_wait3A_418 = tpu.memref_slice %arg8[%dma_wait3A_416, %dma_wait3A_417] : memref<64x128xf32, #tpu.memory_space<vmem>> -> memref<8x128xf32, #tpu.memory_space<vmem>>
    %dma_wait3A_419 = arith.constant 0 : i32
    %dma_wait3A_420 = arith.constant 0 : i32
    %dma_wait3A_421 = tpu.memref_slice %arg4[%dma_wait3A_415, %add3A, %dma_wait3A_419, %dma_wait3A_420] : memref<1600x32x8x128xf32, #tpu.memory_space<hbm>> -> memref<1x1x8x128xf32, #tpu.memory_space<hbm>>
    %dma_wait3A_422 = tpu.memref_squeeze %dma_wait3A_421 : memref<1x1x8x128xf32, #tpu.memory_space<hbm>> -> memref<8x128xf32, #tpu.memory_space<hbm>>
    %dma_wait3A_423 = arith.constant 0 : i32
    %dma_wait3A_424 = arith.constant 0 : i32
    %dma_wait3A_425 = tpu.memref_slice %arg4[%dma_wait3A_415, %add3A, %dma_wait3A_423, %dma_wait3A_424] : memref<1600x32x8x128xf32, #tpu.memory_space<hbm>> -> memref<1x1x8x128xf32, #tpu.memory_space<hbm>>
    %dma_wait3A_426 = tpu.memref_squeeze %dma_wait3A_425 : memref<1x1x8x128xf32, #tpu.memory_space<hbm>> -> memref<8x128xf32, #tpu.memory_space<hbm>>
    %dma_wait3A_427 = arith.constant 24 : i32
    %dma_wait3A_428 = arith.constant 0 : i32
    %dma_wait3A_429 = tpu.memref_slice %arg8[%dma_wait3A_427, %dma_wait3A_428] : memref<64x128xf32, #tpu.memory_space<vmem>> -> memref<8x128xf32, #tpu.memory_space<vmem>>
    tpu.wait_dma2 semaphore(%arg12 : memref<!tpu.dma_semaphore, #tpu.memory_space<semaphore_mem>>) src(%dma_wait3A_429 : memref<8x128xf32, #tpu.memory_space<vmem>>) dst(%dma_wait3A_426 : memref<8x128xf32, #tpu.memory_space<hbm>>)
    %dma_wait3A_430 = arith.constant 4 : i32
    %dma_wait3A_431 = arith.constant 32 : i32
    %dma_wait3A_432 = arith.constant 0 : i32
    %dma_wait3A_433 = tpu.memref_slice %arg8[%dma_wait3A_431, %dma_wait3A_432] : memref<64x128xf32, #tpu.memory_space<vmem>> -> memref<8x128xf32, #tpu.memory_space<vmem>>
    %dma_wait3A_434 = arith.constant 0 : i32
    %dma_wait3A_435 = arith.constant 0 : i32
    %dma_wait3A_436 = tpu.memref_slice %arg4[%dma_wait3A_430, %add3A, %dma_wait3A_434, %dma_wait3A_435] : memref<1600x32x8x128xf32, #tpu.memory_space<hbm>> -> memref<1x1x8x128xf32, #tpu.memory_space<hbm>>
    %dma_wait3A_437 = tpu.memref_squeeze %dma_wait3A_436 : memref<1x1x8x128xf32, #tpu.memory_space<hbm>> -> memref<8x128xf32, #tpu.memory_space<hbm>>
    %dma_wait3A_438 = arith.constant 0 : i32
    %dma_wait3A_439 = arith.constant 0 : i32
    %dma_wait3A_440 = tpu.memref_slice %arg4[%dma_wait3A_430, %add3A, %dma_wait3A_438, %dma_wait3A_439] : memref<1600x32x8x128xf32, #tpu.memory_space<hbm>> -> memref<1x1x8x128xf32, #tpu.memory_space<hbm>>
    %dma_wait3A_441 = tpu.memref_squeeze %dma_wait3A_440 : memref<1x1x8x128xf32, #tpu.memory_space<hbm>> -> memref<8x128xf32, #tpu.memory_space<hbm>>
    %dma_wait3A_442 = arith.constant 32 : i32
    %dma_wait3A_443 = arith.constant 0 : i32
    %dma_wait3A_444 = tpu.memref_slice %arg8[%dma_wait3A_442, %dma_wait3A_443] : memref<64x128xf32, #tpu.memory_space<vmem>> -> memref<8x128xf32, #tpu.memory_space<vmem>>
    tpu.wait_dma2 semaphore(%arg12 : memref<!tpu.dma_semaphore, #tpu.memory_space<semaphore_mem>>) src(%dma_wait3A_444 : memref<8x128xf32, #tpu.memory_space<vmem>>) dst(%dma_wait3A_441 : memref<8x128xf32, #tpu.memory_space<hbm>>)
    %dma_wait3A_445 = arith.constant 5 : i32
    %dma_wait3A_446 = arith.constant 40 : i32
    %dma_wait3A_447 = arith.constant 0 : i32
    %dma_wait3A_448 = tpu.memref_slice %arg8[%dma_wait3A_446, %dma_wait3A_447] : memref<64x128xf32, #tpu.memory_space<vmem>> -> memref<8x128xf32, #tpu.memory_space<vmem>>
    %dma_wait3A_449 = arith.constant 0 : i32
    %dma_wait3A_450 = arith.constant 0 : i32
    %dma_wait3A_451 = tpu.memref_slice %arg4[%dma_wait3A_445, %add3A, %dma_wait3A_449, %dma_wait3A_450] : memref<1600x32x8x128xf32, #tpu.memory_space<hbm>> -> memref<1x1x8x128xf32, #tpu.memory_space<hbm>>
    %dma_wait3A_452 = tpu.memref_squeeze %dma_wait3A_451 : memref<1x1x8x128xf32, #tpu.memory_space<hbm>> -> memref<8x128xf32, #tpu.memory_space<hbm>>
    %dma_wait3A_453 = arith.constant 0 : i32
    %dma_wait3A_454 = arith.constant 0 : i32
    %dma_wait3A_455 = tpu.memref_slice %arg4[%dma_wait3A_445, %add3A, %dma_wait3A_453, %dma_wait3A_454] : memref<1600x32x8x128xf32, #tpu.memory_space<hbm>> -> memref<1x1x8x128xf32, #tpu.memory_space<hbm>>
    %dma_wait3A_456 = tpu.memref_squeeze %dma_wait3A_455 : memref<1x1x8x128xf32, #tpu.memory_space<hbm>> -> memref<8x128xf32, #tpu.memory_space<hbm>>
    %dma_wait3A_457 = arith.constant 40 : i32
    %dma_wait3A_458 = arith.constant 0 : i32
    %dma_wait3A_459 = tpu.memref_slice %arg8[%dma_wait3A_457, %dma_wait3A_458] : memref<64x128xf32, #tpu.memory_space<vmem>> -> memref<8x128xf32, #tpu.memory_space<vmem>>
    tpu.wait_dma2 semaphore(%arg12 : memref<!tpu.dma_semaphore, #tpu.memory_space<semaphore_mem>>) src(%dma_wait3A_459 : memref<8x128xf32, #tpu.memory_space<vmem>>) dst(%dma_wait3A_456 : memref<8x128xf32, #tpu.memory_space<hbm>>)
    %dma_wait3A_460 = arith.constant 6 : i32
    %dma_wait3A_461 = arith.constant 48 : i32
    %dma_wait3A_462 = arith.constant 0 : i32
    %dma_wait3A_463 = tpu.memref_slice %arg8[%dma_wait3A_461, %dma_wait3A_462] : memref<64x128xf32, #tpu.memory_space<vmem>> -> memref<8x128xf32, #tpu.memory_space<vmem>>
    %dma_wait3A_464 = arith.constant 0 : i32
    %dma_wait3A_465 = arith.constant 0 : i32
    %dma_wait3A_466 = tpu.memref_slice %arg4[%dma_wait3A_460, %add3A, %dma_wait3A_464, %dma_wait3A_465] : memref<1600x32x8x128xf32, #tpu.memory_space<hbm>> -> memref<1x1x8x128xf32, #tpu.memory_space<hbm>>
    %dma_wait3A_467 = tpu.memref_squeeze %dma_wait3A_466 : memref<1x1x8x128xf32, #tpu.memory_space<hbm>> -> memref<8x128xf32, #tpu.memory_space<hbm>>
    %dma_wait3A_468 = arith.constant 0 : i32
    %dma_wait3A_469 = arith.constant 0 : i32
    %dma_wait3A_470 = tpu.memref_slice %arg4[%dma_wait3A_460, %add3A, %dma_wait3A_468, %dma_wait3A_469] : memref<1600x32x8x128xf32, #tpu.memory_space<hbm>> -> memref<1x1x8x128xf32, #tpu.memory_space<hbm>>
    %dma_wait3A_471 = tpu.memref_squeeze %dma_wait3A_470 : memref<1x1x8x128xf32, #tpu.memory_space<hbm>> -> memref<8x128xf32, #tpu.memory_space<hbm>>
    %dma_wait3A_472 = arith.constant 48 : i32
    %dma_wait3A_473 = arith.constant 0 : i32
    %dma_wait3A_474 = tpu.memref_slice %arg8[%dma_wait3A_472, %dma_wait3A_473] : memref<64x128xf32, #tpu.memory_space<vmem>> -> memref<8x128xf32, #tpu.memory_space<vmem>>
    tpu.wait_dma2 semaphore(%arg12 : memref<!tpu.dma_semaphore, #tpu.memory_space<semaphore_mem>>) src(%dma_wait3A_474 : memref<8x128xf32, #tpu.memory_space<vmem>>) dst(%dma_wait3A_471 : memref<8x128xf32, #tpu.memory_space<hbm>>)
    %dma_wait3A_475 = arith.constant 7 : i32
    %dma_wait3A_476 = arith.constant 56 : i32
    %dma_wait3A_477 = arith.constant 0 : i32
    %dma_wait3A_478 = tpu.memref_slice %arg8[%dma_wait3A_476, %dma_wait3A_477] : memref<64x128xf32, #tpu.memory_space<vmem>> -> memref<8x128xf32, #tpu.memory_space<vmem>>
    %dma_wait3A_479 = arith.constant 0 : i32
    %dma_wait3A_480 = arith.constant 0 : i32
    %dma_wait3A_481 = tpu.memref_slice %arg4[%dma_wait3A_475, %add3A, %dma_wait3A_479, %dma_wait3A_480] : memref<1600x32x8x128xf32, #tpu.memory_space<hbm>> -> memref<1x1x8x128xf32, #tpu.memory_space<hbm>>
    %dma_wait3A_482 = tpu.memref_squeeze %dma_wait3A_481 : memref<1x1x8x128xf32, #tpu.memory_space<hbm>> -> memref<8x128xf32, #tpu.memory_space<hbm>>
    %dma_wait3A_483 = arith.constant 0 : i32
    %dma_wait3A_484 = arith.constant 0 : i32
    %dma_wait3A_485 = tpu.memref_slice %arg4[%dma_wait3A_475, %add3A, %dma_wait3A_483, %dma_wait3A_484] : memref<1600x32x8x128xf32, #tpu.memory_space<hbm>> -> memref<1x1x8x128xf32, #tpu.memory_space<hbm>>
    %dma_wait3A_486 = tpu.memref_squeeze %dma_wait3A_485 : memref<1x1x8x128xf32, #tpu.memory_space<hbm>> -> memref<8x128xf32, #tpu.memory_space<hbm>>
    %dma_wait3A_487 = arith.constant 56 : i32
    %dma_wait3A_488 = arith.constant 0 : i32
    %dma_wait3A_489 = tpu.memref_slice %arg8[%dma_wait3A_487, %dma_wait3A_488] : memref<64x128xf32, #tpu.memory_space<vmem>> -> memref<8x128xf32, #tpu.memory_space<vmem>>
    tpu.wait_dma2 semaphore(%arg12 : memref<!tpu.dma_semaphore, #tpu.memory_space<semaphore_mem>>) src(%dma_wait3A_489 : memref<8x128xf32, #tpu.memory_space<vmem>>) dst(%dma_wait3A_486 : memref<8x128xf32, #tpu.memory_space<hbm>>)
    %dma_wait3A_490 = arith.constant 0 : i32
    %dma_wait3A_491 = arith.constant 0 : i32
    %dma_wait3A_492 = arith.constant 0 : i32
    %dma_wait3A_493 = tpu.memref_slice %arg9[%dma_wait3A_491, %dma_wait3A_492] : memref<64x128xf32, #tpu.memory_space<vmem>> -> memref<8x128xf32, #tpu.memory_space<vmem>>
    %dma_wait3A_494 = arith.constant 0 : i32
    %dma_wait3A_495 = arith.constant 0 : i32
    %dma_wait3A_496 = tpu.memref_slice %arg4[%dma_wait3A_490, %add3A, %dma_wait3A_494, %dma_wait3A_495] : memref<1600x32x8x128xf32, #tpu.memory_space<hbm>> -> memref<1x1x8x128xf32, #tpu.memory_space<hbm>>
    %dma_wait3A_497 = tpu.memref_squeeze %dma_wait3A_496 : memref<1x1x8x128xf32, #tpu.memory_space<hbm>> -> memref<8x128xf32, #tpu.memory_space<hbm>>
    %dma_wait3A_498 = arith.constant 0 : i32
    %dma_wait3A_499 = arith.constant 0 : i32
    %dma_wait3A_500 = tpu.memref_slice %arg4[%dma_wait3A_490, %add3A, %dma_wait3A_498, %dma_wait3A_499] : memref<1600x32x8x128xf32, #tpu.memory_space<hbm>> -> memref<1x1x8x128xf32, #tpu.memory_space<hbm>>
    %dma_wait3A_501 = tpu.memref_squeeze %dma_wait3A_500 : memref<1x1x8x128xf32, #tpu.memory_space<hbm>> -> memref<8x128xf32, #tpu.memory_space<hbm>>
    %dma_wait3A_502 = arith.constant 0 : i32
    %dma_wait3A_503 = arith.constant 0 : i32
    %dma_wait3A_504 = tpu.memref_slice %arg9[%dma_wait3A_502, %dma_wait3A_503] : memref<64x128xf32, #tpu.memory_space<vmem>> -> memref<8x128xf32, #tpu.memory_space<vmem>>
    tpu.wait_dma2 semaphore(%arg13 : memref<!tpu.dma_semaphore, #tpu.memory_space<semaphore_mem>>) src(%dma_wait3A_504 : memref<8x128xf32, #tpu.memory_space<vmem>>) dst(%dma_wait3A_501 : memref<8x128xf32, #tpu.memory_space<hbm>>)
    %dma_wait3A_505 = arith.constant 1 : i32
    %dma_wait3A_506 = arith.constant 8 : i32
    %dma_wait3A_507 = arith.constant 0 : i32
    %dma_wait3A_508 = tpu.memref_slice %arg9[%dma_wait3A_506, %dma_wait3A_507] : memref<64x128xf32, #tpu.memory_space<vmem>> -> memref<8x128xf32, #tpu.memory_space<vmem>>
    %dma_wait3A_509 = arith.constant 0 : i32
    %dma_wait3A_510 = arith.constant 0 : i32
    %dma_wait3A_511 = tpu.memref_slice %arg4[%dma_wait3A_505, %add3A, %dma_wait3A_509, %dma_wait3A_510] : memref<1600x32x8x128xf32, #tpu.memory_space<hbm>> -> memref<1x1x8x128xf32, #tpu.memory_space<hbm>>
    %dma_wait3A_512 = tpu.memref_squeeze %dma_wait3A_511 : memref<1x1x8x128xf32, #tpu.memory_space<hbm>> -> memref<8x128xf32, #tpu.memory_space<hbm>>
    %dma_wait3A_513 = arith.constant 0 : i32
    %dma_wait3A_514 = arith.constant 0 : i32
    %dma_wait3A_515 = tpu.memref_slice %arg4[%dma_wait3A_505, %add3A, %dma_wait3A_513, %dma_wait3A_514] : memref<1600x32x8x128xf32, #tpu.memory_space<hbm>> -> memref<1x1x8x128xf32, #tpu.memory_space<hbm>>
    %dma_wait3A_516 = tpu.memref_squeeze %dma_wait3A_515 : memref<1x1x8x128xf32, #tpu.memory_space<hbm>> -> memref<8x128xf32, #tpu.memory_space<hbm>>
    %dma_wait3A_517 = arith.constant 8 : i32
    %dma_wait3A_518 = arith.constant 0 : i32
    %dma_wait3A_519 = tpu.memref_slice %arg9[%dma_wait3A_517, %dma_wait3A_518] : memref<64x128xf32, #tpu.memory_space<vmem>> -> memref<8x128xf32, #tpu.memory_space<vmem>>
    tpu.wait_dma2 semaphore(%arg13 : memref<!tpu.dma_semaphore, #tpu.memory_space<semaphore_mem>>) src(%dma_wait3A_519 : memref<8x128xf32, #tpu.memory_space<vmem>>) dst(%dma_wait3A_516 : memref<8x128xf32, #tpu.memory_space<hbm>>)
    %dma_wait3A_520 = arith.constant 2 : i32
    %dma_wait3A_521 = arith.constant 16 : i32
    %dma_wait3A_522 = arith.constant 0 : i32
    %dma_wait3A_523 = tpu.memref_slice %arg9[%dma_wait3A_521, %dma_wait3A_522] : memref<64x128xf32, #tpu.memory_space<vmem>> -> memref<8x128xf32, #tpu.memory_space<vmem>>
    %dma_wait3A_524 = arith.constant 0 : i32
    %dma_wait3A_525 = arith.constant 0 : i32
    %dma_wait3A_526 = tpu.memref_slice %arg4[%dma_wait3A_520, %add3A, %dma_wait3A_524, %dma_wait3A_525] : memref<1600x32x8x128xf32, #tpu.memory_space<hbm>> -> memref<1x1x8x128xf32, #tpu.memory_space<hbm>>
    %dma_wait3A_527 = tpu.memref_squeeze %dma_wait3A_526 : memref<1x1x8x128xf32, #tpu.memory_space<hbm>> -> memref<8x128xf32, #tpu.memory_space<hbm>>
    %dma_wait3A_528 = arith.constant 0 : i32
    %dma_wait3A_529 = arith.constant 0 : i32
    %dma_wait3A_530 = tpu.memref_slice %arg4[%dma_wait3A_520, %add3A, %dma_wait3A_528, %dma_wait3A_529] : memref<1600x32x8x128xf32, #tpu.memory_space<hbm>> -> memref<1x1x8x128xf32, #tpu.memory_space<hbm>>
    %dma_wait3A_531 = tpu.memref_squeeze %dma_wait3A_530 : memref<1x1x8x128xf32, #tpu.memory_space<hbm>> -> memref<8x128xf32, #tpu.memory_space<hbm>>
    %dma_wait3A_532 = arith.constant 16 : i32
    %dma_wait3A_533 = arith.constant 0 : i32
    %dma_wait3A_534 = tpu.memref_slice %arg9[%dma_wait3A_532, %dma_wait3A_533] : memref<64x128xf32, #tpu.memory_space<vmem>> -> memref<8x128xf32, #tpu.memory_space<vmem>>
    tpu.wait_dma2 semaphore(%arg13 : memref<!tpu.dma_semaphore, #tpu.memory_space<semaphore_mem>>) src(%dma_wait3A_534 : memref<8x128xf32, #tpu.memory_space<vmem>>) dst(%dma_wait3A_531 : memref<8x128xf32, #tpu.memory_space<hbm>>)
    %dma_wait3A_535 = arith.constant 3 : i32
    %dma_wait3A_536 = arith.constant 24 : i32
    %dma_wait3A_537 = arith.constant 0 : i32
    %dma_wait3A_538 = tpu.memref_slice %arg9[%dma_wait3A_536, %dma_wait3A_537] : memref<64x128xf32, #tpu.memory_space<vmem>> -> memref<8x128xf32, #tpu.memory_space<vmem>>
    %dma_wait3A_539 = arith.constant 0 : i32
    %dma_wait3A_540 = arith.constant 0 : i32
    %dma_wait3A_541 = tpu.memref_slice %arg4[%dma_wait3A_535, %add3A, %dma_wait3A_539, %dma_wait3A_540] : memref<1600x32x8x128xf32, #tpu.memory_space<hbm>> -> memref<1x1x8x128xf32, #tpu.memory_space<hbm>>
    %dma_wait3A_542 = tpu.memref_squeeze %dma_wait3A_541 : memref<1x1x8x128xf32, #tpu.memory_space<hbm>> -> memref<8x128xf32, #tpu.memory_space<hbm>>
    %dma_wait3A_543 = arith.constant 0 : i32
    %dma_wait3A_544 = arith.constant 0 : i32
    %dma_wait3A_545 = tpu.memref_slice %arg4[%dma_wait3A_535, %add3A, %dma_wait3A_543, %dma_wait3A_544] : memref<1600x32x8x128xf32, #tpu.memory_space<hbm>> -> memref<1x1x8x128xf32, #tpu.memory_space<hbm>>
    %dma_wait3A_546 = tpu.memref_squeeze %dma_wait3A_545 : memref<1x1x8x128xf32, #tpu.memory_space<hbm>> -> memref<8x128xf32, #tpu.memory_space<hbm>>
    %dma_wait3A_547 = arith.constant 24 : i32
    %dma_wait3A_548 = arith.constant 0 : i32
    %dma_wait3A_549 = tpu.memref_slice %arg9[%dma_wait3A_547, %dma_wait3A_548] : memref<64x128xf32, #tpu.memory_space<vmem>> -> memref<8x128xf32, #tpu.memory_space<vmem>>
    tpu.wait_dma2 semaphore(%arg13 : memref<!tpu.dma_semaphore, #tpu.memory_space<semaphore_mem>>) src(%dma_wait3A_549 : memref<8x128xf32, #tpu.memory_space<vmem>>) dst(%dma_wait3A_546 : memref<8x128xf32, #tpu.memory_space<hbm>>)
    %dma_wait3A_550 = arith.constant 4 : i32
    %dma_wait3A_551 = arith.constant 32 : i32
    %dma_wait3A_552 = arith.constant 0 : i32
    %dma_wait3A_553 = tpu.memref_slice %arg9[%dma_wait3A_551, %dma_wait3A_552] : memref<64x128xf32, #tpu.memory_space<vmem>> -> memref<8x128xf32, #tpu.memory_space<vmem>>
    %dma_wait3A_554 = arith.constant 0 : i32
    %dma_wait3A_555 = arith.constant 0 : i32
    %dma_wait3A_556 = tpu.memref_slice %arg4[%dma_wait3A_550, %add3A, %dma_wait3A_554, %dma_wait3A_555] : memref<1600x32x8x128xf32, #tpu.memory_space<hbm>> -> memref<1x1x8x128xf32, #tpu.memory_space<hbm>>
    %dma_wait3A_557 = tpu.memref_squeeze %dma_wait3A_556 : memref<1x1x8x128xf32, #tpu.memory_space<hbm>> -> memref<8x128xf32, #tpu.memory_space<hbm>>
    %dma_wait3A_558 = arith.constant 0 : i32
    %dma_wait3A_559 = arith.constant 0 : i32
    %dma_wait3A_560 = tpu.memref_slice %arg4[%dma_wait3A_550, %add3A, %dma_wait3A_558, %dma_wait3A_559] : memref<1600x32x8x128xf32, #tpu.memory_space<hbm>> -> memref<1x1x8x128xf32, #tpu.memory_space<hbm>>
    %dma_wait3A_561 = tpu.memref_squeeze %dma_wait3A_560 : memref<1x1x8x128xf32, #tpu.memory_space<hbm>> -> memref<8x128xf32, #tpu.memory_space<hbm>>
    %dma_wait3A_562 = arith.constant 32 : i32
    %dma_wait3A_563 = arith.constant 0 : i32
    %dma_wait3A_564 = tpu.memref_slice %arg9[%dma_wait3A_562, %dma_wait3A_563] : memref<64x128xf32, #tpu.memory_space<vmem>> -> memref<8x128xf32, #tpu.memory_space<vmem>>
    tpu.wait_dma2 semaphore(%arg13 : memref<!tpu.dma_semaphore, #tpu.memory_space<semaphore_mem>>) src(%dma_wait3A_564 : memref<8x128xf32, #tpu.memory_space<vmem>>) dst(%dma_wait3A_561 : memref<8x128xf32, #tpu.memory_space<hbm>>)
    %dma_wait3A_565 = arith.constant 5 : i32
    %dma_wait3A_566 = arith.constant 40 : i32
    %dma_wait3A_567 = arith.constant 0 : i32
    %dma_wait3A_568 = tpu.memref_slice %arg9[%dma_wait3A_566, %dma_wait3A_567] : memref<64x128xf32, #tpu.memory_space<vmem>> -> memref<8x128xf32, #tpu.memory_space<vmem>>
    %dma_wait3A_569 = arith.constant 0 : i32
    %dma_wait3A_570 = arith.constant 0 : i32
    %dma_wait3A_571 = tpu.memref_slice %arg4[%dma_wait3A_565, %add3A, %dma_wait3A_569, %dma_wait3A_570] : memref<1600x32x8x128xf32, #tpu.memory_space<hbm>> -> memref<1x1x8x128xf32, #tpu.memory_space<hbm>>
    %dma_wait3A_572 = tpu.memref_squeeze %dma_wait3A_571 : memref<1x1x8x128xf32, #tpu.memory_space<hbm>> -> memref<8x128xf32, #tpu.memory_space<hbm>>
    %dma_wait3A_573 = arith.constant 0 : i32
    %dma_wait3A_574 = arith.constant 0 : i32
    %dma_wait3A_575 = tpu.memref_slice %arg4[%dma_wait3A_565, %add3A, %dma_wait3A_573, %dma_wait3A_574] : memref<1600x32x8x128xf32, #tpu.memory_space<hbm>> -> memref<1x1x8x128xf32, #tpu.memory_space<hbm>>
    %dma_wait3A_576 = tpu.memref_squeeze %dma_wait3A_575 : memref<1x1x8x128xf32, #tpu.memory_space<hbm>> -> memref<8x128xf32, #tpu.memory_space<hbm>>
    %dma_wait3A_577 = arith.constant 40 : i32
    %dma_wait3A_578 = arith.constant 0 : i32
    %dma_wait3A_579 = tpu.memref_slice %arg9[%dma_wait3A_577, %dma_wait3A_578] : memref<64x128xf32, #tpu.memory_space<vmem>> -> memref<8x128xf32, #tpu.memory_space<vmem>>
    tpu.wait_dma2 semaphore(%arg13 : memref<!tpu.dma_semaphore, #tpu.memory_space<semaphore_mem>>) src(%dma_wait3A_579 : memref<8x128xf32, #tpu.memory_space<vmem>>) dst(%dma_wait3A_576 : memref<8x128xf32, #tpu.memory_space<hbm>>)
    %dma_wait3A_580 = arith.constant 6 : i32
    %dma_wait3A_581 = arith.constant 48 : i32
    %dma_wait3A_582 = arith.constant 0 : i32
    %dma_wait3A_583 = tpu.memref_slice %arg9[%dma_wait3A_581, %dma_wait3A_582] : memref<64x128xf32, #tpu.memory_space<vmem>> -> memref<8x128xf32, #tpu.memory_space<vmem>>
    %dma_wait3A_584 = arith.constant 0 : i32
    %dma_wait3A_585 = arith.constant 0 : i32
    %dma_wait3A_586 = tpu.memref_slice %arg4[%dma_wait3A_580, %add3A, %dma_wait3A_584, %dma_wait3A_585] : memref<1600x32x8x128xf32, #tpu.memory_space<hbm>> -> memref<1x1x8x128xf32, #tpu.memory_space<hbm>>
    %dma_wait3A_587 = tpu.memref_squeeze %dma_wait3A_586 : memref<1x1x8x128xf32, #tpu.memory_space<hbm>> -> memref<8x128xf32, #tpu.memory_space<hbm>>
    %dma_wait3A_588 = arith.constant 0 : i32
    %dma_wait3A_589 = arith.constant 0 : i32
    %dma_wait3A_590 = tpu.memref_slice %arg4[%dma_wait3A_580, %add3A, %dma_wait3A_588, %dma_wait3A_589] : memref<1600x32x8x128xf32, #tpu.memory_space<hbm>> -> memref<1x1x8x128xf32, #tpu.memory_space<hbm>>
    %dma_wait3A_591 = tpu.memref_squeeze %dma_wait3A_590 : memref<1x1x8x128xf32, #tpu.memory_space<hbm>> -> memref<8x128xf32, #tpu.memory_space<hbm>>
    %dma_wait3A_592 = arith.constant 48 : i32
    %dma_wait3A_593 = arith.constant 0 : i32
    %dma_wait3A_594 = tpu.memref_slice %arg9[%dma_wait3A_592, %dma_wait3A_593] : memref<64x128xf32, #tpu.memory_space<vmem>> -> memref<8x128xf32, #tpu.memory_space<vmem>>
    tpu.wait_dma2 semaphore(%arg13 : memref<!tpu.dma_semaphore, #tpu.memory_space<semaphore_mem>>) src(%dma_wait3A_594 : memref<8x128xf32, #tpu.memory_space<vmem>>) dst(%dma_wait3A_591 : memref<8x128xf32, #tpu.memory_space<hbm>>)
    %dma_wait3A_595 = arith.constant 7 : i32
    %dma_wait3A_596 = arith.constant 56 : i32
    %dma_wait3A_597 = arith.constant 0 : i32
    %dma_wait3A_598 = tpu.memref_slice %arg9[%dma_wait3A_596, %dma_wait3A_597] : memref<64x128xf32, #tpu.memory_space<vmem>> -> memref<8x128xf32, #tpu.memory_space<vmem>>
    %dma_wait3A_599 = arith.constant 0 : i32
    %dma_wait3A_600 = arith.constant 0 : i32
    %dma_wait3A_601 = tpu.memref_slice %arg4[%dma_wait3A_595, %add3A, %dma_wait3A_599, %dma_wait3A_600] : memref<1600x32x8x128xf32, #tpu.memory_space<hbm>> -> memref<1x1x8x128xf32, #tpu.memory_space<hbm>>
    %dma_wait3A_602 = tpu.memref_squeeze %dma_wait3A_601 : memref<1x1x8x128xf32, #tpu.memory_space<hbm>> -> memref<8x128xf32, #tpu.memory_space<hbm>>
    %dma_wait3A_603 = arith.constant 0 : i32
    %dma_wait3A_604 = arith.constant 0 : i32
    %dma_wait3A_605 = tpu.memref_slice %arg4[%dma_wait3A_595, %add3A, %dma_wait3A_603, %dma_wait3A_604] : memref<1600x32x8x128xf32, #tpu.memory_space<hbm>> -> memref<1x1x8x128xf32, #tpu.memory_space<hbm>>
    %dma_wait3A_606 = tpu.memref_squeeze %dma_wait3A_605 : memref<1x1x8x128xf32, #tpu.memory_space<hbm>> -> memref<8x128xf32, #tpu.memory_space<hbm>>
    %dma_wait3A_607 = arith.constant 56 : i32
    %dma_wait3A_608 = arith.constant 0 : i32
    %dma_wait3A_609 = tpu.memref_slice %arg9[%dma_wait3A_607, %dma_wait3A_608] : memref<64x128xf32, #tpu.memory_space<vmem>> -> memref<8x128xf32, #tpu.memory_space<vmem>>
    tpu.wait_dma2 semaphore(%arg13 : memref<!tpu.dma_semaphore, #tpu.memory_space<semaphore_mem>>) src(%dma_wait3A_609 : memref<8x128xf32, #tpu.memory_space<vmem>>) dst(%dma_wait3A_606 : memref<8x128xf32, #tpu.memory_space<hbm>>)
    return
  }
}

</mosaic_0001>

<sc_bundles>
// kernel: kernel.3.cloned.1.call-start
scs
__scs_entry_jumppad:
0x0: {  	(pc) =	sbr.rel $0x88, $3  }
0x1: {  	(tag) =	ssettag $0x0;
	lr =	simm.s32 $0x1  }
0x2: {  	[smem:$0x3F9F] =	sst lr;
	_ =	strace $0xD0000000  }
0x3: {  	_ = 	snop  }
0x4: {  	_ = 	snop  }
0x5: {  	_ = 	snop  }
0x6: {  	_ = 	snop  }
0x7: {  	_ = 	snop  }
__scs_overlays_trampoline_lowered:
0x8: {  	[smem:$0x3FAE] =	sst s0  }
0x9: {  	[smem:$0x3FAF] =	sst s1  }
0xa: {  	[smem:$0x3FB0] =	sst s2  }
0xb: {  	[smem:$0x3FB1] =	sst s3  }
0xc: {  	[smem:$0x3FB2] =	sst s4  }
0xd: {  	[smem:$0x3FB3] =	sst s5  }
0xe: {  	[smem:$0x3FB4] =	sst s6  }
0xf: {  	[smem:$0x3FB5] =	sst s7  }
0x10: {  	[smem:$0x3FB6] =	sst s8  }
0x11: {  	[smem:$0x3FB7] =	sst s9;
	s0 =	simm.s32 @!p0 $0x0  }
0x12: {  	s1 =	sld [smem:$0x3F9D];
	s0 =	simm.s32 @p0 $0x1  }
0x13: {  	[smem:$0x3FB8] =	sst s0;
	s0 =	simm.s32 @!p1 $0x0  }
0x14: {  	s2 =	sld [smem:$0x3F9C];
	s0 =	simm.s32 @p1 $0x1  }
0x15: {  	[smem:$0x3FB9] =	sst s0;
	s0 =	simm.s32 @!p2 $0x0  }
0x16: {  	s3 =	sld [smem:$0x3FDB];
	s0 =	simm.s32 @p2 $0x1  }
0x17: {  	s4 =	simm.s32 $0x1BF5;
	[smem:$0x3FBB] =	sst s0  }
0x18: {  	s0 =	sld [smem:$0x3F9E];
	_ =	swait.ge [sflag:s4], $0x0  }
0x19: {  	s7 =	sld [smem:$0x3F9F]  }
0x1a: {  	s8 =	sadd.s32 $0xFFFFE003, lr  }
0x1b: {  	s9 =	sadd.s32 $0xFFFFFEF7, lr;
	s5 =	simm.s32 $0xFFFFFFFF;
	p2 =	slt.u32 s8, $0xFFFFF086  }
0x1c: {  	p1 =	slt.u32 s9, $0xF7A;
	s5 =	simm.s32 @!p2 $0x0  }
0x1d: {  	s5 =	simm.s32 @p1 $0x1;
	p0 =	seq.s32 s7, s2  }
0x1e: {  	s7 =	smul.u32 @!p0 $0xF7A, s2;
	p2 =	seq.s32 @!p0 s5, $0x0  }
0x1f: {  	s9 =	smul.u32 $0xF7A, s1;
	s8 =	simm.s32 @!p0 $0x1BF5;
	p2 =	por !p2, p0  }
0x20: {  	[sflag:s8] =	ssyncset.s32 @!p0 $0xFFFFF086;
	s6 =	sadd.s32 @!p0 s3, s7;
	s7 =	simm.s32 @!p0 $0x108  }
0x21: {  	s3 =	sadd.s32 s3, s9;
	s6 =	sadd.s32 @!p0 $0x88, s6;
	s7 =	simm.s32 @p2 $0x1082  }
0x22: {  	[simem:s7], [sflag:s8] =	dma.local @!p0 [hbm:s6], $0xF7A  }
0x23: {  	s9 =	sor.u32 $0xD0000000, s2;
	s6 =	simm.s32 $0x108;
	_ =	swait.ge @!p0 [sflag:s8], $0x0  }
0x24: {  	s3 =	sadd.s32 $0x88, s3;
	s6 =	simm.s32 @!p1 $0x1082;
	[sflag:s4] =	ssyncset.s32 $0xFFFFF086  }
0x25: {  	[simem:s6], [sflag:s4] =	dma.local [hbm:s3], $0xF7A  }
0x26: {  	[smem:$0x3F9F] =	sst s1;
	(tag) =	ssettag s2;
	_ =	strace s9  }
0x27: {  	s1 =	sld [smem:$0x3FAF]  }
0x28: {  	s2 =	sld [smem:$0x3FB0]  }
0x29: {  	s4 =	sld [smem:$0x3FB2]  }
0x2a: {  	p0 =	seq.s32 s5, $0x0;
	s5 =	sld [smem:$0x3FB3]  }
0x2b: {  	s6 =	sld [smem:$0x3FB4]  }
0x2c: {  	s7 =	sld [smem:$0x3FB5]  }
0x2d: {  	s3 =	simm.s32 $0x108;
	s8 =	sld [smem:$0x3FB6]  }
0x2e: {  	s3 =	simm.s32 @!p0 $0x1082;
	s9 =	sld [smem:$0x3FB7]  }
0x2f: {  	lr =	sadd.s32 s0, s3;
	s0 =	sld [smem:$0x3FAE]  }
0x30: {  	s3 =	sld [smem:$0x3FB1]  }
0x31: {  	[smem:$0x3FBA] =	sst s10  }
0x32: {  	s10 =	sld [smem:$0x3FB8];
	_ =	sdelay $0x3  }
0x33: {  	p0 =	seq.s32 s10, $0x1;
	s10 =	sld [smem:$0x3FBA];
	_ =	sdelay $0x3  }
0x34: {  	[smem:$0x3FBA] =	sst s10  }
0x35: {  	s10 =	sld [smem:$0x3FB9];
	_ =	sdelay $0x3  }
0x36: {  	p1 =	seq.s32 s10, $0x1;
	s10 =	sld [smem:$0x3FBA];
	_ =	sdelay $0x3  }
0x37: {  	[smem:$0x3FBA] =	sst s10  }
0x38: {  	s10 =	sld [smem:$0x3FBB]  }
0x39: {  	_ = 	snop;
	(pc) =	sbr.ind lr, $3  }
0x3a: {  	_ = 	snop  }
0x3b: {  	_ = 	snop  }
0x3c: {  	p2 =	seq.s32 s10, $0x1;
	s10 =	sld [smem:$0x3FBA]  }
0x3d: {  	_ =	shalt  }
0x3e: {  	_ =	shalt  }
0x3f: {  	_ =	shalt  }
0x40: {  	_ =	shalt  }
0x41: {  	_ =	shalt  }
0x42: {  	_ =	shalt  }
0x43: {  	_ =	shalt  }
0x44: {  	_ =	shalt  }
0x45: {  	_ =	shalt  }
0x46: {  	_ =	shalt  }
0x47: {  	_ =	shalt  }
0x48: {  	_ =	shalt  }
0x49: {  	_ =	shalt  }
0x4a: {  	_ =	shalt  }
0x4b: {  	_ =	shalt  }
0x4c: {  	_ =	shalt  }
0x4d: {  	_ =	shalt  }
0x4e: {  	_ =	shalt  }
0x4f: {  	_ =	shalt  }
0x50: {  	_ =	shalt  }
0x51: {  	_ =	shalt  }
0x52: {  	_ =	shalt  }
0x53: {  	_ =	shalt  }
0x54: {  	_ =	shalt  }
0x55: {  	_ =	shalt  }
0x56: {  	_ =	shalt  }
0x57: {  	_ =	shalt  }
0x58: {  	_ =	shalt  }
0x59: {  	_ =	shalt  }
0x5a: {  	_ =	shalt  }
0x5b: {  	_ =	shalt  }
0x5c: {  	_ =	shalt  }
0x5d: {  	_ =	shalt  }
0x5e: {  	_ =	shalt  }
0x5f: {  	_ =	shalt  }
0x60: {  	_ =	shalt  }
0x61: {  	_ =	shalt  }
0x62: {  	_ =	shalt  }
0x63: {  	_ =	shalt  }
0x64: {  	_ =	shalt  }
0x65: {  	_ =	shalt  }
0x66: {  	_ =	shalt  }
0x67: {  	_ =	shalt  }
0x68: {  	_ =	shalt  }
0x69: {  	_ =	shalt  }
0x6a: {  	_ =	shalt  }
0x6b: {  	_ =	shalt  }
0x6c: {  	_ =	shalt  }
0x6d: {  	_ =	shalt  }
0x6e: {  	_ =	shalt  }
0x6f: {  	_ =	shalt  }
0x70: {  	_ =	shalt  }
0x71: {  	_ =	shalt  }
0x72: {  	_ =	shalt  }
0x73: {  	_ =	shalt  }
0x74: {  	_ =	shalt  }
0x75: {  	_ =	shalt  }
0x76: {  	_ =	shalt  }
0x77: {  	_ =	shalt  }
0x78: {  	_ =	shalt  }
0x79: {  	_ =	shalt  }
0x7a: {  	_ =	shalt  }
0x7b: {  	_ =	shalt  }
0x7c: {  	_ =	shalt  }
0x7d: {  	_ =	shalt  }
0x7e: {  	_ =	shalt  }
0x7f: {  	_ =	shalt  }
0x80: {  	_ =	shalt  }
0x81: {  	_ =	shalt  }
0x82: {  	_ =	shalt  }
0x83: {  	_ =	shalt  }
0x84: {  	_ =	shalt  }
0x85: {  	_ =	shalt  }
0x86: {  	_ =	shalt  }
0x87: {  	_ =	shalt  }
.Lfunc_end0:
.L_simem_size_0:
called_computation_lowered:
.L_overlay_start_0:
0x88: {  	s2 =	sld [smem:$0x3FD9]  }
0x89: {  	s3 =	sld [smem:$0x3FFE];
	_ =	sdelay $0x1  }
0x8a: {  	s1 =	srdreg.scid  }
0x8b: {  	s0 =	sand.u32 $0x1, s1  }
0x8c: {  	s17 =	sshll.u32 s0, $0xA;
	s2 =	sadd.s32 s3, s2  }
0x8d: {  	s2 =	sadd.s32 s2, s17  }
0x8e: {  	[smem:$0x3FC6] =	sst s2  }
0x8f: {  	_ = 	snop  }
0x90: {  	s2 =	sld [smem:$0x3FC9]  }
0x91: {  	s18 =	sld [smem:$0x3FD0];
	(tm) =	ssettm $0x1  }
0x92: {  	s4 =	sld [smem:$0x3FFB];
	_ =	sdelay $0x3  }
0x93: {  	_ =	strace s4  }
0x94: {  	s4 =	sld [smem:$0x3FFC];
	_ =	sdelay $0x3  }
0x95: {  	_ =	strace s4  }
0x96: {  	s4 =	sld [smem:$0x3FFD];
	_ =	sdelay $0x3  }
0x97: {  	_ =	strace s4  }
0x98: {  	_ =	strace $0x8FFFFFFF  }
0x99: {  	s19 =	sld [smem:$0x3FDB];
	_ =	sdelay $0x1  }
0x9a: {  	s5 =	simm.s32 $_scs_section_size  }
0x9b: {  	s6 =	simm.s32 $_size__tile_overlayer_lowered;
	s7 =	simm.s32 $_tile_overlayer_lowered  }
0x9c: {  	s22 =	simm.s32 $0x1BFF;
	s21 =	sshll.u32 s7, $0x1;
	s4 =	sadd.s32 s5, s19  }
0x9d: {  	s8 =	simm.s32 $0x0;
	s20 =	sshll.u32 s6, $0x1;
	s6 =	sadd.s32 s21, s4  }
0x9e: {  	[timem:s8], [sflag:s22] =	dma.local [hbm:s6], s20  }
0x9f: {  	_ =	swait.ge [sflag:s22], s20  }
0xa0: {  	s5 =	ssub.s32 $0x0, s20;
	[sflag:s22] =	ssyncset.done $0x0  }
0xa1: {  	[sflag:s22] =	ssyncadd.s32 s5;
	_ =	sdelay $0x1  }
0xa2: {  	s23 =	simm.s32 $0x1B8B  }
0xa3: {  	_ =	swait.ge [sflag:s23], $0x1  }
0xa4: {  	[sflag:s23] =	ssyncset.done $0x0  }
0xa5: {  	s25 =	simm.s32 $0x1B8E;
	s24 =	sld [smem:$0x3FFE];
	[sflag:s23] =	ssyncadd.s32 $0xFFFFFFFF  }
0xa6: {  	s26 =	simm.s32 $execute0_lowered;
	[smem:$0x3FD2] =	sst s25  }
0xa7: {  	s6 =	sshll.u32 s26, $0x1;
	_ =	strace $0x80000046;
	[dreg:$0x1] =	wrdreg $0xFFFFFFFF  }
0xa8: {  	s28 =	simm.s32 $_size_execute0_lowered;
	s4 =	sadd.s32 s4, s6;
	[dreg:$0x0] =	wrdreg $0x0  }
0xa9: {  	s6 =	sshll.u32 s28, $0x1;
	[dreg:$0x2] =	wrdreg s4  }
0xaa: {  	[dreg:$0x3] =	wrdreg s6  }
0xab: {  	[dreg:$0x4] =	wrdreg $0xC0  }
0xac: {  	_ =	task [dreg:s8], $0x5FFFF  }
0xad: {  	[dreg:$0x1] =	wrdreg $0xFFFFFFFF  }
0xae: {  	[dreg:$0x0] =	wrdreg $0x60  }
0xaf: {  	[dreg:$0x2] =	wrdreg s24  }
0xb0: {  	[dreg:$0x3] =	wrdreg s2  }
0xb1: {  	[dreg:$0x4] =	wrdreg s18  }
0xb2: {  	[dreg:$0x5] =	wrdreg $0x9  }
0xb3: {  	_ =	task.clear_ibuf [dreg:s8], $0x6FFFF;
	_ =	strace $0x90000046  }
0xb4: {  	s29 =	simm.s32 $0x9;
	_ =	strace $0x80000048  }
0xb5: {  	_ =	swait.ge [sflag:s29], $0x1  }
0xb6: {  	[sflag:s29] =	ssyncadd.s32 $0xFFFFFFFF  }
0xb7: {  	_ =	strace $0x90000048  }
0xb8: {  	_ =	sfence  }
0xb9: {  	s30 =	sld [smem:$0x0];
	_ =	sdelay $0x2  }
0xba: {  	s31 =	sshll.u32 s1, $0xD;
	s1 =	sshrl.u32 s1, $0x2  }
0xbb: {  	s3 =	sand.u32 $0x4000, s31;
	s1 =	sadd.s32 s1, s30  }
0xbc: {  	s0 =	sor.u32 s3, s0;
	s1 =	sshll.u32 s1, $0x11  }
0xbd: {  	s0 =	sor.u32 s1, s0  }
0xbe: {  	s0 =	sadd.s32 $0x8F2B, s0  }
0xbf: {  	[sflag:s0] =	ssyncadd.remote.s32 $0x1  }
0xc0: {  	_ =	sfence.sel $0xFFFF  }
0xc1: {  	[dreg:$0x0] =	wrdreg $0xFFFFFFFF;
	(pc) =	sbr.abs _section_cstart, $3  }
0xc2: {  	[dreg:$0x1] =	wrdreg $0xFFFFFFFF  }
0xc3: {  	_ =	task.clear_ibuf [dreg:s8], $0x2FFFF;
	_ =	strace $0x9FFFFFFF  }
0xc4: {  	(tm) =	ssettm $0x7FFFFFFF  }
0xc5: {  	_ =	shalt  }
tec
execute0_lowered:
.L_overlay_start_1:
0x0: {  	(tag) =	ssettag $0x1  }
0x1: {  	s0 =	rddreg [dreg:$0x0]  }
0x2: {  	s1 =	rddreg [dreg:$0x1]  }
0x3: {  	s19 =	rddreg [dreg:$0x2]  }
0x4: {  	s3 =	simm.s32 $0x0;
	s2 =	srdreg.scid;
	s5 =	stileid.u32  }
0x5: {  	[smem:$0x7FF] =	sst s3;
	s2 =	sand.u32 $0x1, s2;
	s5 =	sshll.u32 s5, $0x8  }
0x6: {  	s4 =	ssub.s32 $0x2, s2;
	s2 =	sshll.u32 s2, $0x7;
	_ =	strace $0x80000047  }
0x7: {  	s6 =	sshrl.u32 s4, $0x1;
	s20 =	sor.u32 s2, s5;
	s5 =	sadd.s32 $0xF42800, s0  }
0x8: {  	s0 =	ssub.s32 s4, s6;
	s21 =	sadd.s32 s1, s20;
	s2 =	sor.u32 $0x1000, s20  }
0x9: {  	s4 =	sor.u32 $0x2000, s20;
	s7 =	sadd.s32 s1, s2;
	[dreg:$0x4] =	wrdreg s21  }
0xa: {  	s6 =	sor.u32 $0x3000, s20;
	s15 =	sadd.s32 s1, s4;
	[dreg:$0x5] =	wrdreg s7  }
0xb: {  	s8 =	sor.u32 $0x5000, s20;
	s16 =	sadd.s32 s1, s6;
	[dreg:$0x6] =	wrdreg s15  }
0xc: {  	s9 =	sor.u32 $0x6000, s20;
	s17 =	sadd.s32 s1, s8;
	[dreg:$0x7] =	wrdreg s16  }
0xd: {  	s11 =	sor.u32 $0x8000, s20;
	s18 =	sadd.s32 s1, s9;
	[dreg:$0x9] =	wrdreg s17  }
0xe: {  	s12 =	sor.u32 $0x9000, s20;
	s22 =	sadd.s32 s1, s11;
	[dreg:$0xa] =	wrdreg s18  }
0xf: {  	s14 =	sor.u32 $0xB000, s20;
	s23 =	sadd.s32 s1, s12;
	[dreg:$0xc] =	wrdreg s22  }
0x10: {  	s24 =	sadd.s32 s1, s14;
	[dreg:$0xd] =	wrdreg s23  }
0x11: {  	s2 =	sadd.s32 s19, s2;
	[dreg:$0xf] =	wrdreg s24  }
0x12: {  	s4 =	sadd.s32 s19, s4;
	[dreg:$0x14] =	wrdreg s2  }
0x13: {  	s6 =	sadd.s32 s19, s6;
	[dreg:$0x15] =	wrdreg s4  }
0x14: {  	s0 =	smax.u32 s0, $0x1;
	[dreg:$0x16] =	wrdreg s6  }
0x15: {  	s23 =	sadd.s32 s19, s8;
	[smem:$0x7F0] =	sst s0  }
0x16: {  	s24 =	sadd.s32 s19, s9;
	[dreg:$0x18] =	wrdreg s23  }
0x17: {  	s2 =	sadd.s32 s19, s12;
	[dreg:$0x19] =	wrdreg s24  }
0x18: {  	s28 =	sadd.s32 $0x6000, s19;
	s6 =	sadd.s32 s19, s14;
	[dreg:$0x1c] =	wrdreg s2  }
0x19: {  	s29 =	sadd.s32 $0x7000, s19;
	s12 =	sadd.s32 $0x11000, s21;
	[dreg:$0x1e] =	wrdreg s6  }
0x1a: {  	s7 =	sor.u32 $0x4000, s20;
	s14 =	sadd.s32 $0x13000, s21;
	[smem:$0x7F2] =	sst s12  }
0x1b: {  	s15 =	sor.u32 $0xC000, s20;
	s10 =	sadd.s32 s1, s7;
	[smem:$0x7F4] =	sst s14  }
0x1c: {  	s17 =	sor.u32 $0xE000, s20;
	s25 =	sadd.s32 s1, s15;
	[dreg:$0x8] =	wrdreg s10  }
0x1d: {  	s30 =	sadd.s32 $0x8000, s19;
	s26 =	sadd.s32 s1, s17;
	[dreg:$0x10] =	wrdreg s25  }
0x1e: {  	s31 =	sadd.s32 $0x9000, s19;
	s9 =	sadd.s32 s19, s17;
	[dreg:$0x12] =	wrdreg s26  }
0x1f: {  	s18 =	sor.u32 $0xF000, s20;
	s17 =	sadd.s32 $0x16000, s21;
	[smem:$0x7EE] =	sst s9  }
0x20: {  	s0 =	sadd.s32 $0xA000, s19;
	s23 =	sadd.s32 $0x1000, s19;
	[smem:$0x7F7] =	sst s17  }
0x21: {  	s24 =	smov.u32 s20;
	s26 =	sadd.s32 s19, s11;
	[smem:$0x7FB] =	sst s23  }
0x22: {  	s10 =	sor.u32 $0x7000, s20;
	s11 =	sadd.s32 $0x10000, s21;
	[dreg:$0x1b] =	wrdreg s26  }
0x23: {  	s2 =	sadd.s32 $0xB000, s19;
	s13 =	sadd.s32 s1, s10;
	[smem:$0x7F1] =	sst s11  }
0x24: {  	s12 =	simm.s32 $0x80;
	s25 =	sadd.s32 s19, s10;
	[dreg:$0xb] =	wrdreg s13  }
0x25: {  	s14 =	simm.s32 $0x8400;
	s10 =	sadd.s32 s19, s18;
	[dreg:$0x1a] =	wrdreg s25  }
0x26: {  	s6 =	simm.s32 $0x0;
	s26 =	sadd.s32 $0x3000, s19;
	[smem:$0x7EF] =	sst s10  }
0x27: {  	s13 =	sor.u32 $0xA000, s20;
	s25 =	sadd.s32 $0x2000, s19;
	[smem:$0x7FD] =	sst s26  }
0x28: {  	s9 =	sadd.s32 $0xE000, s19;
	s16 =	sadd.s32 s1, s13;
	[smem:$0x7FC] =	sst s25  }
0x29: {  	s17 =	simm.s32 $0x3;
	s4 =	sadd.s32 s19, s13;
	[dreg:$0xe] =	wrdreg s16  }
0x2a: {  	s13 =	sadd.s32 $0x12000, s21;
	s16 =	sor.u32 $0xD000, s20;
	[dreg:$0x1d] =	wrdreg s4  }
0x2b: {  	s11 =	simm.s32 $0x5;
	[smem:$0x7F3] =	sst s13;
	s22 =	sadd.s32 s1, s16  }
0x2c: {  	s26 =	sadd.s32 $0x5000, s19;
	s1 =	sadd.s32 s1, s18;
	[dreg:$0x11] =	wrdreg s22  }
0x2d: {  	s10 =	sadd.s32 $0xF000, s19;
	s8 =	sadd.s32 s19, s16;
	[dreg:$0x13] =	wrdreg s1  }
0x2e: {  	s25 =	sadd.s32 $0x4000, s19;
	s16 =	sadd.s32 $0x15000, s21;
	[smem:$0x7ED] =	sst s8  }
0x2f: {  	v0 =	vlaneseq.u32;
	s13 =	simm.s32 $0x6400;
	s18 =	sadd.s32 $0x17000, s21;
	[smem:$0x7F6] =	sst s16  }
0x30: {  	v1 =	vmul.u32 $0x40, v0;
	v2 =	vadd.s32 $0x1, v0;
	v3 =	vadd.s32 $0x2, v0;
	s22 =	sadd.s32 s19, s7;
	s7 =	sadd.s32 s19, s15;
	[smem:$0x7F8] =	sst s18  }
0x31: {  	v4 =	vadd.s32 $0x3, v0;
	v12 =	vor.u32 $0x10, v0;
	v13 =	vor.u32 $0x20, v0;
	s15 =	sadd.s32 $0x14000, s21;
	s21 =	sadd.s32 $0x18000, s21;
	[dreg:$0x17] =	wrdreg s22  }
0x32: {  	v14 =	vor.u32 $0x30, v0;
	v15 =	vor.u32 $0x40, v0;
	v16 =	vor.u32 $0x50, v0;
	s8 =	sadd.s32 $0xD000, s19;
	s1 =	simm.s32 $0xC400;
	[dreg:$0x1f] =	wrdreg s7  }
0x33: {  	v17 =	vor.u32 $0x60, v0;
	v18 =	vor.u32 $0x70, v0;
	v5 =	vor.u32 $0x400, v1;
	s16 =	simm.s32 $0x1;
	s18 =	simm.s32 $0x2;
	[smem:$0x7F5] =	sst s15  }
0x34: {  	v6 =	vor.u32 $0x800, v1;
	v7 =	vor.u32 $0xC00, v1;
	v8 =	vor.u32 $0x1000, v1;
	[smem:$0x7F9] =	sst s21;
	s22 =	sadd.s32 s19, s20;
	s7 =	sadd.s32 $0xC000, s19  }
0x35: {  	v9 =	vor.u32 $0x1400, v1;
	v10 =	vor.u32 $0x1800, v1;
	v11 =	vor.u32 $0x1C00, v1;
	s15 =	simm.s32 $0xA400;
	s19 =	simm.s32 $0x4;
	[smem:$0x7FA] =	sst s22  }
.LBB2_1:
0x36: {  	[smem:$0x7EC] =	sst s6  }
0x37: {  	s4 =	rddreg [dreg:$0x4]  }
0x38: {  	[tilespmem:s3], [sflag:$0x5] =	stream.linear.gather [hbm4b:s4+s3], $0x400, $0x38;
	[tilespmem:$0xE400] =	vst v63  }
0x39: {  	_ =	swait.ge [sflag:s11], $0x400  }
0x3a: {  	[sflag:s11] =	ssyncset.done $0x0  }
0x3b: {  	s21 =	simm.s32 $0x400;
	s20 =	rddreg [dreg:$0x5];
	[sflag:s11] =	ssyncadd.s32 $0xFFFFFC00  }
0x3c: {  	[tilespmem:s21], [sflag:$0x5] =	stream.linear.gather [hbm4b:s20+s3], $0x400, $0x38;
	[tilespmem:$0xE400] =	vst v63  }
0x3d: {  	_ =	swait.ge [sflag:s11], $0x400  }
0x3e: {  	[sflag:s11] =	ssyncset.done $0x0  }
0x3f: {  	s23 =	simm.s32 $0x800;
	s22 =	rddreg [dreg:$0x6];
	[sflag:s11] =	ssyncadd.s32 $0xFFFFFC00  }
0x40: {  	[tilespmem:s23], [sflag:$0x5] =	stream.linear.gather [hbm4b:s22+s3], $0x400, $0x38;
	[tilespmem:$0xE400] =	vst v63  }
0x41: {  	_ =	swait.ge [sflag:s11], $0x400  }
0x42: {  	[sflag:s11] =	ssyncset.done $0x0  }
0x43: {  	s21 =	simm.s32 $0xC00;
	s20 =	rddreg [dreg:$0x7];
	[sflag:s11] =	ssyncadd.s32 $0xFFFFFC00  }
0x44: {  	[tilespmem:s21], [sflag:$0x5] =	stream.linear.gather [hbm4b:s20+s3], $0x400, $0x38;
	[tilespmem:$0xE400] =	vst v63  }
0x45: {  	_ =	swait.ge [sflag:s11], $0x400  }
0x46: {  	[sflag:s11] =	ssyncset.done $0x0  }
0x47: {  	s23 =	simm.s32 $0x1000;
	s22 =	rddreg [dreg:$0x8];
	[sflag:s11] =	ssyncadd.s32 $0xFFFFFC00  }
0x48: {  	[tilespmem:s23], [sflag:$0x5] =	stream.linear.gather [hbm4b:s22+s3], $0x400, $0x38;
	[tilespmem:$0xE400] =	vst v63  }
0x49: {  	_ =	swait.ge [sflag:s11], $0x400  }
0x4a: {  	[sflag:s11] =	ssyncset.done $0x0  }
0x4b: {  	s21 =	simm.s32 $0x1400;
	s20 =	rddreg [dreg:$0x9];
	[sflag:s11] =	ssyncadd.s32 $0xFFFFFC00  }
0x4c: {  	[tilespmem:s21], [sflag:$0x5] =	stream.linear.gather [hbm4b:s20+s3], $0x400, $0x38;
	[tilespmem:$0xE400] =	vst v63  }
0x4d: {  	_ =	swait.ge [sflag:s11], $0x400  }
0x4e: {  	[sflag:s11] =	ssyncset.done $0x0  }
0x4f: {  	s23 =	simm.s32 $0x1800;
	s22 =	rddreg [dreg:$0xa];
	[sflag:s11] =	ssyncadd.s32 $0xFFFFFC00  }
0x50: {  	[tilespmem:s23], [sflag:$0x5] =	stream.linear.gather [hbm4b:s22+s3], $0x400, $0x38;
	[tilespmem:$0xE400] =	vst v63  }
0x51: {  	_ =	swait.ge [sflag:s11], $0x400  }
0x52: {  	[sflag:s11] =	ssyncset.done $0x0  }
0x53: {  	s21 =	simm.s32 $0x1C00;
	s20 =	rddreg [dreg:$0xb];
	[sflag:s11] =	ssyncadd.s32 $0xFFFFFC00  }
0x54: {  	[tilespmem:s21], [sflag:$0x5] =	stream.linear.gather [hbm4b:s20+s3], $0x400, $0x38;
	[tilespmem:$0xE400] =	vst v63  }
0x55: {  	_ =	swait.ge [sflag:s11], $0x400  }
0x56: {  	[sflag:s11] =	ssyncset.done $0x0  }
0x57: {  	s23 =	simm.s32 $0x2000;
	s22 =	rddreg [dreg:$0xc];
	[sflag:s11] =	ssyncadd.s32 $0xFFFFFC00  }
0x58: {  	[tilespmem:s23], [sflag:$0x5] =	stream.linear.gather [hbm4b:s22+s3], $0x400, $0x38;
	[tilespmem:$0xE400] =	vst v63  }
0x59: {  	_ =	swait.ge [sflag:s11], $0x400  }
0x5a: {  	[sflag:s11] =	ssyncset.done $0x0  }
0x5b: {  	s21 =	simm.s32 $0x2400;
	s20 =	rddreg [dreg:$0xd];
	[sflag:s11] =	ssyncadd.s32 $0xFFFFFC00  }
0x5c: {  	[tilespmem:s21], [sflag:$0x5] =	stream.linear.gather [hbm4b:s20+s3], $0x400, $0x38;
	[tilespmem:$0xE400] =	vst v63  }
0x5d: {  	_ =	swait.ge [sflag:s11], $0x400  }
0x5e: {  	[sflag:s11] =	ssyncset.done $0x0  }
0x5f: {  	s23 =	simm.s32 $0x2800;
	s22 =	rddreg [dreg:$0xe];
	[sflag:s11] =	ssyncadd.s32 $0xFFFFFC00  }
0x60: {  	[tilespmem:s23], [sflag:$0x5] =	stream.linear.gather [hbm4b:s22+s3], $0x400, $0x38;
	[tilespmem:$0xE400] =	vst v63  }
0x61: {  	_ =	swait.ge [sflag:s11], $0x400  }
0x62: {  	[sflag:s11] =	ssyncset.done $0x0  }
0x63: {  	s21 =	simm.s32 $0x2C00;
	s20 =	rddreg [dreg:$0xf];
	[sflag:s11] =	ssyncadd.s32 $0xFFFFFC00  }
0x64: {  	[tilespmem:s21], [sflag:$0x5] =	stream.linear.gather [hbm4b:s20+s3], $0x400, $0x38;
	[tilespmem:$0xE400] =	vst v63  }
0x65: {  	_ =	swait.ge [sflag:s11], $0x400  }
0x66: {  	[sflag:s11] =	ssyncset.done $0x0  }
0x67: {  	s23 =	simm.s32 $0x3000;
	s22 =	rddreg [dreg:$0x10];
	[sflag:s11] =	ssyncadd.s32 $0xFFFFFC00  }
0x68: {  	[tilespmem:s23], [sflag:$0x5] =	stream.linear.gather [hbm4b:s22+s3], $0x400, $0x38;
	[tilespmem:$0xE400] =	vst v63  }
0x69: {  	_ =	swait.ge [sflag:s11], $0x400  }
0x6a: {  	[sflag:s11] =	ssyncset.done $0x0  }
0x6b: {  	s21 =	simm.s32 $0x3400;
	s20 =	rddreg [dreg:$0x11];
	[sflag:s11] =	ssyncadd.s32 $0xFFFFFC00  }
0x6c: {  	[tilespmem:s21], [sflag:$0x5] =	stream.linear.gather [hbm4b:s20+s3], $0x400, $0x38;
	[tilespmem:$0xE400] =	vst v63  }
0x6d: {  	_ =	swait.ge [sflag:s11], $0x400  }
0x6e: {  	[sflag:s11] =	ssyncset.done $0x0  }
0x6f: {  	s23 =	simm.s32 $0x3800;
	s22 =	rddreg [dreg:$0x12];
	[sflag:s11] =	ssyncadd.s32 $0xFFFFFC00  }
0x70: {  	[tilespmem:s23], [sflag:$0x5] =	stream.linear.gather [hbm4b:s22+s3], $0x400, $0x38;
	[tilespmem:$0xE400] =	vst v63  }
0x71: {  	_ =	swait.ge [sflag:s11], $0x400  }
0x72: {  	[sflag:s11] =	ssyncset.done $0x0  }
0x73: {  	s21 =	simm.s32 $0x3C00;
	s20 =	rddreg [dreg:$0x13];
	[sflag:s11] =	ssyncadd.s32 $0xFFFFFC00  }
0x74: {  	[tilespmem:s21], [sflag:$0x5] =	stream.linear.gather [hbm4b:s20+s3], $0x400, $0x38;
	[tilespmem:$0xE400] =	vst v63  }
0x75: {  	_ =	swait.ge [sflag:s11], $0x400  }
0x76: {  	s22 =	sld [smem:$0x7F1]  }
0x77: {  	[sflag:s11] =	ssyncset.done $0x0  }
0x78: {  	s23 =	simm.s32 $0x4000;
	[sflag:s11] =	ssyncadd.s32 $0xFFFFFC00  }
0x79: {  	[tilespmem:s23], [sflag:$0x5] =	stream.linear.gather [hbm4b:s22+s3], $0x400, $0x38;
	[tilespmem:$0xE400] =	vst v63  }
0x7a: {  	_ =	swait.ge [sflag:s11], $0x400  }
0x7b: {  	s20 =	sld [smem:$0x7F2]  }
0x7c: {  	[sflag:s11] =	ssyncset.done $0x0  }
0x7d: {  	s21 =	simm.s32 $0x4400;
	[sflag:s11] =	ssyncadd.s32 $0xFFFFFC00  }
0x7e: {  	[tilespmem:s21], [sflag:$0x5] =	stream.linear.gather [hbm4b:s20+s3], $0x400, $0x38;
	[tilespmem:$0xE400] =	vst v63  }
0x7f: {  	_ =	swait.ge [sflag:s11], $0x400  }
0x80: {  	s22 =	sld [smem:$0x7F3]  }
0x81: {  	[sflag:s11] =	ssyncset.done $0x0  }
0x82: {  	s23 =	simm.s32 $0x4800;
	[sflag:s11] =	ssyncadd.s32 $0xFFFFFC00  }
0x83: {  	[tilespmem:s23], [sflag:$0x5] =	stream.linear.gather [hbm4b:s22+s3], $0x400, $0x38;
	[tilespmem:$0xE400] =	vst v63  }
0x84: {  	_ =	swait.ge [sflag:s11], $0x400  }
0x85: {  	s20 =	sld [smem:$0x7F4]  }
0x86: {  	[sflag:s11] =	ssyncset.done $0x0  }
0x87: {  	s21 =	simm.s32 $0x4C00;
	[sflag:s11] =	ssyncadd.s32 $0xFFFFFC00  }
0x88: {  	[tilespmem:s21], [sflag:$0x5] =	stream.linear.gather [hbm4b:s20+s3], $0x400, $0x38;
	[tilespmem:$0xE400] =	vst v63  }
0x89: {  	_ =	swait.ge [sflag:s11], $0x400  }
0x8a: {  	s22 =	sld [smem:$0x7F5]  }
0x8b: {  	[sflag:s11] =	ssyncset.done $0x0  }
0x8c: {  	s23 =	simm.s32 $0x5000;
	[sflag:s11] =	ssyncadd.s32 $0xFFFFFC00  }
0x8d: {  	[tilespmem:s23], [sflag:$0x5] =	stream.linear.gather [hbm4b:s22+s3], $0x400, $0x38;
	[tilespmem:$0xE400] =	vst v63  }
0x8e: {  	_ =	swait.ge [sflag:s11], $0x400  }
0x8f: {  	s20 =	sld [smem:$0x7F6]  }
0x90: {  	[sflag:s11] =	ssyncset.done $0x0  }
0x91: {  	s21 =	simm.s32 $0x5400;
	[sflag:s11] =	ssyncadd.s32 $0xFFFFFC00  }
0x92: {  	[tilespmem:s21], [sflag:$0x5] =	stream.linear.gather [hbm4b:s20+s3], $0x400, $0x38;
	[tilespmem:$0xE400] =	vst v63  }
0x93: {  	_ =	swait.ge [sflag:s11], $0x400  }
0x94: {  	s22 =	sld [smem:$0x7F7]  }
0x95: {  	[sflag:s11] =	ssyncset.done $0x0  }
0x96: {  	s23 =	simm.s32 $0x5800;
	[sflag:s11] =	ssyncadd.s32 $0xFFFFFC00  }
0x97: {  	[tilespmem:s23], [sflag:$0x5] =	stream.linear.gather [hbm4b:s22+s3], $0x400, $0x38;
	[tilespmem:$0xE400] =	vst v63  }
0x98: {  	_ =	swait.ge [sflag:s11], $0x400  }
0x99: {  	s20 =	sld [smem:$0x7F8]  }
0x9a: {  	[sflag:s11] =	ssyncset.done $0x0  }
0x9b: {  	s21 =	simm.s32 $0x5C00;
	[sflag:s11] =	ssyncadd.s32 $0xFFFFFC00  }
0x9c: {  	[tilespmem:s21], [sflag:$0x5] =	stream.linear.gather [hbm4b:s20+s3], $0x400, $0x38;
	[tilespmem:$0xE400] =	vst v63  }
0x9d: {  	_ =	swait.ge [sflag:s11], $0x400  }
0x9e: {  	s22 =	sld [smem:$0x7F9]  }
0x9f: {  	[sflag:s11] =	ssyncset.done $0x0  }
0xa0: {  	s23 =	simm.s32 $0x6000;
	[sflag:s11] =	ssyncadd.s32 $0xFFFFFC00  }
0xa1: {  	[tilespmem:s23], [sflag:$0x5] =	stream.linear.gather [hbm4b:s22+s3], $0x400, $0x38;
	[tilespmem:$0xE400] =	vst v63  }
0xa2: {  	_ =	swait.ge [sflag:s11], $0x400  }
0xa3: {  	[sflag:s11] =	ssyncset.done $0x0  }
0xa4: {  	[sflag:s11] =	ssyncadd.s32 $0xFFFFFC00  }
0xa5: {  	[tilespmem:s13], [sflag:$0x1] =	stream.indirect.gather [hbm4b:s5+s12], $0x40, s3, s12, $0xb8;
	[tilespmem:$0xE400] =	vst v63  }
0xa6: {  	s6 =	sld [smem:$0x7FA]  }
0xa7: {  	[tilespmem:s14], [sflag:$0x2] =	stream.indirect.gather [hbm4b:s5+s12], $0x40, s12, s12, $0xb8;
	[tilespmem:$0xE400] =	vst v63  }
0xa8: {  	s20 =	rddreg [dreg:$0x14]  }
0xa9: {  	[hbm4b:s6+s3] =	stream.linear.scatter [tilespmem:s15], [sflag:$0x3], $0x400, $0x38;
	[tilespmem:$0xE400] =	vst v63  }
0xaa: {  	s21 =	simm.s32 $0xA800;
	s22 =	rddreg [dreg:$0x15]  }
0xab: {  	[hbm4b:s20+s3] =	stream.linear.scatter [tilespmem:s21], [sflag:$0x3], $0x400, $0x38;
	[tilespmem:$0xE400] =	vst v63  }
0xac: {  	s23 =	simm.s32 $0xAC00;
	s6 =	rddreg [dreg:$0x1a]  }
0xad: {  	[hbm4b:s22+s3] =	stream.linear.scatter [tilespmem:s23], [sflag:$0x3], $0x400, $0x38;
	[tilespmem:$0xE400] =	vst v63  }
0xae: {  	s20 =	rddreg [dreg:$0x16];
	s21 =	simm.s32 $0xB000  }
0xaf: {  	[hbm4b:s20+s3] =	stream.linear.scatter [tilespmem:s21], [sflag:$0x3], $0x400, $0x38;
	[tilespmem:$0xE400] =	vst v63  }
0xb0: {  	s22 =	rddreg [dreg:$0x17];
	s23 =	simm.s32 $0xB400  }
0xb1: {  	[hbm4b:s22+s3] =	stream.linear.scatter [tilespmem:s23], [sflag:$0x3], $0x400, $0x38;
	[tilespmem:$0xE400] =	vst v63  }
0xb2: {  	s20 =	rddreg [dreg:$0x18];
	s21 =	simm.s32 $0xB800  }
0xb3: {  	[hbm4b:s20+s3] =	stream.linear.scatter [tilespmem:s21], [sflag:$0x3], $0x400, $0x38;
	[tilespmem:$0xE400] =	vst v63  }
0xb4: {  	s22 =	rddreg [dreg:$0x19];
	s23 =	simm.s32 $0xBC00  }
0xb5: {  	[hbm4b:s22+s3] =	stream.linear.scatter [tilespmem:s23], [sflag:$0x3], $0x400, $0x38;
	[tilespmem:$0xE400] =	vst v63  }
0xb6: {  	s20 =	simm.s32 $0xC000;
	s21 =	rddreg [dreg:$0x1b]  }
0xb7: {  	[hbm4b:s6+s3] =	stream.linear.scatter [tilespmem:s20], [sflag:$0x3], $0x400, $0x38;
	[tilespmem:$0xE400] =	vst v63  }
0xb8: {  	s22 =	rddreg [dreg:$0x1c]  }
0xb9: {  	[hbm4b:s21+s3] =	stream.linear.scatter [tilespmem:s1], [sflag:$0x4], $0x400, $0x38;
	[tilespmem:$0xE400] =	vst v63  }
0xba: {  	s23 =	simm.s32 $0xC800;
	s20 =	rddreg [dreg:$0x1d]  }
0xbb: {  	[hbm4b:s22+s3] =	stream.linear.scatter [tilespmem:s23], [sflag:$0x4], $0x400, $0x38;
	[tilespmem:$0xE400] =	vst v63  }
0xbc: {  	s21 =	simm.s32 $0xCC00;
	s22 =	rddreg [dreg:$0x1e]  }
0xbd: {  	[hbm4b:s20+s3] =	stream.linear.scatter [tilespmem:s21], [sflag:$0x4], $0x400, $0x38;
	[tilespmem:$0xE400] =	vst v63  }
0xbe: {  	s23 =	simm.s32 $0xD000;
	s20 =	rddreg [dreg:$0x1f]  }
0xbf: {  	[hbm4b:s22+s3] =	stream.linear.scatter [tilespmem:s23], [sflag:$0x4], $0x400, $0x38;
	[tilespmem:$0xE400] =	vst v63  }
0xc0: {  	s21 =	simm.s32 $0xD400;
	s22 =	sld [smem:$0x7ED]  }
0xc1: {  	[hbm4b:s20+s3] =	stream.linear.scatter [tilespmem:s21], [sflag:$0x4], $0x400, $0x38;
	[tilespmem:$0xE400] =	vst v63  }
0xc2: {  	s23 =	simm.s32 $0xD800;
	s20 =	sld [smem:$0x7EE]  }
0xc3: {  	[hbm4b:s22+s3] =	stream.linear.scatter [tilespmem:s23], [sflag:$0x4], $0x400, $0x38;
	[tilespmem:$0xE400] =	vst v63  }
0xc4: {  	s21 =	simm.s32 $0xDC00;
	s22 =	sld [smem:$0x7EF]  }
0xc5: {  	[hbm4b:s20+s3] =	stream.linear.scatter [tilespmem:s21], [sflag:$0x4], $0x400, $0x38;
	[tilespmem:$0xE400] =	vst v63  }
0xc6: {  	s23 =	simm.s32 $0xE000;
	s20 =	simm.s32 $0x0  }
0xc7: {  	[hbm4b:s22+s3] =	stream.linear.scatter [tilespmem:s23], [sflag:$0x4], $0x400, $0x38;
	[tilespmem:$0xE400] =	vst v63  }
.LBB2_2:
0xc8: {  	_ =	swait.ge [sflag:s16], $0x2000  }
0xc9: {  	[sflag:s16] =	ssyncset.done $0x0  }
0xca: {  	[sflag:s16] =	ssyncadd.s32 $0xFFFFE000  }
0xcb: {  	_ =	swait.ge [sflag:s17], $0x400  }
0xcc: {  	[sflag:s17] =	ssyncset.done $0x0  }
0xcd: {  	[sflag:s17] =	ssyncadd.s32 $0xFFFFFC00  }
0xce: {  	_ =	swait.ge [sflag:s17], $0x400  }
0xcf: {  	[sflag:s17] =	ssyncset.done $0x0  }
0xd0: {  	[sflag:s17] =	ssyncadd.s32 $0xFFFFFC00  }
0xd1: {  	_ =	swait.ge [sflag:s17], $0x400  }
0xd2: {  	[sflag:s17] =	ssyncset.done $0x0  }
0xd3: {  	[sflag:s17] =	ssyncadd.s32 $0xFFFFFC00  }
0xd4: {  	_ =	swait.ge [sflag:s17], $0x400  }
0xd5: {  	[sflag:s17] =	ssyncset.done $0x0  }
0xd6: {  	[sflag:s17] =	ssyncadd.s32 $0xFFFFFC00  }
0xd7: {  	s4 =	simm.s32 $0x0;
	_ =	swait.ge [sflag:s17], $0x400  }
0xd8: {  	s6 =	sand.u32 $0xC, s4;
	[sflag:s17] =	ssyncset.done $0x0  }
0xd9: {  	v19 =	vadd.s32 s6, v0;
	[sflag:s17] =	ssyncadd.s32 $0xFFFFFC00  }
0xda: {  	s4 =	sand.u32 $0x30, s4;
	v20 =	vand.u32 $0xF, v19;
	_ =	swait.ge [sflag:s17], $0x400  }
0xdb: {  	v29 =	vor.u32 s4, v20;
	[sflag:s17] =	ssyncset.done $0x0  }
0xdc: {  	v19 =	vand.u32 $0x7, v19;
	v20 =	vand.u32 $0x38, v29;
	[sflag:s17] =	ssyncadd.s32 $0xFFFFFC00  }
0xdd: {  	v21 =	vadd.s32 s6, v3;
	v19 =	vor.u32 v19, v20;
	_ =	swait.ge [sflag:s17], $0x400  }
0xde: {  	v20 =	vand.u32 $0xF, v21;
	v22 =	vor.u32 v1, v19;
	[sflag:s17] =	ssyncset.done $0x0  }
0xdf: {  	v33 =	vor.u32 s4, v20;
	v20 =	vor.u32 v8, v19;
	[sflag:s17] =	ssyncadd.s32 $0xFFFFFC00  }
0xe0: {  	v21 =	vand.u32 $0x7, v21;
	v24 =	vor.u32 v6, v19;
	v23 =	vand.u32 $0x38, v33;
	_ =	swait.ge [sflag:s17], $0x400  }
0xe1: {  	v25 =	vadd.s32 s6, v4;
	v26 =	vor.u32 v5, v19;
	v28 =	vor.u32 v21, v23;
	[sflag:s17] =	ssyncset.done $0x0  }
0xe2: {  	v21 =	vand.u32 $0xF, v25;
	v23 =	vor.u32 v11, v28;
	[sflag:s17] =	ssyncadd.s32 $0xFFFFFC00  }
0xe3: {  	v51 =	vor.u32 s4, v21;
	v21 =	vor.u32 v7, v19;
	v35 =	vld.idx.msk [tilespmem:v22+s13+$0x0], $0xffff  }
0xe4: {  	v32 =	vor.u32 v9, v19;
	v55 =	vld.idx.msk [tilespmem:v20+s13+$0x0], $0xffff  }
0xe5: {  	v30 =	vor.u32 v8, v28;
	v50 =	vld.idx.msk [tilespmem:v24+s13+$0x0], $0xffff  }
0xe6: {  	v27 =	vor.u32 v9, v28;
	v44 =	vld.idx.msk [tilespmem:v26+s13+$0x0], $0xffff  }
0xe7: {  	v34 =	vor.u32 v6, v28;
	v22 =	vand.u32 $0x7, v25;
	v25 =	vand.u32 $0x38, v51;
	v20 =	vld.idx.msk [tilespmem:v23+s13+$0x0], $0xffff  }
0xe8: {  	v61 =	vor.u32 v5, v28;
	v54 =	vld.idx.msk [tilespmem:v21+s13+$0x0], $0xffff;
	v31 =	vor.u32 v22, v25  }
0xe9: {  	v24 =	vadd.s32 s6, v2;
	v39 =	vld.idx.msk [tilespmem:v32+s13+$0x0], $0xffff;
	v22 =	vor.u32 v9, v31  }
0xea: {  	v23 =	vand.u32 $0xF, v24;
	v25 =	vld.idx.msk [tilespmem:v30+s13+$0x0], $0xffff;
	v26 =	vor.u32 v6, v31  }
0xeb: {  	v52 =	vor.u32 s4, v23;
	v23 =	vld.idx.msk [tilespmem:v27+s13+$0x0], $0xffff;
	v27 =	vor.u32 v10, v19  }
0xec: {  	v24 =	vand.u32 $0x7, v24;
	v30 =	vld.idx.msk [tilespmem:v34+s13+$0x0], $0xffff;
	v47 =	vor.u32 v1, v31;
	v21 =	vand.u32 $0x38, v52  }
0xed: {  	v34 =	vld.idx.msk [tilespmem:v61+s13+$0x0], $0xffff;
	v37 =	vor.u32 v24, v21;
	v24 =	vor.u32 v11, v19  }
0xee: {  	v49 =	vor.u32 v7, v28;
	v19 =	vld.idx.msk [tilespmem:v22+s13+$0x0], $0xffff  }
0xef: {  	v38 =	vor.u32 v5, v37;
	v21 =	vld.idx.msk [tilespmem:v26+s13+$0x0], $0xffff  }
0xf0: {  	v40 =	vor.u32 v9, v37;
	v42 =	vld.idx.msk [tilespmem:v27+s13+$0x0], $0xffff  }
0xf1: {  	v57 =	vshll.u32 v29, $0x7;
	v46 =	vor.u32 v1, v28;
	v32 =	vld.idx.msk [tilespmem:v47+s13+$0x0], $0xffff  }
0xf2: {  	v53 =	vor.u32 v8, v37;
	v56 =	vor.u32 v7, v37;
	v63 =	vor.u32 v11, v37;
	v41 =	vld.idx.msk [tilespmem:v24+s13+$0x0], $0xffff  }
0xf3: {  	v29 =	vor.u32 v10, v37;
	v22 =	vor.u32 v6, v37;
	v24 =	vor.u32 v1, v37;
	v37 =	vld.idx.msk [tilespmem:v49+s13+$0x0], $0xffff  }
0xf4: {  	v43 =	vld.idx.msk [tilespmem:v38+s13+$0x0], $0xffff  }
0xf5: {  	v26 =	vor.u32 v10, v28;
	v40 =	vld.idx.msk [tilespmem:v40+s13+$0x0], $0xffff  }
0xf6: {  	v38 =	vld.idx.msk [tilespmem:v46+s13+$0x0], $0xffff  }
0xf7: {  	v60 =	vor.u32 v10, v31;
	v46 =	vld.idx.msk [tilespmem:v53+s13+$0x0], $0xffff  }
0xf8: {  	v49 =	vld.idx.msk [tilespmem:v56+s13+$0x0], $0xffff  }
0xf9: {  	v62 =	vor.u32 v11, v31;
	v47 =	vld.idx.msk [tilespmem:v63+s13+$0x0], $0xffff  }
0xfa: {  	v27 =	vld.idx.msk [tilespmem:v26+s13+$0x0], $0xffff;
	v26 =	vor.u32 v5, v31  }
0xfb: {  	v48 =	vor.u32 v8, v31;
	v36 =	vld.idx.msk [tilespmem:v22+s13+$0x0], $0xffff  }
0xfc: {  	v22 =	vld.idx.msk [tilespmem:v60+s13+$0x0], $0xffff;
	v31 =	vor.u32 v7, v31  }
0xfd: {  	v53 =	vor.u32 v0, v57;
	v45 =	vld.idx.msk [tilespmem:v24+s13+$0x0], $0xffff  }
0xfe: {  	v58 =	vor.u32 v12, v57;
	v24 =	vld.idx.msk [tilespmem:v62+s13+$0x0], $0xffff  }
0xff: {  	v56 =	vor.u32 v13, v57;
	v28 =	vld.idx.msk [tilespmem:v26+s13+$0x0], $0xffff  }
0x100: {  	v59 =	vor.u32 v14, v57;
	v26 =	vld.idx.msk [tilespmem:v48+s13+$0x0], $0xffff  }
0x101: {  	v31 =	vld.idx.msk [tilespmem:v31+s13+$0x0], $0xffff  }
0x102: {  	v60 =	vor.u32 v15, v57;
	v48 =	vld.idx.msk [tilespmem:v29+s13+$0x0], $0xffff;
	[tilespmem:v53+s15+$0x0] =	vst.idx.msk $0xffff, v35  }
0x103: {  	v35 =	vshll.u32 v52, $0x7;
	v52 =	vor.u32 v16, v57;
	[tilespmem:v58+s15+$0x0] =	vst.idx.msk $0xffff, v44  }
0x104: {  	v53 =	vor.u32 v17, v57;
	[tilespmem:v56+s15+$0x0] =	vst.idx.msk $0xffff, v50  }
0x105: {  	[tilespmem:v59+s15+$0x0] =	vst.idx.msk $0xffff, v54;
	v54 =	vor.u32 v18, v57  }
0x106: {  	v29 =	vshll.u32 v33, $0x7;
	v50 =	vor.u32 v0, v35  }
0x107: {  	s6 =	simm.s32 $0x4;
	v33 =	vshll.u32 v51, $0x7;
	v44 =	vor.u32 v13, v35;
	v51 =	vor.u32 v12, v35;
	[tilespmem:v60+s15+$0x0] =	vst.idx.msk $0xffff, v55  }
.LBB2_3:
0x108: {  	p0 =	sne.s32 s6, $0x3C;
	[tilespmem:v52+s15+$0x0] =	vst.idx.msk $0xffff, v39;
	s4 =	smov.u32 s6;
	s6 =	sadd.s32 $0x4, s6  }
0x109: {  	v39 =	vor.u32 v14, v35;
	[tilespmem:v53+s15+$0x0] =	vst.idx.msk $0xffff, v42  }
0x10a: {  	[tilespmem:v54+s15+$0x0] =	vst.idx.msk $0xffff, v41;
	v41 =	vor.u32 v15, v35  }
0x10b: {  	v42 =	vor.u32 v16, v35;
	[tilespmem:v50+s15+$0x0] =	vst.idx.msk $0xffff, v45  }
0x10c: {  	[tilespmem:v51+s15+$0x0] =	vst.idx.msk $0xffff, v43;
	v43 =	vor.u32 v17, v35  }
0x10d: {  	v35 =	vor.u32 v18, v35;
	[tilespmem:v44+s15+$0x0] =	vst.idx.msk $0xffff, v36  }
0x10e: {  	v36 =	vor.u32 v0, v29;
	[tilespmem:v39+s15+$0x0] =	vst.idx.msk $0xffff, v49  }
0x10f: {  	v39 =	vor.u32 v12, v29;
	[tilespmem:v41+s15+$0x0] =	vst.idx.msk $0xffff, v46  }
0x110: {  	[tilespmem:v42+s15+$0x0] =	vst.idx.msk $0xffff, v40;
	v40 =	vor.u32 v13, v29  }
0x111: {  	v41 =	vor.u32 v14, v29;
	[tilespmem:v43+s15+$0x0] =	vst.idx.msk $0xffff, v48  }
0x112: {  	[tilespmem:v35+s15+$0x0] =	vst.idx.msk $0xffff, v47;
	v35 =	vor.u32 v15, v29  }
0x113: {  	[tilespmem:v36+s15+$0x0] =	vst.idx.msk $0xffff, v38;
	v36 =	vor.u32 v16, v29  }
0x114: {  	v38 =	vor.u32 v18, v33;
	[tilespmem:v39+s15+$0x0] =	vst.idx.msk $0xffff, v34;
	v34 =	vor.u32 v17, v29  }
0x115: {  	v29 =	vor.u32 v18, v29;
	[tilespmem:v40+s15+$0x0] =	vst.idx.msk $0xffff, v30;
	v30 =	vor.u32 v17, v33  }
0x116: {  	v39 =	vor.u32 v16, v33;
	[tilespmem:v41+s15+$0x0] =	vst.idx.msk $0xffff, v37;
	v37 =	vor.u32 v0, v33  }
0x117: {  	[tilespmem:v35+s15+$0x0] =	vst.idx.msk $0xffff, v25;
	v25 =	vor.u32 v12, v33;
	v35 =	vor.u32 v15, v33  }
0x118: {  	s21 =	sand.u32 $0xC, s4;
	[tilespmem:v36+s15+$0x0] =	vst.idx.msk $0xffff, v23;
	v23 =	vor.u32 v13, v33;
	v33 =	vor.u32 v14, v33  }
0x119: {  	v40 =	vadd.s32 s21, v2;
	v41 =	vadd.s32 s21, v3;
	v36 =	vadd.s32 s21, v0;
	[tilespmem:v34+s15+$0x0] =	vst.idx.msk $0xffff, v27  }
0x11a: {  	s4 =	sand.u32 $0x30, s4;
	v42 =	vand.u32 $0x7, v41;
	v27 =	vand.u32 $0xF, v36;
	v34 =	vadd.s32 s21, v4;
	[tilespmem:v29+s15+$0x0] =	vst.idx.msk $0xffff, v20  }
0x11b: {  	v20 =	vor.u32 s4, v27;
	v27 =	vand.u32 $0xF, v40;
	v29 =	vand.u32 $0xF, v34;
	[tilespmem:v37+s15+$0x0] =	vst.idx.msk $0xffff, v32  }
0x11c: {  	v36 =	vand.u32 $0x7, v36;
	v32 =	vand.u32 $0xF, v41;
	v37 =	vand.u32 $0x38, v20;
	[tilespmem:v25+s15+$0x0] =	vst.idx.msk $0xffff, v28  }
0x11d: {  	v25 =	vor.u32 s4, v32;
	v28 =	vor.u32 s4, v29;
	v32 =	vor.u32 v36, v37;
	[tilespmem:v23+s15+$0x0] =	vst.idx.msk $0xffff, v21  }
0x11e: {  	v21 =	vor.u32 v1, v32;
	v23 =	vor.u32 v5, v32;
	v29 =	vand.u32 $0x38, v25;
	[tilespmem:v33+s15+$0x0] =	vst.idx.msk $0xffff, v31  }
0x11f: {  	v34 =	vand.u32 $0x7, v34;
	v31 =	vor.u32 v7, v32;
	v33 =	vor.u32 v8, v32;
	[tilespmem:v35+s15+$0x0] =	vst.idx.msk $0xffff, v26  }
0x120: {  	v26 =	vor.u32 v6, v32;
	v35 =	vor.u32 v42, v29;
	v29 =	vand.u32 $0x38, v28;
	[tilespmem:v39+s15+$0x0] =	vst.idx.msk $0xffff, v19  }
0x121: {  	v51 =	vshll.u32 v20, $0x7;
	v19 =	vor.u32 v9, v35;
	v36 =	vor.u32 v11, v35;
	[tilespmem:v30+s15+$0x0] =	vst.idx.msk $0xffff, v22  }
0x122: {  	v22 =	vor.u32 v8, v35;
	v30 =	vor.u32 v34, v29;
	v29 =	vshll.u32 v25, $0x7;
	[tilespmem:v38+s15+$0x0] =	vst.idx.msk $0xffff, v24  }
0x123: {  	v37 =	vor.u32 v1, v30;
	v24 =	vor.u32 v5, v30;
	v50 =	vld.idx.msk [tilespmem:v21+s13+$0x0], $0xffff;
	v21 =	vor.u32 v6, v30  }
0x124: {  	v47 =	vor.u32 v7, v30;
	v46 =	vor.u32 v8, v30;
	v55 =	vld.idx.msk [tilespmem:v33+s13+$0x0], $0xffff;
	v33 =	vor.u32 v9, v30  }
0x125: {  	v34 =	vor.u32 v5, v35;
	v38 =	vor.u32 v6, v35;
	v54 =	vld.idx.msk [tilespmem:v26+s13+$0x0], $0xffff;
	v26 =	vor.u32 v1, v35  }
0x126: {  	v48 =	vor.u32 v7, v35;
	v25 =	vor.u32 s4, v27;
	v27 =	vor.u32 v10, v35;
	v53 =	vld.idx.msk [tilespmem:v23+s13+$0x0], $0xffff  }
0x127: {  	v39 =	vand.u32 $0x7, v40;
	v35 =	vshll.u32 v25, $0x7;
	v23 =	vand.u32 $0x38, v25;
	v20 =	vld.idx.msk [tilespmem:v36+s13+$0x0], $0xffff  }
0x128: {  	v36 =	vor.u32 v10, v32;
	v39 =	vor.u32 v39, v23;
	v56 =	vld.idx.msk [tilespmem:v31+s13+$0x0], $0xffff;
	v31 =	vor.u32 v9, v32  }
0x129: {  	v40 =	vor.u32 v1, v39;
	v43 =	vor.u32 v5, v39;
	v45 =	vor.u32 v6, v39;
	v23 =	vld.idx.msk [tilespmem:v19+s13+$0x0], $0xffff  }
0x12a: {  	v49 =	vor.u32 v7, v39;
	v52 =	vor.u32 v8, v39;
	v57 =	vor.u32 v9, v39;
	v25 =	vld.idx.msk [tilespmem:v22+s13+$0x0], $0xffff  }
0x12b: {  	v58 =	vor.u32 v10, v39;
	v59 =	vor.u32 v11, v39;
	v22 =	vor.u32 v11, v32;
	v19 =	vld.idx.msk [tilespmem:v33+s13+$0x0], $0xffff  }
0x12c: {  	v60 =	vor.u32 v11, v30;
	v44 =	vor.u32 v13, v35;
	v32 =	vor.u32 v10, v30;
	v21 =	vld.idx.msk [tilespmem:v21+s13+$0x0], $0xffff  }
0x12d: {  	v33 =	vshll.u32 v28, $0x7;
	v39 =	vld.idx.msk [tilespmem:v31+s13+$0x0], $0xffff  }
0x12e: {  	v30 =	vld.idx.msk [tilespmem:v38+s13+$0x0], $0xffff  }
0x12f: {  	v42 =	vld.idx.msk [tilespmem:v36+s13+$0x0], $0xffff  }
0x130: {  	v41 =	vld.idx.msk [tilespmem:v22+s13+$0x0], $0xffff  }
0x131: {  	v36 =	vld.idx.msk [tilespmem:v45+s13+$0x0], $0xffff  }
0x132: {  	v27 =	vld.idx.msk [tilespmem:v27+s13+$0x0], $0xffff  }
0x133: {  	v22 =	vld.idx.msk [tilespmem:v32+s13+$0x0], $0xffff  }
0x134: {  	v34 =	vld.idx.msk [tilespmem:v34+s13+$0x0], $0xffff  }
0x135: {  	v43 =	vld.idx.msk [tilespmem:v43+s13+$0x0], $0xffff  }
0x136: {  	v45 =	vld.idx.msk [tilespmem:v40+s13+$0x0], $0xffff  }
0x137: {  	v40 =	vld.idx.msk [tilespmem:v57+s13+$0x0], $0xffff  }
0x138: {  	v28 =	vld.idx.msk [tilespmem:v24+s13+$0x0], $0xffff  }
0x139: {  	v24 =	vld.idx.msk [tilespmem:v60+s13+$0x0], $0xffff  }
0x13a: {  	v38 =	vld.idx.msk [tilespmem:v26+s13+$0x0], $0xffff  }
0x13b: {  	v32 =	vld.idx.msk [tilespmem:v37+s13+$0x0], $0xffff  }
0x13c: {  	v26 =	vld.idx.msk [tilespmem:v46+s13+$0x0], $0xffff  }
0x13d: {  	v37 =	vld.idx.msk [tilespmem:v48+s13+$0x0], $0xffff  }
0x13e: {  	v46 =	vld.idx.msk [tilespmem:v52+s13+$0x0], $0xffff;
	v52 =	vor.u32 v0, v51  }
0x13f: {  	v57 =	vor.u32 v12, v51;
	v31 =	vld.idx.msk [tilespmem:v47+s13+$0x0], $0xffff  }
0x140: {  	v60 =	vor.u32 v13, v51;
	v49 =	vld.idx.msk [tilespmem:v49+s13+$0x0], $0xffff  }
0x141: {  	v47 =	vld.idx.msk [tilespmem:v59+s13+$0x0], $0xffff;
	v59 =	vor.u32 v14, v51  }
0x142: {  	v48 =	vld.idx.msk [tilespmem:v58+s13+$0x0], $0xffff;
	v58 =	vor.u32 v15, v51  }
.Ltmp0:
0x143: {  	[tilespmem:v52+s15+$0x0] =	vst.idx.msk $0xffff, v50;
	v52 =	vor.u32 v16, v51;
	v50 =	vor.u32 v0, v35;
	(pc) =	sbr.rel @p0 .LBB2_3-.Ltmp0, $4  }
0x144: {  	[tilespmem:v57+s15+$0x0] =	vst.idx.msk $0xffff, v53;
	v53 =	vor.u32 v17, v51  }
0x145: {  	[tilespmem:v60+s15+$0x0] =	vst.idx.msk $0xffff, v54;
	v54 =	vor.u32 v18, v51;
	v51 =	vor.u32 v12, v35  }
0x146: {  	[tilespmem:v59+s15+$0x0] =	vst.idx.msk $0xffff, v56  }
0x147: {  	[tilespmem:v58+s15+$0x0] =	vst.idx.msk $0xffff, v55  }
0x148: {  	_ =	sdelay $0x3  }
0x149: {  	[tilespmem:v52+s15+$0x0] =	vst.idx.msk $0xffff, v39  }
0x14a: {  	v55 =	vor.u32 v14, v35;
	[tilespmem:v53+s15+$0x0] =	vst.idx.msk $0xffff, v42  }
0x14b: {  	v56 =	vor.u32 v15, v35;
	[tilespmem:v54+s15+$0x0] =	vst.idx.msk $0xffff, v41  }
0x14c: {  	v57 =	vor.u32 v16, v35;
	[tilespmem:v50+s15+$0x0] =	vst.idx.msk $0xffff, v45  }
0x14d: {  	v58 =	vor.u32 v17, v35;
	[tilespmem:v51+s15+$0x0] =	vst.idx.msk $0xffff, v43  }
0x14e: {  	v59 =	vor.u32 v18, v35;
	[tilespmem:v44+s15+$0x0] =	vst.idx.msk $0xffff, v36  }
0x14f: {  	v60 =	vor.u32 v0, v29;
	[tilespmem:v55+s15+$0x0] =	vst.idx.msk $0xffff, v49  }
0x150: {  	v61 =	vor.u32 v12, v29;
	[tilespmem:v56+s15+$0x0] =	vst.idx.msk $0xffff, v46  }
0x151: {  	v62 =	vor.u32 v13, v29;
	[tilespmem:v57+s15+$0x0] =	vst.idx.msk $0xffff, v40  }
0x152: {  	v63 =	vor.u32 v14, v29;
	[tilespmem:v58+s15+$0x0] =	vst.idx.msk $0xffff, v48  }
0x153: {  	v43 =	vor.u32 v15, v29;
	[tilespmem:v59+s15+$0x0] =	vst.idx.msk $0xffff, v47  }
0x154: {  	v44 =	vor.u32 v16, v29;
	[tilespmem:v60+s15+$0x0] =	vst.idx.msk $0xffff, v38  }
0x155: {  	v45 =	vor.u32 v17, v29;
	[tilespmem:v61+s15+$0x0] =	vst.idx.msk $0xffff, v34  }
0x156: {  	v29 =	vor.u32 v18, v29;
	[tilespmem:v62+s15+$0x0] =	vst.idx.msk $0xffff, v30  }
0x157: {  	v30 =	vor.u32 v0, v33;
	[tilespmem:v63+s15+$0x0] =	vst.idx.msk $0xffff, v37  }
0x158: {  	[tilespmem:v43+s15+$0x0] =	vst.idx.msk $0xffff, v25;
	v25 =	vor.u32 v12, v33  }
0x159: {  	[tilespmem:v44+s15+$0x0] =	vst.idx.msk $0xffff, v23;
	v23 =	vor.u32 v13, v33  }
0x15a: {  	v46 =	vor.u32 v14, v33;
	[tilespmem:v45+s15+$0x0] =	vst.idx.msk $0xffff, v27  }
0x15b: {  	v27 =	vor.u32 v15, v33;
	[tilespmem:v29+s15+$0x0] =	vst.idx.msk $0xffff, v20  }
0x15c: {  	v20 =	vor.u32 v16, v33;
	[tilespmem:v30+s15+$0x0] =	vst.idx.msk $0xffff, v32  }
0x15d: {  	v29 =	vor.u32 v17, v33;
	[tilespmem:v25+s15+$0x0] =	vst.idx.msk $0xffff, v28  }
0x15e: {  	v25 =	vor.u32 v18, v33;
	[tilespmem:v23+s15+$0x0] =	vst.idx.msk $0xffff, v21  }
0x15f: {  	[tilespmem:v46+s15+$0x0] =	vst.idx.msk $0xffff, v31  }
0x160: {  	[tilespmem:v27+s15+$0x0] =	vst.idx.msk $0xffff, v26  }
0x161: {  	s4 =	sshll.u32 s20, $0x10;
	s22 =	rddreg [dreg:$0x2];
	[tilespmem:v20+s15+$0x0] =	vst.idx.msk $0xffff, v19  }
0x162: {  	s23 =	sld [smem:$0x7FB];
	s21 =	sor.u32 s24, s4;
	[tilespmem:v29+s15+$0x0] =	vst.idx.msk $0xffff, v22  }
0x163: {  	s4 =	sadd.s32 s22, s21;
	s22 =	simm.s32 $0x0;
	[tilespmem:v25+s15+$0x0] =	vst.idx.msk $0xffff, v24  }
0x164: {  	[hbm4b:s4+s22] =	stream.linear.scatter [tilespmem:s15], [sflag:$0x3], $0x400, $0x38;
	[tilespmem:$0xE400] =	vst v63  }
0x165: {  	s6 =	simm.s32 $0xA800;
	s4 =	sadd.s32 s21, s23  }
0x166: {  	[hbm4b:s4+s22] =	stream.linear.scatter [tilespmem:s6], [sflag:$0x3], $0x400, $0x38;
	[tilespmem:$0xE400] =	vst v63  }
0x167: {  	s6 =	sld [smem:$0x7FC];
	_ =	sdelay $0x2  }
0x168: {  	s4 =	sadd.s32 s21, s6;
	s6 =	sld [smem:$0x7FD]  }
0x169: {  	s23 =	simm.s32 $0xAC00  }
0x16a: {  	[hbm4b:s4+s22] =	stream.linear.scatter [tilespmem:s23], [sflag:$0x3], $0x400, $0x38;
	[tilespmem:$0xE400] =	vst v63  }
0x16b: {  	s23 =	simm.s32 $0xB000;
	s4 =	sadd.s32 s21, s6  }
0x16c: {  	[hbm4b:s4+s22] =	stream.linear.scatter [tilespmem:s23], [sflag:$0x3], $0x400, $0x38;
	[tilespmem:$0xE400] =	vst v63  }
0x16d: {  	s6 =	sadd.s32 s21, s25;
	s23 =	simm.s32 $0xB400  }
0x16e: {  	[hbm4b:s6+s22] =	stream.linear.scatter [tilespmem:s23], [sflag:$0x3], $0x400, $0x38;
	[tilespmem:$0xE400] =	vst v63  }
0x16f: {  	s6 =	sadd.s32 s21, s26;
	s23 =	simm.s32 $0xB800  }
0x170: {  	[hbm4b:s6+s22] =	stream.linear.scatter [tilespmem:s23], [sflag:$0x3], $0x400, $0x38;
	[tilespmem:$0xE400] =	vst v63  }
0x171: {  	s6 =	sadd.s32 s21, s28;
	s23 =	simm.s32 $0xBC00  }
0x172: {  	[hbm4b:s6+s22] =	stream.linear.scatter [tilespmem:s23], [sflag:$0x3], $0x400, $0x38;
	[tilespmem:$0xE400] =	vst v63  }
0x173: {  	s4 =	sadd.s32 s21, s29;
	s6 =	sshll.u32 s20, $0x1;
	s23 =	simm.s32 $0xC000  }
0x174: {  	[hbm4b:s4+s22] =	stream.linear.scatter [tilespmem:s23], [sflag:$0x3], $0x400, $0x38;
	[tilespmem:$0xE400] =	vst v63  }
0x175: {  	s23 =	smin.u32 s6, $0xC5  }
0x176: {  	s4 =	sshll.u32 s23, $0x7  }
0x177: {  	s4 =	sadd.s32 $0x100, s4  }
0x178: {  	[tilespmem:s13], [sflag:$0x1] =	stream.indirect.gather [hbm4b:s5+s12], $0x40, s4, s12, $0xb8;
	[tilespmem:$0xE400] =	vst v63  }
0x179: {  	_ =	swait.ge [sflag:s18], $0x2000  }
0x17a: {  	[sflag:s18] =	ssyncset.done $0x0  }
0x17b: {  	[sflag:s18] =	ssyncadd.s32 $0xFFFFE000  }
0x17c: {  	_ =	swait.ge [sflag:s19], $0x400  }
0x17d: {  	[sflag:s19] =	ssyncset.done $0x0  }
0x17e: {  	[sflag:s19] =	ssyncadd.s32 $0xFFFFFC00  }
0x17f: {  	_ =	swait.ge [sflag:s19], $0x400  }
0x180: {  	[sflag:s19] =	ssyncset.done $0x0  }
0x181: {  	[sflag:s19] =	ssyncadd.s32 $0xFFFFFC00  }
0x182: {  	_ =	swait.ge [sflag:s19], $0x400  }
0x183: {  	[sflag:s19] =	ssyncset.done $0x0  }
0x184: {  	[sflag:s19] =	ssyncadd.s32 $0xFFFFFC00  }
0x185: {  	_ =	swait.ge [sflag:s19], $0x400  }
0x186: {  	[sflag:s19] =	ssyncset.done $0x0  }
0x187: {  	[sflag:s19] =	ssyncadd.s32 $0xFFFFFC00  }
0x188: {  	_ =	swait.ge [sflag:s19], $0x400  }
0x189: {  	s23 =	sand.u32 $0xC, s22;
	[sflag:s19] =	ssyncset.done $0x0  }
0x18a: {  	v19 =	vadd.s32 s23, v0;
	[sflag:s19] =	ssyncadd.s32 $0xFFFFFC00  }
0x18b: {  	s22 =	sand.u32 $0x30, s22;
	v20 =	vand.u32 $0xF, v19;
	_ =	swait.ge [sflag:s19], $0x400  }
0x18c: {  	v29 =	vor.u32 s22, v20;
	[sflag:s19] =	ssyncset.done $0x0  }
0x18d: {  	v19 =	vand.u32 $0x7, v19;
	v20 =	vand.u32 $0x38, v29;
	[sflag:s19] =	ssyncadd.s32 $0xFFFFFC00  }
0x18e: {  	v21 =	vadd.s32 s23, v3;
	v19 =	vor.u32 v19, v20;
	_ =	swait.ge [sflag:s19], $0x400  }
0x18f: {  	v20 =	vand.u32 $0xF, v21;
	v22 =	vor.u32 v1, v19;
	[sflag:s19] =	ssyncset.done $0x0  }
0x190: {  	v33 =	vor.u32 s22, v20;
	v20 =	vor.u32 v8, v19;
	[sflag:s19] =	ssyncadd.s32 $0xFFFFFC00  }
0x191: {  	v21 =	vand.u32 $0x7, v21;
	v24 =	vor.u32 v6, v19;
	v23 =	vand.u32 $0x38, v33;
	_ =	swait.ge [sflag:s19], $0x400  }
0x192: {  	v25 =	vadd.s32 s23, v4;
	v26 =	vor.u32 v5, v19;
	v28 =	vor.u32 v21, v23;
	[sflag:s19] =	ssyncset.done $0x0  }
0x193: {  	v21 =	vand.u32 $0xF, v25;
	v23 =	vor.u32 v11, v28;
	[sflag:s19] =	ssyncadd.s32 $0xFFFFFC00  }
0x194: {  	v51 =	vor.u32 s22, v21;
	v21 =	vor.u32 v7, v19;
	v35 =	vld.idx.msk [tilespmem:v22+s14+$0x0], $0xffff  }
0x195: {  	v47 =	vor.u32 v9, v19;
	v55 =	vld.idx.msk [tilespmem:v20+s14+$0x0], $0xffff  }
0x196: {  	v53 =	vor.u32 v5, v28;
	v50 =	vld.idx.msk [tilespmem:v24+s14+$0x0], $0xffff  }
0x197: {  	v59 =	vor.u32 v1, v28;
	v44 =	vld.idx.msk [tilespmem:v26+s14+$0x0], $0xffff  }
0x198: {  	v27 =	vor.u32 v9, v28;
	v20 =	vld.idx.msk [tilespmem:v23+s14+$0x0], $0xffff  }
0x199: {  	v30 =	vor.u32 v8, v28;
	v22 =	vand.u32 $0x7, v25;
	v25 =	vand.u32 $0x38, v51;
	v54 =	vld.idx.msk [tilespmem:v21+s14+$0x0], $0xffff  }
0x19a: {  	v48 =	vor.u32 v6, v28;
	v39 =	vld.idx.msk [tilespmem:v47+s14+$0x0], $0xffff;
	v31 =	vor.u32 v22, v25  }
0x19b: {  	v24 =	vadd.s32 s23, v2;
	v34 =	vld.idx.msk [tilespmem:v53+s14+$0x0], $0xffff;
	v22 =	vor.u32 v9, v31  }
0x19c: {  	v38 =	vld.idx.msk [tilespmem:v59+s14+$0x0], $0xffff;
	v23 =	vand.u32 $0xF, v24;
	v26 =	vor.u32 v6, v31  }
0x19d: {  	v52 =	vor.u32 s22, v23;
	v23 =	vld.idx.msk [tilespmem:v27+s14+$0x0], $0xffff;
	v27 =	vor.u32 v10, v19  }
0x19e: {  	v24 =	vand.u32 $0x7, v24;
	v25 =	vld.idx.msk [tilespmem:v30+s14+$0x0], $0xffff;
	v63 =	vor.u32 v1, v31;
	v21 =	vand.u32 $0x38, v52  }
0x19f: {  	v30 =	vld.idx.msk [tilespmem:v48+s14+$0x0], $0xffff;
	v37 =	vor.u32 v24, v21;
	v24 =	vor.u32 v11, v19  }
0x1a0: {  	v56 =	vor.u32 v5, v37;
	v19 =	vld.idx.msk [tilespmem:v22+s14+$0x0], $0xffff  }
0x1a1: {  	v57 =	vor.u32 v9, v37;
	v21 =	vld.idx.msk [tilespmem:v26+s14+$0x0], $0xffff  }
0x1a2: {  	v61 =	vor.u32 v7, v28;
	v42 =	vld.idx.msk [tilespmem:v27+s14+$0x0], $0xffff  }
0x1a3: {  	v62 =	vor.u32 v8, v37;
	v32 =	vld.idx.msk [tilespmem:v63+s14+$0x0], $0xffff  }
0x1a4: {  	v22 =	vor.u32 v6, v37;
	v41 =	vld.idx.msk [tilespmem:v24+s14+$0x0], $0xffff  }
0x1a5: {  	v26 =	vor.u32 v10, v28;
	v43 =	vld.idx.msk [tilespmem:v56+s14+$0x0], $0xffff  }
0x1a6: {  	v49 =	vor.u32 v10, v31;
	v63 =	vor.u32 v11, v37;
	v24 =	vor.u32 v1, v37;
	v40 =	vld.idx.msk [tilespmem:v57+s14+$0x0], $0xffff  }
0x1a7: {  	v56 =	vor.u32 v7, v37;
	v57 =	vshll.u32 v29, $0x7;
	v29 =	vor.u32 v10, v37;
	v37 =	vld.idx.msk [tilespmem:v61+s14+$0x0], $0xffff  }
0x1a8: {  	v46 =	vld.idx.msk [tilespmem:v62+s14+$0x0], $0xffff  }
0x1a9: {  	v58 =	vor.u32 v11, v31;
	v36 =	vld.idx.msk [tilespmem:v22+s14+$0x0], $0xffff  }
0x1aa: {  	v27 =	vld.idx.msk [tilespmem:v26+s14+$0x0], $0xffff  }
0x1ab: {  	v22 =	vld.idx.msk [tilespmem:v49+s14+$0x0], $0xffff  }
0x1ac: {  	v26 =	vor.u32 v5, v31;
	v47 =	vld.idx.msk [tilespmem:v63+s14+$0x0], $0xffff  }
0x1ad: {  	v60 =	vor.u32 v8, v31;
	v45 =	vld.idx.msk [tilespmem:v24+s14+$0x0], $0xffff  }
0x1ae: {  	v53 =	vor.u32 v0, v57;
	v31 =	vor.u32 v7, v31;
	v24 =	vld.idx.msk [tilespmem:v58+s14+$0x0], $0xffff  }
0x1af: {  	v58 =	vor.u32 v12, v57;
	v49 =	vld.idx.msk [tilespmem:v56+s14+$0x0], $0xffff  }
0x1b0: {  	v56 =	vor.u32 v13, v57;
	v48 =	vld.idx.msk [tilespmem:v29+s14+$0x0], $0xffff  }
0x1b1: {  	v59 =	vor.u32 v14, v57;
	v28 =	vld.idx.msk [tilespmem:v26+s14+$0x0], $0xffff  }
0x1b2: {  	v26 =	vld.idx.msk [tilespmem:v60+s14+$0x0], $0xffff  }
0x1b3: {  	v31 =	vld.idx.msk [tilespmem:v31+s14+$0x0], $0xffff;
	v60 =	vor.u32 v15, v57;
	[tilespmem:v53+s1+$0x0] =	vst.idx.msk $0xffff, v35  }
0x1b4: {  	v35 =	vshll.u32 v52, $0x7;
	v52 =	vor.u32 v16, v57;
	[tilespmem:v58+s1+$0x0] =	vst.idx.msk $0xffff, v44  }
0x1b5: {  	v53 =	vor.u32 v17, v57;
	[tilespmem:v56+s1+$0x0] =	vst.idx.msk $0xffff, v50  }
0x1b6: {  	[tilespmem:v59+s1+$0x0] =	vst.idx.msk $0xffff, v54;
	v54 =	vor.u32 v18, v57  }
0x1b7: {  	v29 =	vshll.u32 v33, $0x7;
	v50 =	vor.u32 v0, v35  }
0x1b8: {  	s4 =	simm.s32 $0x4;
	v33 =	vshll.u32 v51, $0x7;
	v51 =	vor.u32 v12, v35;
	v44 =	vor.u32 v13, v35;
	[tilespmem:v60+s1+$0x0] =	vst.idx.msk $0xffff, v55  }
.LBB2_5:
0x1b9: {  	p0 =	sne.s32 s4, $0x3C;
	[tilespmem:v52+s1+$0x0] =	vst.idx.msk $0xffff, v39;
	s22 =	smov.u32 s4;
	s4 =	sadd.s32 $0x4, s4  }
0x1ba: {  	v39 =	vor.u32 v14, v35;
	[tilespmem:v53+s1+$0x0] =	vst.idx.msk $0xffff, v42  }
0x1bb: {  	[tilespmem:v54+s1+$0x0] =	vst.idx.msk $0xffff, v41;
	v41 =	vor.u32 v15, v35  }
0x1bc: {  	v42 =	vor.u32 v16, v35;
	[tilespmem:v50+s1+$0x0] =	vst.idx.msk $0xffff, v45  }
0x1bd: {  	[tilespmem:v51+s1+$0x0] =	vst.idx.msk $0xffff, v43;
	v43 =	vor.u32 v17, v35  }
0x1be: {  	v35 =	vor.u32 v18, v35;
	[tilespmem:v44+s1+$0x0] =	vst.idx.msk $0xffff, v36  }
0x1bf: {  	v36 =	vor.u32 v0, v29;
	[tilespmem:v39+s1+$0x0] =	vst.idx.msk $0xffff, v49  }
0x1c0: {  	v39 =	vor.u32 v12, v29;
	[tilespmem:v41+s1+$0x0] =	vst.idx.msk $0xffff, v46  }
0x1c1: {  	[tilespmem:v42+s1+$0x0] =	vst.idx.msk $0xffff, v40;
	v40 =	vor.u32 v13, v29  }
0x1c2: {  	v41 =	vor.u32 v14, v29;
	[tilespmem:v43+s1+$0x0] =	vst.idx.msk $0xffff, v48  }
0x1c3: {  	[tilespmem:v35+s1+$0x0] =	vst.idx.msk $0xffff, v47;
	v35 =	vor.u32 v15, v29  }
0x1c4: {  	[tilespmem:v36+s1+$0x0] =	vst.idx.msk $0xffff, v38;
	v36 =	vor.u32 v16, v29  }
0x1c5: {  	v38 =	vor.u32 v18, v33;
	[tilespmem:v39+s1+$0x0] =	vst.idx.msk $0xffff, v34;
	v34 =	vor.u32 v17, v29  }
0x1c6: {  	v29 =	vor.u32 v18, v29;
	[tilespmem:v40+s1+$0x0] =	vst.idx.msk $0xffff, v30;
	v30 =	vor.u32 v17, v33  }
0x1c7: {  	v39 =	vor.u32 v16, v33;
	[tilespmem:v41+s1+$0x0] =	vst.idx.msk $0xffff, v37;
	v37 =	vor.u32 v0, v33  }
0x1c8: {  	[tilespmem:v35+s1+$0x0] =	vst.idx.msk $0xffff, v25;
	v25 =	vor.u32 v12, v33;
	v35 =	vor.u32 v15, v33  }
0x1c9: {  	s23 =	sand.u32 $0xC, s22;
	[tilespmem:v36+s1+$0x0] =	vst.idx.msk $0xffff, v23;
	v23 =	vor.u32 v13, v33;
	v33 =	vor.u32 v14, v33  }
0x1ca: {  	v40 =	vadd.s32 s23, v2;
	v41 =	vadd.s32 s23, v3;
	v36 =	vadd.s32 s23, v0;
	[tilespmem:v34+s1+$0x0] =	vst.idx.msk $0xffff, v27  }
0x1cb: {  	s22 =	sand.u32 $0x30, s22;
	v42 =	vand.u32 $0x7, v41;
	v27 =	vand.u32 $0xF, v36;
	v34 =	vadd.s32 s23, v4;
	[tilespmem:v29+s1+$0x0] =	vst.idx.msk $0xffff, v20  }
0x1cc: {  	v20 =	vor.u32 s22, v27;
	v27 =	vand.u32 $0xF, v40;
	v29 =	vand.u32 $0xF, v34;
	[tilespmem:v37+s1+$0x0] =	vst.idx.msk $0xffff, v32  }
0x1cd: {  	v36 =	vand.u32 $0x7, v36;
	v32 =	vand.u32 $0xF, v41;
	v37 =	vand.u32 $0x38, v20;
	[tilespmem:v25+s1+$0x0] =	vst.idx.msk $0xffff, v28  }
0x1ce: {  	v25 =	vor.u32 s22, v32;
	v28 =	vor.u32 s22, v29;
	v32 =	vor.u32 v36, v37;
	[tilespmem:v23+s1+$0x0] =	vst.idx.msk $0xffff, v21  }
0x1cf: {  	v21 =	vor.u32 v1, v32;
	v23 =	vor.u32 v5, v32;
	v29 =	vand.u32 $0x38, v25;
	[tilespmem:v33+s1+$0x0] =	vst.idx.msk $0xffff, v31  }
0x1d0: {  	v34 =	vand.u32 $0x7, v34;
	v31 =	vor.u32 v7, v32;
	v33 =	vor.u32 v8, v32;
	[tilespmem:v35+s1+$0x0] =	vst.idx.msk $0xffff, v26  }
0x1d1: {  	v26 =	vor.u32 v6, v32;
	v35 =	vor.u32 v42, v29;
	v29 =	vand.u32 $0x38, v28;
	[tilespmem:v39+s1+$0x0] =	vst.idx.msk $0xffff, v19  }
0x1d2: {  	v51 =	vshll.u32 v20, $0x7;
	v19 =	vor.u32 v9, v35;
	v36 =	vor.u32 v11, v35;
	[tilespmem:v30+s1+$0x0] =	vst.idx.msk $0xffff, v22  }
0x1d3: {  	v22 =	vor.u32 v8, v35;
	v30 =	vor.u32 v34, v29;
	v29 =	vshll.u32 v25, $0x7;
	[tilespmem:v38+s1+$0x0] =	vst.idx.msk $0xffff, v24  }
0x1d4: {  	v37 =	vor.u32 v1, v30;
	v24 =	vor.u32 v5, v30;
	v50 =	vld.idx.msk [tilespmem:v21+s14+$0x0], $0xffff;
	v21 =	vor.u32 v6, v30  }
0x1d5: {  	v47 =	vor.u32 v7, v30;
	v46 =	vor.u32 v8, v30;
	v55 =	vld.idx.msk [tilespmem:v33+s14+$0x0], $0xffff;
	v33 =	vor.u32 v9, v30  }
0x1d6: {  	v34 =	vor.u32 v5, v35;
	v38 =	vor.u32 v6, v35;
	v54 =	vld.idx.msk [tilespmem:v26+s14+$0x0], $0xffff;
	v26 =	vor.u32 v1, v35  }
0x1d7: {  	v48 =	vor.u32 v7, v35;
	v25 =	vor.u32 s22, v27;
	v27 =	vor.u32 v10, v35;
	v53 =	vld.idx.msk [tilespmem:v23+s14+$0x0], $0xffff  }
0x1d8: {  	v39 =	vand.u32 $0x7, v40;
	v35 =	vshll.u32 v25, $0x7;
	v23 =	vand.u32 $0x38, v25;
	v20 =	vld.idx.msk [tilespmem:v36+s14+$0x0], $0xffff  }
0x1d9: {  	v36 =	vor.u32 v10, v32;
	v39 =	vor.u32 v39, v23;
	v56 =	vld.idx.msk [tilespmem:v31+s14+$0x0], $0xffff;
	v31 =	vor.u32 v9, v32  }
0x1da: {  	v40 =	vor.u32 v1, v39;
	v43 =	vor.u32 v5, v39;
	v45 =	vor.u32 v6, v39;
	v23 =	vld.idx.msk [tilespmem:v19+s14+$0x0], $0xffff  }
0x1db: {  	v49 =	vor.u32 v7, v39;
	v52 =	vor.u32 v8, v39;
	v57 =	vor.u32 v9, v39;
	v25 =	vld.idx.msk [tilespmem:v22+s14+$0x0], $0xffff  }
0x1dc: {  	v58 =	vor.u32 v10, v39;
	v59 =	vor.u32 v11, v39;
	v22 =	vor.u32 v11, v32;
	v19 =	vld.idx.msk [tilespmem:v33+s14+$0x0], $0xffff  }
0x1dd: {  	v60 =	vor.u32 v11, v30;
	v44 =	vor.u32 v13, v35;
	v32 =	vor.u32 v10, v30;
	v21 =	vld.idx.msk [tilespmem:v21+s14+$0x0], $0xffff  }
0x1de: {  	v33 =	vshll.u32 v28, $0x7;
	v39 =	vld.idx.msk [tilespmem:v31+s14+$0x0], $0xffff  }
0x1df: {  	v30 =	vld.idx.msk [tilespmem:v38+s14+$0x0], $0xffff  }
0x1e0: {  	v42 =	vld.idx.msk [tilespmem:v36+s14+$0x0], $0xffff  }
0x1e1: {  	v41 =	vld.idx.msk [tilespmem:v22+s14+$0x0], $0xffff  }
0x1e2: {  	v36 =	vld.idx.msk [tilespmem:v45+s14+$0x0], $0xffff  }
0x1e3: {  	v27 =	vld.idx.msk [tilespmem:v27+s14+$0x0], $0xffff  }
0x1e4: {  	v22 =	vld.idx.msk [tilespmem:v32+s14+$0x0], $0xffff  }
0x1e5: {  	v34 =	vld.idx.msk [tilespmem:v34+s14+$0x0], $0xffff  }
0x1e6: {  	v43 =	vld.idx.msk [tilespmem:v43+s14+$0x0], $0xffff  }
0x1e7: {  	v45 =	vld.idx.msk [tilespmem:v40+s14+$0x0], $0xffff  }
0x1e8: {  	v40 =	vld.idx.msk [tilespmem:v57+s14+$0x0], $0xffff  }
0x1e9: {  	v28 =	vld.idx.msk [tilespmem:v24+s14+$0x0], $0xffff  }
0x1ea: {  	v24 =	vld.idx.msk [tilespmem:v60+s14+$0x0], $0xffff  }
0x1eb: {  	v38 =	vld.idx.msk [tilespmem:v26+s14+$0x0], $0xffff  }
0x1ec: {  	v32 =	vld.idx.msk [tilespmem:v37+s14+$0x0], $0xffff  }
0x1ed: {  	v26 =	vld.idx.msk [tilespmem:v46+s14+$0x0], $0xffff  }
0x1ee: {  	v37 =	vld.idx.msk [tilespmem:v48+s14+$0x0], $0xffff  }
0x1ef: {  	v46 =	vld.idx.msk [tilespmem:v52+s14+$0x0], $0xffff;
	v52 =	vor.u32 v0, v51  }
0x1f0: {  	v57 =	vor.u32 v12, v51;
	v31 =	vld.idx.msk [tilespmem:v47+s14+$0x0], $0xffff  }
0x1f1: {  	v60 =	vor.u32 v13, v51;
	v49 =	vld.idx.msk [tilespmem:v49+s14+$0x0], $0xffff  }
0x1f2: {  	v47 =	vld.idx.msk [tilespmem:v59+s14+$0x0], $0xffff;
	v59 =	vor.u32 v14, v51  }
0x1f3: {  	v48 =	vld.idx.msk [tilespmem:v58+s14+$0x0], $0xffff;
	v58 =	vor.u32 v15, v51  }
.Ltmp1:
0x1f4: {  	[tilespmem:v52+s1+$0x0] =	vst.idx.msk $0xffff, v50;
	v52 =	vor.u32 v16, v51;
	v50 =	vor.u32 v0, v35;
	(pc) =	sbr.rel @p0 .LBB2_5-.Ltmp1, $4  }
0x1f5: {  	[tilespmem:v57+s1+$0x0] =	vst.idx.msk $0xffff, v53;
	v53 =	vor.u32 v17, v51  }
0x1f6: {  	[tilespmem:v60+s1+$0x0] =	vst.idx.msk $0xffff, v54;
	v54 =	vor.u32 v18, v51;
	v51 =	vor.u32 v12, v35  }
0x1f7: {  	[tilespmem:v59+s1+$0x0] =	vst.idx.msk $0xffff, v56  }
0x1f8: {  	[tilespmem:v58+s1+$0x0] =	vst.idx.msk $0xffff, v55  }
0x1f9: {  	_ =	sdelay $0x3  }
0x1fa: {  	[tilespmem:v52+s1+$0x0] =	vst.idx.msk $0xffff, v39  }
0x1fb: {  	v60 =	vor.u32 v14, v35;
	[tilespmem:v53+s1+$0x0] =	vst.idx.msk $0xffff, v42  }
0x1fc: {  	v61 =	vor.u32 v15, v35;
	[tilespmem:v54+s1+$0x0] =	vst.idx.msk $0xffff, v41  }
0x1fd: {  	v62 =	vor.u32 v16, v35;
	[tilespmem:v50+s1+$0x0] =	vst.idx.msk $0xffff, v45  }
0x1fe: {  	v63 =	vor.u32 v17, v35;
	[tilespmem:v51+s1+$0x0] =	vst.idx.msk $0xffff, v43  }
0x1ff: {  	v45 =	vor.u32 v18, v35;
	[tilespmem:v44+s1+$0x0] =	vst.idx.msk $0xffff, v36  }
0x200: {  	[tilespmem:v60+s1+$0x0] =	vst.idx.msk $0xffff, v49;
	v49 =	vor.u32 v0, v29  }
0x201: {  	v50 =	vor.u32 v12, v29;
	[tilespmem:v61+s1+$0x0] =	vst.idx.msk $0xffff, v46  }
0x202: {  	v51 =	vor.u32 v13, v29;
	[tilespmem:v62+s1+$0x0] =	vst.idx.msk $0xffff, v40  }
0x203: {  	v52 =	vor.u32 v14, v29;
	[tilespmem:v63+s1+$0x0] =	vst.idx.msk $0xffff, v48  }
0x204: {  	v53 =	vor.u32 v15, v29;
	[tilespmem:v45+s1+$0x0] =	vst.idx.msk $0xffff, v47  }
0x205: {  	v54 =	vor.u32 v16, v29;
	[tilespmem:v49+s1+$0x0] =	vst.idx.msk $0xffff, v38  }
0x206: {  	v55 =	vor.u32 v17, v29;
	[tilespmem:v50+s1+$0x0] =	vst.idx.msk $0xffff, v34  }
0x207: {  	v56 =	vor.u32 v18, v29;
	[tilespmem:v51+s1+$0x0] =	vst.idx.msk $0xffff, v30  }
0x208: {  	v57 =	vor.u32 v0, v33;
	[tilespmem:v52+s1+$0x0] =	vst.idx.msk $0xffff, v37  }
0x209: {  	v58 =	vor.u32 v12, v33;
	[tilespmem:v53+s1+$0x0] =	vst.idx.msk $0xffff, v25  }
0x20a: {  	v59 =	vor.u32 v13, v33;
	[tilespmem:v54+s1+$0x0] =	vst.idx.msk $0xffff, v23  }
0x20b: {  	v60 =	vor.u32 v14, v33;
	[tilespmem:v55+s1+$0x0] =	vst.idx.msk $0xffff, v27  }
0x20c: {  	v61 =	vor.u32 v15, v33;
	[tilespmem:v56+s1+$0x0] =	vst.idx.msk $0xffff, v20  }
0x20d: {  	v20 =	vor.u32 v16, v33;
	[tilespmem:v57+s1+$0x0] =	vst.idx.msk $0xffff, v32  }
0x20e: {  	v62 =	vor.u32 v17, v33;
	[tilespmem:v58+s1+$0x0] =	vst.idx.msk $0xffff, v28  }
0x20f: {  	v63 =	vor.u32 v18, v33;
	[tilespmem:v59+s1+$0x0] =	vst.idx.msk $0xffff, v21  }
0x210: {  	[tilespmem:v60+s1+$0x0] =	vst.idx.msk $0xffff, v31  }
0x211: {  	[tilespmem:v61+s1+$0x0] =	vst.idx.msk $0xffff, v26  }
0x212: {  	[tilespmem:v20+s1+$0x0] =	vst.idx.msk $0xffff, v19  }
0x213: {  	[tilespmem:v62+s1+$0x0] =	vst.idx.msk $0xffff, v22  }
0x214: {  	s4 =	sadd.s32 s21, s30;
	[tilespmem:v63+s1+$0x0] =	vst.idx.msk $0xffff, v24  }
0x215: {  	[hbm4b:s4+s3] =	stream.linear.scatter [tilespmem:s1], [sflag:$0x4], $0x400, $0x38;
	[tilespmem:$0xE400] =	vst v63  }
0x216: {  	s23 =	sadd.s32 s21, s31;
	s22 =	simm.s32 $0xC800  }
0x217: {  	[hbm4b:s23+s3] =	stream.linear.scatter [tilespmem:s22], [sflag:$0x4], $0x400, $0x38;
	[tilespmem:$0xE400] =	vst v63  }
0x218: {  	s22 =	sadd.s32 s21, s0;
	s23 =	simm.s32 $0xCC00  }
0x219: {  	[hbm4b:s22+s3] =	stream.linear.scatter [tilespmem:s23], [sflag:$0x4], $0x400, $0x38;
	[tilespmem:$0xE400] =	vst v63  }
0x21a: {  	s22 =	sadd.s32 s21, s2;
	s23 =	simm.s32 $0xD000  }
0x21b: {  	[hbm4b:s22+s3] =	stream.linear.scatter [tilespmem:s23], [sflag:$0x4], $0x400, $0x38;
	[tilespmem:$0xE400] =	vst v63  }
0x21c: {  	s22 =	sadd.s32 s21, s7;
	s23 =	simm.s32 $0xD400  }
0x21d: {  	[hbm4b:s22+s3] =	stream.linear.scatter [tilespmem:s23], [sflag:$0x4], $0x400, $0x38;
	[tilespmem:$0xE400] =	vst v63  }
0x21e: {  	s20 =	sadd.s32 $0x1, s20;
	s22 =	sadd.s32 s21, s8;
	s23 =	simm.s32 $0xD800  }
0x21f: {  	[hbm4b:s22+s3] =	stream.linear.scatter [tilespmem:s23], [sflag:$0x4], $0x400, $0x38;
	[tilespmem:$0xE400] =	vst v63  }
0x220: {  	p0 =	sne.s32 s20, $0x64;
	s22 =	sadd.s32 s21, s9;
	s23 =	simm.s32 $0xDC00  }
0x221: {  	[hbm4b:s22+s3] =	stream.linear.scatter [tilespmem:s23], [sflag:$0x4], $0x400, $0x38;
	[tilespmem:$0xE400] =	vst v63  }
.Ltmp2:
0x222: {  	s23 =	smin.u32 s6, $0xC4;
	(pc) =	sbr.rel @p0 .LBB2_2-.Ltmp2, $4  }
0x223: {  	s21 =	sadd.s32 s21, s10;
	s22 =	simm.s32 $0xE000;
	s4 =	sshll.u32 s23, $0x7  }
0x224: {  	[hbm4b:s21+s3] =	stream.linear.scatter [tilespmem:s22], [sflag:$0x4], $0x400, $0x38;
	[tilespmem:$0xE400] =	vst v63  }
0x225: {  	s4 =	sadd.s32 $0x180, s4  }
0x226: {  	[tilespmem:s14], [sflag:$0x2] =	stream.indirect.gather [hbm4b:s5+s12], $0x40, s4, s12, $0xb8;
	[tilespmem:$0xE400] =	vst v63  }
0x227: {  	_ =	swait.ge [sflag:s16], $0x2000  }
0x228: {  	[sflag:s16] =	ssyncset.done $0x0  }
0x229: {  	[sflag:s16] =	ssyncadd.s32 $0xFFFFE000  }
0x22a: {  	_ =	swait.ge [sflag:s18], $0x2000  }
0x22b: {  	[sflag:s18] =	ssyncset.done $0x0  }
0x22c: {  	[sflag:s18] =	ssyncadd.s32 $0xFFFFE000  }
0x22d: {  	_ =	swait.ge [sflag:s17], $0x400  }
0x22e: {  	[sflag:s17] =	ssyncset.done $0x0  }
0x22f: {  	[sflag:s17] =	ssyncadd.s32 $0xFFFFFC00  }
0x230: {  	_ =	swait.ge [sflag:s17], $0x400  }
0x231: {  	[sflag:s17] =	ssyncset.done $0x0  }
0x232: {  	[sflag:s17] =	ssyncadd.s32 $0xFFFFFC00  }
0x233: {  	_ =	swait.ge [sflag:s17], $0x400  }
0x234: {  	[sflag:s17] =	ssyncset.done $0x0  }
0x235: {  	[sflag:s17] =	ssyncadd.s32 $0xFFFFFC00  }
0x236: {  	_ =	swait.ge [sflag:s17], $0x400  }
0x237: {  	[sflag:s17] =	ssyncset.done $0x0  }
0x238: {  	[sflag:s17] =	ssyncadd.s32 $0xFFFFFC00  }
0x239: {  	_ =	swait.ge [sflag:s17], $0x400  }
0x23a: {  	[sflag:s17] =	ssyncset.done $0x0  }
0x23b: {  	[sflag:s17] =	ssyncadd.s32 $0xFFFFFC00  }
0x23c: {  	_ =	swait.ge [sflag:s17], $0x400  }
0x23d: {  	[sflag:s17] =	ssyncset.done $0x0  }
0x23e: {  	[sflag:s17] =	ssyncadd.s32 $0xFFFFFC00  }
0x23f: {  	_ =	swait.ge [sflag:s17], $0x400  }
0x240: {  	[sflag:s17] =	ssyncset.done $0x0  }
0x241: {  	[sflag:s17] =	ssyncadd.s32 $0xFFFFFC00  }
0x242: {  	_ =	swait.ge [sflag:s17], $0x400  }
0x243: {  	[sflag:s17] =	ssyncset.done $0x0  }
0x244: {  	[sflag:s17] =	ssyncadd.s32 $0xFFFFFC00  }
0x245: {  	_ =	swait.ge [sflag:s19], $0x400  }
0x246: {  	[sflag:s19] =	ssyncset.done $0x0  }
0x247: {  	[sflag:s19] =	ssyncadd.s32 $0xFFFFFC00  }
0x248: {  	_ =	swait.ge [sflag:s19], $0x400  }
0x249: {  	[sflag:s19] =	ssyncset.done $0x0  }
0x24a: {  	[sflag:s19] =	ssyncadd.s32 $0xFFFFFC00  }
0x24b: {  	_ =	swait.ge [sflag:s19], $0x400  }
0x24c: {  	[sflag:s19] =	ssyncset.done $0x0  }
0x24d: {  	[sflag:s19] =	ssyncadd.s32 $0xFFFFFC00  }
0x24e: {  	_ =	swait.ge [sflag:s19], $0x400  }
0x24f: {  	[sflag:s19] =	ssyncset.done $0x0  }
0x250: {  	[sflag:s19] =	ssyncadd.s32 $0xFFFFFC00  }
0x251: {  	_ =	swait.ge [sflag:s19], $0x400  }
0x252: {  	[sflag:s19] =	ssyncset.done $0x0  }
0x253: {  	[sflag:s19] =	ssyncadd.s32 $0xFFFFFC00  }
0x254: {  	_ =	swait.ge [sflag:s19], $0x400  }
0x255: {  	[sflag:s19] =	ssyncset.done $0x0  }
0x256: {  	[sflag:s19] =	ssyncadd.s32 $0xFFFFFC00  }
0x257: {  	_ =	swait.ge [sflag:s19], $0x400  }
0x258: {  	[sflag:s19] =	ssyncset.done $0x0  }
0x259: {  	[sflag:s19] =	ssyncadd.s32 $0xFFFFFC00  }
0x25a: {  	_ =	swait.ge [sflag:s19], $0x400  }
0x25b: {  	s6 =	sld [smem:$0x7EC]  }
0x25c: {  	s4 =	sld [smem:$0x7F0];
	_ =	sdelay $0x1  }
0x25d: {  	s6 =	sadd.s32 $0x1, s6  }
0x25e: {  	p0 =	sne.s32 s6, s4  }
.Ltmp3:
0x25f: {  	_ = 	snop;
	(pc) =	sbr.rel @p0 .LBB2_1-.Ltmp3, $3  }
0x260: {  	_ =	sdelay $0x1  }
0x261: {  	[sflag:s19] =	ssyncset.done $0x0  }
0x262: {  	[sflag:s19] =	ssyncadd.s32 $0xFFFFFC00  }
0x263: {  	_ =	sfence.sel $0x180000  }
0x264: {  	[bflag:$0x0] =	sbarrier.arrive $0xFFFF  }
0x265: {  	_ =	strace $0x90000047  }
0x266: {  	s0 =	stileid.u32;
	[bflag:$0x2] =	sbarrier.arrive $0xFFFF  }
0x267: {  	p0 =	sne.s32 s0, $0x0;
	s0 =	rddreg [dreg:$0x3]  }
0x268: {  	s0 =	sadd.s32 @!p0 $0x100000, s0  }
0x269: {  	[sflag:s0] =	ssyncadd.tile.s32 @!p0 $0x1;
	_ =	shalt  }
.Lfunc_end2:
_tile_overlayer_lowered:
.L_overlay_start_2:
0x26a: {  	(tag) =	ssettag $0x2  }
0x26b: {  	s0 =	rddreg [dreg:$0x0];
	s2 =	stileid.u32  }
0x26c: {  	s1 =	rddreg [dreg:$0x1];
	p0 =	sne.s32 s2, $0x0  }
0x26d: {  	s3 =	rddreg [dreg:$0x2];
	[bflag:$0x3] =	sbarrier.arrive $0xFFFF;
	s2 =	simm.s32 @!p0 $0x1C05  }
0x26e: {  	[timem:s3], [sflag:s2] =	dma.local @!p0 [hbm:s0], s1  }
0x26f: {  	s0 =	simm.s32 @!p0 $0x5  }
0x270: {  	_ =	swait.ge @!p0 [sflag:s0], s1  }
0x271: {  	s1 =	ssub.s32 @!p0 $0x0, s1;
	[sflag:s0] =	ssyncset.done @!p0 $0x0  }
0x272: {  	[sflag:s0] =	ssyncadd.s32 @!p0 s1  }
0x273: {  	[bflag:$0x3] =	sbarrier.arrive $0xFFFF  }
0x274: {  	_ =	shalt  }

</sc_bundles>
